<compile_context>
chip_gen: v7x
topology: tpu7x:2x2x1
jax: 0.10.2.dev20260603
libtpu: 0.0.44.dev20260713+nightly
codegen_flags: <defaults>
</compile_context>

<pallas_src>
import functools

import jax
import jax.numpy as jnp
from jax import lax
from jax.experimental import pallas as pl
from jax.experimental.pallas import tpu as pltpu
from jax.experimental.pallas import tpu_sc as plsc

N_NODES = 10000
N_EDGES = 160000
F_IN = 32
F_H = 32
F_EF = 16
N_G = 64

NP = 10240
EP = 163840

NC = 2
NS = 16
NW = NC * NS
EPW = EP // NW
CHUNK = 128
NCH = EPW // CHUNK
RPT = NP // NS

_SC_MESH = dict(core_axis_name="c", subcore_axis_name="s")


def _sc_gather(table, idx_r):
    F = table.shape[1]
    nch = idx_r.shape[1]
    epw = nch * CHUNK

    @functools.partial(
        pl.kernel,
        out_type=jax.ShapeDtypeStruct((NW * epw, F), jnp.float32),
        scratch_types=[
            pltpu.VMEM((nch, CHUNK), jnp.int32),
            pltpu.VMEM((CHUNK, F), jnp.float32),
            pltpu.VMEM((CHUNK, F), jnp.float32),
            pltpu.SemaphoreType.DMA,
            pltpu.SemaphoreType.DMA,
        ],
        mesh=plsc.VectorSubcoreMesh(**_SC_MESH),
        compiler_params=pltpu.CompilerParams(use_tc_tiling_on_sc=False),
    )
    def gk(table_hbm, idx_hbm, out_hbm, idx_v, rows_a, rows_b, sem_a, sem_b):
        cid = lax.axis_index("c")
        sid = lax.axis_index("s")
        wid = cid * NS + sid
        base = wid * epw
        pltpu.sync_copy(idx_hbm.at[wid], idx_v)

        pltpu.async_copy(table_hbm.at[idx_v.at[0]], rows_a, sem_a)

        def body(j, carry):
            def step(rows_cur, sem_cur, rows_nxt, sem_nxt):
                @pl.when(j + 1 < nch)
                def _():
                    pltpu.async_copy(table_hbm.at[idx_v.at[j + 1]], rows_nxt,
                                     sem_nxt)
                pltpu.make_async_copy(table_hbm.at[idx_v.at[j]], rows_cur,
                                      sem_cur).wait()
                off = pl.multiple_of(base + j * CHUNK, 8)
                pltpu.sync_copy(rows_cur, out_hbm.at[pl.ds(off, CHUNK)])

            even = lax.rem(j, 2) == 0

            @pl.when(even)
            def _():
                step(rows_a, sem_a, rows_b, sem_b)

            @pl.when(jnp.logical_not(even))
            def _():
                step(rows_b, sem_b, rows_a, sem_a)

            return carry

        lax.fori_loop(0, nch, body, 0)

    return gk(table, idx_r)


def _sc_scatter(msg, dst_r, zeros2d, zeros1d, ones1d, with_cnt):
    F = msg.shape[1]
    nch = dst_r.shape[1]
    epw = nch * CHUNK
    outs = [jax.ShapeDtypeStruct((NC * NP, F), jnp.float32)]
    scratch = [
        pltpu.VMEM((nch, CHUNK), jnp.int32),
        pltpu.VMEM((CHUNK, F), jnp.float32),
        pltpu.VMEM_SHARED((NP, F), jnp.float32),
    ]
    if with_cnt:
        outs.append(jax.ShapeDtypeStruct((NC * NP,), jnp.float32))
        scratch += [
            pltpu.VMEM((CHUNK,), jnp.float32),
            pltpu.VMEM_SHARED((NP,), jnp.float32),
        ]

    @functools.partial(
        pl.kernel,
        out_type=tuple(outs) if with_cnt else outs[0],
        scratch_types=scratch,
        mesh=plsc.VectorSubcoreMesh(**_SC_MESH),
        compiler_params=pltpu.CompilerParams(use_tc_tiling_on_sc=False),
    )
    def sk(msg_hbm, dst_hbm, z2_hbm, z1_hbm, ones_hbm, *refs):
        if with_cnt:
            acc_hbm, cnt_hbm, idx_v, msg_v, acc_sh, ones_v, cnt_sh = refs
        else:
            acc_hbm, idx_v, msg_v, acc_sh = refs
        cid = lax.axis_index("c")
        sid = lax.axis_index("s")
        wid = cid * NS + sid
        base = wid * epw
        zoff = pl.multiple_of(sid * RPT, 8)

        pltpu.sync_copy(z2_hbm.at[pl.ds(zoff, RPT)],
                        acc_sh.at[pl.ds(zoff, RPT)])
        if with_cnt:
            @pl.when(sid == 0)
            def _():
                pltpu.sync_copy(z1_hbm, cnt_sh)
            pltpu.sync_copy(ones_hbm, ones_v)
        pltpu.sync_copy(dst_hbm.at[wid], idx_v)
        plsc.subcore_barrier()

        def body(j, carry):
            off = pl.multiple_of(base + j * CHUNK, 8)
            pltpu.sync_copy(msg_hbm.at[pl.ds(off, CHUNK)], msg_v)
            pltpu.sync_copy(msg_v, acc_sh.at[idx_v.at[j]], add=True)
            if with_cnt:
                pltpu.sync_copy(ones_v, cnt_sh.at[idx_v.at[j]], add=True)
            return carry

        lax.fori_loop(0, nch, body, 0)
        plsc.subcore_barrier()

        doff = pl.multiple_of(cid * NP + sid * RPT, 8)
        pltpu.sync_copy(acc_sh.at[pl.ds(zoff, RPT)],
                        acc_hbm.at[pl.ds(doff, RPT)])
        if with_cnt:
            @pl.when(sid == 0)
            def _():
                coff = pl.multiple_of(cid * NP, 8)
                pltpu.sync_copy(cnt_sh, cnt_hbm.at[pl.ds(coff, NP)])

    return sk(msg, dst_r, zeros2d, zeros1d, ones1d)


BE = 4096


def _msg_body(ea_ref, xs_ref, Wa_ref, ba_ref, Wbp_ref, bbp_ref, S_ref,
              out_ref):
    h = jnp.maximum(
        jnp.dot(ea_ref[...], Wa_ref[...],
                preferred_element_type=jnp.float32) + ba_ref[...], 0.0)
    hb = h.astype(jnp.bfloat16)
    U = jnp.dot(hb, Wbp_ref[...],
                preferred_element_type=jnp.float32) + bbp_ref[...]
    Ub = U.astype(jnp.bfloat16).astype(jnp.float32)
    xsb = xs_ref[...].astype(jnp.bfloat16).astype(jnp.float32)
    P = Ub * jnp.concatenate([xsb] * F_H, axis=1)
    Phi = P.astype(jnp.bfloat16)
    Plo = (P - Phi.astype(jnp.float32)).astype(jnp.bfloat16)
    msg = (jnp.dot(Phi, S_ref[...], preferred_element_type=jnp.float32)
           + jnp.dot(Plo, S_ref[...], preferred_element_type=jnp.float32))
    out_ref[...] = msg


def _msg_call(ea, xs, Wa, ba, Wb, bb, interpret=False):
    din = xs.shape[1]
    dk = F_H * F_H
    Wbp = jnp.transpose(Wb.reshape(F_H, din, F_H),
                        (0, 2, 1)).reshape(F_H, dk).astype(jnp.bfloat16)
    bbp = jnp.transpose(bb.reshape(din, F_H)).reshape(1, dk)
    S = jnp.kron(jnp.eye(F_H, dtype=jnp.bfloat16),
                 jnp.ones((F_H, 1), jnp.bfloat16))
    return pl.pallas_call(
        _msg_body,
        grid=(ea.shape[0] // BE,),
        in_specs=[
            pl.BlockSpec((BE, F_EF), lambda i: (i, 0)),
            pl.BlockSpec((BE, din), lambda i: (i, 0)),
            pl.BlockSpec((F_EF, F_H), lambda i: (0, 0)),
            pl.BlockSpec((1, F_H), lambda i: (0, 0)),
            pl.BlockSpec((F_H, dk), lambda i: (0, 0)),
            pl.BlockSpec((1, dk), lambda i: (0, 0)),
            pl.BlockSpec((dk, F_H), lambda i: (0, 0)),
        ],
        out_specs=pl.BlockSpec((BE, F_H), lambda i: (i, 0)),
        out_shape=jax.ShapeDtypeStruct((ea.shape[0], F_H), jnp.float32),
        interpret=interpret,
    )(ea.astype(jnp.bfloat16), xs, Wa.astype(jnp.bfloat16),
      ba.reshape(1, F_H), Wbp, bbp, S)


BN = 2048
NBN = NP // BN


def _node1_body(a0_ref, a1_ref, b0_ref, b1_ref, ca0_ref, ca1_ref, cb0_ref,
                cb1_ref, x_ref, root_ref, bias_ref, out_ref):
    c = jnp.maximum(
        ca0_ref[...] + ca1_ref[...] + cb0_ref[...] + cb1_ref[...], 1.0)
    a = (a0_ref[...] + a1_ref[...] + b0_ref[...] + b1_ref[...]) / c
    t = a + jnp.dot(x_ref[...], root_ref[...],
                    preferred_element_type=jnp.float32) + bias_ref[...]
    out_ref[...] = jnp.where(t > 0.0, t, jnp.exp(t) - 1.0)


def _node1_call(accA, accB, cntA2d, cntB2d, x, root, bias, interpret=False):
    din = x.shape[1]
    return pl.pallas_call(
        _node1_body,
        grid=(NBN,),
        in_specs=[
            pl.BlockSpec((BN, F_H), lambda i: (i, 0)),
            pl.BlockSpec((BN, F_H), lambda i: (i + NBN, 0)),
            pl.BlockSpec((BN, F_H), lambda i: (i, 0)),
            pl.BlockSpec((BN, F_H), lambda i: (i + NBN, 0)),
            pl.BlockSpec((BN, 1), lambda i: (i, 0)),
            pl.BlockSpec((BN, 1), lambda i: (i + NBN, 0)),
            pl.BlockSpec((BN, 1), lambda i: (i, 0)),
            pl.BlockSpec((BN, 1), lambda i: (i + NBN, 0)),
            pl.BlockSpec((BN, din), lambda i: (i, 0)),
            pl.BlockSpec((din, F_H), lambda i: (0, 0)),
            pl.BlockSpec((1, F_H), lambda i: (0, 0)),
        ],
        out_specs=pl.BlockSpec((BN, F_H), lambda i: (i, 0)),
        out_shape=jax.ShapeDtypeStruct((NP, F_H), jnp.float32),
        interpret=interpret,
    )(accA, accA, accB, accB, cntA2d, cntA2d, cntB2d, cntB2d, x, root, bias)


def _node2_body(a0_ref, a1_ref, b0_ref, b1_ref, ca0_ref, ca1_ref, cb0_ref,
                cb1_ref, h1_ref, b_ref,
                root_ref, bias_ref, Wp1_ref, bp1_ref, Wp2_ref, bp2_ref,
                Wp3_ref, bp3_ref, out_o_ref, out_r_ref, accg, cntg):
    i = pl.program_id(0)

    @pl.when(i == 0)
    def _():
        accg[...] = jnp.zeros_like(accg)
        cntg[...] = jnp.zeros_like(cntg)

    c = jnp.maximum(
        ca0_ref[...] + ca1_ref[...] + cb0_ref[...] + cb1_ref[...], 1.0)
    a = (a0_ref[...] + a1_ref[...] + b0_ref[...] + b1_ref[...]) / c
    t = a + jnp.dot(h1_ref[...], root_ref[...],
                    preferred_element_type=jnp.float32) + bias_ref[...]
    h2 = jnp.where(t > 0.0, t, jnp.exp(t) - 1.0)

    ids = b_ref[0]
    onehot = (lax.broadcasted_iota(jnp.int32, (N_G, BN), 0)
              == ids).astype(jnp.float32)
    accg[...] += jnp.dot(onehot, h2, preferred_element_type=jnp.float32, precision=lax.Precision.HIGHEST)
    cntg[...] += jnp.broadcast_to(
        jnp.sum(onehot, axis=1, keepdims=True), (N_G, F_H))

    @pl.when(i == NBN - 1)
    def _():
        r = accg[...] / jnp.maximum(cntg[...], 1.0)
        o = jnp.maximum(
            jnp.dot(r, Wp1_ref[...],
                    preferred_element_type=jnp.float32) + bp1_ref[...], 0.0)
        o = jnp.maximum(
            jnp.dot(o, Wp2_ref[...],
                    preferred_element_type=jnp.float32) + bp2_ref[...], 0.0)
        o3 = jnp.dot(o, Wp3_ref[...],
                     preferred_element_type=jnp.float32) + bp3_ref[...]
        out_o_ref[...] = o3
        out_r_ref[...] = r


def _node2_call(accA, accB, cntA2d, cntB2d, h1, batch3, rootl, biasl, Wp1,
                bp1, Wp2, bp2, Wp3, bp3, interpret=False):
    return pl.pallas_call(
        _node2_body,
        grid=(NBN,),
        in_specs=[
            pl.BlockSpec((BN, F_H), lambda i: (i, 0)),
            pl.BlockSpec((BN, F_H), lambda i: (i + NBN, 0)),
            pl.BlockSpec((BN, F_H), lambda i: (i, 0)),
            pl.BlockSpec((BN, F_H), lambda i: (i + NBN, 0)),
            pl.BlockSpec((BN, 1), lambda i: (i, 0)),
            pl.BlockSpec((BN, 1), lambda i: (i + NBN, 0)),
            pl.BlockSpec((BN, 1), lambda i: (i, 0)),
            pl.BlockSpec((BN, 1), lambda i: (i + NBN, 0)),
            pl.BlockSpec((BN, F_H), lambda i: (i, 0)),
            pl.BlockSpec((1, 1, BN), lambda i: (i, 0, 0)),
            pl.BlockSpec((F_H, F_H), lambda i: (0, 0)),
            pl.BlockSpec((1, F_H), lambda i: (0, 0)),
            pl.BlockSpec((F_H, F_H), lambda i: (0, 0)),
            pl.BlockSpec((1, F_H), lambda i: (0, 0)),
            pl.BlockSpec((F_H, F_H // 2), lambda i: (0, 0)),
            pl.BlockSpec((1, F_H // 2), lambda i: (0, 0)),
            pl.BlockSpec((F_H // 2, 1), lambda i: (0, 0)),
            pl.BlockSpec((1, 1), lambda i: (0, 0)),
        ],
        out_specs=[
            pl.BlockSpec((N_G, 1), lambda i: (0, 0)),
            pl.BlockSpec((N_G, F_H), lambda i: (0, 0)),
        ],
        out_shape=[
            jax.ShapeDtypeStruct((N_G, 1), jnp.float32),
            jax.ShapeDtypeStruct((N_G, F_H), jnp.float32),
        ],
        scratch_shapes=[
            pltpu.VMEM((N_G, F_H), jnp.float32),
            pltpu.VMEM((N_G, F_H), jnp.float32),
        ],
        interpret=interpret,
    )(accA, accA, accB, accB, cntA2d, cntA2d, cntB2d, cntB2d, h1, batch3,
      rootl, biasl, Wp1, bp1, Wp2, bp2, Wp3, bp3)


def kernel(x, edge_index, edge_attr, batch, W1a, b1a, W1b, b1b, root1, bias1,
           Wla, bla, Wlb, blb, rootl, biasl, Wp1, bp1, Wp2, bp2, Wp3, bp3):
    x = jnp.pad(x.astype(jnp.float32), ((0, NP - N_NODES), (0, 0)))
    ea = jnp.pad(edge_attr.astype(jnp.float32),
                 ((0, EP - N_EDGES), (0, 0)))
    src = edge_index[0].astype(jnp.int32)
    dst = edge_index[1].astype(jnp.int32)
    pad_e = EP - N_EDGES
    src_r = jnp.concatenate(
        [src, jnp.zeros((pad_e,), jnp.int32)]).reshape(NW, NCH, CHUNK)
    dst_r = jnp.concatenate(
        [dst, jnp.full((pad_e,), N_NODES, jnp.int32)]).reshape(NW, NCH, CHUNK)
    batch3 = jnp.concatenate(
        [batch.astype(jnp.int32),
         jnp.full((NP - N_NODES,), N_G, jnp.int32)]).reshape(NBN, 1, BN)

    z2 = jnp.zeros((NP, F_H), jnp.float32)
    z1 = jnp.zeros((NP,), jnp.float32)
    ones = jnp.ones((CHUNK,), jnp.float32)

    EH = EP // 2
    HCH = NCH // 2
    ea_h = [ea[:EH], ea[EH:]]
    src_h = [src_r.reshape(2, NW, HCH, CHUNK)[0],
             src_r.reshape(2, NW, HCH, CHUNK)[1]]
    dst_h = [dst_r.reshape(2, NW, HCH, CHUNK)[0],
             dst_r.reshape(2, NW, HCH, CHUNK)[1]]

    accs1, cnts1 = [], []
    for hf in range(2):
        xs = _sc_gather(x, src_h[hf])
        msg = _msg_call(ea_h[hf], xs, W1a, b1a, W1b, b1b)
        a, c = _sc_scatter(msg, dst_h[hf], z2, z1, ones, with_cnt=True)
        accs1.append(a)
        cnts1.append(c.reshape(NC * NP, 1))
    h1 = _node1_call(accs1[0], accs1[1], cnts1[0], cnts1[1], x, root1,
                     bias1.reshape(1, F_H))

    accs2 = []
    for hf in range(2):
        hs = _sc_gather(h1, src_h[hf])
        msg = _msg_call(ea_h[hf], hs, Wla, bla, Wlb, blb)
        accs2.append(_sc_scatter(msg, dst_h[hf], z2, z1, ones,
                                 with_cnt=False))
    out_o, out_r = _node2_call(
        accs2[0], accs2[1], cnts1[0], cnts1[1], h1, batch3, rootl,
        biasl.reshape(1, F_H), Wp1, bp1.reshape(1, F_H), Wp2,
        bp2.reshape(1, F_H // 2), Wp3, bp3.reshape(1, 1))
    return out_o.reshape(N_G), out_r

# --- scband reference (transcript-rebuilt; emitter-appended) ---
"""Pipeline reference for scband-gcnmodel-78176994722445 (READ-ONLY COPY).

The authoritative reference and input builder live on the scoring server;
editing this copy changes nothing except your own understanding.
"""

import jax, jax.numpy as jnp
import numpy as np

N = 10000
E = 160000
IN = 32
H = 32
EF = 16
G = 64


def _lin(k, fi, fo):
    return jax.random.normal(k, (fi, fo), dtype=jnp.float32) * (1.0 / np.sqrt(fi))


def setup_inputs(seed: int = 0) -> dict:
    key = jax.random.key(seed)
    ks = [jax.random.fold_in(key, i) for i in range(20)]
    x = jax.random.normal(ks[0], (N, IN), dtype=jnp.float32)
    edge_index = jax.random.randint(ks[1], (2, E), 0, N)
    edge_attr = jax.random.normal(ks[2], (E, EF), dtype=jnp.float32)
    batch = jnp.sort(jax.random.randint(ks[3], (N,), 0, G))
    params = dict(
        W1a=_lin(ks[4], EF, H), b1a=jnp.zeros((H,), jnp.float32),
        W1b=_lin(ks[5], H, IN * H), b1b=jnp.zeros((IN * H,), jnp.float32),
        root1=_lin(ks[6], IN, H), bias1=jnp.zeros((H,), jnp.float32),
        Wla=_lin(ks[7], EF, H), bla=jnp.zeros((H,), jnp.float32),
        Wlb=_lin(ks[8], H, H * H), blb=jnp.zeros((H * H,), jnp.float32),
        rootl=_lin(ks[9], H, H), biasl=jnp.zeros((H,), jnp.float32),
        Wp1=_lin(ks[10], H, H), bp1=jnp.zeros((H,), jnp.float32),
        Wp2=_lin(ks[11], H, H // 2), bp2=jnp.zeros((H // 2,), jnp.float32),
        Wp3=_lin(ks[12], H // 2, 1), bp3=jnp.zeros((1,), jnp.float32),
    )
    out = {"x": x, "edge_index": edge_index, "edge_attr": edge_attr, "batch": batch}
    out.update(params)
    return out


def _nnconv(x, ei, ea, Wa, ba, Wb, bb, root, bias, din, dout):
    # edge network: MLP(edge_attr) -> per-edge [din, dout] weight matrix
    h = jax.nn.relu(ea @ Wa + ba)
    We = (h @ Wb + bb).reshape(-1, din, dout)
    src = ei[0]
    dst = ei[1]
    msg = jnp.einsum('ei,eio->eo', x[src], We)
    s = jax.ops.segment_sum(msg, dst, num_segments=x.shape[0])
    cnt = jax.ops.segment_sum(jnp.ones((msg.shape[0],), jnp.float32), dst, num_segments=x.shape[0])
    aggr = s / jnp.clip(cnt, 1.0, None)[:, None]
    # NNConv root weight + bias
    return aggr + x @ root + bias


def reference(x, edge_index, edge_attr, batch, W1a, b1a, W1b, b1b, root1, bias1, Wla, bla, Wlb, blb, rootl, biasl, Wp1, bp1, Wp2, bp2, Wp3, bp3):
    # num_layers=2 -> conv1 and conv_last only; dropout is identity (eval mode)
    h = jax.nn.elu(_nnconv(x, edge_index, edge_attr, W1a, b1a, W1b, b1b, root1, bias1, IN, H))
    h = jax.nn.elu(_nnconv(h, edge_index, edge_attr, Wla, bla, Wlb, blb, rootl, biasl, H, H))
    # global_mean_pool over batch ids
    s = jax.ops.segment_sum(h, batch, num_segments=G)
    c = jax.ops.segment_sum(jnp.ones((N,), jnp.float32), batch, num_segments=G)
    readout = s / jnp.clip(c, 1.0, None)[:, None]
    o = jax.nn.relu(readout @ Wp1 + bp1)
    o = jax.nn.relu(o @ Wp2 + bp2)
    out = (o @ Wp3 + bp3).squeeze(-1)
    return (out, readout)

if __name__ == "__main__":
    import jax
    _d = setup_inputs()
    print(jax.jit(kernel)(*tuple(_d.values())))

</pallas_src>

<mosaic_0001>
#map = affine_map<(d0, d1) -> (0, 0)>
#map1 = affine_map<(d0, d1) -> (0, 0, 0)>
module attributes {stable_mosaic.version = 14 : i64} {
  func.func @gk(%arg0: i32, %arg1: i32, %arg2: memref<10240x32xf32, #tpu.memory_space<hbm>>, %arg3: memref<32x20x128xi32, #tpu.memory_space<hbm>>, %arg4: memref<81920x32xf32, #tpu.memory_space<hbm>>, %arg5: memref<20x128xi32, #tpu.memory_space<vmem>>, %arg6: memref<128x32xf32, #tpu.memory_space<vmem>>, %arg7: memref<128x32xf32, #tpu.memory_space<vmem>>, %arg8: memref<!tpu.dma_semaphore, #tpu.memory_space<semaphore_mem>>, %arg9: memref<!tpu.dma_semaphore, #tpu.memory_space<semaphore_mem>>) attributes {dimension_semantics = [#tpu.dimension_semantics<core_parallel>, #tpu.dimension_semantics<subcore_parallel>], iteration_bounds = array<i64: 2, 16>, scalar_prefetch = 0 : i64, scratch_operands = 5 : i64, tpu.core_type = #tpu.core_type<sc_vector_subcore>, window_params = [{transform_indices = #map}, {transform_indices = #map1}, {transform_indices = #map}]} {
    %mul3A = arith.constant 16 : i32
    %mul3A_0 = arith.muli %arg0, %mul3A : i32
    %add3A = arith.addi %mul3A_0, %arg1 : i32
    %mul3A_1 = arith.constant 2560 : i32
    %mul3A_2 = arith.muli %add3A, %mul3A_1 : i32
    "tpu.region"() ({
      %run_scoped3A = tpu.sem_alloc : memref<!tpu.dma_semaphore, #tpu.memory_space<semaphore_mem>>
      %dma_start3A_14 = arith.constant 0 : i32
      %dma_start3A_15 = arith.constant 0 : i32
      %dma_start3A_16 = tpu.memref_slice %arg3[%add3A, %dma_start3A_14, %dma_start3A_15] : memref<32x20x128xi32, #tpu.memory_space<hbm>> -> memref<1x20x128xi32, #tpu.memory_space<hbm>>
      %dma_start3A_17 = tpu.memref_squeeze %dma_start3A_16 : memref<1x20x128xi32, #tpu.memory_space<hbm>> -> memref<20x128xi32, #tpu.memory_space<hbm>>
      %dma_start3A_18 = arith.constant 0 : i32
      %dma_start3A_19 = arith.constant 0 : i32
      %dma_start3A_20 = tpu.memref_slice %arg3[%add3A, %dma_start3A_18, %dma_start3A_19] : memref<32x20x128xi32, #tpu.memory_space<hbm>> -> memref<1x20x128xi32, #tpu.memory_space<hbm>>
      %dma_start3A_21 = tpu.memref_squeeze %dma_start3A_20 : memref<1x20x128xi32, #tpu.memory_space<hbm>> -> memref<20x128xi32, #tpu.memory_space<hbm>>
      tpu.enqueue_dma source(%dma_start3A_21 : memref<20x128xi32, #tpu.memory_space<hbm>>) target(%arg5 : memref<20x128xi32, #tpu.memory_space<vmem>>) target_semaphore(%run_scoped3A : memref<!tpu.dma_semaphore, #tpu.memory_space<semaphore_mem>>)
      %dma_wait3A = arith.constant 0 : i32
      %dma_wait3A_22 = arith.constant 0 : i32
      %dma_wait3A_23 = tpu.memref_slice %arg3[%add3A, %dma_wait3A, %dma_wait3A_22] : memref<32x20x128xi32, #tpu.memory_space<hbm>> -> memref<1x20x128xi32, #tpu.memory_space<hbm>>
      %dma_wait3A_24 = tpu.memref_squeeze %dma_wait3A_23 : memref<1x20x128xi32, #tpu.memory_space<hbm>> -> memref<20x128xi32, #tpu.memory_space<hbm>>
      %dma_wait3A_25 = arith.constant 0 : i32
      %dma_wait3A_26 = arith.constant 0 : i32
      %dma_wait3A_27 = tpu.memref_slice %arg3[%add3A, %dma_wait3A_25, %dma_wait3A_26] : memref<32x20x128xi32, #tpu.memory_space<hbm>> -> memref<1x20x128xi32, #tpu.memory_space<hbm>>
      %dma_wait3A_28 = tpu.memref_squeeze %dma_wait3A_27 : memref<1x20x128xi32, #tpu.memory_space<hbm>> -> memref<20x128xi32, #tpu.memory_space<hbm>>
      tpu.wait_dma2 semaphore(%run_scoped3A : memref<!tpu.dma_semaphore, #tpu.memory_space<semaphore_mem>>) src(%dma_wait3A_28 : memref<20x128xi32, #tpu.memory_space<hbm>>) dst(%arg5 : memref<20x128xi32, #tpu.memory_space<vmem>>)
      tpu.yield
    }) : () -> ()
    %dma_start3A = arith.constant 0 : i32
    %dma_start3A_3 = arith.constant 0 : i32
    %dma_start3A_4 = tpu.memref_slice %arg5[%dma_start3A, %dma_start3A_3] : memref<20x128xi32, #tpu.memory_space<vmem>> -> memref<1x128xi32, #tpu.memory_space<vmem>>
    %dma_start3A_5 = tpu.memref_squeeze %dma_start3A_4 : memref<1x128xi32, #tpu.memory_space<vmem>> -> memref<128xi32, #tpu.memory_space<vmem>>
    %dma_start3A_6 = arith.constant 0 : i32
    %dma_start3A_7 = arith.constant 0 : i32
    %dma_start3A_8 = tpu.memref_slice %arg2[%dma_start3A_6, %dma_start3A_7] : memref<10240x32xf32, #tpu.memory_space<hbm>> -> memref<10240x32xf32, #tpu.memory_space<hbm>>
    tpu.enqueue_indirect_dma source(%dma_start3A_8 : memref<10240x32xf32, #tpu.memory_space<hbm>>) target(%arg6 : memref<128x32xf32, #tpu.memory_space<vmem>>) offsets(%dma_start3A_5 : memref<128xi32, #tpu.memory_space<vmem>>) semaphore(%arg8 : memref<!tpu.dma_semaphore, #tpu.memory_space<semaphore_mem>>)
    %scan3A = arith.constant 0 : i32
    %scan3A_9 = arith.constant 0 : i32
    %scan3A_10 = arith.constant 20 : i32
    %scan3A_11 = arith.addi %scan3A_9, %scan3A_10 : i32
    %scan3A_12 = arith.constant 1 : i32
    scf.for %scan3A_14 = %scan3A_9 to %scan3A_11 step %scan3A_12  : i32 {
      %rem3A = arith.constant 2 : i32
      %rem3A_15 = arith.remsi %scan3A_14, %rem3A : i32
      %eq3A = arith.constant 0 : i32
      %eq3A_16 = arith.cmpi eq, %rem3A_15, %eq3A : i32
      %convert_element_type3A = arith.extui %eq3A_16 : i1 to i32
      %cond3A = arith.constant 0 : i32
      %cond3A_17 = arith.cmpi ne, %convert_element_type3A, %cond3A : i32
      scf.if %cond3A_17 {
        %add3A_22 = arith.constant 1 : i32
        %add3A_23 = arith.addi %scan3A_14, %add3A_22 : i32
        %lt3A = arith.constant 20 : i32
        %lt3A_24 = arith.cmpi slt, %add3A_23, %lt3A : i32
        %convert_element_type3A_25 = arith.extui %lt3A_24 : i1 to i32
        %cond3A_26 = arith.constant 0 : i32
        %cond3A_27 = arith.cmpi ne, %convert_element_type3A_25, %cond3A_26 : i32
        scf.if %cond3A_27 {
          %add3A_36 = arith.constant 1 : i32
          %add3A_37 = arith.addi %scan3A_14, %add3A_36 : i32
          %dma_start3A_38 = arith.constant 0 : i32
          %dma_start3A_39 = tpu.memref_slice %arg5[%add3A_37, %dma_start3A_38] : memref<20x128xi32, #tpu.memory_space<vmem>> -> memref<1x128xi32, #tpu.memory_space<vmem>>
          %dma_start3A_40 = tpu.memref_squeeze %dma_start3A_39 : memref<1x128xi32, #tpu.memory_space<vmem>> -> memref<128xi32, #tpu.memory_space<vmem>>
          %dma_start3A_41 = arith.constant 0 : i32
          %dma_start3A_42 = arith.constant 0 : i32
          %dma_start3A_43 = tpu.memref_slice %arg2[%dma_start3A_41, %dma_start3A_42] : memref<10240x32xf32, #tpu.memory_space<hbm>> -> memref<10240x32xf32, #tpu.memory_space<hbm>>
          tpu.enqueue_indirect_dma source(%dma_start3A_43 : memref<10240x32xf32, #tpu.memory_space<hbm>>) target(%arg7 : memref<128x32xf32, #tpu.memory_space<vmem>>) offsets(%dma_start3A_40 : memref<128xi32, #tpu.memory_space<vmem>>) semaphore(%arg9 : memref<!tpu.dma_semaphore, #tpu.memory_space<semaphore_mem>>)
        } else {
        }
        %dma_wait3A = arith.constant 0 : i32
        %dma_wait3A_28 = tpu.memref_slice %arg5[%scan3A_14, %dma_wait3A] : memref<20x128xi32, #tpu.memory_space<vmem>> -> memref<1x128xi32, #tpu.memory_space<vmem>>
        %dma_wait3A_29 = tpu.memref_squeeze %dma_wait3A_28 : memref<1x128xi32, #tpu.memory_space<vmem>> -> memref<128xi32, #tpu.memory_space<vmem>>
        %dma_wait3A_30 = arith.constant 0 : i32
        %dma_wait3A_31 = arith.constant 0 : i32
        %dma_wait3A_32 = tpu.memref_slice %arg2[%dma_wait3A_30, %dma_wait3A_31] : memref<10240x32xf32, #tpu.memory_space<hbm>> -> memref<10240x32xf32, #tpu.memory_space<hbm>>
        tpu.wait_indirect_dma semaphore(%arg8 : memref<!tpu.dma_semaphore, #tpu.memory_space<semaphore_mem>>) src(%dma_wait3A_32 : memref<10240x32xf32, #tpu.memory_space<hbm>>) dst(%arg6 : memref<128x32xf32, #tpu.memory_space<vmem>>)
        %mul3A_33 = arith.constant 128 : i32
        %mul3A_34 = arith.muli %scan3A_14, %mul3A_33 : i32
        %add3A_35 = arith.addi %mul3A_2, %mul3A_34 : i32
        %multiple_of3A = tpu.assume_multiple %add3A_35, 8 : i32
        "tpu.region"() ({
          %run_scoped3A = tpu.sem_alloc : memref<!tpu.dma_semaphore, #tpu.memory_space<semaphore_mem>>
          %dma_start3A_36 = arith.constant 0 : i32
          %dma_start3A_37 = tpu.memref_slice %arg4[%multiple_of3A, %dma_start3A_36] : memref<81920x32xf32, #tpu.memory_space<hbm>> -> memref<128x32xf32, #tpu.memory_space<hbm>>
          %dma_start3A_38 = arith.constant 0 : i32
          %dma_start3A_39 = tpu.memref_slice %arg4[%multiple_of3A, %dma_start3A_38] : memref<81920x32xf32, #tpu.memory_space<hbm>> -> memref<128x32xf32, #tpu.memory_space<hbm>>
          tpu.enqueue_dma source(%arg6 : memref<128x32xf32, #tpu.memory_space<vmem>>) target(%dma_start3A_39 : memref<128x32xf32, #tpu.memory_space<hbm>>) target_semaphore(%run_scoped3A : memref<!tpu.dma_semaphore, #tpu.memory_space<semaphore_mem>>)
          %dma_wait3A_40 = arith.constant 0 : i32
          %dma_wait3A_41 = tpu.memref_slice %arg4[%multiple_of3A, %dma_wait3A_40] : memref<81920x32xf32, #tpu.memory_space<hbm>> -> memref<128x32xf32, #tpu.memory_space<hbm>>
          %dma_wait3A_42 = arith.constant 0 : i32
          %dma_wait3A_43 = tpu.memref_slice %arg4[%multiple_of3A, %dma_wait3A_42] : memref<81920x32xf32, #tpu.memory_space<hbm>> -> memref<128x32xf32, #tpu.memory_space<hbm>>
          tpu.wait_dma2 semaphore(%run_scoped3A : memref<!tpu.dma_semaphore, #tpu.memory_space<semaphore_mem>>) src(%arg6 : memref<128x32xf32, #tpu.memory_space<vmem>>) dst(%dma_wait3A_43 : memref<128x32xf32, #tpu.memory_space<hbm>>)
          tpu.yield
        }) : () -> ()
      } else {
      }
      %not3A = arith.constant true
      %not3A_18 = arith.xori %eq3A_16, %not3A : i1
      %convert_element_type3A_19 = arith.extui %not3A_18 : i1 to i32
      %cond3A_20 = arith.constant 0 : i32
      %cond3A_21 = arith.cmpi ne, %convert_element_type3A_19, %cond3A_20 : i32
      scf.if %cond3A_21 {
        %add3A_22 = arith.constant 1 : i32
        %add3A_23 = arith.addi %scan3A_14, %add3A_22 : i32
        %lt3A = arith.constant 20 : i32
        %lt3A_24 = arith.cmpi slt, %add3A_23, %lt3A : i32
        %convert_element_type3A_25 = arith.extui %lt3A_24 : i1 to i32
        %cond3A_26 = arith.constant 0 : i32
        %cond3A_27 = arith.cmpi ne, %convert_element_type3A_25, %cond3A_26 : i32
        scf.if %cond3A_27 {
          %add3A_36 = arith.constant 1 : i32
          %add3A_37 = arith.addi %scan3A_14, %add3A_36 : i32
          %dma_start3A_38 = arith.constant 0 : i32
          %dma_start3A_39 = tpu.memref_slice %arg5[%add3A_37, %dma_start3A_38] : memref<20x128xi32, #tpu.memory_space<vmem>> -> memref<1x128xi32, #tpu.memory_space<vmem>>
          %dma_start3A_40 = tpu.memref_squeeze %dma_start3A_39 : memref<1x128xi32, #tpu.memory_space<vmem>> -> memref<128xi32, #tpu.memory_space<vmem>>
          %dma_start3A_41 = arith.constant 0 : i32
          %dma_start3A_42 = arith.constant 0 : i32
          %dma_start3A_43 = tpu.memref_slice %arg2[%dma_start3A_41, %dma_start3A_42] : memref<10240x32xf32, #tpu.memory_space<hbm>> -> memref<10240x32xf32, #tpu.memory_space<hbm>>
          tpu.enqueue_indirect_dma source(%dma_start3A_43 : memref<10240x32xf32, #tpu.memory_space<hbm>>) target(%arg6 : memref<128x32xf32, #tpu.memory_space<vmem>>) offsets(%dma_start3A_40 : memref<128xi32, #tpu.memory_space<vmem>>) semaphore(%arg8 : memref<!tpu.dma_semaphore, #tpu.memory_space<semaphore_mem>>)
        } else {
        }
        %dma_wait3A = arith.constant 0 : i32
        %dma_wait3A_28 = tpu.memref_slice %arg5[%scan3A_14, %dma_wait3A] : memref<20x128xi32, #tpu.memory_space<vmem>> -> memref<1x128xi32, #tpu.memory_space<vmem>>
        %dma_wait3A_29 = tpu.memref_squeeze %dma_wait3A_28 : memref<1x128xi32, #tpu.memory_space<vmem>> -> memref<128xi32, #tpu.memory_space<vmem>>
        %dma_wait3A_30 = arith.constant 0 : i32
        %dma_wait3A_31 = arith.constant 0 : i32
        %dma_wait3A_32 = tpu.memref_slice %arg2[%dma_wait3A_30, %dma_wait3A_31] : memref<10240x32xf32, #tpu.memory_space<hbm>> -> memref<10240x32xf32, #tpu.memory_space<hbm>>
        tpu.wait_indirect_dma semaphore(%arg9 : memref<!tpu.dma_semaphore, #tpu.memory_space<semaphore_mem>>) src(%dma_wait3A_32 : memref<10240x32xf32, #tpu.memory_space<hbm>>) dst(%arg7 : memref<128x32xf32, #tpu.memory_space<vmem>>)
        %mul3A_33 = arith.constant 128 : i32
        %mul3A_34 = arith.muli %scan3A_14, %mul3A_33 : i32
        %add3A_35 = arith.addi %mul3A_2, %mul3A_34 : i32
        %multiple_of3A = tpu.assume_multiple %add3A_35, 8 : i32
        "tpu.region"() ({
          %run_scoped3A = tpu.sem_alloc : memref<!tpu.dma_semaphore, #tpu.memory_space<semaphore_mem>>
          %dma_start3A_36 = arith.constant 0 : i32
          %dma_start3A_37 = tpu.memref_slice %arg4[%multiple_of3A, %dma_start3A_36] : memref<81920x32xf32, #tpu.memory_space<hbm>> -> memref<128x32xf32, #tpu.memory_space<hbm>>
          %dma_start3A_38 = arith.constant 0 : i32
          %dma_start3A_39 = tpu.memref_slice %arg4[%multiple_of3A, %dma_start3A_38] : memref<81920x32xf32, #tpu.memory_space<hbm>> -> memref<128x32xf32, #tpu.memory_space<hbm>>
          tpu.enqueue_dma source(%arg7 : memref<128x32xf32, #tpu.memory_space<vmem>>) target(%dma_start3A_39 : memref<128x32xf32, #tpu.memory_space<hbm>>) target_semaphore(%run_scoped3A : memref<!tpu.dma_semaphore, #tpu.memory_space<semaphore_mem>>)
          %dma_wait3A_40 = arith.constant 0 : i32
          %dma_wait3A_41 = tpu.memref_slice %arg4[%multiple_of3A, %dma_wait3A_40] : memref<81920x32xf32, #tpu.memory_space<hbm>> -> memref<128x32xf32, #tpu.memory_space<hbm>>
          %dma_wait3A_42 = arith.constant 0 : i32
          %dma_wait3A_43 = tpu.memref_slice %arg4[%multiple_of3A, %dma_wait3A_42] : memref<81920x32xf32, #tpu.memory_space<hbm>> -> memref<128x32xf32, #tpu.memory_space<hbm>>
          tpu.wait_dma2 semaphore(%run_scoped3A : memref<!tpu.dma_semaphore, #tpu.memory_space<semaphore_mem>>) src(%arg7 : memref<128x32xf32, #tpu.memory_space<vmem>>) dst(%dma_wait3A_43 : memref<128x32xf32, #tpu.memory_space<hbm>>)
          tpu.yield
        }) : () -> ()
      } else {
      }
    }
    %scan3A_13 = arith.constant 20 : i32
    return
  }
}

#map = affine_map<(d0, d1) -> (0, 0)>
#map1 = affine_map<(d0, d1) -> (0, 0, 0)>
#map2 = affine_map<(d0, d1) -> (0)>
module attributes {stable_mosaic.version = 14 : i64} {
  func.func @sk(%arg0: i32, %arg1: i32, %arg2: memref<81920x32xf32, #tpu.memory_space<hbm>>, %arg3: memref<32x20x128xi32, #tpu.memory_space<hbm>>, %arg4: memref<10240x32xf32, #tpu.memory_space<hbm>>, %arg5: memref<10240xf32, #tpu.memory_space<hbm>>, %arg6: memref<128xf32, #tpu.memory_space<hbm>>, %arg7: memref<20480x32xf32, #tpu.memory_space<hbm>>, %arg8: memref<20480xf32, #tpu.memory_space<hbm>>, %arg9: memref<20x128xi32, #tpu.memory_space<vmem>>, %arg10: memref<128x32xf32, #tpu.memory_space<vmem>>, %arg11: memref<10240x32xf32, #tpu.memory_space<vmem_shared>>, %arg12: memref<128xf32, #tpu.memory_space<vmem>>, %arg13: memref<10240xf32, #tpu.memory_space<vmem_shared>>) attributes {dimension_semantics = [#tpu.dimension_semantics<core_parallel>, #tpu.dimension_semantics<subcore_parallel>], iteration_bounds = array<i64: 2, 16>, scalar_prefetch = 0 : i64, scratch_operands = 5 : i64, tpu.core_type = #tpu.core_type<sc_vector_subcore>, window_params = [{transform_indices = #map}, {transform_indices = #map1}, {transform_indices = #map}, {transform_indices = #map2}, {transform_indices = #map2}, {transform_indices = #map}, {transform_indices = #map2}]} {
    %mul3A = arith.constant 16 : i32
    %mul3A_0 = arith.muli %arg0, %mul3A : i32
    %add3A = arith.addi %mul3A_0, %arg1 : i32
    %mul3A_1 = arith.constant 2560 : i32
    %mul3A_2 = arith.muli %add3A, %mul3A_1 : i32
    %mul3A_3 = arith.constant 640 : i32
    %mul3A_4 = arith.muli %arg1, %mul3A_3 : i32
    %multiple_of3A = tpu.assume_multiple %mul3A_4, 8 : i32
    "tpu.region"() ({
      %run_scoped3A = tpu.sem_alloc : memref<!tpu.dma_semaphore, #tpu.memory_space<semaphore_mem>>
      %dma_start3A = arith.constant 0 : i32
      %dma_start3A_24 = tpu.memref_slice %arg11[%multiple_of3A, %dma_start3A] : memref<10240x32xf32, #tpu.memory_space<vmem_shared>> -> memref<640x32xf32, #tpu.memory_space<vmem_shared>>
      %dma_start3A_25 = arith.constant 0 : i32
      %dma_start3A_26 = tpu.memref_slice %arg4[%multiple_of3A, %dma_start3A_25] : memref<10240x32xf32, #tpu.memory_space<hbm>> -> memref<640x32xf32, #tpu.memory_space<hbm>>
      tpu.enqueue_dma source(%dma_start3A_26 : memref<640x32xf32, #tpu.memory_space<hbm>>) target(%dma_start3A_24 : memref<640x32xf32, #tpu.memory_space<vmem_shared>>) target_semaphore(%run_scoped3A : memref<!tpu.dma_semaphore, #tpu.memory_space<semaphore_mem>>)
      %dma_wait3A = arith.constant 0 : i32
      %dma_wait3A_27 = tpu.memref_slice %arg11[%multiple_of3A, %dma_wait3A] : memref<10240x32xf32, #tpu.memory_space<vmem_shared>> -> memref<640x32xf32, #tpu.memory_space<vmem_shared>>
      %dma_wait3A_28 = arith.constant 0 : i32
      %dma_wait3A_29 = tpu.memref_slice %arg4[%multiple_of3A, %dma_wait3A_28] : memref<10240x32xf32, #tpu.memory_space<hbm>> -> memref<640x32xf32, #tpu.memory_space<hbm>>
      tpu.wait_dma2 semaphore(%run_scoped3A : memref<!tpu.dma_semaphore, #tpu.memory_space<semaphore_mem>>) src(%dma_wait3A_29 : memref<640x32xf32, #tpu.memory_space<hbm>>) dst(%dma_wait3A_27 : memref<640x32xf32, #tpu.memory_space<vmem_shared>>)
      tpu.yield
    }) : () -> ()
    %eq3A = arith.constant 0 : i32
    %eq3A_5 = arith.cmpi eq, %arg1, %eq3A : i32
    %convert_element_type3A = arith.extui %eq3A_5 : i1 to i32
    %cond3A = arith.constant 0 : i32
    %cond3A_6 = arith.cmpi ne, %convert_element_type3A, %cond3A : i32
    scf.if %cond3A_6 {
      "tpu.region"() ({
        %run_scoped3A = tpu.sem_alloc : memref<!tpu.dma_semaphore, #tpu.memory_space<semaphore_mem>>
        tpu.enqueue_dma source(%arg5 : memref<10240xf32, #tpu.memory_space<hbm>>) target(%arg13 : memref<10240xf32, #tpu.memory_space<vmem_shared>>) target_semaphore(%run_scoped3A : memref<!tpu.dma_semaphore, #tpu.memory_space<semaphore_mem>>)
        tpu.wait_dma2 semaphore(%run_scoped3A : memref<!tpu.dma_semaphore, #tpu.memory_space<semaphore_mem>>) src(%arg5 : memref<10240xf32, #tpu.memory_space<hbm>>) dst(%arg13 : memref<10240xf32, #tpu.memory_space<vmem_shared>>)
        tpu.yield
      }) : () -> ()
    } else {
    }
    "tpu.region"() ({
      %run_scoped3A = tpu.sem_alloc : memref<!tpu.dma_semaphore, #tpu.memory_space<semaphore_mem>>
      tpu.enqueue_dma source(%arg6 : memref<128xf32, #tpu.memory_space<hbm>>) target(%arg12 : memref<128xf32, #tpu.memory_space<vmem>>) target_semaphore(%run_scoped3A : memref<!tpu.dma_semaphore, #tpu.memory_space<semaphore_mem>>)
      tpu.wait_dma2 semaphore(%run_scoped3A : memref<!tpu.dma_semaphore, #tpu.memory_space<semaphore_mem>>) src(%arg6 : memref<128xf32, #tpu.memory_space<hbm>>) dst(%arg12 : memref<128xf32, #tpu.memory_space<vmem>>)
      tpu.yield
    }) : () -> ()
    "tpu.region"() ({
      %run_scoped3A = tpu.sem_alloc : memref<!tpu.dma_semaphore, #tpu.memory_space<semaphore_mem>>
      %dma_start3A = arith.constant 0 : i32
      %dma_start3A_24 = arith.constant 0 : i32
      %dma_start3A_25 = tpu.memref_slice %arg3[%add3A, %dma_start3A, %dma_start3A_24] : memref<32x20x128xi32, #tpu.memory_space<hbm>> -> memref<1x20x128xi32, #tpu.memory_space<hbm>>
      %dma_start3A_26 = tpu.memref_squeeze %dma_start3A_25 : memref<1x20x128xi32, #tpu.memory_space<hbm>> -> memref<20x128xi32, #tpu.memory_space<hbm>>
      %dma_start3A_27 = arith.constant 0 : i32
      %dma_start3A_28 = arith.constant 0 : i32
      %dma_start3A_29 = tpu.memref_slice %arg3[%add3A, %dma_start3A_27, %dma_start3A_28] : memref<32x20x128xi32, #tpu.memory_space<hbm>> -> memref<1x20x128xi32, #tpu.memory_space<hbm>>
      %dma_start3A_30 = tpu.memref_squeeze %dma_start3A_29 : memref<1x20x128xi32, #tpu.memory_space<hbm>> -> memref<20x128xi32, #tpu.memory_space<hbm>>
      tpu.enqueue_dma source(%dma_start3A_30 : memref<20x128xi32, #tpu.memory_space<hbm>>) target(%arg9 : memref<20x128xi32, #tpu.memory_space<vmem>>) target_semaphore(%run_scoped3A : memref<!tpu.dma_semaphore, #tpu.memory_space<semaphore_mem>>)
      %dma_wait3A = arith.constant 0 : i32
      %dma_wait3A_31 = arith.constant 0 : i32
      %dma_wait3A_32 = tpu.memref_slice %arg3[%add3A, %dma_wait3A, %dma_wait3A_31] : memref<32x20x128xi32, #tpu.memory_space<hbm>> -> memref<1x20x128xi32, #tpu.memory_space<hbm>>
      %dma_wait3A_33 = tpu.memref_squeeze %dma_wait3A_32 : memref<1x20x128xi32, #tpu.memory_space<hbm>> -> memref<20x128xi32, #tpu.memory_space<hbm>>
      %dma_wait3A_34 = arith.constant 0 : i32
      %dma_wait3A_35 = arith.constant 0 : i32
      %dma_wait3A_36 = tpu.memref_slice %arg3[%add3A, %dma_wait3A_34, %dma_wait3A_35] : memref<32x20x128xi32, #tpu.memory_space<hbm>> -> memref<1x20x128xi32, #tpu.memory_space<hbm>>
      %dma_wait3A_37 = tpu.memref_squeeze %dma_wait3A_36 : memref<1x20x128xi32, #tpu.memory_space<hbm>> -> memref<20x128xi32, #tpu.memory_space<hbm>>
      tpu.wait_dma2 semaphore(%run_scoped3A : memref<!tpu.dma_semaphore, #tpu.memory_space<semaphore_mem>>) src(%dma_wait3A_37 : memref<20x128xi32, #tpu.memory_space<hbm>>) dst(%arg9 : memref<20x128xi32, #tpu.memory_space<vmem>>)
      tpu.yield
    }) : () -> ()
    %barrier3A = arith.constant 0 : index
    tpu.barrier barrier_id(%barrier3A)
    %scan3A = arith.constant 0 : i32
    %scan3A_7 = arith.constant 0 : i32
    %scan3A_8 = arith.constant 20 : i32
    %scan3A_9 = arith.addi %scan3A_7, %scan3A_8 : i32
    %scan3A_10 = arith.constant 1 : i32
    scf.for %scan3A_24 = %scan3A_7 to %scan3A_9 step %scan3A_10  : i32 {
      %mul3A_25 = arith.constant 128 : i32
      %mul3A_26 = arith.muli %scan3A_24, %mul3A_25 : i32
      %add3A_27 = arith.addi %mul3A_2, %mul3A_26 : i32
      %multiple_of3A_28 = tpu.assume_multiple %add3A_27, 8 : i32
      "tpu.region"() ({
        %run_scoped3A = tpu.sem_alloc : memref<!tpu.dma_semaphore, #tpu.memory_space<semaphore_mem>>
        %dma_start3A = arith.constant 0 : i32
        %dma_start3A_29 = tpu.memref_slice %arg2[%multiple_of3A_28, %dma_start3A] : memref<81920x32xf32, #tpu.memory_space<hbm>> -> memref<128x32xf32, #tpu.memory_space<hbm>>
        %dma_start3A_30 = arith.constant 0 : i32
        %dma_start3A_31 = tpu.memref_slice %arg2[%multiple_of3A_28, %dma_start3A_30] : memref<81920x32xf32, #tpu.memory_space<hbm>> -> memref<128x32xf32, #tpu.memory_space<hbm>>
        tpu.enqueue_dma source(%dma_start3A_31 : memref<128x32xf32, #tpu.memory_space<hbm>>) target(%arg10 : memref<128x32xf32, #tpu.memory_space<vmem>>) target_semaphore(%run_scoped3A : memref<!tpu.dma_semaphore, #tpu.memory_space<semaphore_mem>>)
        %dma_wait3A = arith.constant 0 : i32
        %dma_wait3A_32 = tpu.memref_slice %arg2[%multiple_of3A_28, %dma_wait3A] : memref<81920x32xf32, #tpu.memory_space<hbm>> -> memref<128x32xf32, #tpu.memory_space<hbm>>
        %dma_wait3A_33 = arith.constant 0 : i32
        %dma_wait3A_34 = tpu.memref_slice %arg2[%multiple_of3A_28, %dma_wait3A_33] : memref<81920x32xf32, #tpu.memory_space<hbm>> -> memref<128x32xf32, #tpu.memory_space<hbm>>
        tpu.wait_dma2 semaphore(%run_scoped3A : memref<!tpu.dma_semaphore, #tpu.memory_space<semaphore_mem>>) src(%dma_wait3A_34 : memref<128x32xf32, #tpu.memory_space<hbm>>) dst(%arg10 : memref<128x32xf32, #tpu.memory_space<vmem>>)
        tpu.yield
      }) : () -> ()
      "tpu.region"() ({
        %run_scoped3A = tpu.sem_alloc : memref<!tpu.dma_semaphore, #tpu.memory_space<semaphore_mem>>
        %dma_start3A = arith.constant 0 : i32
        %dma_start3A_29 = tpu.memref_slice %arg9[%scan3A_24, %dma_start3A] : memref<20x128xi32, #tpu.memory_space<vmem>> -> memref<1x128xi32, #tpu.memory_space<vmem>>
        %dma_start3A_30 = tpu.memref_squeeze %dma_start3A_29 : memref<1x128xi32, #tpu.memory_space<vmem>> -> memref<128xi32, #tpu.memory_space<vmem>>
        %dma_start3A_31 = arith.constant 0 : i32
        %dma_start3A_32 = arith.constant 0 : i32
        %dma_start3A_33 = tpu.memref_slice %arg11[%dma_start3A_31, %dma_start3A_32] : memref<10240x32xf32, #tpu.memory_space<vmem_shared>> -> memref<10240x32xf32, #tpu.memory_space<vmem_shared>>
        tpu.enqueue_indirect_dma source(%arg10 : memref<128x32xf32, #tpu.memory_space<vmem>>) target(%dma_start3A_33 : memref<10240x32xf32, #tpu.memory_space<vmem_shared>>) offsets(%dma_start3A_30 : memref<128xi32, #tpu.memory_space<vmem>>) semaphore(%run_scoped3A : memref<!tpu.dma_semaphore, #tpu.memory_space<semaphore_mem>>) {add = true}
        %dma_wait3A = arith.constant 0 : i32
        %dma_wait3A_34 = tpu.memref_slice %arg9[%scan3A_24, %dma_wait3A] : memref<20x128xi32, #tpu.memory_space<vmem>> -> memref<1x128xi32, #tpu.memory_space<vmem>>
        %dma_wait3A_35 = tpu.memref_squeeze %dma_wait3A_34 : memref<1x128xi32, #tpu.memory_space<vmem>> -> memref<128xi32, #tpu.memory_space<vmem>>
        %dma_wait3A_36 = arith.constant 0 : i32
        %dma_wait3A_37 = arith.constant 0 : i32
        %dma_wait3A_38 = tpu.memref_slice %arg11[%dma_wait3A_36, %dma_wait3A_37] : memref<10240x32xf32, #tpu.memory_space<vmem_shared>> -> memref<10240x32xf32, #tpu.memory_space<vmem_shared>>
        tpu.wait_indirect_dma semaphore(%run_scoped3A : memref<!tpu.dma_semaphore, #tpu.memory_space<semaphore_mem>>) src(%arg10 : memref<128x32xf32, #tpu.memory_space<vmem>>) dst(%dma_wait3A_38 : memref<10240x32xf32, #tpu.memory_space<vmem_shared>>)
        tpu.yield
      }) : () -> ()
      "tpu.region"() ({
        %run_scoped3A = tpu.sem_alloc : memref<!tpu.dma_semaphore, #tpu.memory_space<semaphore_mem>>
        %dma_start3A = arith.constant 0 : i32
        %dma_start3A_29 = tpu.memref_slice %arg9[%scan3A_24, %dma_start3A] : memref<20x128xi32, #tpu.memory_space<vmem>> -> memref<1x128xi32, #tpu.memory_space<vmem>>
        %dma_start3A_30 = tpu.memref_squeeze %dma_start3A_29 : memref<1x128xi32, #tpu.memory_space<vmem>> -> memref<128xi32, #tpu.memory_space<vmem>>
        %dma_start3A_31 = arith.constant 0 : i32
        %dma_start3A_32 = tpu.memref_slice %arg13[%dma_start3A_31] : memref<10240xf32, #tpu.memory_space<vmem_shared>> -> memref<10240xf32, #tpu.memory_space<vmem_shared>>
        tpu.enqueue_indirect_dma source(%arg12 : memref<128xf32, #tpu.memory_space<vmem>>) target(%dma_start3A_32 : memref<10240xf32, #tpu.memory_space<vmem_shared>>) offsets(%dma_start3A_30 : memref<128xi32, #tpu.memory_space<vmem>>) semaphore(%run_scoped3A : memref<!tpu.dma_semaphore, #tpu.memory_space<semaphore_mem>>) {add = true}
        %dma_wait3A = arith.constant 0 : i32
        %dma_wait3A_33 = tpu.memref_slice %arg9[%scan3A_24, %dma_wait3A] : memref<20x128xi32, #tpu.memory_space<vmem>> -> memref<1x128xi32, #tpu.memory_space<vmem>>
        %dma_wait3A_34 = tpu.memref_squeeze %dma_wait3A_33 : memref<1x128xi32, #tpu.memory_space<vmem>> -> memref<128xi32, #tpu.memory_space<vmem>>
        %dma_wait3A_35 = arith.constant 0 : i32
        %dma_wait3A_36 = tpu.memref_slice %arg13[%dma_wait3A_35] : memref<10240xf32, #tpu.memory_space<vmem_shared>> -> memref<10240xf32, #tpu.memory_space<vmem_shared>>
        tpu.wait_indirect_dma semaphore(%run_scoped3A : memref<!tpu.dma_semaphore, #tpu.memory_space<semaphore_mem>>) src(%arg12 : memref<128xf32, #tpu.memory_space<vmem>>) dst(%dma_wait3A_36 : memref<10240xf32, #tpu.memory_space<vmem_shared>>)
        tpu.yield
      }) : () -> ()
    }
    %scan3A_11 = arith.constant 20 : i32
    %barrier3A_12 = arith.constant 0 : index
    tpu.barrier barrier_id(%barrier3A_12)
    %mul3A_13 = arith.constant 10240 : i32
    %mul3A_14 = arith.muli %arg0, %mul3A_13 : i32
    %mul3A_15 = arith.constant 640 : i32
    %mul3A_16 = arith.muli %arg1, %mul3A_15 : i32
    %add3A_17 = arith.addi %mul3A_14, %mul3A_16 : i32
    %multiple_of3A_18 = tpu.assume_multiple %add3A_17, 8 : i32
    "tpu.region"() ({
      %run_scoped3A = tpu.sem_alloc : memref<!tpu.dma_semaphore, #tpu.memory_space<semaphore_mem>>
      %dma_start3A = arith.constant 0 : i32
      %dma_start3A_24 = tpu.memref_slice %arg7[%multiple_of3A_18, %dma_start3A] : memref<20480x32xf32, #tpu.memory_space<hbm>> -> memref<640x32xf32, #tpu.memory_space<hbm>>
      %dma_start3A_25 = arith.constant 0 : i32
      %dma_start3A_26 = tpu.memref_slice %arg11[%multiple_of3A, %dma_start3A_25] : memref<10240x32xf32, #tpu.memory_space<vmem_shared>> -> memref<640x32xf32, #tpu.memory_space<vmem_shared>>
      tpu.enqueue_dma source(%dma_start3A_26 : memref<640x32xf32, #tpu.memory_space<vmem_shared>>) target(%dma_start3A_24 : memref<640x32xf32, #tpu.memory_space<hbm>>) target_semaphore(%run_scoped3A : memref<!tpu.dma_semaphore, #tpu.memory_space<semaphore_mem>>)
      %dma_wait3A = arith.constant 0 : i32
      %dma_wait3A_27 = tpu.memref_slice %arg7[%multiple_of3A_18, %dma_wait3A] : memref<20480x32xf32, #tpu.memory_space<hbm>> -> memref<640x32xf32, #tpu.memory_space<hbm>>
      %dma_wait3A_28 = arith.constant 0 : i32
      %dma_wait3A_29 = tpu.memref_slice %arg11[%multiple_of3A, %dma_wait3A_28] : memref<10240x32xf32, #tpu.memory_space<vmem_shared>> -> memref<640x32xf32, #tpu.memory_space<vmem_shared>>
      tpu.wait_dma2 semaphore(%run_scoped3A : memref<!tpu.dma_semaphore, #tpu.memory_space<semaphore_mem>>) src(%dma_wait3A_29 : memref<640x32xf32, #tpu.memory_space<vmem_shared>>) dst(%dma_wait3A_27 : memref<640x32xf32, #tpu.memory_space<hbm>>)
      tpu.yield
    }) : () -> ()
    %eq3A_19 = arith.constant 0 : i32
    %eq3A_20 = arith.cmpi eq, %arg1, %eq3A_19 : i32
    %convert_element_type3A_21 = arith.extui %eq3A_20 : i1 to i32
    %cond3A_22 = arith.constant 0 : i32
    %cond3A_23 = arith.cmpi ne, %convert_element_type3A_21, %cond3A_22 : i32
    scf.if %cond3A_23 {
      %mul3A_24 = arith.constant 10240 : i32
      %mul3A_25 = arith.muli %arg0, %mul3A_24 : i32
      %multiple_of3A_26 = tpu.assume_multiple %mul3A_25, 8 : i32
      "tpu.region"() ({
        %run_scoped3A = tpu.sem_alloc : memref<!tpu.dma_semaphore, #tpu.memory_space<semaphore_mem>>
        %dma_start3A = tpu.memref_slice %arg8[%multiple_of3A_26] : memref<20480xf32, #tpu.memory_space<hbm>> -> memref<10240xf32, #tpu.memory_space<hbm>>
        tpu.enqueue_dma source(%arg13 : memref<10240xf32, #tpu.memory_space<vmem_shared>>) target(%dma_start3A : memref<10240xf32, #tpu.memory_space<hbm>>) target_semaphore(%run_scoped3A : memref<!tpu.dma_semaphore, #tpu.memory_space<semaphore_mem>>)
        %dma_wait3A = tpu.memref_slice %arg8[%multiple_of3A_26] : memref<20480xf32, #tpu.memory_space<hbm>> -> memref<10240xf32, #tpu.memory_space<hbm>>
        tpu.wait_dma2 semaphore(%run_scoped3A : memref<!tpu.dma_semaphore, #tpu.memory_space<semaphore_mem>>) src(%arg13 : memref<10240xf32, #tpu.memory_space<vmem_shared>>) dst(%dma_wait3A : memref<10240xf32, #tpu.memory_space<hbm>>)
        tpu.yield
      }) : () -> ()
    } else {
    }
    return
  }
}

#map = affine_map<(d0, d1) -> (0, 0)>
#map1 = affine_map<(d0, d1) -> (0, 0, 0)>
module attributes {stable_mosaic.version = 14 : i64} {
  func.func @gk(%arg0: i32, %arg1: i32, %arg2: memref<10240x32xf32, #tpu.memory_space<hbm>>, %arg3: memref<32x20x128xi32, #tpu.memory_space<hbm>>, %arg4: memref<81920x32xf32, #tpu.memory_space<hbm>>, %arg5: memref<20x128xi32, #tpu.memory_space<vmem>>, %arg6: memref<128x32xf32, #tpu.memory_space<vmem>>, %arg7: memref<128x32xf32, #tpu.memory_space<vmem>>, %arg8: memref<!tpu.dma_semaphore, #tpu.memory_space<semaphore_mem>>, %arg9: memref<!tpu.dma_semaphore, #tpu.memory_space<semaphore_mem>>) attributes {dimension_semantics = [#tpu.dimension_semantics<core_parallel>, #tpu.dimension_semantics<subcore_parallel>], iteration_bounds = array<i64: 2, 16>, scalar_prefetch = 0 : i64, scratch_operands = 5 : i64, tpu.core_type = #tpu.core_type<sc_vector_subcore>, window_params = [{transform_indices = #map}, {transform_indices = #map1}, {transform_indices = #map}]} {
    %mul3A = arith.constant 16 : i32
    %mul3A_0 = arith.muli %arg0, %mul3A : i32
    %add3A = arith.addi %mul3A_0, %arg1 : i32
    %mul3A_1 = arith.constant 2560 : i32
    %mul3A_2 = arith.muli %add3A, %mul3A_1 : i32
    "tpu.region"() ({
      %run_scoped3A = tpu.sem_alloc : memref<!tpu.dma_semaphore, #tpu.memory_space<semaphore_mem>>
      %dma_start3A_14 = arith.constant 0 : i32
      %dma_start3A_15 = arith.constant 0 : i32
      %dma_start3A_16 = tpu.memref_slice %arg3[%add3A, %dma_start3A_14, %dma_start3A_15] : memref<32x20x128xi32, #tpu.memory_space<hbm>> -> memref<1x20x128xi32, #tpu.memory_space<hbm>>
      %dma_start3A_17 = tpu.memref_squeeze %dma_start3A_16 : memref<1x20x128xi32, #tpu.memory_space<hbm>> -> memref<20x128xi32, #tpu.memory_space<hbm>>
      %dma_start3A_18 = arith.constant 0 : i32
      %dma_start3A_19 = arith.constant 0 : i32
      %dma_start3A_20 = tpu.memref_slice %arg3[%add3A, %dma_start3A_18, %dma_start3A_19] : memref<32x20x128xi32, #tpu.memory_space<hbm>> -> memref<1x20x128xi32, #tpu.memory_space<hbm>>
      %dma_start3A_21 = tpu.memref_squeeze %dma_start3A_20 : memref<1x20x128xi32, #tpu.memory_space<hbm>> -> memref<20x128xi32, #tpu.memory_space<hbm>>
      tpu.enqueue_dma source(%dma_start3A_21 : memref<20x128xi32, #tpu.memory_space<hbm>>) target(%arg5 : memref<20x128xi32, #tpu.memory_space<vmem>>) target_semaphore(%run_scoped3A : memref<!tpu.dma_semaphore, #tpu.memory_space<semaphore_mem>>)
      %dma_wait3A = arith.constant 0 : i32
      %dma_wait3A_22 = arith.constant 0 : i32
      %dma_wait3A_23 = tpu.memref_slice %arg3[%add3A, %dma_wait3A, %dma_wait3A_22] : memref<32x20x128xi32, #tpu.memory_space<hbm>> -> memref<1x20x128xi32, #tpu.memory_space<hbm>>
      %dma_wait3A_24 = tpu.memref_squeeze %dma_wait3A_23 : memref<1x20x128xi32, #tpu.memory_space<hbm>> -> memref<20x128xi32, #tpu.memory_space<hbm>>
      %dma_wait3A_25 = arith.constant 0 : i32
      %dma_wait3A_26 = arith.constant 0 : i32
      %dma_wait3A_27 = tpu.memref_slice %arg3[%add3A, %dma_wait3A_25, %dma_wait3A_26] : memref<32x20x128xi32, #tpu.memory_space<hbm>> -> memref<1x20x128xi32, #tpu.memory_space<hbm>>
      %dma_wait3A_28 = tpu.memref_squeeze %dma_wait3A_27 : memref<1x20x128xi32, #tpu.memory_space<hbm>> -> memref<20x128xi32, #tpu.memory_space<hbm>>
      tpu.wait_dma2 semaphore(%run_scoped3A : memref<!tpu.dma_semaphore, #tpu.memory_space<semaphore_mem>>) src(%dma_wait3A_28 : memref<20x128xi32, #tpu.memory_space<hbm>>) dst(%arg5 : memref<20x128xi32, #tpu.memory_space<vmem>>)
      tpu.yield
    }) : () -> ()
    %dma_start3A = arith.constant 0 : i32
    %dma_start3A_3 = arith.constant 0 : i32
    %dma_start3A_4 = tpu.memref_slice %arg5[%dma_start3A, %dma_start3A_3] : memref<20x128xi32, #tpu.memory_space<vmem>> -> memref<1x128xi32, #tpu.memory_space<vmem>>
    %dma_start3A_5 = tpu.memref_squeeze %dma_start3A_4 : memref<1x128xi32, #tpu.memory_space<vmem>> -> memref<128xi32, #tpu.memory_space<vmem>>
    %dma_start3A_6 = arith.constant 0 : i32
    %dma_start3A_7 = arith.constant 0 : i32
    %dma_start3A_8 = tpu.memref_slice %arg2[%dma_start3A_6, %dma_start3A_7] : memref<10240x32xf32, #tpu.memory_space<hbm>> -> memref<10240x32xf32, #tpu.memory_space<hbm>>
    tpu.enqueue_indirect_dma source(%dma_start3A_8 : memref<10240x32xf32, #tpu.memory_space<hbm>>) target(%arg6 : memref<128x32xf32, #tpu.memory_space<vmem>>) offsets(%dma_start3A_5 : memref<128xi32, #tpu.memory_space<vmem>>) semaphore(%arg8 : memref<!tpu.dma_semaphore, #tpu.memory_space<semaphore_mem>>)
    %scan3A = arith.constant 0 : i32
    %scan3A_9 = arith.constant 0 : i32
    %scan3A_10 = arith.constant 20 : i32
    %scan3A_11 = arith.addi %scan3A_9, %scan3A_10 : i32
    %scan3A_12 = arith.constant 1 : i32
    scf.for %scan3A_14 = %scan3A_9 to %scan3A_11 step %scan3A_12  : i32 {
      %rem3A = arith.constant 2 : i32
      %rem3A_15 = arith.remsi %scan3A_14, %rem3A : i32
      %eq3A = arith.constant 0 : i32
      %eq3A_16 = arith.cmpi eq, %rem3A_15, %eq3A : i32
      %convert_element_type3A = arith.extui %eq3A_16 : i1 to i32
      %cond3A = arith.constant 0 : i32
      %cond3A_17 = arith.cmpi ne, %convert_element_type3A, %cond3A : i32
      scf.if %cond3A_17 {
        %add3A_22 = arith.constant 1 : i32
        %add3A_23 = arith.addi %scan3A_14, %add3A_22 : i32
        %lt3A = arith.constant 20 : i32
        %lt3A_24 = arith.cmpi slt, %add3A_23, %lt3A : i32
        %convert_element_type3A_25 = arith.extui %lt3A_24 : i1 to i32
        %cond3A_26 = arith.constant 0 : i32
        %cond3A_27 = arith.cmpi ne, %convert_element_type3A_25, %cond3A_26 : i32
        scf.if %cond3A_27 {
          %add3A_36 = arith.constant 1 : i32
          %add3A_37 = arith.addi %scan3A_14, %add3A_36 : i32
          %dma_start3A_38 = arith.constant 0 : i32
          %dma_start3A_39 = tpu.memref_slice %arg5[%add3A_37, %dma_start3A_38] : memref<20x128xi32, #tpu.memory_space<vmem>> -> memref<1x128xi32, #tpu.memory_space<vmem>>
          %dma_start3A_40 = tpu.memref_squeeze %dma_start3A_39 : memref<1x128xi32, #tpu.memory_space<vmem>> -> memref<128xi32, #tpu.memory_space<vmem>>
          %dma_start3A_41 = arith.constant 0 : i32
          %dma_start3A_42 = arith.constant 0 : i32
          %dma_start3A_43 = tpu.memref_slice %arg2[%dma_start3A_41, %dma_start3A_42] : memref<10240x32xf32, #tpu.memory_space<hbm>> -> memref<10240x32xf32, #tpu.memory_space<hbm>>
          tpu.enqueue_indirect_dma source(%dma_start3A_43 : memref<10240x32xf32, #tpu.memory_space<hbm>>) target(%arg7 : memref<128x32xf32, #tpu.memory_space<vmem>>) offsets(%dma_start3A_40 : memref<128xi32, #tpu.memory_space<vmem>>) semaphore(%arg9 : memref<!tpu.dma_semaphore, #tpu.memory_space<semaphore_mem>>)
        } else {
        }
        %dma_wait3A = arith.constant 0 : i32
        %dma_wait3A_28 = tpu.memref_slice %arg5[%scan3A_14, %dma_wait3A] : memref<20x128xi32, #tpu.memory_space<vmem>> -> memref<1x128xi32, #tpu.memory_space<vmem>>
        %dma_wait3A_29 = tpu.memref_squeeze %dma_wait3A_28 : memref<1x128xi32, #tpu.memory_space<vmem>> -> memref<128xi32, #tpu.memory_space<vmem>>
        %dma_wait3A_30 = arith.constant 0 : i32
        %dma_wait3A_31 = arith.constant 0 : i32
        %dma_wait3A_32 = tpu.memref_slice %arg2[%dma_wait3A_30, %dma_wait3A_31] : memref<10240x32xf32, #tpu.memory_space<hbm>> -> memref<10240x32xf32, #tpu.memory_space<hbm>>
        tpu.wait_indirect_dma semaphore(%arg8 : memref<!tpu.dma_semaphore, #tpu.memory_space<semaphore_mem>>) src(%dma_wait3A_32 : memref<10240x32xf32, #tpu.memory_space<hbm>>) dst(%arg6 : memref<128x32xf32, #tpu.memory_space<vmem>>)
        %mul3A_33 = arith.constant 128 : i32
        %mul3A_34 = arith.muli %scan3A_14, %mul3A_33 : i32
        %add3A_35 = arith.addi %mul3A_2, %mul3A_34 : i32
        %multiple_of3A = tpu.assume_multiple %add3A_35, 8 : i32
        "tpu.region"() ({
          %run_scoped3A = tpu.sem_alloc : memref<!tpu.dma_semaphore, #tpu.memory_space<semaphore_mem>>
          %dma_start3A_36 = arith.constant 0 : i32
          %dma_start3A_37 = tpu.memref_slice %arg4[%multiple_of3A, %dma_start3A_36] : memref<81920x32xf32, #tpu.memory_space<hbm>> -> memref<128x32xf32, #tpu.memory_space<hbm>>
          %dma_start3A_38 = arith.constant 0 : i32
          %dma_start3A_39 = tpu.memref_slice %arg4[%multiple_of3A, %dma_start3A_38] : memref<81920x32xf32, #tpu.memory_space<hbm>> -> memref<128x32xf32, #tpu.memory_space<hbm>>
          tpu.enqueue_dma source(%arg6 : memref<128x32xf32, #tpu.memory_space<vmem>>) target(%dma_start3A_39 : memref<128x32xf32, #tpu.memory_space<hbm>>) target_semaphore(%run_scoped3A : memref<!tpu.dma_semaphore, #tpu.memory_space<semaphore_mem>>)
          %dma_wait3A_40 = arith.constant 0 : i32
          %dma_wait3A_41 = tpu.memref_slice %arg4[%multiple_of3A, %dma_wait3A_40] : memref<81920x32xf32, #tpu.memory_space<hbm>> -> memref<128x32xf32, #tpu.memory_space<hbm>>
          %dma_wait3A_42 = arith.constant 0 : i32
          %dma_wait3A_43 = tpu.memref_slice %arg4[%multiple_of3A, %dma_wait3A_42] : memref<81920x32xf32, #tpu.memory_space<hbm>> -> memref<128x32xf32, #tpu.memory_space<hbm>>
          tpu.wait_dma2 semaphore(%run_scoped3A : memref<!tpu.dma_semaphore, #tpu.memory_space<semaphore_mem>>) src(%arg6 : memref<128x32xf32, #tpu.memory_space<vmem>>) dst(%dma_wait3A_43 : memref<128x32xf32, #tpu.memory_space<hbm>>)
          tpu.yield
        }) : () -> ()
      } else {
      }
      %not3A = arith.constant true
      %not3A_18 = arith.xori %eq3A_16, %not3A : i1
      %convert_element_type3A_19 = arith.extui %not3A_18 : i1 to i32
      %cond3A_20 = arith.constant 0 : i32
      %cond3A_21 = arith.cmpi ne, %convert_element_type3A_19, %cond3A_20 : i32
      scf.if %cond3A_21 {
        %add3A_22 = arith.constant 1 : i32
        %add3A_23 = arith.addi %scan3A_14, %add3A_22 : i32
        %lt3A = arith.constant 20 : i32
        %lt3A_24 = arith.cmpi slt, %add3A_23, %lt3A : i32
        %convert_element_type3A_25 = arith.extui %lt3A_24 : i1 to i32
        %cond3A_26 = arith.constant 0 : i32
        %cond3A_27 = arith.cmpi ne, %convert_element_type3A_25, %cond3A_26 : i32
        scf.if %cond3A_27 {
          %add3A_36 = arith.constant 1 : i32
          %add3A_37 = arith.addi %scan3A_14, %add3A_36 : i32
          %dma_start3A_38 = arith.constant 0 : i32
          %dma_start3A_39 = tpu.memref_slice %arg5[%add3A_37, %dma_start3A_38] : memref<20x128xi32, #tpu.memory_space<vmem>> -> memref<1x128xi32, #tpu.memory_space<vmem>>
          %dma_start3A_40 = tpu.memref_squeeze %dma_start3A_39 : memref<1x128xi32, #tpu.memory_space<vmem>> -> memref<128xi32, #tpu.memory_space<vmem>>
          %dma_start3A_41 = arith.constant 0 : i32
          %dma_start3A_42 = arith.constant 0 : i32
          %dma_start3A_43 = tpu.memref_slice %arg2[%dma_start3A_41, %dma_start3A_42] : memref<10240x32xf32, #tpu.memory_space<hbm>> -> memref<10240x32xf32, #tpu.memory_space<hbm>>
          tpu.enqueue_indirect_dma source(%dma_start3A_43 : memref<10240x32xf32, #tpu.memory_space<hbm>>) target(%arg6 : memref<128x32xf32, #tpu.memory_space<vmem>>) offsets(%dma_start3A_40 : memref<128xi32, #tpu.memory_space<vmem>>) semaphore(%arg8 : memref<!tpu.dma_semaphore, #tpu.memory_space<semaphore_mem>>)
        } else {
        }
        %dma_wait3A = arith.constant 0 : i32
        %dma_wait3A_28 = tpu.memref_slice %arg5[%scan3A_14, %dma_wait3A] : memref<20x128xi32, #tpu.memory_space<vmem>> -> memref<1x128xi32, #tpu.memory_space<vmem>>
        %dma_wait3A_29 = tpu.memref_squeeze %dma_wait3A_28 : memref<1x128xi32, #tpu.memory_space<vmem>> -> memref<128xi32, #tpu.memory_space<vmem>>
        %dma_wait3A_30 = arith.constant 0 : i32
        %dma_wait3A_31 = arith.constant 0 : i32
        %dma_wait3A_32 = tpu.memref_slice %arg2[%dma_wait3A_30, %dma_wait3A_31] : memref<10240x32xf32, #tpu.memory_space<hbm>> -> memref<10240x32xf32, #tpu.memory_space<hbm>>
        tpu.wait_indirect_dma semaphore(%arg9 : memref<!tpu.dma_semaphore, #tpu.memory_space<semaphore_mem>>) src(%dma_wait3A_32 : memref<10240x32xf32, #tpu.memory_space<hbm>>) dst(%arg7 : memref<128x32xf32, #tpu.memory_space<vmem>>)
        %mul3A_33 = arith.constant 128 : i32
        %mul3A_34 = arith.muli %scan3A_14, %mul3A_33 : i32
        %add3A_35 = arith.addi %mul3A_2, %mul3A_34 : i32
        %multiple_of3A = tpu.assume_multiple %add3A_35, 8 : i32
        "tpu.region"() ({
          %run_scoped3A = tpu.sem_alloc : memref<!tpu.dma_semaphore, #tpu.memory_space<semaphore_mem>>
          %dma_start3A_36 = arith.constant 0 : i32
          %dma_start3A_37 = tpu.memref_slice %arg4[%multiple_of3A, %dma_start3A_36] : memref<81920x32xf32, #tpu.memory_space<hbm>> -> memref<128x32xf32, #tpu.memory_space<hbm>>
          %dma_start3A_38 = arith.constant 0 : i32
          %dma_start3A_39 = tpu.memref_slice %arg4[%multiple_of3A, %dma_start3A_38] : memref<81920x32xf32, #tpu.memory_space<hbm>> -> memref<128x32xf32, #tpu.memory_space<hbm>>
          tpu.enqueue_dma source(%arg7 : memref<128x32xf32, #tpu.memory_space<vmem>>) target(%dma_start3A_39 : memref<128x32xf32, #tpu.memory_space<hbm>>) target_semaphore(%run_scoped3A : memref<!tpu.dma_semaphore, #tpu.memory_space<semaphore_mem>>)
          %dma_wait3A_40 = arith.constant 0 : i32
          %dma_wait3A_41 = tpu.memref_slice %arg4[%multiple_of3A, %dma_wait3A_40] : memref<81920x32xf32, #tpu.memory_space<hbm>> -> memref<128x32xf32, #tpu.memory_space<hbm>>
          %dma_wait3A_42 = arith.constant 0 : i32
          %dma_wait3A_43 = tpu.memref_slice %arg4[%multiple_of3A, %dma_wait3A_42] : memref<81920x32xf32, #tpu.memory_space<hbm>> -> memref<128x32xf32, #tpu.memory_space<hbm>>
          tpu.wait_dma2 semaphore(%run_scoped3A : memref<!tpu.dma_semaphore, #tpu.memory_space<semaphore_mem>>) src(%arg7 : memref<128x32xf32, #tpu.memory_space<vmem>>) dst(%dma_wait3A_43 : memref<128x32xf32, #tpu.memory_space<hbm>>)
          tpu.yield
        }) : () -> ()
      } else {
      }
    }
    %scan3A_13 = arith.constant 20 : i32
    return
  }
}

#map = affine_map<(d0, d1) -> (0, 0)>
#map1 = affine_map<(d0, d1) -> (0, 0, 0)>
#map2 = affine_map<(d0, d1) -> (0)>
module attributes {stable_mosaic.version = 14 : i64} {
  func.func @sk(%arg0: i32, %arg1: i32, %arg2: memref<81920x32xf32, #tpu.memory_space<hbm>>, %arg3: memref<32x20x128xi32, #tpu.memory_space<hbm>>, %arg4: memref<10240x32xf32, #tpu.memory_space<hbm>>, %arg5: memref<10240xf32, #tpu.memory_space<hbm>>, %arg6: memref<128xf32, #tpu.memory_space<hbm>>, %arg7: memref<20480x32xf32, #tpu.memory_space<hbm>>, %arg8: memref<20480xf32, #tpu.memory_space<hbm>>, %arg9: memref<20x128xi32, #tpu.memory_space<vmem>>, %arg10: memref<128x32xf32, #tpu.memory_space<vmem>>, %arg11: memref<10240x32xf32, #tpu.memory_space<vmem_shared>>, %arg12: memref<128xf32, #tpu.memory_space<vmem>>, %arg13: memref<10240xf32, #tpu.memory_space<vmem_shared>>) attributes {dimension_semantics = [#tpu.dimension_semantics<core_parallel>, #tpu.dimension_semantics<subcore_parallel>], iteration_bounds = array<i64: 2, 16>, scalar_prefetch = 0 : i64, scratch_operands = 5 : i64, tpu.core_type = #tpu.core_type<sc_vector_subcore>, window_params = [{transform_indices = #map}, {transform_indices = #map1}, {transform_indices = #map}, {transform_indices = #map2}, {transform_indices = #map2}, {transform_indices = #map}, {transform_indices = #map2}]} {
    %mul3A = arith.constant 16 : i32
    %mul3A_0 = arith.muli %arg0, %mul3A : i32
    %add3A = arith.addi %mul3A_0, %arg1 : i32
    %mul3A_1 = arith.constant 2560 : i32
    %mul3A_2 = arith.muli %add3A, %mul3A_1 : i32
    %mul3A_3 = arith.constant 640 : i32
    %mul3A_4 = arith.muli %arg1, %mul3A_3 : i32
    %multiple_of3A = tpu.assume_multiple %mul3A_4, 8 : i32
    "tpu.region"() ({
      %run_scoped3A = tpu.sem_alloc : memref<!tpu.dma_semaphore, #tpu.memory_space<semaphore_mem>>
      %dma_start3A = arith.constant 0 : i32
      %dma_start3A_24 = tpu.memref_slice %arg11[%multiple_of3A, %dma_start3A] : memref<10240x32xf32, #tpu.memory_space<vmem_shared>> -> memref<640x32xf32, #tpu.memory_space<vmem_shared>>
      %dma_start3A_25 = arith.constant 0 : i32
      %dma_start3A_26 = tpu.memref_slice %arg4[%multiple_of3A, %dma_start3A_25] : memref<10240x32xf32, #tpu.memory_space<hbm>> -> memref<640x32xf32, #tpu.memory_space<hbm>>
      tpu.enqueue_dma source(%dma_start3A_26 : memref<640x32xf32, #tpu.memory_space<hbm>>) target(%dma_start3A_24 : memref<640x32xf32, #tpu.memory_space<vmem_shared>>) target_semaphore(%run_scoped3A : memref<!tpu.dma_semaphore, #tpu.memory_space<semaphore_mem>>)
      %dma_wait3A = arith.constant 0 : i32
      %dma_wait3A_27 = tpu.memref_slice %arg11[%multiple_of3A, %dma_wait3A] : memref<10240x32xf32, #tpu.memory_space<vmem_shared>> -> memref<640x32xf32, #tpu.memory_space<vmem_shared>>
      %dma_wait3A_28 = arith.constant 0 : i32
      %dma_wait3A_29 = tpu.memref_slice %arg4[%multiple_of3A, %dma_wait3A_28] : memref<10240x32xf32, #tpu.memory_space<hbm>> -> memref<640x32xf32, #tpu.memory_space<hbm>>
      tpu.wait_dma2 semaphore(%run_scoped3A : memref<!tpu.dma_semaphore, #tpu.memory_space<semaphore_mem>>) src(%dma_wait3A_29 : memref<640x32xf32, #tpu.memory_space<hbm>>) dst(%dma_wait3A_27 : memref<640x32xf32, #tpu.memory_space<vmem_shared>>)
      tpu.yield
    }) : () -> ()
    %eq3A = arith.constant 0 : i32
    %eq3A_5 = arith.cmpi eq, %arg1, %eq3A : i32
    %convert_element_type3A = arith.extui %eq3A_5 : i1 to i32
    %cond3A = arith.constant 0 : i32
    %cond3A_6 = arith.cmpi ne, %convert_element_type3A, %cond3A : i32
    scf.if %cond3A_6 {
      "tpu.region"() ({
        %run_scoped3A = tpu.sem_alloc : memref<!tpu.dma_semaphore, #tpu.memory_space<semaphore_mem>>
        tpu.enqueue_dma source(%arg5 : memref<10240xf32, #tpu.memory_space<hbm>>) target(%arg13 : memref<10240xf32, #tpu.memory_space<vmem_shared>>) target_semaphore(%run_scoped3A : memref<!tpu.dma_semaphore, #tpu.memory_space<semaphore_mem>>)
        tpu.wait_dma2 semaphore(%run_scoped3A : memref<!tpu.dma_semaphore, #tpu.memory_space<semaphore_mem>>) src(%arg5 : memref<10240xf32, #tpu.memory_space<hbm>>) dst(%arg13 : memref<10240xf32, #tpu.memory_space<vmem_shared>>)
        tpu.yield
      }) : () -> ()
    } else {
    }
    "tpu.region"() ({
      %run_scoped3A = tpu.sem_alloc : memref<!tpu.dma_semaphore, #tpu.memory_space<semaphore_mem>>
      tpu.enqueue_dma source(%arg6 : memref<128xf32, #tpu.memory_space<hbm>>) target(%arg12 : memref<128xf32, #tpu.memory_space<vmem>>) target_semaphore(%run_scoped3A : memref<!tpu.dma_semaphore, #tpu.memory_space<semaphore_mem>>)
      tpu.wait_dma2 semaphore(%run_scoped3A : memref<!tpu.dma_semaphore, #tpu.memory_space<semaphore_mem>>) src(%arg6 : memref<128xf32, #tpu.memory_space<hbm>>) dst(%arg12 : memref<128xf32, #tpu.memory_space<vmem>>)
      tpu.yield
    }) : () -> ()
    "tpu.region"() ({
      %run_scoped3A = tpu.sem_alloc : memref<!tpu.dma_semaphore, #tpu.memory_space<semaphore_mem>>
      %dma_start3A = arith.constant 0 : i32
      %dma_start3A_24 = arith.constant 0 : i32
      %dma_start3A_25 = tpu.memref_slice %arg3[%add3A, %dma_start3A, %dma_start3A_24] : memref<32x20x128xi32, #tpu.memory_space<hbm>> -> memref<1x20x128xi32, #tpu.memory_space<hbm>>
      %dma_start3A_26 = tpu.memref_squeeze %dma_start3A_25 : memref<1x20x128xi32, #tpu.memory_space<hbm>> -> memref<20x128xi32, #tpu.memory_space<hbm>>
      %dma_start3A_27 = arith.constant 0 : i32
      %dma_start3A_28 = arith.constant 0 : i32
      %dma_start3A_29 = tpu.memref_slice %arg3[%add3A, %dma_start3A_27, %dma_start3A_28] : memref<32x20x128xi32, #tpu.memory_space<hbm>> -> memref<1x20x128xi32, #tpu.memory_space<hbm>>
      %dma_start3A_30 = tpu.memref_squeeze %dma_start3A_29 : memref<1x20x128xi32, #tpu.memory_space<hbm>> -> memref<20x128xi32, #tpu.memory_space<hbm>>
      tpu.enqueue_dma source(%dma_start3A_30 : memref<20x128xi32, #tpu.memory_space<hbm>>) target(%arg9 : memref<20x128xi32, #tpu.memory_space<vmem>>) target_semaphore(%run_scoped3A : memref<!tpu.dma_semaphore, #tpu.memory_space<semaphore_mem>>)
      %dma_wait3A = arith.constant 0 : i32
      %dma_wait3A_31 = arith.constant 0 : i32
      %dma_wait3A_32 = tpu.memref_slice %arg3[%add3A, %dma_wait3A, %dma_wait3A_31] : memref<32x20x128xi32, #tpu.memory_space<hbm>> -> memref<1x20x128xi32, #tpu.memory_space<hbm>>
      %dma_wait3A_33 = tpu.memref_squeeze %dma_wait3A_32 : memref<1x20x128xi32, #tpu.memory_space<hbm>> -> memref<20x128xi32, #tpu.memory_space<hbm>>
      %dma_wait3A_34 = arith.constant 0 : i32
      %dma_wait3A_35 = arith.constant 0 : i32
      %dma_wait3A_36 = tpu.memref_slice %arg3[%add3A, %dma_wait3A_34, %dma_wait3A_35] : memref<32x20x128xi32, #tpu.memory_space<hbm>> -> memref<1x20x128xi32, #tpu.memory_space<hbm>>
      %dma_wait3A_37 = tpu.memref_squeeze %dma_wait3A_36 : memref<1x20x128xi32, #tpu.memory_space<hbm>> -> memref<20x128xi32, #tpu.memory_space<hbm>>
      tpu.wait_dma2 semaphore(%run_scoped3A : memref<!tpu.dma_semaphore, #tpu.memory_space<semaphore_mem>>) src(%dma_wait3A_37 : memref<20x128xi32, #tpu.memory_space<hbm>>) dst(%arg9 : memref<20x128xi32, #tpu.memory_space<vmem>>)
      tpu.yield
    }) : () -> ()
    %barrier3A = arith.constant 0 : index
    tpu.barrier barrier_id(%barrier3A)
    %scan3A = arith.constant 0 : i32
    %scan3A_7 = arith.constant 0 : i32
    %scan3A_8 = arith.constant 20 : i32
    %scan3A_9 = arith.addi %scan3A_7, %scan3A_8 : i32
    %scan3A_10 = arith.constant 1 : i32
    scf.for %scan3A_24 = %scan3A_7 to %scan3A_9 step %scan3A_10  : i32 {
      %mul3A_25 = arith.constant 128 : i32
      %mul3A_26 = arith.muli %scan3A_24, %mul3A_25 : i32
      %add3A_27 = arith.addi %mul3A_2, %mul3A_26 : i32
      %multiple_of3A_28 = tpu.assume_multiple %add3A_27, 8 : i32
      "tpu.region"() ({
        %run_scoped3A = tpu.sem_alloc : memref<!tpu.dma_semaphore, #tpu.memory_space<semaphore_mem>>
        %dma_start3A = arith.constant 0 : i32
        %dma_start3A_29 = tpu.memref_slice %arg2[%multiple_of3A_28, %dma_start3A] : memref<81920x32xf32, #tpu.memory_space<hbm>> -> memref<128x32xf32, #tpu.memory_space<hbm>>
        %dma_start3A_30 = arith.constant 0 : i32
        %dma_start3A_31 = tpu.memref_slice %arg2[%multiple_of3A_28, %dma_start3A_30] : memref<81920x32xf32, #tpu.memory_space<hbm>> -> memref<128x32xf32, #tpu.memory_space<hbm>>
        tpu.enqueue_dma source(%dma_start3A_31 : memref<128x32xf32, #tpu.memory_space<hbm>>) target(%arg10 : memref<128x32xf32, #tpu.memory_space<vmem>>) target_semaphore(%run_scoped3A : memref<!tpu.dma_semaphore, #tpu.memory_space<semaphore_mem>>)
        %dma_wait3A = arith.constant 0 : i32
        %dma_wait3A_32 = tpu.memref_slice %arg2[%multiple_of3A_28, %dma_wait3A] : memref<81920x32xf32, #tpu.memory_space<hbm>> -> memref<128x32xf32, #tpu.memory_space<hbm>>
        %dma_wait3A_33 = arith.constant 0 : i32
        %dma_wait3A_34 = tpu.memref_slice %arg2[%multiple_of3A_28, %dma_wait3A_33] : memref<81920x32xf32, #tpu.memory_space<hbm>> -> memref<128x32xf32, #tpu.memory_space<hbm>>
        tpu.wait_dma2 semaphore(%run_scoped3A : memref<!tpu.dma_semaphore, #tpu.memory_space<semaphore_mem>>) src(%dma_wait3A_34 : memref<128x32xf32, #tpu.memory_space<hbm>>) dst(%arg10 : memref<128x32xf32, #tpu.memory_space<vmem>>)
        tpu.yield
      }) : () -> ()
      "tpu.region"() ({
        %run_scoped3A = tpu.sem_alloc : memref<!tpu.dma_semaphore, #tpu.memory_space<semaphore_mem>>
        %dma_start3A = arith.constant 0 : i32
        %dma_start3A_29 = tpu.memref_slice %arg9[%scan3A_24, %dma_start3A] : memref<20x128xi32, #tpu.memory_space<vmem>> -> memref<1x128xi32, #tpu.memory_space<vmem>>
        %dma_start3A_30 = tpu.memref_squeeze %dma_start3A_29 : memref<1x128xi32, #tpu.memory_space<vmem>> -> memref<128xi32, #tpu.memory_space<vmem>>
        %dma_start3A_31 = arith.constant 0 : i32
        %dma_start3A_32 = arith.constant 0 : i32
        %dma_start3A_33 = tpu.memref_slice %arg11[%dma_start3A_31, %dma_start3A_32] : memref<10240x32xf32, #tpu.memory_space<vmem_shared>> -> memref<10240x32xf32, #tpu.memory_space<vmem_shared>>
        tpu.enqueue_indirect_dma source(%arg10 : memref<128x32xf32, #tpu.memory_space<vmem>>) target(%dma_start3A_33 : memref<10240x32xf32, #tpu.memory_space<vmem_shared>>) offsets(%dma_start3A_30 : memref<128xi32, #tpu.memory_space<vmem>>) semaphore(%run_scoped3A : memref<!tpu.dma_semaphore, #tpu.memory_space<semaphore_mem>>) {add = true}
        %dma_wait3A = arith.constant 0 : i32
        %dma_wait3A_34 = tpu.memref_slice %arg9[%scan3A_24, %dma_wait3A] : memref<20x128xi32, #tpu.memory_space<vmem>> -> memref<1x128xi32, #tpu.memory_space<vmem>>
        %dma_wait3A_35 = tpu.memref_squeeze %dma_wait3A_34 : memref<1x128xi32, #tpu.memory_space<vmem>> -> memref<128xi32, #tpu.memory_space<vmem>>
        %dma_wait3A_36 = arith.constant 0 : i32
        %dma_wait3A_37 = arith.constant 0 : i32
        %dma_wait3A_38 = tpu.memref_slice %arg11[%dma_wait3A_36, %dma_wait3A_37] : memref<10240x32xf32, #tpu.memory_space<vmem_shared>> -> memref<10240x32xf32, #tpu.memory_space<vmem_shared>>
        tpu.wait_indirect_dma semaphore(%run_scoped3A : memref<!tpu.dma_semaphore, #tpu.memory_space<semaphore_mem>>) src(%arg10 : memref<128x32xf32, #tpu.memory_space<vmem>>) dst(%dma_wait3A_38 : memref<10240x32xf32, #tpu.memory_space<vmem_shared>>)
        tpu.yield
      }) : () -> ()
      "tpu.region"() ({
        %run_scoped3A = tpu.sem_alloc : memref<!tpu.dma_semaphore, #tpu.memory_space<semaphore_mem>>
        %dma_start3A = arith.constant 0 : i32
        %dma_start3A_29 = tpu.memref_slice %arg9[%scan3A_24, %dma_start3A] : memref<20x128xi32, #tpu.memory_space<vmem>> -> memref<1x128xi32, #tpu.memory_space<vmem>>
        %dma_start3A_30 = tpu.memref_squeeze %dma_start3A_29 : memref<1x128xi32, #tpu.memory_space<vmem>> -> memref<128xi32, #tpu.memory_space<vmem>>
        %dma_start3A_31 = arith.constant 0 : i32
        %dma_start3A_32 = tpu.memref_slice %arg13[%dma_start3A_31] : memref<10240xf32, #tpu.memory_space<vmem_shared>> -> memref<10240xf32, #tpu.memory_space<vmem_shared>>
        tpu.enqueue_indirect_dma source(%arg12 : memref<128xf32, #tpu.memory_space<vmem>>) target(%dma_start3A_32 : memref<10240xf32, #tpu.memory_space<vmem_shared>>) offsets(%dma_start3A_30 : memref<128xi32, #tpu.memory_space<vmem>>) semaphore(%run_scoped3A : memref<!tpu.dma_semaphore, #tpu.memory_space<semaphore_mem>>) {add = true}
        %dma_wait3A = arith.constant 0 : i32
        %dma_wait3A_33 = tpu.memref_slice %arg9[%scan3A_24, %dma_wait3A] : memref<20x128xi32, #tpu.memory_space<vmem>> -> memref<1x128xi32, #tpu.memory_space<vmem>>
        %dma_wait3A_34 = tpu.memref_squeeze %dma_wait3A_33 : memref<1x128xi32, #tpu.memory_space<vmem>> -> memref<128xi32, #tpu.memory_space<vmem>>
        %dma_wait3A_35 = arith.constant 0 : i32
        %dma_wait3A_36 = tpu.memref_slice %arg13[%dma_wait3A_35] : memref<10240xf32, #tpu.memory_space<vmem_shared>> -> memref<10240xf32, #tpu.memory_space<vmem_shared>>
        tpu.wait_indirect_dma semaphore(%run_scoped3A : memref<!tpu.dma_semaphore, #tpu.memory_space<semaphore_mem>>) src(%arg12 : memref<128xf32, #tpu.memory_space<vmem>>) dst(%dma_wait3A_36 : memref<10240xf32, #tpu.memory_space<vmem_shared>>)
        tpu.yield
      }) : () -> ()
    }
    %scan3A_11 = arith.constant 20 : i32
    %barrier3A_12 = arith.constant 0 : index
    tpu.barrier barrier_id(%barrier3A_12)
    %mul3A_13 = arith.constant 10240 : i32
    %mul3A_14 = arith.muli %arg0, %mul3A_13 : i32
    %mul3A_15 = arith.constant 640 : i32
    %mul3A_16 = arith.muli %arg1, %mul3A_15 : i32
    %add3A_17 = arith.addi %mul3A_14, %mul3A_16 : i32
    %multiple_of3A_18 = tpu.assume_multiple %add3A_17, 8 : i32
    "tpu.region"() ({
      %run_scoped3A = tpu.sem_alloc : memref<!tpu.dma_semaphore, #tpu.memory_space<semaphore_mem>>
      %dma_start3A = arith.constant 0 : i32
      %dma_start3A_24 = tpu.memref_slice %arg7[%multiple_of3A_18, %dma_start3A] : memref<20480x32xf32, #tpu.memory_space<hbm>> -> memref<640x32xf32, #tpu.memory_space<hbm>>
      %dma_start3A_25 = arith.constant 0 : i32
      %dma_start3A_26 = tpu.memref_slice %arg11[%multiple_of3A, %dma_start3A_25] : memref<10240x32xf32, #tpu.memory_space<vmem_shared>> -> memref<640x32xf32, #tpu.memory_space<vmem_shared>>
      tpu.enqueue_dma source(%dma_start3A_26 : memref<640x32xf32, #tpu.memory_space<vmem_shared>>) target(%dma_start3A_24 : memref<640x32xf32, #tpu.memory_space<hbm>>) target_semaphore(%run_scoped3A : memref<!tpu.dma_semaphore, #tpu.memory_space<semaphore_mem>>)
      %dma_wait3A = arith.constant 0 : i32
      %dma_wait3A_27 = tpu.memref_slice %arg7[%multiple_of3A_18, %dma_wait3A] : memref<20480x32xf32, #tpu.memory_space<hbm>> -> memref<640x32xf32, #tpu.memory_space<hbm>>
      %dma_wait3A_28 = arith.constant 0 : i32
      %dma_wait3A_29 = tpu.memref_slice %arg11[%multiple_of3A, %dma_wait3A_28] : memref<10240x32xf32, #tpu.memory_space<vmem_shared>> -> memref<640x32xf32, #tpu.memory_space<vmem_shared>>
      tpu.wait_dma2 semaphore(%run_scoped3A : memref<!tpu.dma_semaphore, #tpu.memory_space<semaphore_mem>>) src(%dma_wait3A_29 : memref<640x32xf32, #tpu.memory_space<vmem_shared>>) dst(%dma_wait3A_27 : memref<640x32xf32, #tpu.memory_space<hbm>>)
      tpu.yield
    }) : () -> ()
    %eq3A_19 = arith.constant 0 : i32
    %eq3A_20 = arith.cmpi eq, %arg1, %eq3A_19 : i32
    %convert_element_type3A_21 = arith.extui %eq3A_20 : i1 to i32
    %cond3A_22 = arith.constant 0 : i32
    %cond3A_23 = arith.cmpi ne, %convert_element_type3A_21, %cond3A_22 : i32
    scf.if %cond3A_23 {
      %mul3A_24 = arith.constant 10240 : i32
      %mul3A_25 = arith.muli %arg0, %mul3A_24 : i32
      %multiple_of3A_26 = tpu.assume_multiple %mul3A_25, 8 : i32
      "tpu.region"() ({
        %run_scoped3A = tpu.sem_alloc : memref<!tpu.dma_semaphore, #tpu.memory_space<semaphore_mem>>
        %dma_start3A = tpu.memref_slice %arg8[%multiple_of3A_26] : memref<20480xf32, #tpu.memory_space<hbm>> -> memref<10240xf32, #tpu.memory_space<hbm>>
        tpu.enqueue_dma source(%arg13 : memref<10240xf32, #tpu.memory_space<vmem_shared>>) target(%dma_start3A : memref<10240xf32, #tpu.memory_space<hbm>>) target_semaphore(%run_scoped3A : memref<!tpu.dma_semaphore, #tpu.memory_space<semaphore_mem>>)
        %dma_wait3A = tpu.memref_slice %arg8[%multiple_of3A_26] : memref<20480xf32, #tpu.memory_space<hbm>> -> memref<10240xf32, #tpu.memory_space<hbm>>
        tpu.wait_dma2 semaphore(%run_scoped3A : memref<!tpu.dma_semaphore, #tpu.memory_space<semaphore_mem>>) src(%arg13 : memref<10240xf32, #tpu.memory_space<vmem_shared>>) dst(%dma_wait3A : memref<10240xf32, #tpu.memory_space<hbm>>)
        tpu.yield
      }) : () -> ()
    } else {
    }
    return
  }
}

#map = affine_map<(d0, d1) -> (0, 0)>
#map1 = affine_map<(d0, d1) -> (0, 0, 0)>
module attributes {stable_mosaic.version = 14 : i64} {
  func.func @gk(%arg0: i32, %arg1: i32, %arg2: memref<10240x32xf32, #tpu.memory_space<hbm>>, %arg3: memref<32x20x128xi32, #tpu.memory_space<hbm>>, %arg4: memref<81920x32xf32, #tpu.memory_space<hbm>>, %arg5: memref<20x128xi32, #tpu.memory_space<vmem>>, %arg6: memref<128x32xf32, #tpu.memory_space<vmem>>, %arg7: memref<128x32xf32, #tpu.memory_space<vmem>>, %arg8: memref<!tpu.dma_semaphore, #tpu.memory_space<semaphore_mem>>, %arg9: memref<!tpu.dma_semaphore, #tpu.memory_space<semaphore_mem>>) attributes {dimension_semantics = [#tpu.dimension_semantics<core_parallel>, #tpu.dimension_semantics<subcore_parallel>], iteration_bounds = array<i64: 2, 16>, scalar_prefetch = 0 : i64, scratch_operands = 5 : i64, tpu.core_type = #tpu.core_type<sc_vector_subcore>, window_params = [{transform_indices = #map}, {transform_indices = #map1}, {transform_indices = #map}]} {
    %mul3A = arith.constant 16 : i32
    %mul3A_0 = arith.muli %arg0, %mul3A : i32
    %add3A = arith.addi %mul3A_0, %arg1 : i32
    %mul3A_1 = arith.constant 2560 : i32
    %mul3A_2 = arith.muli %add3A, %mul3A_1 : i32
    "tpu.region"() ({
      %run_scoped3A = tpu.sem_alloc : memref<!tpu.dma_semaphore, #tpu.memory_space<semaphore_mem>>
      %dma_start3A_14 = arith.constant 0 : i32
      %dma_start3A_15 = arith.constant 0 : i32
      %dma_start3A_16 = tpu.memref_slice %arg3[%add3A, %dma_start3A_14, %dma_start3A_15] : memref<32x20x128xi32, #tpu.memory_space<hbm>> -> memref<1x20x128xi32, #tpu.memory_space<hbm>>
      %dma_start3A_17 = tpu.memref_squeeze %dma_start3A_16 : memref<1x20x128xi32, #tpu.memory_space<hbm>> -> memref<20x128xi32, #tpu.memory_space<hbm>>
      %dma_start3A_18 = arith.constant 0 : i32
      %dma_start3A_19 = arith.constant 0 : i32
      %dma_start3A_20 = tpu.memref_slice %arg3[%add3A, %dma_start3A_18, %dma_start3A_19] : memref<32x20x128xi32, #tpu.memory_space<hbm>> -> memref<1x20x128xi32, #tpu.memory_space<hbm>>
      %dma_start3A_21 = tpu.memref_squeeze %dma_start3A_20 : memref<1x20x128xi32, #tpu.memory_space<hbm>> -> memref<20x128xi32, #tpu.memory_space<hbm>>
      tpu.enqueue_dma source(%dma_start3A_21 : memref<20x128xi32, #tpu.memory_space<hbm>>) target(%arg5 : memref<20x128xi32, #tpu.memory_space<vmem>>) target_semaphore(%run_scoped3A : memref<!tpu.dma_semaphore, #tpu.memory_space<semaphore_mem>>)
      %dma_wait3A = arith.constant 0 : i32
      %dma_wait3A_22 = arith.constant 0 : i32
      %dma_wait3A_23 = tpu.memref_slice %arg3[%add3A, %dma_wait3A, %dma_wait3A_22] : memref<32x20x128xi32, #tpu.memory_space<hbm>> -> memref<1x20x128xi32, #tpu.memory_space<hbm>>
      %dma_wait3A_24 = tpu.memref_squeeze %dma_wait3A_23 : memref<1x20x128xi32, #tpu.memory_space<hbm>> -> memref<20x128xi32, #tpu.memory_space<hbm>>
      %dma_wait3A_25 = arith.constant 0 : i32
      %dma_wait3A_26 = arith.constant 0 : i32
      %dma_wait3A_27 = tpu.memref_slice %arg3[%add3A, %dma_wait3A_25, %dma_wait3A_26] : memref<32x20x128xi32, #tpu.memory_space<hbm>> -> memref<1x20x128xi32, #tpu.memory_space<hbm>>
      %dma_wait3A_28 = tpu.memref_squeeze %dma_wait3A_27 : memref<1x20x128xi32, #tpu.memory_space<hbm>> -> memref<20x128xi32, #tpu.memory_space<hbm>>
      tpu.wait_dma2 semaphore(%run_scoped3A : memref<!tpu.dma_semaphore, #tpu.memory_space<semaphore_mem>>) src(%dma_wait3A_28 : memref<20x128xi32, #tpu.memory_space<hbm>>) dst(%arg5 : memref<20x128xi32, #tpu.memory_space<vmem>>)
      tpu.yield
    }) : () -> ()
    %dma_start3A = arith.constant 0 : i32
    %dma_start3A_3 = arith.constant 0 : i32
    %dma_start3A_4 = tpu.memref_slice %arg5[%dma_start3A, %dma_start3A_3] : memref<20x128xi32, #tpu.memory_space<vmem>> -> memref<1x128xi32, #tpu.memory_space<vmem>>
    %dma_start3A_5 = tpu.memref_squeeze %dma_start3A_4 : memref<1x128xi32, #tpu.memory_space<vmem>> -> memref<128xi32, #tpu.memory_space<vmem>>
    %dma_start3A_6 = arith.constant 0 : i32
    %dma_start3A_7 = arith.constant 0 : i32
    %dma_start3A_8 = tpu.memref_slice %arg2[%dma_start3A_6, %dma_start3A_7] : memref<10240x32xf32, #tpu.memory_space<hbm>> -> memref<10240x32xf32, #tpu.memory_space<hbm>>
    tpu.enqueue_indirect_dma source(%dma_start3A_8 : memref<10240x32xf32, #tpu.memory_space<hbm>>) target(%arg6 : memref<128x32xf32, #tpu.memory_space<vmem>>) offsets(%dma_start3A_5 : memref<128xi32, #tpu.memory_space<vmem>>) semaphore(%arg8 : memref<!tpu.dma_semaphore, #tpu.memory_space<semaphore_mem>>)
    %scan3A = arith.constant 0 : i32
    %scan3A_9 = arith.constant 0 : i32
    %scan3A_10 = arith.constant 20 : i32
    %scan3A_11 = arith.addi %scan3A_9, %scan3A_10 : i32
    %scan3A_12 = arith.constant 1 : i32
    scf.for %scan3A_14 = %scan3A_9 to %scan3A_11 step %scan3A_12  : i32 {
      %rem3A = arith.constant 2 : i32
      %rem3A_15 = arith.remsi %scan3A_14, %rem3A : i32
      %eq3A = arith.constant 0 : i32
      %eq3A_16 = arith.cmpi eq, %rem3A_15, %eq3A : i32
      %convert_element_type3A = arith.extui %eq3A_16 : i1 to i32
      %cond3A = arith.constant 0 : i32
      %cond3A_17 = arith.cmpi ne, %convert_element_type3A, %cond3A : i32
      scf.if %cond3A_17 {
        %add3A_22 = arith.constant 1 : i32
        %add3A_23 = arith.addi %scan3A_14, %add3A_22 : i32
        %lt3A = arith.constant 20 : i32
        %lt3A_24 = arith.cmpi slt, %add3A_23, %lt3A : i32
        %convert_element_type3A_25 = arith.extui %lt3A_24 : i1 to i32
        %cond3A_26 = arith.constant 0 : i32
        %cond3A_27 = arith.cmpi ne, %convert_element_type3A_25, %cond3A_26 : i32
        scf.if %cond3A_27 {
          %add3A_36 = arith.constant 1 : i32
          %add3A_37 = arith.addi %scan3A_14, %add3A_36 : i32
          %dma_start3A_38 = arith.constant 0 : i32
          %dma_start3A_39 = tpu.memref_slice %arg5[%add3A_37, %dma_start3A_38] : memref<20x128xi32, #tpu.memory_space<vmem>> -> memref<1x128xi32, #tpu.memory_space<vmem>>
          %dma_start3A_40 = tpu.memref_squeeze %dma_start3A_39 : memref<1x128xi32, #tpu.memory_space<vmem>> -> memref<128xi32, #tpu.memory_space<vmem>>
          %dma_start3A_41 = arith.constant 0 : i32
          %dma_start3A_42 = arith.constant 0 : i32
          %dma_start3A_43 = tpu.memref_slice %arg2[%dma_start3A_41, %dma_start3A_42] : memref<10240x32xf32, #tpu.memory_space<hbm>> -> memref<10240x32xf32, #tpu.memory_space<hbm>>
          tpu.enqueue_indirect_dma source(%dma_start3A_43 : memref<10240x32xf32, #tpu.memory_space<hbm>>) target(%arg7 : memref<128x32xf32, #tpu.memory_space<vmem>>) offsets(%dma_start3A_40 : memref<128xi32, #tpu.memory_space<vmem>>) semaphore(%arg9 : memref<!tpu.dma_semaphore, #tpu.memory_space<semaphore_mem>>)
        } else {
        }
        %dma_wait3A = arith.constant 0 : i32
        %dma_wait3A_28 = tpu.memref_slice %arg5[%scan3A_14, %dma_wait3A] : memref<20x128xi32, #tpu.memory_space<vmem>> -> memref<1x128xi32, #tpu.memory_space<vmem>>
        %dma_wait3A_29 = tpu.memref_squeeze %dma_wait3A_28 : memref<1x128xi32, #tpu.memory_space<vmem>> -> memref<128xi32, #tpu.memory_space<vmem>>
        %dma_wait3A_30 = arith.constant 0 : i32
        %dma_wait3A_31 = arith.constant 0 : i32
        %dma_wait3A_32 = tpu.memref_slice %arg2[%dma_wait3A_30, %dma_wait3A_31] : memref<10240x32xf32, #tpu.memory_space<hbm>> -> memref<10240x32xf32, #tpu.memory_space<hbm>>
        tpu.wait_indirect_dma semaphore(%arg8 : memref<!tpu.dma_semaphore, #tpu.memory_space<semaphore_mem>>) src(%dma_wait3A_32 : memref<10240x32xf32, #tpu.memory_space<hbm>>) dst(%arg6 : memref<128x32xf32, #tpu.memory_space<vmem>>)
        %mul3A_33 = arith.constant 128 : i32
        %mul3A_34 = arith.muli %scan3A_14, %mul3A_33 : i32
        %add3A_35 = arith.addi %mul3A_2, %mul3A_34 : i32
        %multiple_of3A = tpu.assume_multiple %add3A_35, 8 : i32
        "tpu.region"() ({
          %run_scoped3A = tpu.sem_alloc : memref<!tpu.dma_semaphore, #tpu.memory_space<semaphore_mem>>
          %dma_start3A_36 = arith.constant 0 : i32
          %dma_start3A_37 = tpu.memref_slice %arg4[%multiple_of3A, %dma_start3A_36] : memref<81920x32xf32, #tpu.memory_space<hbm>> -> memref<128x32xf32, #tpu.memory_space<hbm>>
          %dma_start3A_38 = arith.constant 0 : i32
          %dma_start3A_39 = tpu.memref_slice %arg4[%multiple_of3A, %dma_start3A_38] : memref<81920x32xf32, #tpu.memory_space<hbm>> -> memref<128x32xf32, #tpu.memory_space<hbm>>
          tpu.enqueue_dma source(%arg6 : memref<128x32xf32, #tpu.memory_space<vmem>>) target(%dma_start3A_39 : memref<128x32xf32, #tpu.memory_space<hbm>>) target_semaphore(%run_scoped3A : memref<!tpu.dma_semaphore, #tpu.memory_space<semaphore_mem>>)
          %dma_wait3A_40 = arith.constant 0 : i32
          %dma_wait3A_41 = tpu.memref_slice %arg4[%multiple_of3A, %dma_wait3A_40] : memref<81920x32xf32, #tpu.memory_space<hbm>> -> memref<128x32xf32, #tpu.memory_space<hbm>>
          %dma_wait3A_42 = arith.constant 0 : i32
          %dma_wait3A_43 = tpu.memref_slice %arg4[%multiple_of3A, %dma_wait3A_42] : memref<81920x32xf32, #tpu.memory_space<hbm>> -> memref<128x32xf32, #tpu.memory_space<hbm>>
          tpu.wait_dma2 semaphore(%run_scoped3A : memref<!tpu.dma_semaphore, #tpu.memory_space<semaphore_mem>>) src(%arg6 : memref<128x32xf32, #tpu.memory_space<vmem>>) dst(%dma_wait3A_43 : memref<128x32xf32, #tpu.memory_space<hbm>>)
          tpu.yield
        }) : () -> ()
      } else {
      }
      %not3A = arith.constant true
      %not3A_18 = arith.xori %eq3A_16, %not3A : i1
      %convert_element_type3A_19 = arith.extui %not3A_18 : i1 to i32
      %cond3A_20 = arith.constant 0 : i32
      %cond3A_21 = arith.cmpi ne, %convert_element_type3A_19, %cond3A_20 : i32
      scf.if %cond3A_21 {
        %add3A_22 = arith.constant 1 : i32
        %add3A_23 = arith.addi %scan3A_14, %add3A_22 : i32
        %lt3A = arith.constant 20 : i32
        %lt3A_24 = arith.cmpi slt, %add3A_23, %lt3A : i32
        %convert_element_type3A_25 = arith.extui %lt3A_24 : i1 to i32
        %cond3A_26 = arith.constant 0 : i32
        %cond3A_27 = arith.cmpi ne, %convert_element_type3A_25, %cond3A_26 : i32
        scf.if %cond3A_27 {
          %add3A_36 = arith.constant 1 : i32
          %add3A_37 = arith.addi %scan3A_14, %add3A_36 : i32
          %dma_start3A_38 = arith.constant 0 : i32
          %dma_start3A_39 = tpu.memref_slice %arg5[%add3A_37, %dma_start3A_38] : memref<20x128xi32, #tpu.memory_space<vmem>> -> memref<1x128xi32, #tpu.memory_space<vmem>>
          %dma_start3A_40 = tpu.memref_squeeze %dma_start3A_39 : memref<1x128xi32, #tpu.memory_space<vmem>> -> memref<128xi32, #tpu.memory_space<vmem>>
          %dma_start3A_41 = arith.constant 0 : i32
          %dma_start3A_42 = arith.constant 0 : i32
          %dma_start3A_43 = tpu.memref_slice %arg2[%dma_start3A_41, %dma_start3A_42] : memref<10240x32xf32, #tpu.memory_space<hbm>> -> memref<10240x32xf32, #tpu.memory_space<hbm>>
          tpu.enqueue_indirect_dma source(%dma_start3A_43 : memref<10240x32xf32, #tpu.memory_space<hbm>>) target(%arg6 : memref<128x32xf32, #tpu.memory_space<vmem>>) offsets(%dma_start3A_40 : memref<128xi32, #tpu.memory_space<vmem>>) semaphore(%arg8 : memref<!tpu.dma_semaphore, #tpu.memory_space<semaphore_mem>>)
        } else {
        }
        %dma_wait3A = arith.constant 0 : i32
        %dma_wait3A_28 = tpu.memref_slice %arg5[%scan3A_14, %dma_wait3A] : memref<20x128xi32, #tpu.memory_space<vmem>> -> memref<1x128xi32, #tpu.memory_space<vmem>>
        %dma_wait3A_29 = tpu.memref_squeeze %dma_wait3A_28 : memref<1x128xi32, #tpu.memory_space<vmem>> -> memref<128xi32, #tpu.memory_space<vmem>>
        %dma_wait3A_30 = arith.constant 0 : i32
        %dma_wait3A_31 = arith.constant 0 : i32
        %dma_wait3A_32 = tpu.memref_slice %arg2[%dma_wait3A_30, %dma_wait3A_31] : memref<10240x32xf32, #tpu.memory_space<hbm>> -> memref<10240x32xf32, #tpu.memory_space<hbm>>
        tpu.wait_indirect_dma semaphore(%arg9 : memref<!tpu.dma_semaphore, #tpu.memory_space<semaphore_mem>>) src(%dma_wait3A_32 : memref<10240x32xf32, #tpu.memory_space<hbm>>) dst(%arg7 : memref<128x32xf32, #tpu.memory_space<vmem>>)
        %mul3A_33 = arith.constant 128 : i32
        %mul3A_34 = arith.muli %scan3A_14, %mul3A_33 : i32
        %add3A_35 = arith.addi %mul3A_2, %mul3A_34 : i32
        %multiple_of3A = tpu.assume_multiple %add3A_35, 8 : i32
        "tpu.region"() ({
          %run_scoped3A = tpu.sem_alloc : memref<!tpu.dma_semaphore, #tpu.memory_space<semaphore_mem>>
          %dma_start3A_36 = arith.constant 0 : i32
          %dma_start3A_37 = tpu.memref_slice %arg4[%multiple_of3A, %dma_start3A_36] : memref<81920x32xf32, #tpu.memory_space<hbm>> -> memref<128x32xf32, #tpu.memory_space<hbm>>
          %dma_start3A_38 = arith.constant 0 : i32
          %dma_start3A_39 = tpu.memref_slice %arg4[%multiple_of3A, %dma_start3A_38] : memref<81920x32xf32, #tpu.memory_space<hbm>> -> memref<128x32xf32, #tpu.memory_space<hbm>>
          tpu.enqueue_dma source(%arg7 : memref<128x32xf32, #tpu.memory_space<vmem>>) target(%dma_start3A_39 : memref<128x32xf32, #tpu.memory_space<hbm>>) target_semaphore(%run_scoped3A : memref<!tpu.dma_semaphore, #tpu.memory_space<semaphore_mem>>)
          %dma_wait3A_40 = arith.constant 0 : i32
          %dma_wait3A_41 = tpu.memref_slice %arg4[%multiple_of3A, %dma_wait3A_40] : memref<81920x32xf32, #tpu.memory_space<hbm>> -> memref<128x32xf32, #tpu.memory_space<hbm>>
          %dma_wait3A_42 = arith.constant 0 : i32
          %dma_wait3A_43 = tpu.memref_slice %arg4[%multiple_of3A, %dma_wait3A_42] : memref<81920x32xf32, #tpu.memory_space<hbm>> -> memref<128x32xf32, #tpu.memory_space<hbm>>
          tpu.wait_dma2 semaphore(%run_scoped3A : memref<!tpu.dma_semaphore, #tpu.memory_space<semaphore_mem>>) src(%arg7 : memref<128x32xf32, #tpu.memory_space<vmem>>) dst(%dma_wait3A_43 : memref<128x32xf32, #tpu.memory_space<hbm>>)
          tpu.yield
        }) : () -> ()
      } else {
      }
    }
    %scan3A_13 = arith.constant 20 : i32
    return
  }
}

#map = affine_map<(d0, d1) -> (0, 0)>
#map1 = affine_map<(d0, d1) -> (0, 0, 0)>
module attributes {stable_mosaic.version = 14 : i64} {
  func.func @gk(%arg0: i32, %arg1: i32, %arg2: memref<10240x32xf32, #tpu.memory_space<hbm>>, %arg3: memref<32x20x128xi32, #tpu.memory_space<hbm>>, %arg4: memref<81920x32xf32, #tpu.memory_space<hbm>>, %arg5: memref<20x128xi32, #tpu.memory_space<vmem>>, %arg6: memref<128x32xf32, #tpu.memory_space<vmem>>, %arg7: memref<128x32xf32, #tpu.memory_space<vmem>>, %arg8: memref<!tpu.dma_semaphore, #tpu.memory_space<semaphore_mem>>, %arg9: memref<!tpu.dma_semaphore, #tpu.memory_space<semaphore_mem>>) attributes {dimension_semantics = [#tpu.dimension_semantics<core_parallel>, #tpu.dimension_semantics<subcore_parallel>], iteration_bounds = array<i64: 2, 16>, scalar_prefetch = 0 : i64, scratch_operands = 5 : i64, tpu.core_type = #tpu.core_type<sc_vector_subcore>, window_params = [{transform_indices = #map}, {transform_indices = #map1}, {transform_indices = #map}]} {
    %mul3A = arith.constant 16 : i32
    %mul3A_0 = arith.muli %arg0, %mul3A : i32
    %add3A = arith.addi %mul3A_0, %arg1 : i32
    %mul3A_1 = arith.constant 2560 : i32
    %mul3A_2 = arith.muli %add3A, %mul3A_1 : i32
    "tpu.region"() ({
      %run_scoped3A = tpu.sem_alloc : memref<!tpu.dma_semaphore, #tpu.memory_space<semaphore_mem>>
      %dma_start3A_14 = arith.constant 0 : i32
      %dma_start3A_15 = arith.constant 0 : i32
      %dma_start3A_16 = tpu.memref_slice %arg3[%add3A, %dma_start3A_14, %dma_start3A_15] : memref<32x20x128xi32, #tpu.memory_space<hbm>> -> memref<1x20x128xi32, #tpu.memory_space<hbm>>
      %dma_start3A_17 = tpu.memref_squeeze %dma_start3A_16 : memref<1x20x128xi32, #tpu.memory_space<hbm>> -> memref<20x128xi32, #tpu.memory_space<hbm>>
      %dma_start3A_18 = arith.constant 0 : i32
      %dma_start3A_19 = arith.constant 0 : i32
      %dma_start3A_20 = tpu.memref_slice %arg3[%add3A, %dma_start3A_18, %dma_start3A_19] : memref<32x20x128xi32, #tpu.memory_space<hbm>> -> memref<1x20x128xi32, #tpu.memory_space<hbm>>
      %dma_start3A_21 = tpu.memref_squeeze %dma_start3A_20 : memref<1x20x128xi32, #tpu.memory_space<hbm>> -> memref<20x128xi32, #tpu.memory_space<hbm>>
      tpu.enqueue_dma source(%dma_start3A_21 : memref<20x128xi32, #tpu.memory_space<hbm>>) target(%arg5 : memref<20x128xi32, #tpu.memory_space<vmem>>) target_semaphore(%run_scoped3A : memref<!tpu.dma_semaphore, #tpu.memory_space<semaphore_mem>>)
      %dma_wait3A = arith.constant 0 : i32
      %dma_wait3A_22 = arith.constant 0 : i32
      %dma_wait3A_23 = tpu.memref_slice %arg3[%add3A, %dma_wait3A, %dma_wait3A_22] : memref<32x20x128xi32, #tpu.memory_space<hbm>> -> memref<1x20x128xi32, #tpu.memory_space<hbm>>
      %dma_wait3A_24 = tpu.memref_squeeze %dma_wait3A_23 : memref<1x20x128xi32, #tpu.memory_space<hbm>> -> memref<20x128xi32, #tpu.memory_space<hbm>>
      %dma_wait3A_25 = arith.constant 0 : i32
      %dma_wait3A_26 = arith.constant 0 : i32
      %dma_wait3A_27 = tpu.memref_slice %arg3[%add3A, %dma_wait3A_25, %dma_wait3A_26] : memref<32x20x128xi32, #tpu.memory_space<hbm>> -> memref<1x20x128xi32, #tpu.memory_space<hbm>>
      %dma_wait3A_28 = tpu.memref_squeeze %dma_wait3A_27 : memref<1x20x128xi32, #tpu.memory_space<hbm>> -> memref<20x128xi32, #tpu.memory_space<hbm>>
      tpu.wait_dma2 semaphore(%run_scoped3A : memref<!tpu.dma_semaphore, #tpu.memory_space<semaphore_mem>>) src(%dma_wait3A_28 : memref<20x128xi32, #tpu.memory_space<hbm>>) dst(%arg5 : memref<20x128xi32, #tpu.memory_space<vmem>>)
      tpu.yield
    }) : () -> ()
    %dma_start3A = arith.constant 0 : i32
    %dma_start3A_3 = arith.constant 0 : i32
    %dma_start3A_4 = tpu.memref_slice %arg5[%dma_start3A, %dma_start3A_3] : memref<20x128xi32, #tpu.memory_space<vmem>> -> memref<1x128xi32, #tpu.memory_space<vmem>>
    %dma_start3A_5 = tpu.memref_squeeze %dma_start3A_4 : memref<1x128xi32, #tpu.memory_space<vmem>> -> memref<128xi32, #tpu.memory_space<vmem>>
    %dma_start3A_6 = arith.constant 0 : i32
    %dma_start3A_7 = arith.constant 0 : i32
    %dma_start3A_8 = tpu.memref_slice %arg2[%dma_start3A_6, %dma_start3A_7] : memref<10240x32xf32, #tpu.memory_space<hbm>> -> memref<10240x32xf32, #tpu.memory_space<hbm>>
    tpu.enqueue_indirect_dma source(%dma_start3A_8 : memref<10240x32xf32, #tpu.memory_space<hbm>>) target(%arg6 : memref<128x32xf32, #tpu.memory_space<vmem>>) offsets(%dma_start3A_5 : memref<128xi32, #tpu.memory_space<vmem>>) semaphore(%arg8 : memref<!tpu.dma_semaphore, #tpu.memory_space<semaphore_mem>>)
    %scan3A = arith.constant 0 : i32
    %scan3A_9 = arith.constant 0 : i32
    %scan3A_10 = arith.constant 20 : i32
    %scan3A_11 = arith.addi %scan3A_9, %scan3A_10 : i32
    %scan3A_12 = arith.constant 1 : i32
    scf.for %scan3A_14 = %scan3A_9 to %scan3A_11 step %scan3A_12  : i32 {
      %rem3A = arith.constant 2 : i32
      %rem3A_15 = arith.remsi %scan3A_14, %rem3A : i32
      %eq3A = arith.constant 0 : i32
      %eq3A_16 = arith.cmpi eq, %rem3A_15, %eq3A : i32
      %convert_element_type3A = arith.extui %eq3A_16 : i1 to i32
      %cond3A = arith.constant 0 : i32
      %cond3A_17 = arith.cmpi ne, %convert_element_type3A, %cond3A : i32
      scf.if %cond3A_17 {
        %add3A_22 = arith.constant 1 : i32
        %add3A_23 = arith.addi %scan3A_14, %add3A_22 : i32
        %lt3A = arith.constant 20 : i32
        %lt3A_24 = arith.cmpi slt, %add3A_23, %lt3A : i32
        %convert_element_type3A_25 = arith.extui %lt3A_24 : i1 to i32
        %cond3A_26 = arith.constant 0 : i32
        %cond3A_27 = arith.cmpi ne, %convert_element_type3A_25, %cond3A_26 : i32
        scf.if %cond3A_27 {
          %add3A_36 = arith.constant 1 : i32
          %add3A_37 = arith.addi %scan3A_14, %add3A_36 : i32
          %dma_start3A_38 = arith.constant 0 : i32
          %dma_start3A_39 = tpu.memref_slice %arg5[%add3A_37, %dma_start3A_38] : memref<20x128xi32, #tpu.memory_space<vmem>> -> memref<1x128xi32, #tpu.memory_space<vmem>>
          %dma_start3A_40 = tpu.memref_squeeze %dma_start3A_39 : memref<1x128xi32, #tpu.memory_space<vmem>> -> memref<128xi32, #tpu.memory_space<vmem>>
          %dma_start3A_41 = arith.constant 0 : i32
          %dma_start3A_42 = arith.constant 0 : i32
          %dma_start3A_43 = tpu.memref_slice %arg2[%dma_start3A_41, %dma_start3A_42] : memref<10240x32xf32, #tpu.memory_space<hbm>> -> memref<10240x32xf32, #tpu.memory_space<hbm>>
          tpu.enqueue_indirect_dma source(%dma_start3A_43 : memref<10240x32xf32, #tpu.memory_space<hbm>>) target(%arg7 : memref<128x32xf32, #tpu.memory_space<vmem>>) offsets(%dma_start3A_40 : memref<128xi32, #tpu.memory_space<vmem>>) semaphore(%arg9 : memref<!tpu.dma_semaphore, #tpu.memory_space<semaphore_mem>>)
        } else {
        }
        %dma_wait3A = arith.constant 0 : i32
        %dma_wait3A_28 = tpu.memref_slice %arg5[%scan3A_14, %dma_wait3A] : memref<20x128xi32, #tpu.memory_space<vmem>> -> memref<1x128xi32, #tpu.memory_space<vmem>>
        %dma_wait3A_29 = tpu.memref_squeeze %dma_wait3A_28 : memref<1x128xi32, #tpu.memory_space<vmem>> -> memref<128xi32, #tpu.memory_space<vmem>>
        %dma_wait3A_30 = arith.constant 0 : i32
        %dma_wait3A_31 = arith.constant 0 : i32
        %dma_wait3A_32 = tpu.memref_slice %arg2[%dma_wait3A_30, %dma_wait3A_31] : memref<10240x32xf32, #tpu.memory_space<hbm>> -> memref<10240x32xf32, #tpu.memory_space<hbm>>
        tpu.wait_indirect_dma semaphore(%arg8 : memref<!tpu.dma_semaphore, #tpu.memory_space<semaphore_mem>>) src(%dma_wait3A_32 : memref<10240x32xf32, #tpu.memory_space<hbm>>) dst(%arg6 : memref<128x32xf32, #tpu.memory_space<vmem>>)
        %mul3A_33 = arith.constant 128 : i32
        %mul3A_34 = arith.muli %scan3A_14, %mul3A_33 : i32
        %add3A_35 = arith.addi %mul3A_2, %mul3A_34 : i32
        %multiple_of3A = tpu.assume_multiple %add3A_35, 8 : i32
        "tpu.region"() ({
          %run_scoped3A = tpu.sem_alloc : memref<!tpu.dma_semaphore, #tpu.memory_space<semaphore_mem>>
          %dma_start3A_36 = arith.constant 0 : i32
          %dma_start3A_37 = tpu.memref_slice %arg4[%multiple_of3A, %dma_start3A_36] : memref<81920x32xf32, #tpu.memory_space<hbm>> -> memref<128x32xf32, #tpu.memory_space<hbm>>
          %dma_start3A_38 = arith.constant 0 : i32
          %dma_start3A_39 = tpu.memref_slice %arg4[%multiple_of3A, %dma_start3A_38] : memref<81920x32xf32, #tpu.memory_space<hbm>> -> memref<128x32xf32, #tpu.memory_space<hbm>>
          tpu.enqueue_dma source(%arg6 : memref<128x32xf32, #tpu.memory_space<vmem>>) target(%dma_start3A_39 : memref<128x32xf32, #tpu.memory_space<hbm>>) target_semaphore(%run_scoped3A : memref<!tpu.dma_semaphore, #tpu.memory_space<semaphore_mem>>)
          %dma_wait3A_40 = arith.constant 0 : i32
          %dma_wait3A_41 = tpu.memref_slice %arg4[%multiple_of3A, %dma_wait3A_40] : memref<81920x32xf32, #tpu.memory_space<hbm>> -> memref<128x32xf32, #tpu.memory_space<hbm>>
          %dma_wait3A_42 = arith.constant 0 : i32
          %dma_wait3A_43 = tpu.memref_slice %arg4[%multiple_of3A, %dma_wait3A_42] : memref<81920x32xf32, #tpu.memory_space<hbm>> -> memref<128x32xf32, #tpu.memory_space<hbm>>
          tpu.wait_dma2 semaphore(%run_scoped3A : memref<!tpu.dma_semaphore, #tpu.memory_space<semaphore_mem>>) src(%arg6 : memref<128x32xf32, #tpu.memory_space<vmem>>) dst(%dma_wait3A_43 : memref<128x32xf32, #tpu.memory_space<hbm>>)
          tpu.yield
        }) : () -> ()
      } else {
      }
      %not3A = arith.constant true
      %not3A_18 = arith.xori %eq3A_16, %not3A : i1
      %convert_element_type3A_19 = arith.extui %not3A_18 : i1 to i32
      %cond3A_20 = arith.constant 0 : i32
      %cond3A_21 = arith.cmpi ne, %convert_element_type3A_19, %cond3A_20 : i32
      scf.if %cond3A_21 {
        %add3A_22 = arith.constant 1 : i32
        %add3A_23 = arith.addi %scan3A_14, %add3A_22 : i32
        %lt3A = arith.constant 20 : i32
        %lt3A_24 = arith.cmpi slt, %add3A_23, %lt3A : i32
        %convert_element_type3A_25 = arith.extui %lt3A_24 : i1 to i32
        %cond3A_26 = arith.constant 0 : i32
        %cond3A_27 = arith.cmpi ne, %convert_element_type3A_25, %cond3A_26 : i32
        scf.if %cond3A_27 {
          %add3A_36 = arith.constant 1 : i32
          %add3A_37 = arith.addi %scan3A_14, %add3A_36 : i32
          %dma_start3A_38 = arith.constant 0 : i32
          %dma_start3A_39 = tpu.memref_slice %arg5[%add3A_37, %dma_start3A_38] : memref<20x128xi32, #tpu.memory_space<vmem>> -> memref<1x128xi32, #tpu.memory_space<vmem>>
          %dma_start3A_40 = tpu.memref_squeeze %dma_start3A_39 : memref<1x128xi32, #tpu.memory_space<vmem>> -> memref<128xi32, #tpu.memory_space<vmem>>
          %dma_start3A_41 = arith.constant 0 : i32
          %dma_start3A_42 = arith.constant 0 : i32
          %dma_start3A_43 = tpu.memref_slice %arg2[%dma_start3A_41, %dma_start3A_42] : memref<10240x32xf32, #tpu.memory_space<hbm>> -> memref<10240x32xf32, #tpu.memory_space<hbm>>
          tpu.enqueue_indirect_dma source(%dma_start3A_43 : memref<10240x32xf32, #tpu.memory_space<hbm>>) target(%arg6 : memref<128x32xf32, #tpu.memory_space<vmem>>) offsets(%dma_start3A_40 : memref<128xi32, #tpu.memory_space<vmem>>) semaphore(%arg8 : memref<!tpu.dma_semaphore, #tpu.memory_space<semaphore_mem>>)
        } else {
        }
        %dma_wait3A = arith.constant 0 : i32
        %dma_wait3A_28 = tpu.memref_slice %arg5[%scan3A_14, %dma_wait3A] : memref<20x128xi32, #tpu.memory_space<vmem>> -> memref<1x128xi32, #tpu.memory_space<vmem>>
        %dma_wait3A_29 = tpu.memref_squeeze %dma_wait3A_28 : memref<1x128xi32, #tpu.memory_space<vmem>> -> memref<128xi32, #tpu.memory_space<vmem>>
        %dma_wait3A_30 = arith.constant 0 : i32
        %dma_wait3A_31 = arith.constant 0 : i32
        %dma_wait3A_32 = tpu.memref_slice %arg2[%dma_wait3A_30, %dma_wait3A_31] : memref<10240x32xf32, #tpu.memory_space<hbm>> -> memref<10240x32xf32, #tpu.memory_space<hbm>>
        tpu.wait_indirect_dma semaphore(%arg9 : memref<!tpu.dma_semaphore, #tpu.memory_space<semaphore_mem>>) src(%dma_wait3A_32 : memref<10240x32xf32, #tpu.memory_space<hbm>>) dst(%arg7 : memref<128x32xf32, #tpu.memory_space<vmem>>)
        %mul3A_33 = arith.constant 128 : i32
        %mul3A_34 = arith.muli %scan3A_14, %mul3A_33 : i32
        %add3A_35 = arith.addi %mul3A_2, %mul3A_34 : i32
        %multiple_of3A = tpu.assume_multiple %add3A_35, 8 : i32
        "tpu.region"() ({
          %run_scoped3A = tpu.sem_alloc : memref<!tpu.dma_semaphore, #tpu.memory_space<semaphore_mem>>
          %dma_start3A_36 = arith.constant 0 : i32
          %dma_start3A_37 = tpu.memref_slice %arg4[%multiple_of3A, %dma_start3A_36] : memref<81920x32xf32, #tpu.memory_space<hbm>> -> memref<128x32xf32, #tpu.memory_space<hbm>>
          %dma_start3A_38 = arith.constant 0 : i32
          %dma_start3A_39 = tpu.memref_slice %arg4[%multiple_of3A, %dma_start3A_38] : memref<81920x32xf32, #tpu.memory_space<hbm>> -> memref<128x32xf32, #tpu.memory_space<hbm>>
          tpu.enqueue_dma source(%arg7 : memref<128x32xf32, #tpu.memory_space<vmem>>) target(%dma_start3A_39 : memref<128x32xf32, #tpu.memory_space<hbm>>) target_semaphore(%run_scoped3A : memref<!tpu.dma_semaphore, #tpu.memory_space<semaphore_mem>>)
          %dma_wait3A_40 = arith.constant 0 : i32
          %dma_wait3A_41 = tpu.memref_slice %arg4[%multiple_of3A, %dma_wait3A_40] : memref<81920x32xf32, #tpu.memory_space<hbm>> -> memref<128x32xf32, #tpu.memory_space<hbm>>
          %dma_wait3A_42 = arith.constant 0 : i32
          %dma_wait3A_43 = tpu.memref_slice %arg4[%multiple_of3A, %dma_wait3A_42] : memref<81920x32xf32, #tpu.memory_space<hbm>> -> memref<128x32xf32, #tpu.memory_space<hbm>>
          tpu.wait_dma2 semaphore(%run_scoped3A : memref<!tpu.dma_semaphore, #tpu.memory_space<semaphore_mem>>) src(%arg7 : memref<128x32xf32, #tpu.memory_space<vmem>>) dst(%dma_wait3A_43 : memref<128x32xf32, #tpu.memory_space<hbm>>)
          tpu.yield
        }) : () -> ()
      } else {
      }
    }
    %scan3A_13 = arith.constant 20 : i32
    return
  }
}

#map = affine_map<(d0, d1) -> (0, 0)>
#map1 = affine_map<(d0, d1) -> (0, 0, 0)>
#map2 = affine_map<(d0, d1) -> (0)>
module attributes {stable_mosaic.version = 14 : i64} {
  func.func @sk(%arg0: i32, %arg1: i32, %arg2: memref<81920x32xf32, #tpu.memory_space<hbm>>, %arg3: memref<32x20x128xi32, #tpu.memory_space<hbm>>, %arg4: memref<10240x32xf32, #tpu.memory_space<hbm>>, %arg5: memref<10240xf32, #tpu.memory_space<hbm>>, %arg6: memref<128xf32, #tpu.memory_space<hbm>>, %arg7: memref<20480x32xf32, #tpu.memory_space<hbm>>, %arg8: memref<20x128xi32, #tpu.memory_space<vmem>>, %arg9: memref<128x32xf32, #tpu.memory_space<vmem>>, %arg10: memref<10240x32xf32, #tpu.memory_space<vmem_shared>>) attributes {dimension_semantics = [#tpu.dimension_semantics<core_parallel>, #tpu.dimension_semantics<subcore_parallel>], iteration_bounds = array<i64: 2, 16>, scalar_prefetch = 0 : i64, scratch_operands = 3 : i64, tpu.core_type = #tpu.core_type<sc_vector_subcore>, window_params = [{transform_indices = #map}, {transform_indices = #map1}, {transform_indices = #map}, {transform_indices = #map2}, {transform_indices = #map2}, {transform_indices = #map}]} {
    %mul3A = arith.constant 16 : i32
    %mul3A_0 = arith.muli %arg0, %mul3A : i32
    %add3A = arith.addi %mul3A_0, %arg1 : i32
    %mul3A_1 = arith.constant 2560 : i32
    %mul3A_2 = arith.muli %add3A, %mul3A_1 : i32
    %mul3A_3 = arith.constant 640 : i32
    %mul3A_4 = arith.muli %arg1, %mul3A_3 : i32
    %multiple_of3A = tpu.assume_multiple %mul3A_4, 8 : i32
    "tpu.region"() ({
      %run_scoped3A = tpu.sem_alloc : memref<!tpu.dma_semaphore, #tpu.memory_space<semaphore_mem>>
      %dma_start3A = arith.constant 0 : i32
      %dma_start3A_17 = tpu.memref_slice %arg10[%multiple_of3A, %dma_start3A] : memref<10240x32xf32, #tpu.memory_space<vmem_shared>> -> memref<640x32xf32, #tpu.memory_space<vmem_shared>>
      %dma_start3A_18 = arith.constant 0 : i32
      %dma_start3A_19 = tpu.memref_slice %arg4[%multiple_of3A, %dma_start3A_18] : memref<10240x32xf32, #tpu.memory_space<hbm>> -> memref<640x32xf32, #tpu.memory_space<hbm>>
      tpu.enqueue_dma source(%dma_start3A_19 : memref<640x32xf32, #tpu.memory_space<hbm>>) target(%dma_start3A_17 : memref<640x32xf32, #tpu.memory_space<vmem_shared>>) target_semaphore(%run_scoped3A : memref<!tpu.dma_semaphore, #tpu.memory_space<semaphore_mem>>)
      %dma_wait3A = arith.constant 0 : i32
      %dma_wait3A_20 = tpu.memref_slice %arg10[%multiple_of3A, %dma_wait3A] : memref<10240x32xf32, #tpu.memory_space<vmem_shared>> -> memref<640x32xf32, #tpu.memory_space<vmem_shared>>
      %dma_wait3A_21 = arith.constant 0 : i32
      %dma_wait3A_22 = tpu.memref_slice %arg4[%multiple_of3A, %dma_wait3A_21] : memref<10240x32xf32, #tpu.memory_space<hbm>> -> memref<640x32xf32, #tpu.memory_space<hbm>>
      tpu.wait_dma2 semaphore(%run_scoped3A : memref<!tpu.dma_semaphore, #tpu.memory_space<semaphore_mem>>) src(%dma_wait3A_22 : memref<640x32xf32, #tpu.memory_space<hbm>>) dst(%dma_wait3A_20 : memref<640x32xf32, #tpu.memory_space<vmem_shared>>)
      tpu.yield
    }) : () -> ()
    "tpu.region"() ({
      %run_scoped3A = tpu.sem_alloc : memref<!tpu.dma_semaphore, #tpu.memory_space<semaphore_mem>>
      %dma_start3A = arith.constant 0 : i32
      %dma_start3A_17 = arith.constant 0 : i32
      %dma_start3A_18 = tpu.memref_slice %arg3[%add3A, %dma_start3A, %dma_start3A_17] : memref<32x20x128xi32, #tpu.memory_space<hbm>> -> memref<1x20x128xi32, #tpu.memory_space<hbm>>
      %dma_start3A_19 = tpu.memref_squeeze %dma_start3A_18 : memref<1x20x128xi32, #tpu.memory_space<hbm>> -> memref<20x128xi32, #tpu.memory_space<hbm>>
      %dma_start3A_20 = arith.constant 0 : i32
      %dma_start3A_21 = arith.constant 0 : i32
      %dma_start3A_22 = tpu.memref_slice %arg3[%add3A, %dma_start3A_20, %dma_start3A_21] : memref<32x20x128xi32, #tpu.memory_space<hbm>> -> memref<1x20x128xi32, #tpu.memory_space<hbm>>
      %dma_start3A_23 = tpu.memref_squeeze %dma_start3A_22 : memref<1x20x128xi32, #tpu.memory_space<hbm>> -> memref<20x128xi32, #tpu.memory_space<hbm>>
      tpu.enqueue_dma source(%dma_start3A_23 : memref<20x128xi32, #tpu.memory_space<hbm>>) target(%arg8 : memref<20x128xi32, #tpu.memory_space<vmem>>) target_semaphore(%run_scoped3A : memref<!tpu.dma_semaphore, #tpu.memory_space<semaphore_mem>>)
      %dma_wait3A = arith.constant 0 : i32
      %dma_wait3A_24 = arith.constant 0 : i32
      %dma_wait3A_25 = tpu.memref_slice %arg3[%add3A, %dma_wait3A, %dma_wait3A_24] : memref<32x20x128xi32, #tpu.memory_space<hbm>> -> memref<1x20x128xi32, #tpu.memory_space<hbm>>
      %dma_wait3A_26 = tpu.memref_squeeze %dma_wait3A_25 : memref<1x20x128xi32, #tpu.memory_space<hbm>> -> memref<20x128xi32, #tpu.memory_space<hbm>>
      %dma_wait3A_27 = arith.constant 0 : i32
      %dma_wait3A_28 = arith.constant 0 : i32
      %dma_wait3A_29 = tpu.memref_slice %arg3[%add3A, %dma_wait3A_27, %dma_wait3A_28] : memref<32x20x128xi32, #tpu.memory_space<hbm>> -> memref<1x20x128xi32, #tpu.memory_space<hbm>>
      %dma_wait3A_30 = tpu.memref_squeeze %dma_wait3A_29 : memref<1x20x128xi32, #tpu.memory_space<hbm>> -> memref<20x128xi32, #tpu.memory_space<hbm>>
      tpu.wait_dma2 semaphore(%run_scoped3A : memref<!tpu.dma_semaphore, #tpu.memory_space<semaphore_mem>>) src(%dma_wait3A_30 : memref<20x128xi32, #tpu.memory_space<hbm>>) dst(%arg8 : memref<20x128xi32, #tpu.memory_space<vmem>>)
      tpu.yield
    }) : () -> ()
    %barrier3A = arith.constant 0 : index
    tpu.barrier barrier_id(%barrier3A)
    %scan3A = arith.constant 0 : i32
    %scan3A_5 = arith.constant 0 : i32
    %scan3A_6 = arith.constant 20 : i32
    %scan3A_7 = arith.addi %scan3A_5, %scan3A_6 : i32
    %scan3A_8 = arith.constant 1 : i32
    scf.for %scan3A_17 = %scan3A_5 to %scan3A_7 step %scan3A_8  : i32 {
      %mul3A_18 = arith.constant 128 : i32
      %mul3A_19 = arith.muli %scan3A_17, %mul3A_18 : i32
      %add3A_20 = arith.addi %mul3A_2, %mul3A_19 : i32
      %multiple_of3A_21 = tpu.assume_multiple %add3A_20, 8 : i32
      "tpu.region"() ({
        %run_scoped3A = tpu.sem_alloc : memref<!tpu.dma_semaphore, #tpu.memory_space<semaphore_mem>>
        %dma_start3A = arith.constant 0 : i32
        %dma_start3A_22 = tpu.memref_slice %arg2[%multiple_of3A_21, %dma_start3A] : memref<81920x32xf32, #tpu.memory_space<hbm>> -> memref<128x32xf32, #tpu.memory_space<hbm>>
        %dma_start3A_23 = arith.constant 0 : i32
        %dma_start3A_24 = tpu.memref_slice %arg2[%multiple_of3A_21, %dma_start3A_23] : memref<81920x32xf32, #tpu.memory_space<hbm>> -> memref<128x32xf32, #tpu.memory_space<hbm>>
        tpu.enqueue_dma source(%dma_start3A_24 : memref<128x32xf32, #tpu.memory_space<hbm>>) target(%arg9 : memref<128x32xf32, #tpu.memory_space<vmem>>) target_semaphore(%run_scoped3A : memref<!tpu.dma_semaphore, #tpu.memory_space<semaphore_mem>>)
        %dma_wait3A = arith.constant 0 : i32
        %dma_wait3A_25 = tpu.memref_slice %arg2[%multiple_of3A_21, %dma_wait3A] : memref<81920x32xf32, #tpu.memory_space<hbm>> -> memref<128x32xf32, #tpu.memory_space<hbm>>
        %dma_wait3A_26 = arith.constant 0 : i32
        %dma_wait3A_27 = tpu.memref_slice %arg2[%multiple_of3A_21, %dma_wait3A_26] : memref<81920x32xf32, #tpu.memory_space<hbm>> -> memref<128x32xf32, #tpu.memory_space<hbm>>
        tpu.wait_dma2 semaphore(%run_scoped3A : memref<!tpu.dma_semaphore, #tpu.memory_space<semaphore_mem>>) src(%dma_wait3A_27 : memref<128x32xf32, #tpu.memory_space<hbm>>) dst(%arg9 : memref<128x32xf32, #tpu.memory_space<vmem>>)
        tpu.yield
      }) : () -> ()
      "tpu.region"() ({
        %run_scoped3A = tpu.sem_alloc : memref<!tpu.dma_semaphore, #tpu.memory_space<semaphore_mem>>
        %dma_start3A = arith.constant 0 : i32
        %dma_start3A_22 = tpu.memref_slice %arg8[%scan3A_17, %dma_start3A] : memref<20x128xi32, #tpu.memory_space<vmem>> -> memref<1x128xi32, #tpu.memory_space<vmem>>
        %dma_start3A_23 = tpu.memref_squeeze %dma_start3A_22 : memref<1x128xi32, #tpu.memory_space<vmem>> -> memref<128xi32, #tpu.memory_space<vmem>>
        %dma_start3A_24 = arith.constant 0 : i32
        %dma_start3A_25 = arith.constant 0 : i32
        %dma_start3A_26 = tpu.memref_slice %arg10[%dma_start3A_24, %dma_start3A_25] : memref<10240x32xf32, #tpu.memory_space<vmem_shared>> -> memref<10240x32xf32, #tpu.memory_space<vmem_shared>>
        tpu.enqueue_indirect_dma source(%arg9 : memref<128x32xf32, #tpu.memory_space<vmem>>) target(%dma_start3A_26 : memref<10240x32xf32, #tpu.memory_space<vmem_shared>>) offsets(%dma_start3A_23 : memref<128xi32, #tpu.memory_space<vmem>>) semaphore(%run_scoped3A : memref<!tpu.dma_semaphore, #tpu.memory_space<semaphore_mem>>) {add = true}
        %dma_wait3A = arith.constant 0 : i32
        %dma_wait3A_27 = tpu.memref_slice %arg8[%scan3A_17, %dma_wait3A] : memref<20x128xi32, #tpu.memory_space<vmem>> -> memref<1x128xi32, #tpu.memory_space<vmem>>
        %dma_wait3A_28 = tpu.memref_squeeze %dma_wait3A_27 : memref<1x128xi32, #tpu.memory_space<vmem>> -> memref<128xi32, #tpu.memory_space<vmem>>
        %dma_wait3A_29 = arith.constant 0 : i32
        %dma_wait3A_30 = arith.constant 0 : i32
        %dma_wait3A_31 = tpu.memref_slice %arg10[%dma_wait3A_29, %dma_wait3A_30] : memref<10240x32xf32, #tpu.memory_space<vmem_shared>> -> memref<10240x32xf32, #tpu.memory_space<vmem_shared>>
        tpu.wait_indirect_dma semaphore(%run_scoped3A : memref<!tpu.dma_semaphore, #tpu.memory_space<semaphore_mem>>) src(%arg9 : memref<128x32xf32, #tpu.memory_space<vmem>>) dst(%dma_wait3A_31 : memref<10240x32xf32, #tpu.memory_space<vmem_shared>>)
        tpu.yield
      }) : () -> ()
    }
    %scan3A_9 = arith.constant 20 : i32
    %barrier3A_10 = arith.constant 0 : index
    tpu.barrier barrier_id(%barrier3A_10)
    %mul3A_11 = arith.constant 10240 : i32
    %mul3A_12 = arith.muli %arg0, %mul3A_11 : i32
    %mul3A_13 = arith.constant 640 : i32
    %mul3A_14 = arith.muli %arg1, %mul3A_13 : i32
    %add3A_15 = arith.addi %mul3A_12, %mul3A_14 : i32
    %multiple_of3A_16 = tpu.assume_multiple %add3A_15, 8 : i32
    "tpu.region"() ({
      %run_scoped3A = tpu.sem_alloc : memref<!tpu.dma_semaphore, #tpu.memory_space<semaphore_mem>>
      %dma_start3A = arith.constant 0 : i32
      %dma_start3A_17 = tpu.memref_slice %arg7[%multiple_of3A_16, %dma_start3A] : memref<20480x32xf32, #tpu.memory_space<hbm>> -> memref<640x32xf32, #tpu.memory_space<hbm>>
      %dma_start3A_18 = arith.constant 0 : i32
      %dma_start3A_19 = tpu.memref_slice %arg10[%multiple_of3A, %dma_start3A_18] : memref<10240x32xf32, #tpu.memory_space<vmem_shared>> -> memref<640x32xf32, #tpu.memory_space<vmem_shared>>
      tpu.enqueue_dma source(%dma_start3A_19 : memref<640x32xf32, #tpu.memory_space<vmem_shared>>) target(%dma_start3A_17 : memref<640x32xf32, #tpu.memory_space<hbm>>) target_semaphore(%run_scoped3A : memref<!tpu.dma_semaphore, #tpu.memory_space<semaphore_mem>>)
      %dma_wait3A = arith.constant 0 : i32
      %dma_wait3A_20 = tpu.memref_slice %arg7[%multiple_of3A_16, %dma_wait3A] : memref<20480x32xf32, #tpu.memory_space<hbm>> -> memref<640x32xf32, #tpu.memory_space<hbm>>
      %dma_wait3A_21 = arith.constant 0 : i32
      %dma_wait3A_22 = tpu.memref_slice %arg10[%multiple_of3A, %dma_wait3A_21] : memref<10240x32xf32, #tpu.memory_space<vmem_shared>> -> memref<640x32xf32, #tpu.memory_space<vmem_shared>>
      tpu.wait_dma2 semaphore(%run_scoped3A : memref<!tpu.dma_semaphore, #tpu.memory_space<semaphore_mem>>) src(%dma_wait3A_22 : memref<640x32xf32, #tpu.memory_space<vmem_shared>>) dst(%dma_wait3A_20 : memref<640x32xf32, #tpu.memory_space<hbm>>)
      tpu.yield
    }) : () -> ()
    return
  }
}

#map = affine_map<(d0, d1) -> (0, 0)>
#map1 = affine_map<(d0, d1) -> (0, 0, 0)>
#map2 = affine_map<(d0, d1) -> (0)>
module attributes {stable_mosaic.version = 14 : i64} {
  func.func @sk(%arg0: i32, %arg1: i32, %arg2: memref<81920x32xf32, #tpu.memory_space<hbm>>, %arg3: memref<32x20x128xi32, #tpu.memory_space<hbm>>, %arg4: memref<10240x32xf32, #tpu.memory_space<hbm>>, %arg5: memref<10240xf32, #tpu.memory_space<hbm>>, %arg6: memref<128xf32, #tpu.memory_space<hbm>>, %arg7: memref<20480x32xf32, #tpu.memory_space<hbm>>, %arg8: memref<20x128xi32, #tpu.memory_space<vmem>>, %arg9: memref<128x32xf32, #tpu.memory_space<vmem>>, %arg10: memref<10240x32xf32, #tpu.memory_space<vmem_shared>>) attributes {dimension_semantics = [#tpu.dimension_semantics<core_parallel>, #tpu.dimension_semantics<subcore_parallel>], iteration_bounds = array<i64: 2, 16>, scalar_prefetch = 0 : i64, scratch_operands = 3 : i64, tpu.core_type = #tpu.core_type<sc_vector_subcore>, window_params = [{transform_indices = #map}, {transform_indices = #map1}, {transform_indices = #map}, {transform_indices = #map2}, {transform_indices = #map2}, {transform_indices = #map}]} {
    %mul3A = arith.constant 16 : i32
    %mul3A_0 = arith.muli %arg0, %mul3A : i32
    %add3A = arith.addi %mul3A_0, %arg1 : i32
    %mul3A_1 = arith.constant 2560 : i32
    %mul3A_2 = arith.muli %add3A, %mul3A_1 : i32
    %mul3A_3 = arith.constant 640 : i32
    %mul3A_4 = arith.muli %arg1, %mul3A_3 : i32
    %multiple_of3A = tpu.assume_multiple %mul3A_4, 8 : i32
    "tpu.region"() ({
      %run_scoped3A = tpu.sem_alloc : memref<!tpu.dma_semaphore, #tpu.memory_space<semaphore_mem>>
      %dma_start3A = arith.constant 0 : i32
      %dma_start3A_17 = tpu.memref_slice %arg10[%multiple_of3A, %dma_start3A] : memref<10240x32xf32, #tpu.memory_space<vmem_shared>> -> memref<640x32xf32, #tpu.memory_space<vmem_shared>>
      %dma_start3A_18 = arith.constant 0 : i32
      %dma_start3A_19 = tpu.memref_slice %arg4[%multiple_of3A, %dma_start3A_18] : memref<10240x32xf32, #tpu.memory_space<hbm>> -> memref<640x32xf32, #tpu.memory_space<hbm>>
      tpu.enqueue_dma source(%dma_start3A_19 : memref<640x32xf32, #tpu.memory_space<hbm>>) target(%dma_start3A_17 : memref<640x32xf32, #tpu.memory_space<vmem_shared>>) target_semaphore(%run_scoped3A : memref<!tpu.dma_semaphore, #tpu.memory_space<semaphore_mem>>)
      %dma_wait3A = arith.constant 0 : i32
      %dma_wait3A_20 = tpu.memref_slice %arg10[%multiple_of3A, %dma_wait3A] : memref<10240x32xf32, #tpu.memory_space<vmem_shared>> -> memref<640x32xf32, #tpu.memory_space<vmem_shared>>
      %dma_wait3A_21 = arith.constant 0 : i32
      %dma_wait3A_22 = tpu.memref_slice %arg4[%multiple_of3A, %dma_wait3A_21] : memref<10240x32xf32, #tpu.memory_space<hbm>> -> memref<640x32xf32, #tpu.memory_space<hbm>>
      tpu.wait_dma2 semaphore(%run_scoped3A : memref<!tpu.dma_semaphore, #tpu.memory_space<semaphore_mem>>) src(%dma_wait3A_22 : memref<640x32xf32, #tpu.memory_space<hbm>>) dst(%dma_wait3A_20 : memref<640x32xf32, #tpu.memory_space<vmem_shared>>)
      tpu.yield
    }) : () -> ()
    "tpu.region"() ({
      %run_scoped3A = tpu.sem_alloc : memref<!tpu.dma_semaphore, #tpu.memory_space<semaphore_mem>>
      %dma_start3A = arith.constant 0 : i32
      %dma_start3A_17 = arith.constant 0 : i32
      %dma_start3A_18 = tpu.memref_slice %arg3[%add3A, %dma_start3A, %dma_start3A_17] : memref<32x20x128xi32, #tpu.memory_space<hbm>> -> memref<1x20x128xi32, #tpu.memory_space<hbm>>
      %dma_start3A_19 = tpu.memref_squeeze %dma_start3A_18 : memref<1x20x128xi32, #tpu.memory_space<hbm>> -> memref<20x128xi32, #tpu.memory_space<hbm>>
      %dma_start3A_20 = arith.constant 0 : i32
      %dma_start3A_21 = arith.constant 0 : i32
      %dma_start3A_22 = tpu.memref_slice %arg3[%add3A, %dma_start3A_20, %dma_start3A_21] : memref<32x20x128xi32, #tpu.memory_space<hbm>> -> memref<1x20x128xi32, #tpu.memory_space<hbm>>
      %dma_start3A_23 = tpu.memref_squeeze %dma_start3A_22 : memref<1x20x128xi32, #tpu.memory_space<hbm>> -> memref<20x128xi32, #tpu.memory_space<hbm>>
      tpu.enqueue_dma source(%dma_start3A_23 : memref<20x128xi32, #tpu.memory_space<hbm>>) target(%arg8 : memref<20x128xi32, #tpu.memory_space<vmem>>) target_semaphore(%run_scoped3A : memref<!tpu.dma_semaphore, #tpu.memory_space<semaphore_mem>>)
      %dma_wait3A = arith.constant 0 : i32
      %dma_wait3A_24 = arith.constant 0 : i32
      %dma_wait3A_25 = tpu.memref_slice %arg3[%add3A, %dma_wait3A, %dma_wait3A_24] : memref<32x20x128xi32, #tpu.memory_space<hbm>> -> memref<1x20x128xi32, #tpu.memory_space<hbm>>
      %dma_wait3A_26 = tpu.memref_squeeze %dma_wait3A_25 : memref<1x20x128xi32, #tpu.memory_space<hbm>> -> memref<20x128xi32, #tpu.memory_space<hbm>>
      %dma_wait3A_27 = arith.constant 0 : i32
      %dma_wait3A_28 = arith.constant 0 : i32
      %dma_wait3A_29 = tpu.memref_slice %arg3[%add3A, %dma_wait3A_27, %dma_wait3A_28] : memref<32x20x128xi32, #tpu.memory_space<hbm>> -> memref<1x20x128xi32, #tpu.memory_space<hbm>>
      %dma_wait3A_30 = tpu.memref_squeeze %dma_wait3A_29 : memref<1x20x128xi32, #tpu.memory_space<hbm>> -> memref<20x128xi32, #tpu.memory_space<hbm>>
      tpu.wait_dma2 semaphore(%run_scoped3A : memref<!tpu.dma_semaphore, #tpu.memory_space<semaphore_mem>>) src(%dma_wait3A_30 : memref<20x128xi32, #tpu.memory_space<hbm>>) dst(%arg8 : memref<20x128xi32, #tpu.memory_space<vmem>>)
      tpu.yield
    }) : () -> ()
    %barrier3A = arith.constant 0 : index
    tpu.barrier barrier_id(%barrier3A)
    %scan3A = arith.constant 0 : i32
    %scan3A_5 = arith.constant 0 : i32
    %scan3A_6 = arith.constant 20 : i32
    %scan3A_7 = arith.addi %scan3A_5, %scan3A_6 : i32
    %scan3A_8 = arith.constant 1 : i32
    scf.for %scan3A_17 = %scan3A_5 to %scan3A_7 step %scan3A_8  : i32 {
      %mul3A_18 = arith.constant 128 : i32
      %mul3A_19 = arith.muli %scan3A_17, %mul3A_18 : i32
      %add3A_20 = arith.addi %mul3A_2, %mul3A_19 : i32
      %multiple_of3A_21 = tpu.assume_multiple %add3A_20, 8 : i32
      "tpu.region"() ({
        %run_scoped3A = tpu.sem_alloc : memref<!tpu.dma_semaphore, #tpu.memory_space<semaphore_mem>>
        %dma_start3A = arith.constant 0 : i32
        %dma_start3A_22 = tpu.memref_slice %arg2[%multiple_of3A_21, %dma_start3A] : memref<81920x32xf32, #tpu.memory_space<hbm>> -> memref<128x32xf32, #tpu.memory_space<hbm>>
        %dma_start3A_23 = arith.constant 0 : i32
        %dma_start3A_24 = tpu.memref_slice %arg2[%multiple_of3A_21, %dma_start3A_23] : memref<81920x32xf32, #tpu.memory_space<hbm>> -> memref<128x32xf32, #tpu.memory_space<hbm>>
        tpu.enqueue_dma source(%dma_start3A_24 : memref<128x32xf32, #tpu.memory_space<hbm>>) target(%arg9 : memref<128x32xf32, #tpu.memory_space<vmem>>) target_semaphore(%run_scoped3A : memref<!tpu.dma_semaphore, #tpu.memory_space<semaphore_mem>>)
        %dma_wait3A = arith.constant 0 : i32
        %dma_wait3A_25 = tpu.memref_slice %arg2[%multiple_of3A_21, %dma_wait3A] : memref<81920x32xf32, #tpu.memory_space<hbm>> -> memref<128x32xf32, #tpu.memory_space<hbm>>
        %dma_wait3A_26 = arith.constant 0 : i32
        %dma_wait3A_27 = tpu.memref_slice %arg2[%multiple_of3A_21, %dma_wait3A_26] : memref<81920x32xf32, #tpu.memory_space<hbm>> -> memref<128x32xf32, #tpu.memory_space<hbm>>
        tpu.wait_dma2 semaphore(%run_scoped3A : memref<!tpu.dma_semaphore, #tpu.memory_space<semaphore_mem>>) src(%dma_wait3A_27 : memref<128x32xf32, #tpu.memory_space<hbm>>) dst(%arg9 : memref<128x32xf32, #tpu.memory_space<vmem>>)
        tpu.yield
      }) : () -> ()
      "tpu.region"() ({
        %run_scoped3A = tpu.sem_alloc : memref<!tpu.dma_semaphore, #tpu.memory_space<semaphore_mem>>
        %dma_start3A = arith.constant 0 : i32
        %dma_start3A_22 = tpu.memref_slice %arg8[%scan3A_17, %dma_start3A] : memref<20x128xi32, #tpu.memory_space<vmem>> -> memref<1x128xi32, #tpu.memory_space<vmem>>
        %dma_start3A_23 = tpu.memref_squeeze %dma_start3A_22 : memref<1x128xi32, #tpu.memory_space<vmem>> -> memref<128xi32, #tpu.memory_space<vmem>>
        %dma_start3A_24 = arith.constant 0 : i32
        %dma_start3A_25 = arith.constant 0 : i32
        %dma_start3A_26 = tpu.memref_slice %arg10[%dma_start3A_24, %dma_start3A_25] : memref<10240x32xf32, #tpu.memory_space<vmem_shared>> -> memref<10240x32xf32, #tpu.memory_space<vmem_shared>>
        tpu.enqueue_indirect_dma source(%arg9 : memref<128x32xf32, #tpu.memory_space<vmem>>) target(%dma_start3A_26 : memref<10240x32xf32, #tpu.memory_space<vmem_shared>>) offsets(%dma_start3A_23 : memref<128xi32, #tpu.memory_space<vmem>>) semaphore(%run_scoped3A : memref<!tpu.dma_semaphore, #tpu.memory_space<semaphore_mem>>) {add = true}
        %dma_wait3A = arith.constant 0 : i32
        %dma_wait3A_27 = tpu.memref_slice %arg8[%scan3A_17, %dma_wait3A] : memref<20x128xi32, #tpu.memory_space<vmem>> -> memref<1x128xi32, #tpu.memory_space<vmem>>
        %dma_wait3A_28 = tpu.memref_squeeze %dma_wait3A_27 : memref<1x128xi32, #tpu.memory_space<vmem>> -> memref<128xi32, #tpu.memory_space<vmem>>
        %dma_wait3A_29 = arith.constant 0 : i32
        %dma_wait3A_30 = arith.constant 0 : i32
        %dma_wait3A_31 = tpu.memref_slice %arg10[%dma_wait3A_29, %dma_wait3A_30] : memref<10240x32xf32, #tpu.memory_space<vmem_shared>> -> memref<10240x32xf32, #tpu.memory_space<vmem_shared>>
        tpu.wait_indirect_dma semaphore(%run_scoped3A : memref<!tpu.dma_semaphore, #tpu.memory_space<semaphore_mem>>) src(%arg9 : memref<128x32xf32, #tpu.memory_space<vmem>>) dst(%dma_wait3A_31 : memref<10240x32xf32, #tpu.memory_space<vmem_shared>>)
        tpu.yield
      }) : () -> ()
    }
    %scan3A_9 = arith.constant 20 : i32
    %barrier3A_10 = arith.constant 0 : index
    tpu.barrier barrier_id(%barrier3A_10)
    %mul3A_11 = arith.constant 10240 : i32
    %mul3A_12 = arith.muli %arg0, %mul3A_11 : i32
    %mul3A_13 = arith.constant 640 : i32
    %mul3A_14 = arith.muli %arg1, %mul3A_13 : i32
    %add3A_15 = arith.addi %mul3A_12, %mul3A_14 : i32
    %multiple_of3A_16 = tpu.assume_multiple %add3A_15, 8 : i32
    "tpu.region"() ({
      %run_scoped3A = tpu.sem_alloc : memref<!tpu.dma_semaphore, #tpu.memory_space<semaphore_mem>>
      %dma_start3A = arith.constant 0 : i32
      %dma_start3A_17 = tpu.memref_slice %arg7[%multiple_of3A_16, %dma_start3A] : memref<20480x32xf32, #tpu.memory_space<hbm>> -> memref<640x32xf32, #tpu.memory_space<hbm>>
      %dma_start3A_18 = arith.constant 0 : i32
      %dma_start3A_19 = tpu.memref_slice %arg10[%multiple_of3A, %dma_start3A_18] : memref<10240x32xf32, #tpu.memory_space<vmem_shared>> -> memref<640x32xf32, #tpu.memory_space<vmem_shared>>
      tpu.enqueue_dma source(%dma_start3A_19 : memref<640x32xf32, #tpu.memory_space<vmem_shared>>) target(%dma_start3A_17 : memref<640x32xf32, #tpu.memory_space<hbm>>) target_semaphore(%run_scoped3A : memref<!tpu.dma_semaphore, #tpu.memory_space<semaphore_mem>>)
      %dma_wait3A = arith.constant 0 : i32
      %dma_wait3A_20 = tpu.memref_slice %arg7[%multiple_of3A_16, %dma_wait3A] : memref<20480x32xf32, #tpu.memory_space<hbm>> -> memref<640x32xf32, #tpu.memory_space<hbm>>
      %dma_wait3A_21 = arith.constant 0 : i32
      %dma_wait3A_22 = tpu.memref_slice %arg10[%multiple_of3A, %dma_wait3A_21] : memref<10240x32xf32, #tpu.memory_space<vmem_shared>> -> memref<640x32xf32, #tpu.memory_space<vmem_shared>>
      tpu.wait_dma2 semaphore(%run_scoped3A : memref<!tpu.dma_semaphore, #tpu.memory_space<semaphore_mem>>) src(%dma_wait3A_22 : memref<640x32xf32, #tpu.memory_space<vmem_shared>>) dst(%dma_wait3A_20 : memref<640x32xf32, #tpu.memory_space<hbm>>)
      tpu.yield
    }) : () -> ()
    return
  }
}

module attributes {stable_mosaic.version = 14 : i64} {
  func.func @_msg_body(%arg0: i32, %arg1: memref<4096x16xbf16, #tpu.memory_space<vmem>>, %arg2: memref<4096x32xf32, #tpu.memory_space<vmem>>, %arg3: memref<16x32xbf16, #tpu.memory_space<vmem>>, %arg4: memref<1x32xf32, #tpu.memory_space<vmem>>, %arg5: memref<32x1024xbf16, #tpu.memory_space<vmem>>, %arg6: memref<1x1024xf32, #tpu.memory_space<vmem>>, %arg7: memref<1024x32xbf16, #tpu.memory_space<vmem>>, %arg8: memref<4096x32xf32, #tpu.memory_space<vmem>>) attributes {dimension_semantics = [#tpu.dimension_semantics<arbitrary>], iteration_bounds = array<i64: 20>, scalar_prefetch = 0 : i64, scratch_operands = 0 : i64, tpu.core_type = #tpu.core_type<tc>, window_params = [{transform_indices = @transform_0, window_bounds = array<i64: 4096, 16>}, {transform_indices = @transform_1, window_bounds = array<i64: 4096, 32>}, {pipeline_mode = #tpu.pipeline_mode<synchronous>, transform_indices = @transform_2, window_bounds = array<i64: 16, 32>}, {pipeline_mode = #tpu.pipeline_mode<synchronous>, transform_indices = @transform_3, window_bounds = array<i64: 1, 32>}, {pipeline_mode = #tpu.pipeline_mode<synchronous>, transform_indices = @transform_4, window_bounds = array<i64: 32, 1024>}, {pipeline_mode = #tpu.pipeline_mode<synchronous>, transform_indices = @transform_5, window_bounds = array<i64: 1, 1024>}, {pipeline_mode = #tpu.pipeline_mode<synchronous>, transform_indices = @transform_6, window_bounds = array<i64: 1024, 32>}, {transform_indices = @transform_7, window_bounds = array<i64: 4096, 32>}]} {
    %get3A = arith.constant 0 : index
    %get3A_0 = arith.constant 0 : index
    %get3A_1 = vector.load %arg1[%get3A, %get3A_0] : memref<4096x16xbf16, #tpu.memory_space<vmem>>, vector<4096x16xbf16>
    %get3A_2 = arith.constant 0 : index
    %get3A_3 = arith.constant 0 : index
    %get3A_4 = vector.load %arg3[%get3A_2, %get3A_3] : memref<16x32xbf16, #tpu.memory_space<vmem>>, vector<16x32xbf16>
    %dot_general3A = arith.constant dense<0.000000e+00> : vector<4096x32xf32>
    %dot_general3A_5 = tpu.matmul %get3A_1, %get3A_4, %dot_general3A {dimension_numbers = #tpu.dot_dimension_numbers<[1], [0], [0], [1], [0, 0, 1, 1], [], []>, transpose_lhs_hint = false} : vector<4096x16xbf16>, vector<16x32xbf16>, vector<4096x32xf32> -> vector<4096x32xf32>
    %get3A_6 = arith.constant 0 : index
    %get3A_7 = arith.constant 0 : index
    %get3A_8 = vector.load %arg4[%get3A_6, %get3A_7] : memref<1x32xf32, #tpu.memory_space<vmem>>, vector<1x32xf32>
    %add3A = vector.broadcast %get3A_8 : vector<1x32xf32> to vector<4096x32xf32>
    %add3A_9 = arith.addf %dot_general3A_5, %add3A : vector<4096x32xf32>
    %max3A = arith.constant 0.000000e+00 : f32
    %max3A_10 = vector.broadcast %max3A : f32 to vector<4096x32xf32>
    %max3A_11 = arith.maximumf %add3A_9, %max3A_10 : vector<4096x32xf32>
    %convert_element_type3A = arith.truncf %max3A_11 : vector<4096x32xf32> to vector<4096x32xbf16>
    %get3A_12 = arith.constant 0 : index
    %get3A_13 = arith.constant 0 : index
    %get3A_14 = vector.load %arg5[%get3A_12, %get3A_13] : memref<32x1024xbf16, #tpu.memory_space<vmem>>, vector<32x1024xbf16>
    %dot_general3A_15 = arith.constant dense<0.000000e+00> : vector<4096x1024xf32>
    %dot_general3A_16 = tpu.matmul %convert_element_type3A, %get3A_14, %dot_general3A_15 {dimension_numbers = #tpu.dot_dimension_numbers<[1], [0], [0], [1], [0, 0, 1, 1], [], []>, transpose_lhs_hint = false} : vector<4096x32xbf16>, vector<32x1024xbf16>, vector<4096x1024xf32> -> vector<4096x1024xf32>
    %get3A_17 = arith.constant 0 : index
    %get3A_18 = arith.constant 0 : index
    %get3A_19 = vector.load %arg6[%get3A_17, %get3A_18] : memref<1x1024xf32, #tpu.memory_space<vmem>>, vector<1x1024xf32>
    %add3A_20 = vector.broadcast %get3A_19 : vector<1x1024xf32> to vector<4096x1024xf32>
    %add3A_21 = arith.addf %dot_general3A_16, %add3A_20 : vector<4096x1024xf32>
    %convert_element_type3A_22 = arith.truncf %add3A_21 : vector<4096x1024xf32> to vector<4096x1024xbf16>
    %convert_element_type3A_23 = arith.extf %convert_element_type3A_22 : vector<4096x1024xbf16> to vector<4096x1024xf32>
    %get3A_24 = arith.constant 0 : index
    %get3A_25 = arith.constant 0 : index
    %get3A_26 = vector.load %arg2[%get3A_24, %get3A_25] : memref<4096x32xf32, #tpu.memory_space<vmem>>, vector<4096x32xf32>
    %convert_element_type3A_27 = arith.truncf %get3A_26 : vector<4096x32xf32> to vector<4096x32xbf16>
    %convert_element_type3A_28 = arith.extf %convert_element_type3A_27 : vector<4096x32xbf16> to vector<4096x32xf32>
    %concatenate3A = tpu.concatenate %convert_element_type3A_28, %convert_element_type3A_28, %convert_element_type3A_28, %convert_element_type3A_28, %convert_element_type3A_28, %convert_element_type3A_28, %convert_element_type3A_28, %convert_element_type3A_28, %convert_element_type3A_28, %convert_element_type3A_28, %convert_element_type3A_28, %convert_element_type3A_28, %convert_element_type3A_28, %convert_element_type3A_28, %convert_element_type3A_28, %convert_element_type3A_28, %convert_element_type3A_28, %convert_element_type3A_28, %convert_element_type3A_28, %convert_element_type3A_28, %convert_element_type3A_28, %convert_element_type3A_28, %convert_element_type3A_28, %convert_element_type3A_28, %convert_element_type3A_28, %convert_element_type3A_28, %convert_element_type3A_28, %convert_element_type3A_28, %convert_element_type3A_28, %convert_element_type3A_28, %convert_element_type3A_28, %convert_element_type3A_28 in 1 : vector<4096x32xf32>, vector<4096x32xf32>, vector<4096x32xf32>, vector<4096x32xf32>, vector<4096x32xf32>, vector<4096x32xf32>, vector<4096x32xf32>, vector<4096x32xf32>, vector<4096x32xf32>, vector<4096x32xf32>, vector<4096x32xf32>, vector<4096x32xf32>, vector<4096x32xf32>, vector<4096x32xf32>, vector<4096x32xf32>, vector<4096x32xf32>, vector<4096x32xf32>, vector<4096x32xf32>, vector<4096x32xf32>, vector<4096x32xf32>, vector<4096x32xf32>, vector<4096x32xf32>, vector<4096x32xf32>, vector<4096x32xf32>, vector<4096x32xf32>, vector<4096x32xf32>, vector<4096x32xf32>, vector<4096x32xf32>, vector<4096x32xf32>, vector<4096x32xf32>, vector<4096x32xf32>, vector<4096x32xf32> -> vector<4096x1024xf32>
    %mul3A = arith.mulf %convert_element_type3A_23, %concatenate3A : vector<4096x1024xf32>
    %convert_element_type3A_29 = arith.truncf %mul3A : vector<4096x1024xf32> to vector<4096x1024xbf16>
    %convert_element_type3A_30 = arith.extf %convert_element_type3A_29 : vector<4096x1024xbf16> to vector<4096x1024xf32>
    %sub3A = arith.subf %mul3A, %convert_element_type3A_30 : vector<4096x1024xf32>
    %convert_element_type3A_31 = arith.truncf %sub3A : vector<4096x1024xf32> to vector<4096x1024xbf16>
    %get3A_32 = arith.constant 0 : index
    %get3A_33 = arith.constant 0 : index
    %get3A_34 = vector.load %arg7[%get3A_32, %get3A_33] : memref<1024x32xbf16, #tpu.memory_space<vmem>>, vector<1024x32xbf16>
    %dot_general3A_35 = arith.constant dense<0.000000e+00> : vector<4096x32xf32>
    %dot_general3A_36 = tpu.matmul %convert_element_type3A_29, %get3A_34, %dot_general3A_35 {dimension_numbers = #tpu.dot_dimension_numbers<[1], [0], [0], [1], [0, 0, 1, 1], [], []>, transpose_lhs_hint = false} : vector<4096x1024xbf16>, vector<1024x32xbf16>, vector<4096x32xf32> -> vector<4096x32xf32>
    %get3A_37 = arith.constant 0 : index
    %get3A_38 = arith.constant 0 : index
    %get3A_39 = vector.load %arg7[%get3A_37, %get3A_38] : memref<1024x32xbf16, #tpu.memory_space<vmem>>, vector<1024x32xbf16>
    %dot_general3A_40 = arith.constant dense<0.000000e+00> : vector<4096x32xf32>
    %dot_general3A_41 = tpu.matmul %convert_element_type3A_31, %get3A_39, %dot_general3A_40 {dimension_numbers = #tpu.dot_dimension_numbers<[1], [0], [0], [1], [0, 0, 1, 1], [], []>, transpose_lhs_hint = false} : vector<4096x1024xbf16>, vector<1024x32xbf16>, vector<4096x32xf32> -> vector<4096x32xf32>
    %add3A_42 = arith.addf %dot_general3A_36, %dot_general3A_41 : vector<4096x32xf32>
    %swap3A = arith.constant 0 : index
    %swap3A_43 = arith.constant 0 : index
    %swap3A_44 = vector.load %arg8[%swap3A, %swap3A_43] : memref<4096x32xf32, #tpu.memory_space<vmem>>, vector<4096x32xf32>
    tpu.vector_store %arg8[%swap3A, %swap3A_43], %add3A_42 {strides = array<i32>} : memref<4096x32xf32, #tpu.memory_space<vmem>>, vector<4096x32xf32>,
    return
  }
  func.func @transform_0(%arg0: i32) -> (i32, i32) {
    %c0_i32 = arith.constant 0 : i32
    %c0_i32_0 = arith.constant 0 : i32
    return %arg0, %c0_i32 : i32, i32
  }
  func.func @transform_1(%arg0: i32) -> (i32, i32) {
    %c0_i32 = arith.constant 0 : i32
    %c0_i32_0 = arith.constant 0 : i32
    return %arg0, %c0_i32 : i32, i32
  }
  func.func @transform_2(%arg0: i32) -> (i32, i32) {
    %c0_i32 = arith.constant 0 : i32
    %c0_i32_0 = arith.constant 0 : i32
    %c0_i32_1 = arith.constant 0 : i32
    return %c0_i32, %c0_i32_0 : i32, i32
  }
  func.func @transform_3(%arg0: i32) -> (i32, i32) {
    %c0_i32 = arith.constant 0 : i32
    %c0_i32_0 = arith.constant 0 : i32
    %c0_i32_1 = arith.constant 0 : i32
    return %c0_i32, %c0_i32_0 : i32, i32
  }
  func.func @transform_4(%arg0: i32) -> (i32, i32) {
    %c0_i32 = arith.constant 0 : i32
    %c0_i32_0 = arith.constant 0 : i32
    %c0_i32_1 = arith.constant 0 : i32
    return %c0_i32, %c0_i32_0 : i32, i32
  }
  func.func @transform_5(%arg0: i32) -> (i32, i32) {
    %c0_i32 = arith.constant 0 : i32
    %c0_i32_0 = arith.constant 0 : i32
    %c0_i32_1 = arith.constant 0 : i32
    return %c0_i32, %c0_i32_0 : i32, i32
  }
  func.func @transform_6(%arg0: i32) -> (i32, i32) {
    %c0_i32 = arith.constant 0 : i32
    %c0_i32_0 = arith.constant 0 : i32
    %c0_i32_1 = arith.constant 0 : i32
    return %c0_i32, %c0_i32_0 : i32, i32
  }
  func.func @transform_7(%arg0: i32) -> (i32, i32) {
    %c0_i32 = arith.constant 0 : i32
    %c0_i32_0 = arith.constant 0 : i32
    return %arg0, %c0_i32 : i32, i32
  }
}

module attributes {stable_mosaic.version = 14 : i64} {
  func.func @_node1_body(%arg0: i32, %arg1: memref<2048x32xf32, #tpu.memory_space<vmem>>, %arg2: memref<2048x32xf32, #tpu.memory_space<vmem>>, %arg3: memref<2048x32xf32, #tpu.memory_space<vmem>>, %arg4: memref<2048x32xf32, #tpu.memory_space<vmem>>, %arg5: memref<2048x1xf32, #tpu.memory_space<vmem>>, %arg6: memref<2048x1xf32, #tpu.memory_space<vmem>>, %arg7: memref<2048x1xf32, #tpu.memory_space<vmem>>, %arg8: memref<2048x1xf32, #tpu.memory_space<vmem>>, %arg9: memref<2048x32xf32, #tpu.memory_space<vmem>>, %arg10: memref<32x32xf32, #tpu.memory_space<vmem>>, %arg11: memref<1x32xf32, #tpu.memory_space<vmem>>, %arg12: memref<2048x32xf32, #tpu.memory_space<vmem>>) attributes {dimension_semantics = [#tpu.dimension_semantics<arbitrary>], iteration_bounds = array<i64: 5>, scalar_prefetch = 0 : i64, scratch_operands = 0 : i64, tpu.core_type = #tpu.core_type<tc>, window_params = [{transform_indices = @transform_0, window_bounds = array<i64: 2048, 32>}, {transform_indices = @transform_1, window_bounds = array<i64: 2048, 32>}, {transform_indices = @transform_2, window_bounds = array<i64: 2048, 32>}, {transform_indices = @transform_3, window_bounds = array<i64: 2048, 32>}, {transform_indices = @transform_4, window_bounds = array<i64: 2048, 1>}, {transform_indices = @transform_5, window_bounds = array<i64: 2048, 1>}, {transform_indices = @transform_6, window_bounds = array<i64: 2048, 1>}, {transform_indices = @transform_7, window_bounds = array<i64: 2048, 1>}, {transform_indices = @transform_8, window_bounds = array<i64: 2048, 32>}, {pipeline_mode = #tpu.pipeline_mode<synchronous>, transform_indices = @transform_9, window_bounds = array<i64: 32, 32>}, {pipeline_mode = #tpu.pipeline_mode<synchronous>, transform_indices = @transform_10, window_bounds = array<i64: 1, 32>}, {transform_indices = @transform_11, window_bounds = array<i64: 2048, 32>}]} {
    %get3A = arith.constant 0 : index
    %get3A_0 = arith.constant 0 : index
    %get3A_1 = vector.load %arg5[%get3A, %get3A_0] : memref<2048x1xf32, #tpu.memory_space<vmem>>, vector<2048x1xf32>
    %get3A_2 = arith.constant 0 : index
    %get3A_3 = arith.constant 0 : index
    %get3A_4 = vector.load %arg6[%get3A_2, %get3A_3] : memref<2048x1xf32, #tpu.memory_space<vmem>>, vector<2048x1xf32>
    %add3A = arith.addf %get3A_1, %get3A_4 : vector<2048x1xf32>
    %get3A_5 = arith.constant 0 : index
    %get3A_6 = arith.constant 0 : index
    %get3A_7 = vector.load %arg7[%get3A_5, %get3A_6] : memref<2048x1xf32, #tpu.memory_space<vmem>>, vector<2048x1xf32>
    %add3A_8 = arith.addf %add3A, %get3A_7 : vector<2048x1xf32>
    %get3A_9 = arith.constant 0 : index
    %get3A_10 = arith.constant 0 : index
    %get3A_11 = vector.load %arg8[%get3A_9, %get3A_10] : memref<2048x1xf32, #tpu.memory_space<vmem>>, vector<2048x1xf32>
    %add3A_12 = arith.addf %add3A_8, %get3A_11 : vector<2048x1xf32>
    %max3A = arith.constant 1.000000e+00 : f32
    %max3A_13 = vector.broadcast %max3A : f32 to vector<2048x1xf32>
    %max3A_14 = arith.maximumf %add3A_12, %max3A_13 : vector<2048x1xf32>
    %get3A_15 = arith.constant 0 : index
    %get3A_16 = arith.constant 0 : index
    %get3A_17 = vector.load %arg1[%get3A_15, %get3A_16] : memref<2048x32xf32, #tpu.memory_space<vmem>>, vector<2048x32xf32>
    %get3A_18 = arith.constant 0 : index
    %get3A_19 = arith.constant 0 : index
    %get3A_20 = vector.load %arg2[%get3A_18, %get3A_19] : memref<2048x32xf32, #tpu.memory_space<vmem>>, vector<2048x32xf32>
    %add3A_21 = arith.addf %get3A_17, %get3A_20 : vector<2048x32xf32>
    %get3A_22 = arith.constant 0 : index
    %get3A_23 = arith.constant 0 : index
    %get3A_24 = vector.load %arg3[%get3A_22, %get3A_23] : memref<2048x32xf32, #tpu.memory_space<vmem>>, vector<2048x32xf32>
    %add3A_25 = arith.addf %add3A_21, %get3A_24 : vector<2048x32xf32>
    %get3A_26 = arith.constant 0 : index
    %get3A_27 = arith.constant 0 : index
    %get3A_28 = vector.load %arg4[%get3A_26, %get3A_27] : memref<2048x32xf32, #tpu.memory_space<vmem>>, vector<2048x32xf32>
    %add3A_29 = arith.addf %add3A_25, %get3A_28 : vector<2048x32xf32>
    %div3A = vector.broadcast %max3A_14 : vector<2048x1xf32> to vector<2048x32xf32>
    %div3A_30 = arith.divf %add3A_29, %div3A : vector<2048x32xf32>
    %get3A_31 = arith.constant 0 : index
    %get3A_32 = arith.constant 0 : index
    %get3A_33 = vector.load %arg9[%get3A_31, %get3A_32] : memref<2048x32xf32, #tpu.memory_space<vmem>>, vector<2048x32xf32>
    %get3A_34 = arith.constant 0 : index
    %get3A_35 = arith.constant 0 : index
    %get3A_36 = vector.load %arg10[%get3A_34, %get3A_35] : memref<32x32xf32, #tpu.memory_space<vmem>>, vector<32x32xf32>
    %dot_general3A = arith.constant dense<0.000000e+00> : vector<2048x32xf32>
    %dot_general3A_37 = tpu.matmul %get3A_33, %get3A_36, %dot_general3A {dimension_numbers = #tpu.dot_dimension_numbers<[1], [0], [0], [1], [0, 0, 1, 1], [], []>, transpose_lhs_hint = false} : vector<2048x32xf32>, vector<32x32xf32>, vector<2048x32xf32> -> vector<2048x32xf32>
    %add3A_38 = arith.addf %div3A_30, %dot_general3A_37 : vector<2048x32xf32>
    %get3A_39 = arith.constant 0 : index
    %get3A_40 = arith.constant 0 : index
    %get3A_41 = vector.load %arg11[%get3A_39, %get3A_40] : memref<1x32xf32, #tpu.memory_space<vmem>>, vector<1x32xf32>
    %add3A_42 = vector.broadcast %get3A_41 : vector<1x32xf32> to vector<2048x32xf32>
    %add3A_43 = arith.addf %add3A_38, %add3A_42 : vector<2048x32xf32>
    %gt3A = arith.constant 0.000000e+00 : f32
    %gt3A_44 = vector.broadcast %gt3A : f32 to vector<2048x32xf32>
    %gt3A_45 = arith.cmpf ogt, %add3A_43, %gt3A_44 : vector<2048x32xf32>
    %exp3A = math.exp %add3A_43 : vector<2048x32xf32>
    %sub3A = arith.constant 1.000000e+00 : f32
    %sub3A_46 = vector.broadcast %sub3A : f32 to vector<2048x32xf32>
    %sub3A_47 = arith.subf %exp3A, %sub3A_46 : vector<2048x32xf32>
    %select_n3A = arith.select %gt3A_45, %add3A_43, %sub3A_47 : vector<2048x32xi1>, vector<2048x32xf32>
    %swap3A = arith.constant 0 : index
    %swap3A_48 = arith.constant 0 : index
    %swap3A_49 = vector.load %arg12[%swap3A, %swap3A_48] : memref<2048x32xf32, #tpu.memory_space<vmem>>, vector<2048x32xf32>
    tpu.vector_store %arg12[%swap3A, %swap3A_48], %select_n3A {strides = array<i32>} : memref<2048x32xf32, #tpu.memory_space<vmem>>, vector<2048x32xf32>,
    return
  }
  func.func @transform_0(%arg0: i32) -> (i32, i32) {
    %c0_i32 = arith.constant 0 : i32
    %c0_i32_0 = arith.constant 0 : i32
    return %arg0, %c0_i32 : i32, i32
  }
  func.func @transform_1(%arg0: i32) -> (i32, i32) {
    %add3A = arith.constant 5 : i32
    %add3A_0 = arith.addi %arg0, %add3A : i32
    %c0_i32 = arith.constant 0 : i32
    %c0_i32_1 = arith.constant 0 : i32
    return %add3A_0, %c0_i32 : i32, i32
  }
  func.func @transform_2(%arg0: i32) -> (i32, i32) {
    %c0_i32 = arith.constant 0 : i32
    %c0_i32_0 = arith.constant 0 : i32
    return %arg0, %c0_i32 : i32, i32
  }
  func.func @transform_3(%arg0: i32) -> (i32, i32) {
    %add3A = arith.constant 5 : i32
    %add3A_0 = arith.addi %arg0, %add3A : i32
    %c0_i32 = arith.constant 0 : i32
    %c0_i32_1 = arith.constant 0 : i32
    return %add3A_0, %c0_i32 : i32, i32
  }
  func.func @transform_4(%arg0: i32) -> (i32, i32) {
    %c0_i32 = arith.constant 0 : i32
    %c0_i32_0 = arith.constant 0 : i32
    return %arg0, %c0_i32 : i32, i32
  }
  func.func @transform_5(%arg0: i32) -> (i32, i32) {
    %add3A = arith.constant 5 : i32
    %add3A_0 = arith.addi %arg0, %add3A : i32
    %c0_i32 = arith.constant 0 : i32
    %c0_i32_1 = arith.constant 0 : i32
    return %add3A_0, %c0_i32 : i32, i32
  }
  func.func @transform_6(%arg0: i32) -> (i32, i32) {
    %c0_i32 = arith.constant 0 : i32
    %c0_i32_0 = arith.constant 0 : i32
    return %arg0, %c0_i32 : i32, i32
  }
  func.func @transform_7(%arg0: i32) -> (i32, i32) {
    %add3A = arith.constant 5 : i32
    %add3A_0 = arith.addi %arg0, %add3A : i32
    %c0_i32 = arith.constant 0 : i32
    %c0_i32_1 = arith.constant 0 : i32
    return %add3A_0, %c0_i32 : i32, i32
  }
  func.func @transform_8(%arg0: i32) -> (i32, i32) {
    %c0_i32 = arith.constant 0 : i32
    %c0_i32_0 = arith.constant 0 : i32
    return %arg0, %c0_i32 : i32, i32
  }
  func.func @transform_9(%arg0: i32) -> (i32, i32) {
    %c0_i32 = arith.constant 0 : i32
    %c0_i32_0 = arith.constant 0 : i32
    %c0_i32_1 = arith.constant 0 : i32
    return %c0_i32, %c0_i32_0 : i32, i32
  }
  func.func @transform_10(%arg0: i32) -> (i32, i32) {
    %c0_i32 = arith.constant 0 : i32
    %c0_i32_0 = arith.constant 0 : i32
    %c0_i32_1 = arith.constant 0 : i32
    return %c0_i32, %c0_i32_0 : i32, i32
  }
  func.func @transform_11(%arg0: i32) -> (i32, i32) {
    %c0_i32 = arith.constant 0 : i32
    %c0_i32_0 = arith.constant 0 : i32
    return %arg0, %c0_i32 : i32, i32
  }
}

module attributes {stable_mosaic.version = 14 : i64} {
  func.func @_node2_body(%arg0: i32, %arg1: memref<2048x32xf32, #tpu.memory_space<vmem>>, %arg2: memref<2048x32xf32, #tpu.memory_space<vmem>>, %arg3: memref<2048x32xf32, #tpu.memory_space<vmem>>, %arg4: memref<2048x32xf32, #tpu.memory_space<vmem>>, %arg5: memref<2048x1xf32, #tpu.memory_space<vmem>>, %arg6: memref<2048x1xf32, #tpu.memory_space<vmem>>, %arg7: memref<2048x1xf32, #tpu.memory_space<vmem>>, %arg8: memref<2048x1xf32, #tpu.memory_space<vmem>>, %arg9: memref<2048x32xf32, #tpu.memory_space<vmem>>, %arg10: memref<1x1x2048xi32, #tpu.memory_space<vmem>>, %arg11: memref<32x32xf32, #tpu.memory_space<vmem>>, %arg12: memref<1x32xf32, #tpu.memory_space<vmem>>, %arg13: memref<32x32xf32, #tpu.memory_space<vmem>>, %arg14: memref<1x32xf32, #tpu.memory_space<vmem>>, %arg15: memref<32x16xf32, #tpu.memory_space<vmem>>, %arg16: memref<1x16xf32, #tpu.memory_space<vmem>>, %arg17: memref<16x1xf32, #tpu.memory_space<vmem>>, %arg18: memref<1x1xf32, #tpu.memory_space<vmem>>, %arg19: memref<64x1xf32, #tpu.memory_space<vmem>>, %arg20: memref<64x32xf32, #tpu.memory_space<vmem>>, %arg21: memref<64x32xf32, #tpu.memory_space<vmem>>, %arg22: memref<64x32xf32, #tpu.memory_space<vmem>>) attributes {dimension_semantics = [#tpu.dimension_semantics<arbitrary>], iteration_bounds = array<i64: 5>, scalar_prefetch = 0 : i64, scratch_operands = 2 : i64, tpu.core_type = #tpu.core_type<tc>, window_params = [{transform_indices = @transform_0, window_bounds = array<i64: 2048, 32>}, {transform_indices = @transform_1, window_bounds = array<i64: 2048, 32>}, {transform_indices = @transform_2, window_bounds = array<i64: 2048, 32>}, {transform_indices = @transform_3, window_bounds = array<i64: 2048, 32>}, {transform_indices = @transform_4, window_bounds = array<i64: 2048, 1>}, {transform_indices = @transform_5, window_bounds = array<i64: 2048, 1>}, {transform_indices = @transform_6, window_bounds = array<i64: 2048, 1>}, {transform_indices = @transform_7, window_bounds = array<i64: 2048, 1>}, {transform_indices = @transform_8, window_bounds = array<i64: 2048, 32>}, {transform_indices = @transform_9, window_bounds = array<i64: 1, 1, 2048>}, {pipeline_mode = #tpu.pipeline_mode<synchronous>, transform_indices = @transform_10, window_bounds = array<i64: 32, 32>}, {pipeline_mode = #tpu.pipeline_mode<synchronous>, transform_indices = @transform_11, window_bounds = array<i64: 1, 32>}, {pipeline_mode = #tpu.pipeline_mode<synchronous>, transform_indices = @transform_12, window_bounds = array<i64: 32, 32>}, {pipeline_mode = #tpu.pipeline_mode<synchronous>, transform_indices = @transform_13, window_bounds = array<i64: 1, 32>}, {pipeline_mode = #tpu.pipeline_mode<synchronous>, transform_indices = @transform_14, window_bounds = array<i64: 32, 16>}, {pipeline_mode = #tpu.pipeline_mode<synchronous>, transform_indices = @transform_15, window_bounds = array<i64: 1, 16>}, {pipeline_mode = #tpu.pipeline_mode<synchronous>, transform_indices = @transform_16, window_bounds = array<i64: 16, 1>}, {pipeline_mode = #tpu.pipeline_mode<synchronous>, transform_indices = @transform_17, window_bounds = array<i64: 1, 1>}, {pipeline_mode = #tpu.pipeline_mode<synchronous>, transform_indices = @transform_18, window_bounds = array<i64: 64, 1>}, {pipeline_mode = #tpu.pipeline_mode<synchronous>, transform_indices = @transform_19, window_bounds = array<i64: 64, 32>}]} {
    %eq3A = arith.constant 0 : i32
    %eq3A_0 = arith.cmpi eq, %arg0, %eq3A : i32
    %convert_element_type3A = arith.extui %eq3A_0 : i1 to i32
    %cond3A = arith.constant 0 : i32
    %cond3A_1 = arith.cmpi ne, %convert_element_type3A, %cond3A : i32
    scf.if %cond3A_1 {
      %broadcast_in_dim3A_82 = arith.constant 0.000000e+00 : f32
      %broadcast_in_dim3A_83 = vector.broadcast %broadcast_in_dim3A_82 : f32 to vector<64x32xf32>
      %swap3A_84 = arith.constant 0 : index
      %swap3A_85 = arith.constant 0 : index
      %swap3A_86 = vector.load %arg21[%swap3A_84, %swap3A_85] : memref<64x32xf32, #tpu.memory_space<vmem>>, vector<64x32xf32>
      tpu.vector_store %arg21[%swap3A_84, %swap3A_85], %broadcast_in_dim3A_83 {strides = array<i32>} : memref<64x32xf32, #tpu.memory_space<vmem>>, vector<64x32xf32>,
      %broadcast_in_dim3A_87 = arith.constant 0.000000e+00 : f32
      %broadcast_in_dim3A_88 = vector.broadcast %broadcast_in_dim3A_87 : f32 to vector<64x32xf32>
      %swap3A_89 = arith.constant 0 : index
      %swap3A_90 = arith.constant 0 : index
      %swap3A_91 = vector.load %arg22[%swap3A_89, %swap3A_90] : memref<64x32xf32, #tpu.memory_space<vmem>>, vector<64x32xf32>
      tpu.vector_store %arg22[%swap3A_89, %swap3A_90], %broadcast_in_dim3A_88 {strides = array<i32>} : memref<64x32xf32, #tpu.memory_space<vmem>>, vector<64x32xf32>,
    } else {
    }
    %get3A = arith.constant 0 : index
    %get3A_2 = arith.constant 0 : index
    %get3A_3 = vector.load %arg5[%get3A, %get3A_2] : memref<2048x1xf32, #tpu.memory_space<vmem>>, vector<2048x1xf32>
    %get3A_4 = arith.constant 0 : index
    %get3A_5 = arith.constant 0 : index
    %get3A_6 = vector.load %arg6[%get3A_4, %get3A_5] : memref<2048x1xf32, #tpu.memory_space<vmem>>, vector<2048x1xf32>
    %add3A = arith.addf %get3A_3, %get3A_6 : vector<2048x1xf32>
    %get3A_7 = arith.constant 0 : index
    %get3A_8 = arith.constant 0 : index
    %get3A_9 = vector.load %arg7[%get3A_7, %get3A_8] : memref<2048x1xf32, #tpu.memory_space<vmem>>, vector<2048x1xf32>
    %add3A_10 = arith.addf %add3A, %get3A_9 : vector<2048x1xf32>
    %get3A_11 = arith.constant 0 : index
    %get3A_12 = arith.constant 0 : index
    %get3A_13 = vector.load %arg8[%get3A_11, %get3A_12] : memref<2048x1xf32, #tpu.memory_space<vmem>>, vector<2048x1xf32>
    %add3A_14 = arith.addf %add3A_10, %get3A_13 : vector<2048x1xf32>
    %max3A = arith.constant 1.000000e+00 : f32
    %max3A_15 = vector.broadcast %max3A : f32 to vector<2048x1xf32>
    %max3A_16 = arith.maximumf %add3A_14, %max3A_15 : vector<2048x1xf32>
    %get3A_17 = arith.constant 0 : index
    %get3A_18 = arith.constant 0 : index
    %get3A_19 = vector.load %arg1[%get3A_17, %get3A_18] : memref<2048x32xf32, #tpu.memory_space<vmem>>, vector<2048x32xf32>
    %get3A_20 = arith.constant 0 : index
    %get3A_21 = arith.constant 0 : index
    %get3A_22 = vector.load %arg2[%get3A_20, %get3A_21] : memref<2048x32xf32, #tpu.memory_space<vmem>>, vector<2048x32xf32>
    %add3A_23 = arith.addf %get3A_19, %get3A_22 : vector<2048x32xf32>
    %get3A_24 = arith.constant 0 : index
    %get3A_25 = arith.constant 0 : index
    %get3A_26 = vector.load %arg3[%get3A_24, %get3A_25] : memref<2048x32xf32, #tpu.memory_space<vmem>>, vector<2048x32xf32>
    %add3A_27 = arith.addf %add3A_23, %get3A_26 : vector<2048x32xf32>
    %get3A_28 = arith.constant 0 : index
    %get3A_29 = arith.constant 0 : index
    %get3A_30 = vector.load %arg4[%get3A_28, %get3A_29] : memref<2048x32xf32, #tpu.memory_space<vmem>>, vector<2048x32xf32>
    %add3A_31 = arith.addf %add3A_27, %get3A_30 : vector<2048x32xf32>
    %div3A = vector.broadcast %max3A_16 : vector<2048x1xf32> to vector<2048x32xf32>
    %div3A_32 = arith.divf %add3A_31, %div3A : vector<2048x32xf32>
    %get3A_33 = arith.constant 0 : index
    %get3A_34 = arith.constant 0 : index
    %get3A_35 = vector.load %arg9[%get3A_33, %get3A_34] : memref<2048x32xf32, #tpu.memory_space<vmem>>, vector<2048x32xf32>
    %get3A_36 = arith.constant 0 : index
    %get3A_37 = arith.constant 0 : index
    %get3A_38 = vector.load %arg11[%get3A_36, %get3A_37] : memref<32x32xf32, #tpu.memory_space<vmem>>, vector<32x32xf32>
    %dot_general3A = arith.constant dense<0.000000e+00> : vector<2048x32xf32>
    %dot_general3A_39 = tpu.matmul %get3A_35, %get3A_38, %dot_general3A {dimension_numbers = #tpu.dot_dimension_numbers<[1], [0], [0], [1], [0, 0, 1, 1], [], []>, transpose_lhs_hint = false} : vector<2048x32xf32>, vector<32x32xf32>, vector<2048x32xf32> -> vector<2048x32xf32>
    %add3A_40 = arith.addf %div3A_32, %dot_general3A_39 : vector<2048x32xf32>
    %get3A_41 = arith.constant 0 : index
    %get3A_42 = arith.constant 0 : index
    %get3A_43 = vector.load %arg12[%get3A_41, %get3A_42] : memref<1x32xf32, #tpu.memory_space<vmem>>, vector<1x32xf32>
    %add3A_44 = vector.broadcast %get3A_43 : vector<1x32xf32> to vector<2048x32xf32>
    %add3A_45 = arith.addf %add3A_40, %add3A_44 : vector<2048x32xf32>
    %gt3A = arith.constant 0.000000e+00 : f32
    %gt3A_46 = vector.broadcast %gt3A : f32 to vector<2048x32xf32>
    %gt3A_47 = arith.cmpf ogt, %add3A_45, %gt3A_46 : vector<2048x32xf32>
    %exp3A = math.exp %add3A_45 : vector<2048x32xf32>
    %sub3A = arith.constant 1.000000e+00 : f32
    %sub3A_48 = vector.broadcast %sub3A : f32 to vector<2048x32xf32>
    %sub3A_49 = arith.subf %exp3A, %sub3A_48 : vector<2048x32xf32>
    %select_n3A = arith.select %gt3A_47, %add3A_45, %sub3A_49 : vector<2048x32xi1>, vector<2048x32xf32>
    %get3A_50 = arith.constant 0 : index
    %get3A_51 = arith.constant 0 : index
    %get3A_52 = arith.constant 0 : index
    %get3A_53 = vector.load %arg10[%get3A_50, %get3A_51, %get3A_52] : memref<1x1x2048xi32, #tpu.memory_space<vmem>>, vector<1x1x2048xi32>
    %get3A_54 = vector.shape_cast %get3A_53 : vector<1x1x2048xi32> to vector<1x2048xi32>
    %iota3A = tpu.iota {dimensions = array<i32: 0>} : vector<64x2048xi32>
    %eq3A_55 = vector.broadcast %get3A_54 : vector<1x2048xi32> to vector<64x2048xi32>
    %eq3A_56 = arith.cmpi eq, %iota3A, %eq3A_55 : vector<64x2048xi32>
    %convert_element_type3A_57 = arith.extui %eq3A_56 : vector<64x2048xi1> to vector<64x2048xi32>
    %convert_element_type3A_58 = arith.sitofp %convert_element_type3A_57 : vector<64x2048xi32> to vector<64x2048xf32>
    %get3A_59 = arith.constant 0 : index
    %get3A_60 = arith.constant 0 : index
    %get3A_61 = vector.load %arg21[%get3A_59, %get3A_60] : memref<64x32xf32, #tpu.memory_space<vmem>>, vector<64x32xf32>
    %dot_general3A_62 = arith.constant dense<0.000000e+00> : vector<64x32xf32>
    %dot_general3A_63 = tpu.matmul %convert_element_type3A_58, %select_n3A, %dot_general3A_62 {dimension_numbers = #tpu.dot_dimension_numbers<[1], [0], [0], [1], [0, 0, 1, 1], [], []>, precision = #tpu.contract_precision<fp32>, transpose_lhs_hint = false} : vector<64x2048xf32>, vector<2048x32xf32>, vector<64x32xf32> -> vector<64x32xf32>
    %add3A_64 = arith.addf %get3A_61, %dot_general3A_63 : vector<64x32xf32>
    %swap3A = arith.constant 0 : index
    %swap3A_65 = arith.constant 0 : index
    %swap3A_66 = vector.load %arg21[%swap3A, %swap3A_65] : memref<64x32xf32, #tpu.memory_space<vmem>>, vector<64x32xf32>
    tpu.vector_store %arg21[%swap3A, %swap3A_65], %add3A_64 {strides = array<i32>} : memref<64x32xf32, #tpu.memory_space<vmem>>, vector<64x32xf32>,
    %get3A_67 = arith.constant 0 : index
    %get3A_68 = arith.constant 0 : index
    %get3A_69 = vector.load %arg22[%get3A_67, %get3A_68] : memref<64x32xf32, #tpu.memory_space<vmem>>, vector<64x32xf32>
    %reduce_sum3A = arith.constant dense<0.000000e+00> : vector<64xf32>
    %reduce_sum3A_70 = vector.multi_reduction <add>, %convert_element_type3A_58, %reduce_sum3A [1] : vector<64x2048xf32> to vector<64xf32>
    %broadcast_in_dim3A = vector.shape_cast %reduce_sum3A_70 : vector<64xf32> to vector<64x1xf32>
    %broadcast_in_dim3A_71 = vector.shape_cast %broadcast_in_dim3A : vector<64x1xf32> to vector<64x1xf32>
    %broadcast_in_dim3A_72 = vector.broadcast %broadcast_in_dim3A_71 : vector<64x1xf32> to vector<64x32xf32>
    %add3A_73 = arith.addf %get3A_69, %broadcast_in_dim3A_72 : vector<64x32xf32>
    %swap3A_74 = arith.constant 0 : index
    %swap3A_75 = arith.constant 0 : index
    %swap3A_76 = vector.load %arg22[%swap3A_74, %swap3A_75] : memref<64x32xf32, #tpu.memory_space<vmem>>, vector<64x32xf32>
    tpu.vector_store %arg22[%swap3A_74, %swap3A_75], %add3A_73 {strides = array<i32>} : memref<64x32xf32, #tpu.memory_space<vmem>>, vector<64x32xf32>,
    %eq3A_77 = arith.constant 4 : i32
    %eq3A_78 = arith.cmpi eq, %arg0, %eq3A_77 : i32
    %convert_element_type3A_79 = arith.extui %eq3A_78 : i1 to i32
    %cond3A_80 = arith.constant 0 : i32
    %cond3A_81 = arith.cmpi ne, %convert_element_type3A_79, %cond3A_80 : i32
    scf.if %cond3A_81 {
      %get3A_82 = arith.constant 0 : index
      %get3A_83 = arith.constant 0 : index
      %get3A_84 = vector.load %arg21[%get3A_82, %get3A_83] : memref<64x32xf32, #tpu.memory_space<vmem>>, vector<64x32xf32>
      %get3A_85 = arith.constant 0 : index
      %get3A_86 = arith.constant 0 : index
      %get3A_87 = vector.load %arg22[%get3A_85, %get3A_86] : memref<64x32xf32, #tpu.memory_space<vmem>>, vector<64x32xf32>
      %max3A_88 = arith.constant 1.000000e+00 : f32
      %max3A_89 = vector.broadcast %max3A_88 : f32 to vector<64x32xf32>
      %max3A_90 = arith.maximumf %get3A_87, %max3A_89 : vector<64x32xf32>
      %div3A_91 = arith.divf %get3A_84, %max3A_90 : vector<64x32xf32>
      %get3A_92 = arith.constant 0 : index
      %get3A_93 = arith.constant 0 : index
      %get3A_94 = vector.load %arg13[%get3A_92, %get3A_93] : memref<32x32xf32, #tpu.memory_space<vmem>>, vector<32x32xf32>
      %dot_general3A_95 = arith.constant dense<0.000000e+00> : vector<64x32xf32>
      %dot_general3A_96 = tpu.matmul %div3A_91, %get3A_94, %dot_general3A_95 {dimension_numbers = #tpu.dot_dimension_numbers<[1], [0], [0], [1], [0, 0, 1, 1], [], []>, transpose_lhs_hint = false} : vector<64x32xf32>, vector<32x32xf32>, vector<64x32xf32> -> vector<64x32xf32>
      %get3A_97 = arith.constant 0 : index
      %get3A_98 = arith.constant 0 : index
      %get3A_99 = vector.load %arg14[%get3A_97, %get3A_98] : memref<1x32xf32, #tpu.memory_space<vmem>>, vector<1x32xf32>
      %add3A_100 = vector.broadcast %get3A_99 : vector<1x32xf32> to vector<64x32xf32>
      %add3A_101 = arith.addf %dot_general3A_96, %add3A_100 : vector<64x32xf32>
      %max3A_102 = arith.constant 0.000000e+00 : f32
      %max3A_103 = vector.broadcast %max3A_102 : f32 to vector<64x32xf32>
      %max3A_104 = arith.maximumf %add3A_101, %max3A_103 : vector<64x32xf32>
      %get3A_105 = arith.constant 0 : index
      %get3A_106 = arith.constant 0 : index
      %get3A_107 = vector.load %arg15[%get3A_105, %get3A_106] : memref<32x16xf32, #tpu.memory_space<vmem>>, vector<32x16xf32>
      %dot_general3A_108 = arith.constant dense<0.000000e+00> : vector<64x16xf32>
      %dot_general3A_109 = tpu.matmul %max3A_104, %get3A_107, %dot_general3A_108 {dimension_numbers = #tpu.dot_dimension_numbers<[1], [0], [0], [1], [0, 0, 1, 1], [], []>, transpose_lhs_hint = false} : vector<64x32xf32>, vector<32x16xf32>, vector<64x16xf32> -> vector<64x16xf32>
      %get3A_110 = arith.constant 0 : index
      %get3A_111 = arith.constant 0 : index
      %get3A_112 = vector.load %arg16[%get3A_110, %get3A_111] : memref<1x16xf32, #tpu.memory_space<vmem>>, vector<1x16xf32>
      %add3A_113 = vector.broadcast %get3A_112 : vector<1x16xf32> to vector<64x16xf32>
      %add3A_114 = arith.addf %dot_general3A_109, %add3A_113 : vector<64x16xf32>
      %max3A_115 = arith.constant 0.000000e+00 : f32
      %max3A_116 = vector.broadcast %max3A_115 : f32 to vector<64x16xf32>
      %max3A_117 = arith.maximumf %add3A_114, %max3A_116 : vector<64x16xf32>
      %get3A_118 = arith.constant 0 : index
      %get3A_119 = arith.constant 0 : index
      %get3A_120 = vector.load %arg17[%get3A_118, %get3A_119] : memref<16x1xf32, #tpu.memory_space<vmem>>, vector<16x1xf32>
      %dot_general3A_121 = arith.constant dense<0.000000e+00> : vector<64x1xf32>
      %dot_general3A_122 = tpu.matmul %max3A_117, %get3A_120, %dot_general3A_121 {dimension_numbers = #tpu.dot_dimension_numbers<[1], [0], [0], [1], [0, 0, 1, 1], [], []>, transpose_lhs_hint = false} : vector<64x16xf32>, vector<16x1xf32>, vector<64x1xf32> -> vector<64x1xf32>
      %get3A_123 = arith.constant 0 : index
      %get3A_124 = arith.constant 0 : index
      %get3A_125 = vector.load %arg18[%get3A_123, %get3A_124] : memref<1x1xf32, #tpu.memory_space<vmem>>, vector<1x1xf32>
      %add3A_126 = vector.broadcast %get3A_125 : vector<1x1xf32> to vector<64x1xf32>
      %add3A_127 = arith.addf %dot_general3A_122, %add3A_126 : vector<64x1xf32>
      %swap3A_128 = arith.constant 0 : index
      %swap3A_129 = arith.constant 0 : index
      %swap3A_130 = vector.load %arg19[%swap3A_128, %swap3A_129] : memref<64x1xf32, #tpu.memory_space<vmem>>, vector<64x1xf32>
      tpu.vector_store %arg19[%swap3A_128, %swap3A_129], %add3A_127 {strides = array<i32>} : memref<64x1xf32, #tpu.memory_space<vmem>>, vector<64x1xf32>,
      %swap3A_131 = arith.constant 0 : index
      %swap3A_132 = arith.constant 0 : index
      %swap3A_133 = vector.load %arg20[%swap3A_131, %swap3A_132] : memref<64x32xf32, #tpu.memory_space<vmem>>, vector<64x32xf32>
      tpu.vector_store %arg20[%swap3A_131, %swap3A_132], %div3A_91 {strides = array<i32>} : memref<64x32xf32, #tpu.memory_space<vmem>>, vector<64x32xf32>,
    } else {
    }
    return
  }
  func.func @transform_0(%arg0: i32) -> (i32, i32) {
    %c0_i32 = arith.constant 0 : i32
    %c0_i32_0 = arith.constant 0 : i32
    return %arg0, %c0_i32 : i32, i32
  }
  func.func @transform_1(%arg0: i32) -> (i32, i32) {
    %add3A = arith.constant 5 : i32
    %add3A_0 = arith.addi %arg0, %add3A : i32
    %c0_i32 = arith.constant 0 : i32
    %c0_i32_1 = arith.constant 0 : i32
    return %add3A_0, %c0_i32 : i32, i32
  }
  func.func @transform_2(%arg0: i32) -> (i32, i32) {
    %c0_i32 = arith.constant 0 : i32
    %c0_i32_0 = arith.constant 0 : i32
    return %arg0, %c0_i32 : i32, i32
  }
  func.func @transform_3(%arg0: i32) -> (i32, i32) {
    %add3A = arith.constant 5 : i32
    %add3A_0 = arith.addi %arg0, %add3A : i32
    %c0_i32 = arith.constant 0 : i32
    %c0_i32_1 = arith.constant 0 : i32
    return %add3A_0, %c0_i32 : i32, i32
  }
  func.func @transform_4(%arg0: i32) -> (i32, i32) {
    %c0_i32 = arith.constant 0 : i32
    %c0_i32_0 = arith.constant 0 : i32
    return %arg0, %c0_i32 : i32, i32
  }
  func.func @transform_5(%arg0: i32) -> (i32, i32) {
    %add3A = arith.constant 5 : i32
    %add3A_0 = arith.addi %arg0, %add3A : i32
    %c0_i32 = arith.constant 0 : i32
    %c0_i32_1 = arith.constant 0 : i32
    return %add3A_0, %c0_i32 : i32, i32
  }
  func.func @transform_6(%arg0: i32) -> (i32, i32) {
    %c0_i32 = arith.constant 0 : i32
    %c0_i32_0 = arith.constant 0 : i32
    return %arg0, %c0_i32 : i32, i32
  }
  func.func @transform_7(%arg0: i32) -> (i32, i32) {
    %add3A = arith.constant 5 : i32
    %add3A_0 = arith.addi %arg0, %add3A : i32
    %c0_i32 = arith.constant 0 : i32
    %c0_i32_1 = arith.constant 0 : i32
    return %add3A_0, %c0_i32 : i32, i32
  }
  func.func @transform_8(%arg0: i32) -> (i32, i32) {
    %c0_i32 = arith.constant 0 : i32
    %c0_i32_0 = arith.constant 0 : i32
    return %arg0, %c0_i32 : i32, i32
  }
  func.func @transform_9(%arg0: i32) -> (i32, i32, i32) {
    %c0_i32 = arith.constant 0 : i32
    %c0_i32_0 = arith.constant 0 : i32
    %c0_i32_1 = arith.constant 0 : i32
    return %arg0, %c0_i32, %c0_i32_0 : i32, i32, i32
  }
  func.func @transform_10(%arg0: i32) -> (i32, i32) {
    %c0_i32 = arith.constant 0 : i32
    %c0_i32_0 = arith.constant 0 : i32
    %c0_i32_1 = arith.constant 0 : i32
    return %c0_i32, %c0_i32_0 : i32, i32
  }
  func.func @transform_11(%arg0: i32) -> (i32, i32) {
    %c0_i32 = arith.constant 0 : i32
    %c0_i32_0 = arith.constant 0 : i32
    %c0_i32_1 = arith.constant 0 : i32
    return %c0_i32, %c0_i32_0 : i32, i32
  }
  func.func @transform_12(%arg0: i32) -> (i32, i32) {
    %c0_i32 = arith.constant 0 : i32
    %c0_i32_0 = arith.constant 0 : i32
    %c0_i32_1 = arith.constant 0 : i32
    return %c0_i32, %c0_i32_0 : i32, i32
  }
  func.func @transform_13(%arg0: i32) -> (i32, i32) {
    %c0_i32 = arith.constant 0 : i32
    %c0_i32_0 = arith.constant 0 : i32
    %c0_i32_1 = arith.constant 0 : i32
    return %c0_i32, %c0_i32_0 : i32, i32
  }
  func.func @transform_14(%arg0: i32) -> (i32, i32) {
    %c0_i32 = arith.constant 0 : i32
    %c0_i32_0 = arith.constant 0 : i32
    %c0_i32_1 = arith.constant 0 : i32
    return %c0_i32, %c0_i32_0 : i32, i32
  }
  func.func @transform_15(%arg0: i32) -> (i32, i32) {
    %c0_i32 = arith.constant 0 : i32
    %c0_i32_0 = arith.constant 0 : i32
    %c0_i32_1 = arith.constant 0 : i32
    return %c0_i32, %c0_i32_0 : i32, i32
  }
  func.func @transform_16(%arg0: i32) -> (i32, i32) {
    %c0_i32 = arith.constant 0 : i32
    %c0_i32_0 = arith.constant 0 : i32
    %c0_i32_1 = arith.constant 0 : i32
    return %c0_i32, %c0_i32_0 : i32, i32
  }
  func.func @transform_17(%arg0: i32) -> (i32, i32) {
    %c0_i32 = arith.constant 0 : i32
    %c0_i32_0 = arith.constant 0 : i32
    %c0_i32_1 = arith.constant 0 : i32
    return %c0_i32, %c0_i32_0 : i32, i32
  }
  func.func @transform_18(%arg0: i32) -> (i32, i32) {
    %c0_i32 = arith.constant 0 : i32
    %c0_i32_0 = arith.constant 0 : i32
    %c0_i32_1 = arith.constant 0 : i32
    return %c0_i32, %c0_i32_0 : i32, i32
  }
  func.func @transform_19(%arg0: i32) -> (i32, i32) {
    %c0_i32 = arith.constant 0 : i32
    %c0_i32_0 = arith.constant 0 : i32
    %c0_i32_1 = arith.constant 0 : i32
    return %c0_i32, %c0_i32_0 : i32, i32
  }
}

</mosaic_0001>

<sc_bundles>
// kernel: kernel.16.cloned.1.call-start
scs
__scs_entry_jumppad:
0x0: {  	(pc) =	sbr.rel $0x88, $3  }
0x1: {  	(tag) =	ssettag $0x0;
	lr =	simm.s32 $0x1  }
0x2: {  	[smem:$0x3F8B] =	sst lr;
	_ =	strace $0xD0000000  }
0x3: {  	_ = 	snop  }
0x4: {  	_ = 	snop  }
0x5: {  	_ = 	snop  }
0x6: {  	_ = 	snop  }
0x7: {  	_ = 	snop  }
__scs_overlays_trampoline_lowered:
0x8: {  	[smem:$0x3F9A] =	sst s0  }
0x9: {  	[smem:$0x3F9B] =	sst s1  }
0xa: {  	[smem:$0x3F9C] =	sst s2  }
0xb: {  	[smem:$0x3F9D] =	sst s3  }
0xc: {  	[smem:$0x3F9E] =	sst s4  }
0xd: {  	[smem:$0x3F9F] =	sst s5  }
0xe: {  	[smem:$0x3FA0] =	sst s6  }
0xf: {  	[smem:$0x3FA1] =	sst s7  }
0x10: {  	[smem:$0x3FA2] =	sst s8  }
0x11: {  	[smem:$0x3FA3] =	sst s9;
	s0 =	simm.s32 @!p0 $0x0  }
0x12: {  	s1 =	sld [smem:$0x3F89];
	s0 =	simm.s32 @p0 $0x1  }
0x13: {  	[smem:$0x3FA4] =	sst s0;
	s0 =	simm.s32 @!p1 $0x0  }
0x14: {  	s2 =	sld [smem:$0x3F88];
	s0 =	simm.s32 @p1 $0x1  }
0x15: {  	[smem:$0x3FA5] =	sst s0;
	s0 =	simm.s32 @!p2 $0x0  }
0x16: {  	s3 =	sld [smem:$0x3FDB];
	s0 =	simm.s32 @p2 $0x1  }
0x17: {  	s4 =	simm.s32 $0x1BF5;
	[smem:$0x3FA7] =	sst s0  }
0x18: {  	s0 =	sld [smem:$0x3F8A];
	_ =	swait.ge [sflag:s4], $0x0  }
0x19: {  	s7 =	sld [smem:$0x3F8B]  }
0x1a: {  	s8 =	sadd.s32 $0xFFFFE003, lr  }
0x1b: {  	s9 =	sadd.s32 $0xFFFFFEF7, lr;
	s5 =	simm.s32 $0xFFFFFFFF;
	p2 =	slt.u32 s8, $0xFFFFF086  }
0x1c: {  	p1 =	slt.u32 s9, $0xF7A;
	s5 =	simm.s32 @!p2 $0x0  }
0x1d: {  	s5 =	simm.s32 @p1 $0x1;
	p0 =	seq.s32 s7, s2  }
0x1e: {  	s7 =	smul.u32 @!p0 $0xF7A, s2;
	p2 =	seq.s32 @!p0 s5, $0x0  }
0x1f: {  	s9 =	smul.u32 $0xF7A, s1;
	s8 =	simm.s32 @!p0 $0x1BF5;
	p2 =	por !p2, p0  }
0x20: {  	[sflag:s8] =	ssyncset.s32 @!p0 $0xFFFFF086;
	s6 =	sadd.s32 @!p0 s3, s7;
	s7 =	simm.s32 @!p0 $0x108  }
0x21: {  	s3 =	sadd.s32 s3, s9;
	s6 =	sadd.s32 @!p0 $0x88, s6;
	s7 =	simm.s32 @p2 $0x1082  }
0x22: {  	[simem:s7], [sflag:s8] =	dma.local @!p0 [hbm:s6], $0xF7A  }
0x23: {  	s9 =	sor.u32 $0xD0000000, s2;
	s6 =	simm.s32 $0x108;
	_ =	swait.ge @!p0 [sflag:s8], $0x0  }
0x24: {  	s3 =	sadd.s32 $0x88, s3;
	s6 =	simm.s32 @!p1 $0x1082;
	[sflag:s4] =	ssyncset.s32 $0xFFFFF086  }
0x25: {  	[simem:s6], [sflag:s4] =	dma.local [hbm:s3], $0xF7A  }
0x26: {  	[smem:$0x3F8B] =	sst s1;
	(tag) =	ssettag s2;
	_ =	strace s9  }
0x27: {  	s1 =	sld [smem:$0x3F9B]  }
0x28: {  	s2 =	sld [smem:$0x3F9C]  }
0x29: {  	s4 =	sld [smem:$0x3F9E]  }
0x2a: {  	p0 =	seq.s32 s5, $0x0;
	s5 =	sld [smem:$0x3F9F]  }
0x2b: {  	s6 =	sld [smem:$0x3FA0]  }
0x2c: {  	s7 =	sld [smem:$0x3FA1]  }
0x2d: {  	s3 =	simm.s32 $0x108;
	s8 =	sld [smem:$0x3FA2]  }
0x2e: {  	s3 =	simm.s32 @!p0 $0x1082;
	s9 =	sld [smem:$0x3FA3]  }
0x2f: {  	lr =	sadd.s32 s0, s3;
	s0 =	sld [smem:$0x3F9A]  }
0x30: {  	s3 =	sld [smem:$0x3F9D]  }
0x31: {  	[smem:$0x3FA6] =	sst s10  }
0x32: {  	s10 =	sld [smem:$0x3FA4];
	_ =	sdelay $0x3  }
0x33: {  	p0 =	seq.s32 s10, $0x1;
	s10 =	sld [smem:$0x3FA6];
	_ =	sdelay $0x3  }
0x34: {  	[smem:$0x3FA6] =	sst s10  }
0x35: {  	s10 =	sld [smem:$0x3FA5];
	_ =	sdelay $0x3  }
0x36: {  	p1 =	seq.s32 s10, $0x1;
	s10 =	sld [smem:$0x3FA6];
	_ =	sdelay $0x3  }
0x37: {  	[smem:$0x3FA6] =	sst s10  }
0x38: {  	s10 =	sld [smem:$0x3FA7]  }
0x39: {  	_ = 	snop;
	(pc) =	sbr.ind lr, $3  }
0x3a: {  	_ = 	snop  }
0x3b: {  	_ = 	snop  }
0x3c: {  	p2 =	seq.s32 s10, $0x1;
	s10 =	sld [smem:$0x3FA6]  }
0x3d: {  	_ =	shalt  }
0x3e: {  	_ =	shalt  }
0x3f: {  	_ =	shalt  }
0x40: {  	_ =	shalt  }
0x41: {  	_ =	shalt  }
0x42: {  	_ =	shalt  }
0x43: {  	_ =	shalt  }
0x44: {  	_ =	shalt  }
0x45: {  	_ =	shalt  }
0x46: {  	_ =	shalt  }
0x47: {  	_ =	shalt  }
0x48: {  	_ =	shalt  }
0x49: {  	_ =	shalt  }
0x4a: {  	_ =	shalt  }
0x4b: {  	_ =	shalt  }
0x4c: {  	_ =	shalt  }
0x4d: {  	_ =	shalt  }
0x4e: {  	_ =	shalt  }
0x4f: {  	_ =	shalt  }
0x50: {  	_ =	shalt  }
0x51: {  	_ =	shalt  }
0x52: {  	_ =	shalt  }
0x53: {  	_ =	shalt  }
0x54: {  	_ =	shalt  }
0x55: {  	_ =	shalt  }
0x56: {  	_ =	shalt  }
0x57: {  	_ =	shalt  }
0x58: {  	_ =	shalt  }
0x59: {  	_ =	shalt  }
0x5a: {  	_ =	shalt  }
0x5b: {  	_ =	shalt  }
0x5c: {  	_ =	shalt  }
0x5d: {  	_ =	shalt  }
0x5e: {  	_ =	shalt  }
0x5f: {  	_ =	shalt  }
0x60: {  	_ =	shalt  }
0x61: {  	_ =	shalt  }
0x62: {  	_ =	shalt  }
0x63: {  	_ =	shalt  }
0x64: {  	_ =	shalt  }
0x65: {  	_ =	shalt  }
0x66: {  	_ =	shalt  }
0x67: {  	_ =	shalt  }
0x68: {  	_ =	shalt  }
0x69: {  	_ =	shalt  }
0x6a: {  	_ =	shalt  }
0x6b: {  	_ =	shalt  }
0x6c: {  	_ =	shalt  }
0x6d: {  	_ =	shalt  }
0x6e: {  	_ =	shalt  }
0x6f: {  	_ =	shalt  }
0x70: {  	_ =	shalt  }
0x71: {  	_ =	shalt  }
0x72: {  	_ =	shalt  }
0x73: {  	_ =	shalt  }
0x74: {  	_ =	shalt  }
0x75: {  	_ =	shalt  }
0x76: {  	_ =	shalt  }
0x77: {  	_ =	shalt  }
0x78: {  	_ =	shalt  }
0x79: {  	_ =	shalt  }
0x7a: {  	_ =	shalt  }
0x7b: {  	_ =	shalt  }
0x7c: {  	_ =	shalt  }
0x7d: {  	_ =	shalt  }
0x7e: {  	_ =	shalt  }
0x7f: {  	_ =	shalt  }
0x80: {  	_ =	shalt  }
0x81: {  	_ =	shalt  }
0x82: {  	_ =	shalt  }
0x83: {  	_ =	shalt  }
0x84: {  	_ =	shalt  }
0x85: {  	_ =	shalt  }
0x86: {  	_ =	shalt  }
0x87: {  	_ =	shalt  }
.Lfunc_end0:
.L_simem_size_0:
called_computation_lowered:
.L_overlay_start_0:
0x88: {  	s2 =	sld [smem:$0x3FD9]  }
0x89: {  	s3 =	sld [smem:$0x3FFE];
	_ =	sdelay $0x1  }
0x8a: {  	s1 =	srdreg.scid  }
0x8b: {  	s0 =	sand.u32 $0x1, s1  }
0x8c: {  	s17 =	sshll.u32 s0, $0xA;
	s2 =	sadd.s32 s3, s2  }
0x8d: {  	s2 =	sadd.s32 s2, s17  }
0x8e: {  	[smem:$0x3FB2] =	sst s2  }
0x8f: {  	_ = 	snop  }
0x90: {  	(tm) =	ssettm $0x1  }
0x91: {  	s18 =	sld [smem:$0x3FFB];
	_ =	sdelay $0x3  }
0x92: {  	_ =	strace s18  }
0x93: {  	s2 =	sld [smem:$0x3FFC];
	_ =	sdelay $0x3  }
0x94: {  	_ =	strace s2  }
0x95: {  	s2 =	sld [smem:$0x3FFD];
	_ =	sdelay $0x3  }
0x96: {  	_ =	strace s2  }
0x97: {  	_ =	strace $0x8FFFFFFF  }
0x98: {  	s19 =	sld [smem:$0x3FDB];
	_ =	sdelay $0x1  }
0x99: {  	s20 =	simm.s32 $_scs_section_size  }
0x9a: {  	s4 =	simm.s32 $_size__tile_overlayer_lowered;
	s5 =	simm.s32 $_tile_overlayer_lowered  }
0x9b: {  	s6 =	simm.s32 $0x1BFF;
	s21 =	sshll.u32 s5, $0x1;
	s3 =	sadd.s32 s20, s19  }
0x9c: {  	s22 =	simm.s32 $0x0;
	s4 =	sshll.u32 s4, $0x1;
	s5 =	sadd.s32 s21, s3  }
0x9d: {  	[timem:s22], [sflag:s6] =	dma.local [hbm:s5], s4  }
0x9e: {  	_ =	swait.ge [sflag:s6], s4  }
0x9f: {  	s4 =	ssub.s32 $0x0, s4;
	[sflag:s6] =	ssyncset.done $0x0  }
0xa0: {  	[sflag:s6] =	ssyncadd.s32 s4;
	_ =	sdelay $0x1  }
0xa1: {  	s23 =	simm.s32 $0x1B8B  }
0xa2: {  	_ =	swait.ge [sflag:s23], $0x1  }
0xa3: {  	[sflag:s23] =	ssyncset.done $0x0  }
0xa4: {  	[sflag:s23] =	ssyncadd.s32 $0xFFFFFFFF  }
0xa5: {  	s4 =	sld [smem:$0x0]  }
0xa6: {  	s5 =	sand.u32 $0xFFFFFFFE, s1  }
0xa7: {  	p0 =	sne.s32 s1, s5  }
0xa8: {  	s5 =	sshll.u32 @p0 s5, $0xE  }
0xa9: {  	s5 =	sadd.s32 @p0 $0x11B8D, s5;
	s6 =	sshll.u32 @p0 s4, $0x11  }
0xaa: {  	s5 =	sor.u32 @p0 s6, s5  }
0xab: {  	[sflag:s5] =	ssyncadd.remote.s32 @p0 $0x1;
	_ =	sdelay $0x1  }
0xac: {  	s5 =	simm.s32 @p0 $0x1B8D  }
0xad: {  	_ =	swait.eq @p0 [sflag:s5], $0x1  }
0xae: {  	[sflag:s5] =	ssyncadd.s32 @p0 $0xFFFFFFFF  }
0xaf: {  	s6 =	sshll.u32 @!p0 s1, $0xE  }
0xb0: {  	s6 =	sor.u32 @!p0 $0x4000, s6;
	s5 =	simm.s32 @!p0 $0x1B8D  }
0xb1: {  	s4 =	sshll.u32 @!p0 s4, $0x11;
	s6 =	sadd.s32 @!p0 $0x11B8D, s6;
	_ =	swait.eq @!p0 [sflag:s5], $0x1  }
0xb2: {  	s4 =	sor.u32 @!p0 s4, s6;
	[sflag:s5] =	ssyncadd.s32 @!p0 $0xFFFFFFFF  }
0xb3: {  	s25 =	simm.s32 $0x1B8E;
	s24 =	sld [smem:$0x3FFE];
	[sflag:s4] =	ssyncadd.remote.s32 @!p0 $0x1  }
0xb4: {  	s26 =	simm.s32 $execute0_lowered;
	[smem:$0x3FD2] =	sst s25  }
0xb5: {  	s5 =	sshll.u32 s26, $0x1;
	_ =	strace $0x80000049;
	[dreg:$0x1] =	wrdreg $0xFFFFFFFF  }
0xb6: {  	s28 =	simm.s32 $_size_execute0_lowered;
	s3 =	sadd.s32 s3, s5;
	[dreg:$0x0] =	wrdreg $0x0  }
0xb7: {  	s5 =	sshll.u32 s28, $0x1;
	[dreg:$0x2] =	wrdreg s3  }
0xb8: {  	[dreg:$0x3] =	wrdreg s5  }
0xb9: {  	[dreg:$0x4] =	wrdreg $0xC0  }
0xba: {  	_ =	task [dreg:s22], $0x5FFFF  }
0xbb: {  	[dreg:$0x1] =	wrdreg $0xFFFFFFFF  }
0xbc: {  	[dreg:$0x0] =	wrdreg $0x60  }
0xbd: {  	[dreg:$0x2] =	wrdreg s24  }
0xbe: {  	[dreg:$0x3] =	wrdreg $0x9  }
0xbf: {  	_ =	task.clear_ibuf [dreg:s22], $0x4FFFF;
	_ =	strace $0x90000049  }
0xc0: {  	s29 =	simm.s32 $0x9;
	_ =	strace $0x8000004B  }
0xc1: {  	_ =	swait.ge [sflag:s29], $0x1  }
0xc2: {  	[sflag:s29] =	ssyncadd.s32 $0xFFFFFFFF  }
0xc3: {  	_ =	strace $0x9000004B  }
0xc4: {  	_ =	sfence  }
0xc5: {  	s30 =	sld [smem:$0x0];
	_ =	sdelay $0x2  }
0xc6: {  	s31 =	sshll.u32 s1, $0xD;
	s1 =	sshrl.u32 s1, $0x2  }
0xc7: {  	s4 =	sand.u32 $0x4000, s31;
	s1 =	sadd.s32 s1, s30  }
0xc8: {  	s0 =	sor.u32 s4, s0;
	s1 =	sshll.u32 s1, $0x11  }
0xc9: {  	s0 =	sor.u32 s1, s0  }
0xca: {  	s0 =	sadd.s32 $0x8F2B, s0  }
0xcb: {  	[sflag:s0] =	ssyncadd.remote.s32 $0x1  }
0xcc: {  	_ =	sfence.sel $0xFFFF  }
0xcd: {  	[dreg:$0x0] =	wrdreg $0xFFFFFFFF;
	(pc) =	sbr.abs _section_cstart, $3  }
0xce: {  	[dreg:$0x1] =	wrdreg $0xFFFFFFFF  }
0xcf: {  	_ =	task.clear_ibuf [dreg:s22], $0x2FFFF;
	_ =	strace $0x9FFFFFFF  }
0xd0: {  	(tm) =	ssettm $0x7FFFFFFF  }
0xd1: {  	_ =	shalt  }
tec
execute0_lowered:
.L_overlay_start_1:
0x0: {  	(tag) =	ssettag $0x1  }
0x1: {  	s0 =	srdreg.scid  }
0x2: {  	s5 =	rddreg [dreg:$0x0];
	s1 =	stileid.u32  }
0x3: {  	s2 =	simm.s32 $0x0;
	s12 =	simm.s32 $0x0;
	s4 =	sand.u32 $0x1, s0  }
0x4: {  	s0 =	rddreg [dreg:$0x1];
	s10 =	smul.u32 $0x14000, s1;
	s3 =	sshll.u32 s4, $0x4  }
0x5: {  	[smem:$0x7FF] =	sst s2;
	s9 =	smul.u32 $0x140000, s4;
	s3 =	sor.u32 s1, s3  }
0x6: {  	s11 =	sadd.s32 $0x94000, s5;
	s8 =	ssub.s32 $0x2, s4;
	s6 =	smul.u32 $0x140, s3  }
0x7: {  	_ =	strace $0x8000004A;
	s28 =	sshrl.u32 s8, $0x1;
	s7 =	smul.u32 $0x14000, s3  }
0x8: {  	s3 =	sadd.s32 $0x32800, s5;
	s29 =	ssub.s32 s8, s28;
	s31 =	sadd.s32 s10, s9  }
0x9: {  	s8 =	simm.s32 $0x3;
	s9 =	simm.s32 $0xA00;
	s10 =	simm.s32 $0x2  }
0xa: {  	s26 =	sadd.s32 s6, s5;
	s30 =	sshrl.u32 s7, $0x3;
	s5 =	smax.u32 s29, $0x1  }
0xb: {  	s7 =	sshrl.u32 s31, $0x3;
	s4 =	sadd.s32 $0x8F000, s26;
	s6 =	sadd.s32 s11, s30  }
0xc: {  	s7 =	sadd.s32 s7, s11;
	s11 =	simm.s32 $0x1A00;
	s6 =	sadd.s32 $0x2600, s6  }
.LBB2_1:
0xd: {  	[tilespmem:s2], [sflag:$0x3] =	stream.linear.gather [hbm4b:s4+s2], $0xA00, $0x38;
	[tilespmem:$0x2A00] =	vst v63  }
0xe: {  	_ =	swait.ge [sflag:s8], $0xA00  }
0xf: {  	s14 =	sand.u32 $0x1, s2;
	[sflag:s8] =	ssyncset.done $0x0  }
0x10: {  	s13 =	simm.s32 $0x80;
	p0 =	seq.s32 s14, $0x1;
	[sflag:s8] =	ssyncadd.s32 $0xFFFFF600  }
0x11: {  	[tilespmem:s9], [sflag:$0x1] =	stream.indirect.gather [hbm4b:s3+s13], $0x20, s2, s13, $0xb8;
	[tilespmem:$0x2A00] =	vst v63  }
0x12: {  	s14 =	simm.s32 @p0 $0x80;
	s15 =	simm.s32 @p0 $0xA00;
	s16 =	simm.s32 @p0 $0x2  }
0x13: {  	[tilespmem:s15], [sflag:$0x1] =	stream.indirect.gather @p0 [hbm4b:s3+s14], $0x20, s13, s14, $0xb8;
	[tilespmem:$0x2A00] =	vst v63  }
0x14: {  	_ =	swait.ge @p0 [sflag:s16], $0x1000  }
0x15: {  	[sflag:s16] =	ssyncset.done @p0 $0x0  }
0x16: {  	s14 =	simm.s32 @p0 $0x0;
	s15 =	simm.s32 @p0 $0x1A00;
	[sflag:s16] =	ssyncadd.s32 @p0 $0xFFFFF000  }
0x17: {  	[hbm4b:s7+s14] =	stream.linear.scatter @p0 [tilespmem:s15], [sflag:$0x3], $0x1000, $0x38;
	[tilespmem:$0x2A00] =	vst v63  }
0x18: {  	s17 =	simm.s32 @!p0 $0x1;
	s14 =	simm.s32 @!p0 $0x80;
	s15 =	simm.s32 @!p0 $0x1A00  }
0x19: {  	[tilespmem:s15], [sflag:$0x2] =	stream.indirect.gather @!p0 [hbm4b:s3+s14], $0x20, s13, s14, $0xb8;
	[tilespmem:$0x2A00] =	vst v63  }
0x1a: {  	s16 =	simm.s32 @!p0 $0x4;
	_ =	swait.ge @!p0 [sflag:s17], $0x1000  }
0x1b: {  	s31 =	simm.s32 $0x1;
	s16 =	simm.s32 @p0 $0x3;
	[sflag:s17] =	ssyncset.done @!p0 $0x0  }
0x1c: {  	s14 =	simm.s32 @!p0 $0xA00;
	[sflag:s17] =	ssyncadd.s32 @!p0 $0xFFFFF000;
	s17 =	simm.s32 @!p0 $0x0  }
0x1d: {  	[hbm4b:s7+s17] =	stream.linear.scatter @!p0 [tilespmem:s14], [sflag:$0x4], $0x1000, $0x38;
	[tilespmem:$0x2A00] =	vst v63  }
0x1e: {  	s15 =	simm.s32 $0x2;
	s13 =	sand.u32 $0x1, s31;
	s14 =	simm.s32 $0x100  }
0x1f: {  	p0 =	seq.s32 s13, $0x1;
	s13 =	sadd.s32 $0x200, s7;
	_ =	swait.ge [sflag:s16], $0x1000  }
.LBB2_2:
0x20: {  	s17 =	simm.s32 @p0 $0x80;
	s18 =	simm.s32 @p0 $0xA00  }
0x21: {  	[sflag:s16] =	ssyncset.done $0x0;
	s19 =	smov.u32 s15;
	s20 =	smov.u32 s14  }
0x22: {  	s15 =	sadd.s32 $0x1, s15;
	s21 =	simm.s32 @p0 $0x2;
	[sflag:s16] =	ssyncadd.s32 $0xFFFFF000  }
0x23: {  	[tilespmem:s18], [sflag:$0x1] =	stream.indirect.gather @p0 [hbm4b:s3+s17], $0x20, s14, s17, $0xb8;
	[tilespmem:$0x2A00] =	vst v63  }
0x24: {  	p1 =	sne.s32 s15, $0x13;
	_ =	swait.ge @p0 [sflag:s21], $0x1000  }
0x25: {  	s14 =	sadd.s32 $0x80, s14;
	[sflag:s21] =	ssyncset.done @p0 $0x0  }
0x26: {  	s16 =	simm.s32 @p0 $0x0;
	s17 =	simm.s32 @p0 $0x1A00;
	[sflag:s21] =	ssyncadd.s32 @p0 $0xFFFFF000  }
0x27: {  	[hbm4b:s13+s16] =	stream.linear.scatter @p0 [tilespmem:s17], [sflag:$0x3], $0x1000, $0x38;
	[tilespmem:$0x2A00] =	vst v63  }
0x28: {  	s18 =	simm.s32 @!p0 $0x1;
	s16 =	simm.s32 @!p0 $0x80;
	s17 =	simm.s32 @!p0 $0x1A00  }
0x29: {  	[tilespmem:s17], [sflag:$0x2] =	stream.indirect.gather @!p0 [hbm4b:s3+s16], $0x20, s20, s16, $0xb8;
	[tilespmem:$0x2A00] =	vst v63  }
.Ltmp0:
0x2a: {  	s17 =	sand.u32 $0x1, s19;
	_ =	swait.ge @!p0 [sflag:s18], $0x1000;
	(pc) =	sbr.rel @p1 .LBB2_2-.Ltmp0, $4  }
0x2b: {  	s19 =	simm.s32 @!p0 $0xA00;
	s16 =	simm.s32 @!p0 $0x4;
	[sflag:s18] =	ssyncset.done @!p0 $0x0  }
0x2c: {  	s16 =	simm.s32 @p0 $0x3;
	[sflag:s18] =	ssyncadd.s32 @!p0 $0xFFFFF000;
	s18 =	simm.s32 @!p0 $0x0  }
0x2d: {  	[hbm4b:s13+s18] =	stream.linear.scatter @!p0 [tilespmem:s19], [sflag:$0x4], $0x1000, $0x38;
	[tilespmem:$0x2A00] =	vst v63  }
0x2e: {  	p0 =	seq.s32 s17, $0x1;
	s13 =	sadd.s32 $0x200, s13;
	_ =	swait.ge [sflag:s16], $0x1000  }
0x2f: {  	s15 =	simm.s32 @p0 $0x80;
	[sflag:s16] =	ssyncset.done $0x0  }
0x30: {  	s17 =	simm.s32 @p0 $0xA00;
	s18 =	simm.s32 @p0 $0x2;
	[sflag:s16] =	ssyncadd.s32 $0xFFFFF000  }
0x31: {  	[tilespmem:s17], [sflag:$0x1] =	stream.indirect.gather @p0 [hbm4b:s3+s15], $0x20, s14, s15, $0xb8;
	[tilespmem:$0x2A00] =	vst v63  }
0x32: {  	_ =	swait.ge @p0 [sflag:s18], $0x1000  }
0x33: {  	[sflag:s18] =	ssyncset.done @p0 $0x0  }
0x34: {  	s16 =	simm.s32 @p0 $0x1A00;
	s15 =	simm.s32 @p0 $0x0;
	[sflag:s18] =	ssyncadd.s32 @p0 $0xFFFFF000  }
0x35: {  	[hbm4b:s13+s15] =	stream.linear.scatter @p0 [tilespmem:s16], [sflag:$0x3], $0x1000, $0x38;
	[tilespmem:$0x2A00] =	vst v63  }
0x36: {  	s17 =	simm.s32 @!p0 $0x1;
	s15 =	simm.s32 @!p0 $0x80;
	s16 =	simm.s32 @!p0 $0x1A00  }
0x37: {  	[tilespmem:s16], [sflag:$0x2] =	stream.indirect.gather @!p0 [hbm4b:s3+s15], $0x20, s14, s15, $0xb8;
	[tilespmem:$0x2A00] =	vst v63  }
0x38: {  	_ =	swait.ge @!p0 [sflag:s17], $0x1000  }
0x39: {  	s14 =	simm.s32 @!p0 $0xA00;
	s15 =	simm.s32 @!p0 $0x4;
	[sflag:s17] =	ssyncset.done @!p0 $0x0  }
0x3a: {  	s16 =	simm.s32 @!p0 $0x0;
	s15 =	simm.s32 @p0 $0x3;
	[sflag:s17] =	ssyncadd.s32 @!p0 $0xFFFFF000  }
0x3b: {  	[hbm4b:s13+s16] =	stream.linear.scatter @!p0 [tilespmem:s14], [sflag:$0x4], $0x1000, $0x38;
	[tilespmem:$0x2A00] =	vst v63  }
0x3c: {  	_ =	swait.ge [sflag:s15], $0x1000  }
0x3d: {  	[sflag:s15] =	ssyncset.done $0x0  }
0x3e: {  	[sflag:s15] =	ssyncadd.s32 $0xFFFFF000  }
0x3f: {  	s12 =	sadd.s32 $0x1, s12;
	_ =	swait.ge [sflag:s10], $0x1000  }
0x40: {  	p0 =	sne.s32 s12, s5;
	[sflag:s10] =	ssyncset.done $0x0  }
.Ltmp1:
0x41: {  	[sflag:s10] =	ssyncadd.s32 $0xFFFFF000;
	(pc) =	sbr.rel @p0 .LBB2_1-.Ltmp1, $4  }
0x42: {  	[hbm4b:s6+s2] =	stream.linear.scatter [tilespmem:s11], [sflag:$0x3], $0x1000, $0x38;
	[tilespmem:$0x2A00] =	vst v63  }
0x43: {  	_ =	swait.ge [sflag:s8], $0x1000  }
0x44: {  	[sflag:s8] =	ssyncset.done $0x0  }
0x45: {  	[sflag:s8] =	ssyncadd.s32 $0xFFFFF000  }
0x46: {  	_ =	sfence.sel $0x180000  }
0x47: {  	[bflag:$0x0] =	sbarrier.arrive $0xFFFF  }
0x48: {  	p0 =	sne.s32 s1, $0x0;
	_ =	strace $0x9000004A  }
0x49: {  	s0 =	sadd.s32 @!p0 $0x100000, s0;
	[bflag:$0x2] =	sbarrier.arrive $0xFFFF  }
0x4a: {  	[sflag:s0] =	ssyncadd.tile.s32 @!p0 $0x1;
	_ =	shalt  }
.Lfunc_end2:
_tile_overlayer_lowered:
.L_overlay_start_2:
0x4b: {  	(tag) =	ssettag $0x2  }
0x4c: {  	s0 =	rddreg [dreg:$0x0];
	s2 =	stileid.u32  }
0x4d: {  	s1 =	rddreg [dreg:$0x1];
	p0 =	sne.s32 s2, $0x0  }
0x4e: {  	s3 =	rddreg [dreg:$0x2];
	[bflag:$0x3] =	sbarrier.arrive $0xFFFF;
	s2 =	simm.s32 @!p0 $0x1C03  }
0x4f: {  	[timem:s3], [sflag:s2] =	dma.local @!p0 [hbm:s0], s1  }
0x50: {  	s0 =	simm.s32 @!p0 $0x3  }
0x51: {  	_ =	swait.ge @!p0 [sflag:s0], s1  }
0x52: {  	s1 =	ssub.s32 @!p0 $0x0, s1;
	[sflag:s0] =	ssyncset.done @!p0 $0x0  }
0x53: {  	[sflag:s0] =	ssyncadd.s32 @!p0 s1  }
0x54: {  	[bflag:$0x3] =	sbarrier.arrive $0xFFFF  }
0x55: {  	_ =	shalt  }

// kernel: kernel.19.cloned.1.call-start
scs
__scs_entry_jumppad:
0x0: {  	(pc) =	sbr.rel $0x88, $3  }
0x1: {  	(tag) =	ssettag $0x0;
	lr =	simm.s32 $0x1  }
0x2: {  	[smem:$0x3F8B] =	sst lr;
	_ =	strace $0xD0000000  }
0x3: {  	_ = 	snop  }
0x4: {  	_ = 	snop  }
0x5: {  	_ = 	snop  }
0x6: {  	_ = 	snop  }
0x7: {  	_ = 	snop  }
__scs_overlays_trampoline_lowered:
0x8: {  	[smem:$0x3F9A] =	sst s0  }
0x9: {  	[smem:$0x3F9B] =	sst s1  }
0xa: {  	[smem:$0x3F9C] =	sst s2  }
0xb: {  	[smem:$0x3F9D] =	sst s3  }
0xc: {  	[smem:$0x3F9E] =	sst s4  }
0xd: {  	[smem:$0x3F9F] =	sst s5  }
0xe: {  	[smem:$0x3FA0] =	sst s6  }
0xf: {  	[smem:$0x3FA1] =	sst s7  }
0x10: {  	[smem:$0x3FA2] =	sst s8  }
0x11: {  	[smem:$0x3FA3] =	sst s9;
	s0 =	simm.s32 @!p0 $0x0  }
0x12: {  	s1 =	sld [smem:$0x3F89];
	s0 =	simm.s32 @p0 $0x1  }
0x13: {  	[smem:$0x3FA4] =	sst s0;
	s0 =	simm.s32 @!p1 $0x0  }
0x14: {  	s2 =	sld [smem:$0x3F88];
	s0 =	simm.s32 @p1 $0x1  }
0x15: {  	[smem:$0x3FA5] =	sst s0;
	s0 =	simm.s32 @!p2 $0x0  }
0x16: {  	s3 =	sld [smem:$0x3FDB];
	s0 =	simm.s32 @p2 $0x1  }
0x17: {  	s4 =	simm.s32 $0x1BF5;
	[smem:$0x3FA7] =	sst s0  }
0x18: {  	s0 =	sld [smem:$0x3F8A];
	_ =	swait.ge [sflag:s4], $0x0  }
0x19: {  	s7 =	sld [smem:$0x3F8B]  }
0x1a: {  	s8 =	sadd.s32 $0xFFFFE003, lr  }
0x1b: {  	s9 =	sadd.s32 $0xFFFFFEF7, lr;
	s5 =	simm.s32 $0xFFFFFFFF;
	p2 =	slt.u32 s8, $0xFFFFF086  }
0x1c: {  	p1 =	slt.u32 s9, $0xF7A;
	s5 =	simm.s32 @!p2 $0x0  }
0x1d: {  	s5 =	simm.s32 @p1 $0x1;
	p0 =	seq.s32 s7, s2  }
0x1e: {  	s7 =	smul.u32 @!p0 $0xF7A, s2;
	p2 =	seq.s32 @!p0 s5, $0x0  }
0x1f: {  	s9 =	smul.u32 $0xF7A, s1;
	s8 =	simm.s32 @!p0 $0x1BF5;
	p2 =	por !p2, p0  }
0x20: {  	[sflag:s8] =	ssyncset.s32 @!p0 $0xFFFFF086;
	s6 =	sadd.s32 @!p0 s3, s7;
	s7 =	simm.s32 @!p0 $0x108  }
0x21: {  	s3 =	sadd.s32 s3, s9;
	s6 =	sadd.s32 @!p0 $0x88, s6;
	s7 =	simm.s32 @p2 $0x1082  }
0x22: {  	[simem:s7], [sflag:s8] =	dma.local @!p0 [hbm:s6], $0xF7A  }
0x23: {  	s9 =	sor.u32 $0xD0000000, s2;
	s6 =	simm.s32 $0x108;
	_ =	swait.ge @!p0 [sflag:s8], $0x0  }
0x24: {  	s3 =	sadd.s32 $0x88, s3;
	s6 =	simm.s32 @!p1 $0x1082;
	[sflag:s4] =	ssyncset.s32 $0xFFFFF086  }
0x25: {  	[simem:s6], [sflag:s4] =	dma.local [hbm:s3], $0xF7A  }
0x26: {  	[smem:$0x3F8B] =	sst s1;
	(tag) =	ssettag s2;
	_ =	strace s9  }
0x27: {  	s1 =	sld [smem:$0x3F9B]  }
0x28: {  	s2 =	sld [smem:$0x3F9C]  }
0x29: {  	s4 =	sld [smem:$0x3F9E]  }
0x2a: {  	p0 =	seq.s32 s5, $0x0;
	s5 =	sld [smem:$0x3F9F]  }
0x2b: {  	s6 =	sld [smem:$0x3FA0]  }
0x2c: {  	s7 =	sld [smem:$0x3FA1]  }
0x2d: {  	s3 =	simm.s32 $0x108;
	s8 =	sld [smem:$0x3FA2]  }
0x2e: {  	s3 =	simm.s32 @!p0 $0x1082;
	s9 =	sld [smem:$0x3FA3]  }
0x2f: {  	lr =	sadd.s32 s0, s3;
	s0 =	sld [smem:$0x3F9A]  }
0x30: {  	s3 =	sld [smem:$0x3F9D]  }
0x31: {  	[smem:$0x3FA6] =	sst s10  }
0x32: {  	s10 =	sld [smem:$0x3FA4];
	_ =	sdelay $0x3  }
0x33: {  	p0 =	seq.s32 s10, $0x1;
	s10 =	sld [smem:$0x3FA6];
	_ =	sdelay $0x3  }
0x34: {  	[smem:$0x3FA6] =	sst s10  }
0x35: {  	s10 =	sld [smem:$0x3FA5];
	_ =	sdelay $0x3  }
0x36: {  	p1 =	seq.s32 s10, $0x1;
	s10 =	sld [smem:$0x3FA6];
	_ =	sdelay $0x3  }
0x37: {  	[smem:$0x3FA6] =	sst s10  }
0x38: {  	s10 =	sld [smem:$0x3FA7]  }
0x39: {  	_ = 	snop;
	(pc) =	sbr.ind lr, $3  }
0x3a: {  	_ = 	snop  }
0x3b: {  	_ = 	snop  }
0x3c: {  	p2 =	seq.s32 s10, $0x1;
	s10 =	sld [smem:$0x3FA6]  }
0x3d: {  	_ =	shalt  }
0x3e: {  	_ =	shalt  }
0x3f: {  	_ =	shalt  }
0x40: {  	_ =	shalt  }
0x41: {  	_ =	shalt  }
0x42: {  	_ =	shalt  }
0x43: {  	_ =	shalt  }
0x44: {  	_ =	shalt  }
0x45: {  	_ =	shalt  }
0x46: {  	_ =	shalt  }
0x47: {  	_ =	shalt  }
0x48: {  	_ =	shalt  }
0x49: {  	_ =	shalt  }
0x4a: {  	_ =	shalt  }
0x4b: {  	_ =	shalt  }
0x4c: {  	_ =	shalt  }
0x4d: {  	_ =	shalt  }
0x4e: {  	_ =	shalt  }
0x4f: {  	_ =	shalt  }
0x50: {  	_ =	shalt  }
0x51: {  	_ =	shalt  }
0x52: {  	_ =	shalt  }
0x53: {  	_ =	shalt  }
0x54: {  	_ =	shalt  }
0x55: {  	_ =	shalt  }
0x56: {  	_ =	shalt  }
0x57: {  	_ =	shalt  }
0x58: {  	_ =	shalt  }
0x59: {  	_ =	shalt  }
0x5a: {  	_ =	shalt  }
0x5b: {  	_ =	shalt  }
0x5c: {  	_ =	shalt  }
0x5d: {  	_ =	shalt  }
0x5e: {  	_ =	shalt  }
0x5f: {  	_ =	shalt  }
0x60: {  	_ =	shalt  }
0x61: {  	_ =	shalt  }
0x62: {  	_ =	shalt  }
0x63: {  	_ =	shalt  }
0x64: {  	_ =	shalt  }
0x65: {  	_ =	shalt  }
0x66: {  	_ =	shalt  }
0x67: {  	_ =	shalt  }
0x68: {  	_ =	shalt  }
0x69: {  	_ =	shalt  }
0x6a: {  	_ =	shalt  }
0x6b: {  	_ =	shalt  }
0x6c: {  	_ =	shalt  }
0x6d: {  	_ =	shalt  }
0x6e: {  	_ =	shalt  }
0x6f: {  	_ =	shalt  }
0x70: {  	_ =	shalt  }
0x71: {  	_ =	shalt  }
0x72: {  	_ =	shalt  }
0x73: {  	_ =	shalt  }
0x74: {  	_ =	shalt  }
0x75: {  	_ =	shalt  }
0x76: {  	_ =	shalt  }
0x77: {  	_ =	shalt  }
0x78: {  	_ =	shalt  }
0x79: {  	_ =	shalt  }
0x7a: {  	_ =	shalt  }
0x7b: {  	_ =	shalt  }
0x7c: {  	_ =	shalt  }
0x7d: {  	_ =	shalt  }
0x7e: {  	_ =	shalt  }
0x7f: {  	_ =	shalt  }
0x80: {  	_ =	shalt  }
0x81: {  	_ =	shalt  }
0x82: {  	_ =	shalt  }
0x83: {  	_ =	shalt  }
0x84: {  	_ =	shalt  }
0x85: {  	_ =	shalt  }
0x86: {  	_ =	shalt  }
0x87: {  	_ =	shalt  }
.Lfunc_end0:
.L_simem_size_0:
called_computation.1_lowered:
.L_overlay_start_0:
0x88: {  	s2 =	sld [smem:$0x3FD9]  }
0x89: {  	s3 =	sld [smem:$0x3FFE];
	_ =	sdelay $0x1  }
0x8a: {  	s1 =	srdreg.scid  }
0x8b: {  	s0 =	sand.u32 $0x1, s1  }
0x8c: {  	s15 =	sshll.u32 s0, $0xA;
	s2 =	sadd.s32 s3, s2  }
0x8d: {  	s2 =	sadd.s32 s2, s15  }
0x8e: {  	[smem:$0x3FB2] =	sst s2  }
0x8f: {  	_ = 	snop  }
0x90: {  	s2 =	sld [smem:$0x3FD0];
	_ =	sdelay $0x2  }
0x91: {  	s16 =	simm.s32 $0xB;
	s4 =	simm.s32 $0x10  }
0x92: {  	[smem:s4], [sflag:s16] =	dma.local [hbm:s2], $0x1  }
0x93: {  	_ =	swait.eq [sflag:s16], $0x1  }
0x94: {  	[sflag:s16] =	ssyncset.done $0x0  }
0x95: {  	[sflag:s16] =	ssyncadd.s32 $0xFFFFFFFF  }
0x96: {  	s17 =	sld [smem:$0x10];
	(tm) =	ssettm $0x1  }
0x97: {  	s18 =	sld [smem:$0x3FFB];
	_ =	sdelay $0x3  }
0x98: {  	_ =	strace s18  }
0x99: {  	s2 =	sld [smem:$0x3FFC];
	_ =	sdelay $0x3  }
0x9a: {  	_ =	strace s2  }
0x9b: {  	s2 =	sld [smem:$0x3FFD];
	_ =	sdelay $0x3  }
0x9c: {  	_ =	strace s2  }
0x9d: {  	_ =	strace $0x8FFFFFFF  }
0x9e: {  	s19 =	sld [smem:$0x3FDB];
	_ =	sdelay $0x1  }
0x9f: {  	s20 =	simm.s32 $_scs_section_size  }
0xa0: {  	s5 =	simm.s32 $_size__tile_overlayer_lowered;
	s6 =	simm.s32 $_tile_overlayer_lowered  }
0xa1: {  	s7 =	simm.s32 $0x1BFF;
	s21 =	sshll.u32 s6, $0x1;
	s4 =	sadd.s32 s20, s19  }
0xa2: {  	s22 =	simm.s32 $0x0;
	s5 =	sshll.u32 s5, $0x1;
	s6 =	sadd.s32 s21, s4  }
0xa3: {  	[timem:s22], [sflag:s7] =	dma.local [hbm:s6], s5  }
0xa4: {  	_ =	swait.ge [sflag:s7], s5  }
0xa5: {  	s5 =	ssub.s32 $0x0, s5;
	[sflag:s7] =	ssyncset.done $0x0  }
0xa6: {  	[sflag:s7] =	ssyncadd.s32 s5;
	_ =	sdelay $0x1  }
0xa7: {  	s23 =	simm.s32 $0x1B8B  }
0xa8: {  	_ =	swait.ge [sflag:s23], $0x1  }
0xa9: {  	[sflag:s23] =	ssyncset.done $0x0  }
0xaa: {  	[sflag:s23] =	ssyncadd.s32 $0xFFFFFFFF  }
0xab: {  	s5 =	sld [smem:$0x0]  }
0xac: {  	s6 =	sand.u32 $0xFFFFFFFE, s1  }
0xad: {  	p0 =	sne.s32 s1, s6  }
0xae: {  	s6 =	sshll.u32 @p0 s6, $0xE  }
0xaf: {  	s6 =	sadd.s32 @p0 $0x11B8D, s6;
	s7 =	sshll.u32 @p0 s5, $0x11  }
0xb0: {  	s6 =	sor.u32 @p0 s7, s6  }
0xb1: {  	[sflag:s6] =	ssyncadd.remote.s32 @p0 $0x1;
	_ =	sdelay $0x1  }
0xb2: {  	s6 =	simm.s32 @p0 $0x1B8D  }
0xb3: {  	_ =	swait.eq @p0 [sflag:s6], $0x1  }
0xb4: {  	[sflag:s6] =	ssyncadd.s32 @p0 $0xFFFFFFFF  }
0xb5: {  	s7 =	sshll.u32 @!p0 s1, $0xE  }
0xb6: {  	s7 =	sor.u32 @!p0 $0x4000, s7;
	s6 =	simm.s32 @!p0 $0x1B8D  }
0xb7: {  	s5 =	sshll.u32 @!p0 s5, $0x11;
	s7 =	sadd.s32 @!p0 $0x11B8D, s7;
	_ =	swait.eq @!p0 [sflag:s6], $0x1  }
0xb8: {  	s5 =	sor.u32 @!p0 s5, s7;
	[sflag:s6] =	ssyncadd.s32 @!p0 $0xFFFFFFFF  }
0xb9: {  	s25 =	simm.s32 $0x1B8E;
	s24 =	sld [smem:$0x3FFE];
	[sflag:s5] =	ssyncadd.remote.s32 @!p0 $0x1  }
0xba: {  	s26 =	simm.s32 $execute0_lowered;
	[smem:$0x3FD2] =	sst s25  }
0xbb: {  	s6 =	sshll.u32 s26, $0x1;
	_ =	strace $0x8000004F;
	[dreg:$0x1] =	wrdreg $0xFFFFFFFF  }
0xbc: {  	s28 =	simm.s32 $_size_execute0_lowered;
	s4 =	sadd.s32 s4, s6;
	[dreg:$0x0] =	wrdreg $0x0  }
0xbd: {  	s6 =	sshll.u32 s28, $0x1;
	[dreg:$0x2] =	wrdreg s4  }
0xbe: {  	[dreg:$0x3] =	wrdreg s6  }
0xbf: {  	[dreg:$0x4] =	wrdreg $0xC0  }
0xc0: {  	_ =	task [dreg:s22], $0x5FFFF  }
0xc1: {  	[dreg:$0x1] =	wrdreg $0xFFFFFFFF  }
0xc2: {  	[dreg:$0x0] =	wrdreg $0x60  }
0xc3: {  	[dreg:$0x2] =	wrdreg s24  }
0xc4: {  	[dreg:$0x3] =	wrdreg s17  }
0xc5: {  	[dreg:$0x4] =	wrdreg $0x1A000  }
0xc6: {  	[dreg:$0x5] =	wrdreg $0x6A800  }
0xc7: {  	[dreg:$0x6] =	wrdreg $0x9  }
0xc8: {  	_ =	task.clear_ibuf [dreg:s22], $0x7FFFF;
	_ =	strace $0x9000004F  }
0xc9: {  	s29 =	simm.s32 $0x9;
	_ =	strace $0x80000051  }
0xca: {  	_ =	swait.ge [sflag:s29], $0x1  }
0xcb: {  	[sflag:s29] =	ssyncadd.s32 $0xFFFFFFFF  }
0xcc: {  	_ =	strace $0x90000051  }
0xcd: {  	_ =	sfence  }
0xce: {  	s30 =	sld [smem:$0x0];
	_ =	sdelay $0x2  }
0xcf: {  	s31 =	sshll.u32 s1, $0xD;
	s1 =	sshrl.u32 s1, $0x2  }
0xd0: {  	s4 =	sand.u32 $0x4000, s31;
	s1 =	sadd.s32 s1, s30  }
0xd1: {  	s0 =	sor.u32 s4, s0;
	s1 =	sshll.u32 s1, $0x11  }
0xd2: {  	s0 =	sor.u32 s1, s0  }
0xd3: {  	s0 =	sadd.s32 $0x8F2B, s0  }
0xd4: {  	[sflag:s0] =	ssyncadd.remote.s32 $0x1  }
0xd5: {  	_ =	sfence.sel $0xFFFF  }
0xd6: {  	[dreg:$0x0] =	wrdreg $0xFFFFFFFF;
	(pc) =	sbr.abs _section_cstart, $3  }
0xd7: {  	[dreg:$0x1] =	wrdreg $0xFFFFFFFF  }
0xd8: {  	_ =	task.clear_ibuf [dreg:s22], $0x2FFFF;
	_ =	strace $0x9FFFFFFF  }
0xd9: {  	(tm) =	ssettm $0x7FFFFFFF  }
tec
execute0_lowered:
.L_overlay_start_1:
0x0: {  	(tag) =	ssettag $0x1  }
0x1: {  	s6 =	rddreg [dreg:$0x0]  }
0x2: {  	s0 =	srdreg.scid;
	s2 =	rddreg [dreg:$0x2]  }
0x3: {  	s13 =	stileid.u32;
	s3 =	rddreg [dreg:$0x3];
	s4 =	simm.s32 $0x0  }
0x4: {  	s18 =	simm.s32 $0x80;
	s19 =	simm.s32 $0x0;
	s9 =	smul.u32 $0x5000, s13  }
0x5: {  	s7 =	sand.u32 $0x1, s0;
	s0 =	rddreg [dreg:$0x1];
	s10 =	smul.u32 $0x280, s13  }
0x6: {  	[smem:$0x7FF] =	sst s4;
	s31 =	sshll.u32 s13, $0x6;
	s17 =	smul.u32 $0x2800, s13  }
0x7: {  	p0 =	sne.s32 s13, $0x0;
	s1 =	sshll.u32 s7, $0x4;
	s5 =	smul.u32 $0x28000, s7  }
0x8: {  	s11 =	smul.u32 $0x2800, s7;
	s7 =	ssub.s32 $0x2, s7;
	s1 =	sor.u32 s13, s1  }
0x9: {  	s30 =	sshrl.u32 s9, $0x3;
	s15 =	sshrl.u32 s7, $0x1;
	s16 =	sadd.s32 s9, s2  }
0xa: {  	s8 =	smul.u32 $0xA00, s1;
	s1 =	rddreg [dreg:$0x4];
	_ =	strace $0x80000050  }
0xb: {  	s12 =	sadd.s32 s5, s6;
	s10 =	sadd.s32 s10, s11;
	s5 =	sadd.s32 $0x18E000, s6  }
0xc: {  	s11 =	sshrl.u32 s11, $0x3;
	s15 =	ssub.s32 s7, s15;
	s7 =	sor.u32 $0x1C01, s31  }
0xd: {  	s13 =	sshrl.u32 s16, $0x3;
	s16 =	simm.s32 $0x6A00;
	s10 =	sshll.u32 s10, $0x2  }
0xe: {  	s11 =	sadd.s32 s11, s6;
	s12 =	sadd.s32 s17, s12;
	s17 =	simm.s32 $0xA00  }
0xf: {  	s29 =	sshrl.u32 s8, $0x3;
	s8 =	sadd.s32 s30, s6;
	s10 =	sadd.s32 s10, s6  }
0x10: {  	s12 =	sadd.s32 $0x94000, s12;
	s14 =	sadd.s32 s29, s6;
	s6 =	sadd.s32 $0x184000, s8  }
0x11: {  	s9 =	sadd.s32 $0x1A3000, s10;
	s10 =	sadd.s32 $0x32800, s11;
	s11 =	smax.u32 s15, $0x1  }
0x12: {  	s15 =	sshrl.u32 @!p0 s3, $0x3;
	s8 =	sadd.s32 $0x91800, s14;
	s14 =	simm.s32 $0x1  }
.LBB2_1:
0x13: {  	[spmem:s13], [sflag:s7] =	dma.local [hbm:s6], $0xA00  }
0x14: {  	_ =	swait.ge [sflag:s14], $0xA00  }
0x15: {  	[sflag:s14] =	ssyncset.done $0x0  }
0x16: {  	s20 =	simm.s32 @!p0 $0x1;
	[sflag:s14] =	ssyncadd.s32 $0xFFFFF600  }
0x17: {  	[spmem:s15], [sflag:s7] =	dma.local @!p0 [hbm:s5], $0x500  }
0x18: {  	_ =	swait.ge @!p0 [sflag:s20], $0x500  }
0x19: {  	[sflag:s20] =	ssyncset.done @!p0 $0x0  }
0x1a: {  	[sflag:s20] =	ssyncadd.s32 @!p0 $0xFFFFFB00  }
0x1b: {  	[tilespmem:s16], [sflag:$0x1] =	stream.linear.gather [hbm4b:s0+s4], $0x80, $0x38;
	[tilespmem:$0x6D00] =	vst v63  }
0x1c: {  	_ =	swait.ge [sflag:s14], $0x80  }
0x1d: {  	[sflag:s14] =	ssyncset.done $0x0  }
0x1e: {  	[sflag:s14] =	ssyncadd.s32 $0xFFFFFF80  }
0x1f: {  	[tilespmem:s4], [sflag:$0x1] =	stream.linear.gather [hbm4b:s8+s4], $0xA00, $0x38;
	[tilespmem:$0x6D00] =	vst v63  }
0x20: {  	_ =	swait.ge [sflag:s14], $0xA00  }
0x21: {  	[sflag:s14] =	ssyncset.done $0x0  }
0x22: {  	[sflag:s14] =	ssyncadd.s32 $0xFFFFF600  }
0x23: {  	s30 =	sadd.s32 $0x0, s12;
	[bflag:$0x0] =	sbarrier.arrive $0xFFFF  }
0x24: {  	[tilespmem:s17], [sflag:$0x1] =	stream.linear.gather [hbm4b:s30+s4], $0x1000, $0x38;
	[tilespmem:$0x6D00] =	vst v63  }
0x25: {  	_ =	swait.ge [sflag:s14], $0x1000  }
0x26: {  	[sflag:s14] =	ssyncset.done $0x0  }
0x27: {  	s31 =	simm.s32 $0x0;
	[sflag:s14] =	ssyncadd.s32 $0xFFFFF000  }
0x28: {  	[spmem:s2] =	stream.indirect.scatter.add.f32 [tilespmem:s17], [sflag:$0x1], $0x20, s31, s18, $0xb8;
	[tilespmem:$0x6D00] =	vst v63  }
0x29: {  	_ =	swait.ge [sflag:s14], $0x1000  }
0x2a: {  	[sflag:s14] =	ssyncset.done $0x0  }
0x2b: {  	[sflag:s14] =	ssyncadd.s32 $0xFFFFF000  }
0x2c: {  	[spmem:s3] =	stream.indirect.scatter.add.f32 [tilespmem:s16], [sflag:$0x1], $0x1, s31, s18, $0xb8;
	[tilespmem:$0x6D00] =	vst v63  }
0x2d: {  	_ =	swait.ge [sflag:s14], $0x80  }
0x2e: {  	s21 =	simm.s32 $0x400;
	s20 =	simm.s32 $0x200;
	[sflag:s14] =	ssyncset.done $0x0  }
.LBB2_2:
0x2f: {  	s22 =	sadd.s32 s20, s12  }
0x30: {  	[sflag:s14] =	ssyncadd.s32 $0xFFFFFF80;
	s23 =	smov.u32 s21;
	s24 =	sadd.s32 $0x200, s21  }
0x31: {  	[tilespmem:s17], [sflag:$0x1] =	stream.linear.gather [hbm4b:s22+s4], $0x1000, $0x38;
	[tilespmem:$0x6D00] =	vst v63  }
0x32: {  	p1 =	sne.s32 s21, $0x2600;
	_ =	swait.ge [sflag:s14], $0x1000  }
0x33: {  	[sflag:s14] =	ssyncset.done $0x0  }
0x34: {  	s21 =	sshra.s32 s20, $0x2;
	s20 =	smov.u32 s23;
	[sflag:s14] =	ssyncadd.s32 $0xFFFFF000  }
0x35: {  	[spmem:s2] =	stream.indirect.scatter.add.f32 [tilespmem:s17], [sflag:$0x1], $0x20, s21, s18, $0xb8;
	[tilespmem:$0x6D00] =	vst v63  }
0x36: {  	_ =	swait.ge [sflag:s14], $0x1000  }
.Ltmp0:
0x37: {  	[sflag:s14] =	ssyncset.done $0x0;
	(pc) =	sbr.rel @p1 .LBB2_2-.Ltmp0, $4  }
0x38: {  	[sflag:s14] =	ssyncadd.s32 $0xFFFFF000  }
0x39: {  	[spmem:s3] =	stream.indirect.scatter.add.f32 [tilespmem:s16], [sflag:$0x1], $0x1, s21, s18, $0xb8;
	[tilespmem:$0x6D00] =	vst v63  }
0x3a: {  	_ =	swait.ge [sflag:s14], $0x80  }
0x3b: {  	s21 =	smov.u32 s24;
	[sflag:s14] =	ssyncset.done $0x0  }
0x3c: {  	s21 =	sadd.s32 s20, s12;
	[sflag:s14] =	ssyncadd.s32 $0xFFFFFF80  }
0x3d: {  	[tilespmem:s17], [sflag:$0x1] =	stream.linear.gather [hbm4b:s21+s4], $0x1000, $0x38;
	[tilespmem:$0x6D00] =	vst v63  }
0x3e: {  	_ =	swait.ge [sflag:s14], $0x1000  }
0x3f: {  	[sflag:s14] =	ssyncset.done $0x0  }
0x40: {  	s31 =	sshra.s32 s20, $0x2;
	[sflag:s14] =	ssyncadd.s32 $0xFFFFF000  }
0x41: {  	[spmem:s2] =	stream.indirect.scatter.add.f32 [tilespmem:s17], [sflag:$0x1], $0x20, s31, s18, $0xb8;
	[tilespmem:$0x6D00] =	vst v63  }
0x42: {  	_ =	swait.ge [sflag:s14], $0x1000  }
0x43: {  	[sflag:s14] =	ssyncset.done $0x0  }
0x44: {  	[sflag:s14] =	ssyncadd.s32 $0xFFFFF000  }
0x45: {  	[spmem:s3] =	stream.indirect.scatter.add.f32 [tilespmem:s16], [sflag:$0x1], $0x1, s31, s18, $0xb8;
	[tilespmem:$0x6D00] =	vst v63  }
0x46: {  	_ =	swait.ge [sflag:s14], $0x80  }
0x47: {  	[sflag:s14] =	ssyncset.done $0x0  }
0x48: {  	[sflag:s14] =	ssyncadd.s32 $0xFFFFFF80  }
0x49: {  	[bflag:$0x0] =	sbarrier.arrive $0xFFFF  }
0x4a: {  	[hbm:s9], [sflag:s7] =	dma.local [spmem:s13], $0xA00  }
0x4b: {  	s19 =	sadd.s32 $0x1, s19;
	_ =	swait.ge [sflag:s14], $0xA00  }
0x4c: {  	p1 =	sne.s32 s19, s11;
	[sflag:s14] =	ssyncset.done $0x0  }
.Ltmp1:
0x4d: {  	s20 =	simm.s32 @!p0 $0x1;
	[sflag:s14] =	ssyncadd.s32 $0xFFFFF600;
	(pc) =	sbr.rel @p1 .LBB2_1-.Ltmp1, $4  }
0x4e: {  	[hbm:s10], [sflag:s7] =	dma.local @!p0 [spmem:s15], $0x500  }
0x4f: {  	_ =	swait.ge @!p0 [sflag:s20], $0x500  }
0x50: {  	[sflag:s20] =	ssyncset.done @!p0 $0x0  }
0x51: {  	[sflag:s20] =	ssyncadd.s32 @!p0 $0xFFFFFB00  }
0x52: {  	_ =	sfence.sel $0x180000  }
0x53: {  	[bflag:$0x0] =	sbarrier.arrive $0xFFFF  }
0x54: {  	_ =	strace $0x90000050  }
0x55: {  	s0 =	sadd.s32 @!p0 $0x100000, s1;
	[bflag:$0x2] =	sbarrier.arrive $0xFFFF  }
0x56: {  	[sflag:s0] =	ssyncadd.tile.s32 @!p0 $0x1;
	_ =	shalt  }
.Lfunc_end2:
_tile_overlayer_lowered:
.L_overlay_start_2:
0x57: {  	(tag) =	ssettag $0x2  }
0x58: {  	s0 =	rddreg [dreg:$0x0];
	s2 =	stileid.u32  }
0x59: {  	s1 =	rddreg [dreg:$0x1];
	p0 =	sne.s32 s2, $0x0  }
0x5a: {  	s3 =	rddreg [dreg:$0x2];
	[bflag:$0x3] =	sbarrier.arrive $0xFFFF;
	s2 =	simm.s32 @!p0 $0x1C01  }
0x5b: {  	[timem:s3], [sflag:s2] =	dma.local @!p0 [hbm:s0], s1  }
0x5c: {  	s0 =	simm.s32 @!p0 $0x1  }
0x5d: {  	_ =	swait.ge @!p0 [sflag:s0], s1  }
0x5e: {  	s1 =	ssub.s32 @!p0 $0x0, s1;
	[sflag:s0] =	ssyncset.done @!p0 $0x0  }
0x5f: {  	[sflag:s0] =	ssyncadd.s32 @!p0 s1  }
0x60: {  	[bflag:$0x3] =	sbarrier.arrive $0xFFFF  }
0x61: {  	_ =	shalt  }

// kernel: kernel.22.cloned.1.call-start
scs
__scs_entry_jumppad:
0x0: {  	(pc) =	sbr.rel $0x88, $3  }
0x1: {  	(tag) =	ssettag $0x0;
	lr =	simm.s32 $0x1  }
0x2: {  	[smem:$0x3F8B] =	sst lr;
	_ =	strace $0xD0000000  }
0x3: {  	_ = 	snop  }
0x4: {  	_ = 	snop  }
0x5: {  	_ = 	snop  }
0x6: {  	_ = 	snop  }
0x7: {  	_ = 	snop  }
__scs_overlays_trampoline_lowered:
0x8: {  	[smem:$0x3F9A] =	sst s0  }
0x9: {  	[smem:$0x3F9B] =	sst s1  }
0xa: {  	[smem:$0x3F9C] =	sst s2  }
0xb: {  	[smem:$0x3F9D] =	sst s3  }
0xc: {  	[smem:$0x3F9E] =	sst s4  }
0xd: {  	[smem:$0x3F9F] =	sst s5  }
0xe: {  	[smem:$0x3FA0] =	sst s6  }
0xf: {  	[smem:$0x3FA1] =	sst s7  }
0x10: {  	[smem:$0x3FA2] =	sst s8  }
0x11: {  	[smem:$0x3FA3] =	sst s9;
	s0 =	simm.s32 @!p0 $0x0  }
0x12: {  	s1 =	sld [smem:$0x3F89];
	s0 =	simm.s32 @p0 $0x1  }
0x13: {  	[smem:$0x3FA4] =	sst s0;
	s0 =	simm.s32 @!p1 $0x0  }
0x14: {  	s2 =	sld [smem:$0x3F88];
	s0 =	simm.s32 @p1 $0x1  }
0x15: {  	[smem:$0x3FA5] =	sst s0;
	s0 =	simm.s32 @!p2 $0x0  }
0x16: {  	s3 =	sld [smem:$0x3FDB];
	s0 =	simm.s32 @p2 $0x1  }
0x17: {  	s4 =	simm.s32 $0x1BF5;
	[smem:$0x3FA7] =	sst s0  }
0x18: {  	s0 =	sld [smem:$0x3F8A];
	_ =	swait.ge [sflag:s4], $0x0  }
0x19: {  	s7 =	sld [smem:$0x3F8B]  }
0x1a: {  	s8 =	sadd.s32 $0xFFFFE003, lr  }
0x1b: {  	s9 =	sadd.s32 $0xFFFFFEF7, lr;
	s5 =	simm.s32 $0xFFFFFFFF;
	p2 =	slt.u32 s8, $0xFFFFF086  }
0x1c: {  	p1 =	slt.u32 s9, $0xF7A;
	s5 =	simm.s32 @!p2 $0x0  }
0x1d: {  	s5 =	simm.s32 @p1 $0x1;
	p0 =	seq.s32 s7, s2  }
0x1e: {  	s7 =	smul.u32 @!p0 $0xF7A, s2;
	p2 =	seq.s32 @!p0 s5, $0x0  }
0x1f: {  	s9 =	smul.u32 $0xF7A, s1;
	s8 =	simm.s32 @!p0 $0x1BF5;
	p2 =	por !p2, p0  }
0x20: {  	[sflag:s8] =	ssyncset.s32 @!p0 $0xFFFFF086;
	s6 =	sadd.s32 @!p0 s3, s7;
	s7 =	simm.s32 @!p0 $0x108  }
0x21: {  	s3 =	sadd.s32 s3, s9;
	s6 =	sadd.s32 @!p0 $0x88, s6;
	s7 =	simm.s32 @p2 $0x1082  }
0x22: {  	[simem:s7], [sflag:s8] =	dma.local @!p0 [hbm:s6], $0xF7A  }
0x23: {  	s9 =	sor.u32 $0xD0000000, s2;
	s6 =	simm.s32 $0x108;
	_ =	swait.ge @!p0 [sflag:s8], $0x0  }
0x24: {  	s3 =	sadd.s32 $0x88, s3;
	s6 =	simm.s32 @!p1 $0x1082;
	[sflag:s4] =	ssyncset.s32 $0xFFFFF086  }
0x25: {  	[simem:s6], [sflag:s4] =	dma.local [hbm:s3], $0xF7A  }
0x26: {  	[smem:$0x3F8B] =	sst s1;
	(tag) =	ssettag s2;
	_ =	strace s9  }
0x27: {  	s1 =	sld [smem:$0x3F9B]  }
0x28: {  	s2 =	sld [smem:$0x3F9C]  }
0x29: {  	s4 =	sld [smem:$0x3F9E]  }
0x2a: {  	p0 =	seq.s32 s5, $0x0;
	s5 =	sld [smem:$0x3F9F]  }
0x2b: {  	s6 =	sld [smem:$0x3FA0]  }
0x2c: {  	s7 =	sld [smem:$0x3FA1]  }
0x2d: {  	s3 =	simm.s32 $0x108;
	s8 =	sld [smem:$0x3FA2]  }
0x2e: {  	s3 =	simm.s32 @!p0 $0x1082;
	s9 =	sld [smem:$0x3FA3]  }
0x2f: {  	lr =	sadd.s32 s0, s3;
	s0 =	sld [smem:$0x3F9A]  }
0x30: {  	s3 =	sld [smem:$0x3F9D]  }
0x31: {  	[smem:$0x3FA6] =	sst s10  }
0x32: {  	s10 =	sld [smem:$0x3FA4];
	_ =	sdelay $0x3  }
0x33: {  	p0 =	seq.s32 s10, $0x1;
	s10 =	sld [smem:$0x3FA6];
	_ =	sdelay $0x3  }
0x34: {  	[smem:$0x3FA6] =	sst s10  }
0x35: {  	s10 =	sld [smem:$0x3FA5];
	_ =	sdelay $0x3  }
0x36: {  	p1 =	seq.s32 s10, $0x1;
	s10 =	sld [smem:$0x3FA6];
	_ =	sdelay $0x3  }
0x37: {  	[smem:$0x3FA6] =	sst s10  }
0x38: {  	s10 =	sld [smem:$0x3FA7]  }
0x39: {  	_ = 	snop;
	(pc) =	sbr.ind lr, $3  }
0x3a: {  	_ = 	snop  }
0x3b: {  	_ = 	snop  }
0x3c: {  	p2 =	seq.s32 s10, $0x1;
	s10 =	sld [smem:$0x3FA6]  }
0x3d: {  	_ =	shalt  }
0x3e: {  	_ =	shalt  }
0x3f: {  	_ =	shalt  }
0x40: {  	_ =	shalt  }
0x41: {  	_ =	shalt  }
0x42: {  	_ =	shalt  }
0x43: {  	_ =	shalt  }
0x44: {  	_ =	shalt  }
0x45: {  	_ =	shalt  }
0x46: {  	_ =	shalt  }
0x47: {  	_ =	shalt  }
0x48: {  	_ =	shalt  }
0x49: {  	_ =	shalt  }
0x4a: {  	_ =	shalt  }
0x4b: {  	_ =	shalt  }
0x4c: {  	_ =	shalt  }
0x4d: {  	_ =	shalt  }
0x4e: {  	_ =	shalt  }
0x4f: {  	_ =	shalt  }
0x50: {  	_ =	shalt  }
0x51: {  	_ =	shalt  }
0x52: {  	_ =	shalt  }
0x53: {  	_ =	shalt  }
0x54: {  	_ =	shalt  }
0x55: {  	_ =	shalt  }
0x56: {  	_ =	shalt  }
0x57: {  	_ =	shalt  }
0x58: {  	_ =	shalt  }
0x59: {  	_ =	shalt  }
0x5a: {  	_ =	shalt  }
0x5b: {  	_ =	shalt  }
0x5c: {  	_ =	shalt  }
0x5d: {  	_ =	shalt  }
0x5e: {  	_ =	shalt  }
0x5f: {  	_ =	shalt  }
0x60: {  	_ =	shalt  }
0x61: {  	_ =	shalt  }
0x62: {  	_ =	shalt  }
0x63: {  	_ =	shalt  }
0x64: {  	_ =	shalt  }
0x65: {  	_ =	shalt  }
0x66: {  	_ =	shalt  }
0x67: {  	_ =	shalt  }
0x68: {  	_ =	shalt  }
0x69: {  	_ =	shalt  }
0x6a: {  	_ =	shalt  }
0x6b: {  	_ =	shalt  }
0x6c: {  	_ =	shalt  }
0x6d: {  	_ =	shalt  }
0x6e: {  	_ =	shalt  }
0x6f: {  	_ =	shalt  }
0x70: {  	_ =	shalt  }
0x71: {  	_ =	shalt  }
0x72: {  	_ =	shalt  }
0x73: {  	_ =	shalt  }
0x74: {  	_ =	shalt  }
0x75: {  	_ =	shalt  }
0x76: {  	_ =	shalt  }
0x77: {  	_ =	shalt  }
0x78: {  	_ =	shalt  }
0x79: {  	_ =	shalt  }
0x7a: {  	_ =	shalt  }
0x7b: {  	_ =	shalt  }
0x7c: {  	_ =	shalt  }
0x7d: {  	_ =	shalt  }
0x7e: {  	_ =	shalt  }
0x7f: {  	_ =	shalt  }
0x80: {  	_ =	shalt  }
0x81: {  	_ =	shalt  }
0x82: {  	_ =	shalt  }
0x83: {  	_ =	shalt  }
0x84: {  	_ =	shalt  }
0x85: {  	_ =	shalt  }
0x86: {  	_ =	shalt  }
0x87: {  	_ =	shalt  }
.Lfunc_end0:
.L_simem_size_0:
called_computation.2_lowered:
.L_overlay_start_0:
0x88: {  	s2 =	sld [smem:$0x3FD9]  }
0x89: {  	s3 =	sld [smem:$0x3FFE];
	_ =	sdelay $0x1  }
0x8a: {  	s1 =	srdreg.scid  }
0x8b: {  	s0 =	sand.u32 $0x1, s1  }
0x8c: {  	s16 =	sshll.u32 s0, $0xA;
	s2 =	sadd.s32 s3, s2  }
0x8d: {  	s2 =	sadd.s32 s2, s16  }
0x8e: {  	[smem:$0x3FB2] =	sst s2  }
0x8f: {  	_ = 	snop  }
0x90: {  	(tm) =	ssettm $0x1  }
0x91: {  	s17 =	sld [smem:$0x3FFB];
	_ =	sdelay $0x3  }
0x92: {  	_ =	strace s17  }
0x93: {  	s2 =	sld [smem:$0x3FFC];
	_ =	sdelay $0x3  }
0x94: {  	_ =	strace s2  }
0x95: {  	s2 =	sld [smem:$0x3FFD];
	_ =	sdelay $0x3  }
0x96: {  	_ =	strace s2  }
0x97: {  	_ =	strace $0x8FFFFFFF  }
0x98: {  	s18 =	sld [smem:$0x3FDB];
	_ =	sdelay $0x1  }
0x99: {  	s19 =	simm.s32 $_scs_section_size  }
0x9a: {  	s4 =	simm.s32 $_size__tile_overlayer_lowered;
	s5 =	simm.s32 $_tile_overlayer_lowered  }
0x9b: {  	s22 =	simm.s32 $0x1BFF;
	s21 =	sshll.u32 s5, $0x1;
	s2 =	sadd.s32 s19, s18  }
0x9c: {  	s6 =	simm.s32 $0x0;
	s20 =	sshll.u32 s4, $0x1;
	s4 =	sadd.s32 s21, s2  }
0x9d: {  	[timem:s6], [sflag:s22] =	dma.local [hbm:s4], s20  }
0x9e: {  	_ =	swait.ge [sflag:s22], s20  }
0x9f: {  	s3 =	ssub.s32 $0x0, s20;
	[sflag:s22] =	ssyncset.done $0x0  }
0xa0: {  	[sflag:s22] =	ssyncadd.s32 s3;
	_ =	sdelay $0x1  }
0xa1: {  	s23 =	simm.s32 $0x1B8B  }
0xa2: {  	_ =	swait.ge [sflag:s23], $0x1  }
0xa3: {  	[sflag:s23] =	ssyncset.done $0x0  }
0xa4: {  	s25 =	simm.s32 $0x1B8E;
	s24 =	sld [smem:$0x3FFE];
	[sflag:s23] =	ssyncadd.s32 $0xFFFFFFFF  }
0xa5: {  	s26 =	simm.s32 $execute0_lowered;
	[smem:$0x3FD2] =	sst s25  }
0xa6: {  	s4 =	sshll.u32 s26, $0x1;
	_ =	strace $0x80000046;
	[dreg:$0x1] =	wrdreg $0xFFFFFFFF  }
0xa7: {  	s28 =	simm.s32 $_size_execute0_lowered;
	s2 =	sadd.s32 s2, s4;
	[dreg:$0x0] =	wrdreg $0x0  }
0xa8: {  	s4 =	sshll.u32 s28, $0x1;
	[dreg:$0x2] =	wrdreg s2  }
0xa9: {  	[dreg:$0x3] =	wrdreg s4  }
0xaa: {  	[dreg:$0x4] =	wrdreg $0xC0  }
0xab: {  	_ =	task [dreg:s6], $0x5FFFF  }
0xac: {  	[dreg:$0x1] =	wrdreg $0xFFFFFFFF  }
0xad: {  	[dreg:$0x0] =	wrdreg $0x60  }
0xae: {  	[dreg:$0x2] =	wrdreg s24  }
0xaf: {  	[dreg:$0x3] =	wrdreg $0xA  }
0xb0: {  	_ =	task.clear_ibuf [dreg:s6], $0x4FFFF;
	_ =	strace $0x90000046  }
0xb1: {  	s29 =	simm.s32 $0xA;
	_ =	strace $0x80000048  }
0xb2: {  	_ =	swait.ge [sflag:s29], $0x1  }
0xb3: {  	[sflag:s29] =	ssyncadd.s32 $0xFFFFFFFF  }
0xb4: {  	_ =	strace $0x90000048  }
0xb5: {  	_ =	sfence  }
0xb6: {  	s30 =	sld [smem:$0x0];
	_ =	sdelay $0x2  }
0xb7: {  	s31 =	sshll.u32 s1, $0xD;
	s1 =	sshrl.u32 s1, $0x2  }
0xb8: {  	s3 =	sand.u32 $0x4000, s31;
	s1 =	sadd.s32 s1, s30  }
0xb9: {  	s0 =	sor.u32 s3, s0;
	s1 =	sshll.u32 s1, $0x11  }
0xba: {  	s0 =	sor.u32 s1, s0  }
0xbb: {  	s0 =	sadd.s32 $0x8F2B, s0  }
0xbc: {  	[sflag:s0] =	ssyncadd.remote.s32 $0x1  }
0xbd: {  	_ =	sfence.sel $0xFFFF  }
0xbe: {  	[dreg:$0x0] =	wrdreg $0xFFFFFFFF;
	(pc) =	sbr.abs _section_cstart, $3  }
0xbf: {  	[dreg:$0x1] =	wrdreg $0xFFFFFFFF  }
0xc0: {  	_ =	task.clear_ibuf [dreg:s6], $0x2FFFF;
	_ =	strace $0x9FFFFFFF  }
0xc1: {  	(tm) =	ssettm $0x7FFFFFFF  }
tec
execute0_lowered:
.L_overlay_start_1:
0x0: {  	(tag) =	ssettag $0x1  }
0x1: {  	s0 =	srdreg.scid  }
0x2: {  	s5 =	rddreg [dreg:$0x0];
	s1 =	stileid.u32  }
0x3: {  	s2 =	simm.s32 $0x0;
	s12 =	simm.s32 $0x0;
	s4 =	sand.u32 $0x1, s0  }
0x4: {  	s0 =	rddreg [dreg:$0x1];
	s10 =	smul.u32 $0x14000, s1;
	s3 =	sshll.u32 s4, $0x4  }
0x5: {  	[smem:$0x7FF] =	sst s2;
	s9 =	smul.u32 $0x140000, s4;
	s3 =	sor.u32 s1, s3  }
0x6: {  	s11 =	sadd.s32 $0x3F000, s5;
	s8 =	ssub.s32 $0x2, s4;
	s6 =	smul.u32 $0x140, s3  }
0x7: {  	_ =	strace $0x80000047;
	s28 =	sshrl.u32 s8, $0x1;
	s7 =	smul.u32 $0x14000, s3  }
0x8: {  	s3 =	sadd.s32 $0x32800, s5;
	s29 =	ssub.s32 s8, s28;
	s31 =	sadd.s32 s10, s9  }
0x9: {  	s8 =	simm.s32 $0x3;
	s9 =	simm.s32 $0xA00;
	s10 =	simm.s32 $0x2  }
0xa: {  	s26 =	sadd.s32 s6, s5;
	s30 =	sshrl.u32 s7, $0x3;
	s5 =	smax.u32 s29, $0x1  }
0xb: {  	s7 =	sshrl.u32 s31, $0x3;
	s4 =	sadd.s32 $0x3C800, s26;
	s6 =	sadd.s32 s11, s30  }
0xc: {  	s7 =	sadd.s32 s7, s11;
	s11 =	simm.s32 $0x1A00;
	s6 =	sadd.s32 $0x2600, s6  }
.LBB2_1:
0xd: {  	[tilespmem:s2], [sflag:$0x3] =	stream.linear.gather [hbm4b:s4+s2], $0xA00, $0x38;
	[tilespmem:$0x2A00] =	vst v63  }
0xe: {  	_ =	swait.ge [sflag:s8], $0xA00  }
0xf: {  	s14 =	sand.u32 $0x1, s2;
	[sflag:s8] =	ssyncset.done $0x0  }
0x10: {  	s13 =	simm.s32 $0x80;
	p0 =	seq.s32 s14, $0x1;
	[sflag:s8] =	ssyncadd.s32 $0xFFFFF600  }
0x11: {  	[tilespmem:s9], [sflag:$0x1] =	stream.indirect.gather [hbm4b:s3+s13], $0x20, s2, s13, $0xb8;
	[tilespmem:$0x2A00] =	vst v63  }
0x12: {  	s14 =	simm.s32 @p0 $0x80;
	s15 =	simm.s32 @p0 $0xA00;
	s16 =	simm.s32 @p0 $0x2  }
0x13: {  	[tilespmem:s15], [sflag:$0x1] =	stream.indirect.gather @p0 [hbm4b:s3+s14], $0x20, s13, s14, $0xb8;
	[tilespmem:$0x2A00] =	vst v63  }
0x14: {  	_ =	swait.ge @p0 [sflag:s16], $0x1000  }
0x15: {  	[sflag:s16] =	ssyncset.done @p0 $0x0  }
0x16: {  	s14 =	simm.s32 @p0 $0x0;
	s15 =	simm.s32 @p0 $0x1A00;
	[sflag:s16] =	ssyncadd.s32 @p0 $0xFFFFF000  }
0x17: {  	[hbm4b:s7+s14] =	stream.linear.scatter @p0 [tilespmem:s15], [sflag:$0x3], $0x1000, $0x38;
	[tilespmem:$0x2A00] =	vst v63  }
0x18: {  	s17 =	simm.s32 @!p0 $0x1;
	s14 =	simm.s32 @!p0 $0x80;
	s15 =	simm.s32 @!p0 $0x1A00  }
0x19: {  	[tilespmem:s15], [sflag:$0x2] =	stream.indirect.gather @!p0 [hbm4b:s3+s14], $0x20, s13, s14, $0xb8;
	[tilespmem:$0x2A00] =	vst v63  }
0x1a: {  	s16 =	simm.s32 @!p0 $0x4;
	_ =	swait.ge @!p0 [sflag:s17], $0x1000  }
0x1b: {  	s31 =	simm.s32 $0x1;
	s16 =	simm.s32 @p0 $0x3;
	[sflag:s17] =	ssyncset.done @!p0 $0x0  }
0x1c: {  	s14 =	simm.s32 @!p0 $0xA00;
	[sflag:s17] =	ssyncadd.s32 @!p0 $0xFFFFF000;
	s17 =	simm.s32 @!p0 $0x0  }
0x1d: {  	[hbm4b:s7+s17] =	stream.linear.scatter @!p0 [tilespmem:s14], [sflag:$0x4], $0x1000, $0x38;
	[tilespmem:$0x2A00] =	vst v63  }
0x1e: {  	s15 =	simm.s32 $0x2;
	s13 =	sand.u32 $0x1, s31;
	s14 =	simm.s32 $0x100  }
0x1f: {  	p0 =	seq.s32 s13, $0x1;
	s13 =	sadd.s32 $0x200, s7;
	_ =	swait.ge [sflag:s16], $0x1000  }
.LBB2_2:
0x20: {  	s17 =	simm.s32 @p0 $0x80;
	s18 =	simm.s32 @p0 $0xA00  }
0x21: {  	[sflag:s16] =	ssyncset.done $0x0;
	s19 =	smov.u32 s15;
	s20 =	smov.u32 s14  }
0x22: {  	s15 =	sadd.s32 $0x1, s15;
	s21 =	simm.s32 @p0 $0x2;
	[sflag:s16] =	ssyncadd.s32 $0xFFFFF000  }
0x23: {  	[tilespmem:s18], [sflag:$0x1] =	stream.indirect.gather @p0 [hbm4b:s3+s17], $0x20, s14, s17, $0xb8;
	[tilespmem:$0x2A00] =	vst v63  }
0x24: {  	p1 =	sne.s32 s15, $0x13;
	_ =	swait.ge @p0 [sflag:s21], $0x1000  }
0x25: {  	s14 =	sadd.s32 $0x80, s14;
	[sflag:s21] =	ssyncset.done @p0 $0x0  }
0x26: {  	s16 =	simm.s32 @p0 $0x0;
	s17 =	simm.s32 @p0 $0x1A00;
	[sflag:s21] =	ssyncadd.s32 @p0 $0xFFFFF000  }
0x27: {  	[hbm4b:s13+s16] =	stream.linear.scatter @p0 [tilespmem:s17], [sflag:$0x3], $0x1000, $0x38;
	[tilespmem:$0x2A00] =	vst v63  }
0x28: {  	s18 =	simm.s32 @!p0 $0x1;
	s16 =	simm.s32 @!p0 $0x80;
	s17 =	simm.s32 @!p0 $0x1A00  }
0x29: {  	[tilespmem:s17], [sflag:$0x2] =	stream.indirect.gather @!p0 [hbm4b:s3+s16], $0x20, s20, s16, $0xb8;
	[tilespmem:$0x2A00] =	vst v63  }
.Ltmp0:
0x2a: {  	s17 =	sand.u32 $0x1, s19;
	_ =	swait.ge @!p0 [sflag:s18], $0x1000;
	(pc) =	sbr.rel @p1 .LBB2_2-.Ltmp0, $4  }
0x2b: {  	s19 =	simm.s32 @!p0 $0xA00;
	s16 =	simm.s32 @!p0 $0x4;
	[sflag:s18] =	ssyncset.done @!p0 $0x0  }
0x2c: {  	s16 =	simm.s32 @p0 $0x3;
	[sflag:s18] =	ssyncadd.s32 @!p0 $0xFFFFF000;
	s18 =	simm.s32 @!p0 $0x0  }
0x2d: {  	[hbm4b:s13+s18] =	stream.linear.scatter @!p0 [tilespmem:s19], [sflag:$0x4], $0x1000, $0x38;
	[tilespmem:$0x2A00] =	vst v63  }
0x2e: {  	p0 =	seq.s32 s17, $0x1;
	s13 =	sadd.s32 $0x200, s13;
	_ =	swait.ge [sflag:s16], $0x1000  }
0x2f: {  	s15 =	simm.s32 @p0 $0x80;
	[sflag:s16] =	ssyncset.done $0x0  }
0x30: {  	s17 =	simm.s32 @p0 $0xA00;
	s18 =	simm.s32 @p0 $0x2;
	[sflag:s16] =	ssyncadd.s32 $0xFFFFF000  }
0x31: {  	[tilespmem:s17], [sflag:$0x1] =	stream.indirect.gather @p0 [hbm4b:s3+s15], $0x20, s14, s15, $0xb8;
	[tilespmem:$0x2A00] =	vst v63  }
0x32: {  	_ =	swait.ge @p0 [sflag:s18], $0x1000  }
0x33: {  	[sflag:s18] =	ssyncset.done @p0 $0x0  }
0x34: {  	s16 =	simm.s32 @p0 $0x1A00;
	s15 =	simm.s32 @p0 $0x0;
	[sflag:s18] =	ssyncadd.s32 @p0 $0xFFFFF000  }
0x35: {  	[hbm4b:s13+s15] =	stream.linear.scatter @p0 [tilespmem:s16], [sflag:$0x3], $0x1000, $0x38;
	[tilespmem:$0x2A00] =	vst v63  }
0x36: {  	s17 =	simm.s32 @!p0 $0x1;
	s15 =	simm.s32 @!p0 $0x80;
	s16 =	simm.s32 @!p0 $0x1A00  }
0x37: {  	[tilespmem:s16], [sflag:$0x2] =	stream.indirect.gather @!p0 [hbm4b:s3+s15], $0x20, s14, s15, $0xb8;
	[tilespmem:$0x2A00] =	vst v63  }
0x38: {  	_ =	swait.ge @!p0 [sflag:s17], $0x1000  }
0x39: {  	s14 =	simm.s32 @!p0 $0xA00;
	s15 =	simm.s32 @!p0 $0x4;
	[sflag:s17] =	ssyncset.done @!p0 $0x0  }
0x3a: {  	s16 =	simm.s32 @!p0 $0x0;
	s15 =	simm.s32 @p0 $0x3;
	[sflag:s17] =	ssyncadd.s32 @!p0 $0xFFFFF000  }
0x3b: {  	[hbm4b:s13+s16] =	stream.linear.scatter @!p0 [tilespmem:s14], [sflag:$0x4], $0x1000, $0x38;
	[tilespmem:$0x2A00] =	vst v63  }
0x3c: {  	_ =	swait.ge [sflag:s15], $0x1000  }
0x3d: {  	[sflag:s15] =	ssyncset.done $0x0  }
0x3e: {  	[sflag:s15] =	ssyncadd.s32 $0xFFFFF000  }
0x3f: {  	s12 =	sadd.s32 $0x1, s12;
	_ =	swait.ge [sflag:s10], $0x1000  }
0x40: {  	p0 =	sne.s32 s12, s5;
	[sflag:s10] =	ssyncset.done $0x0  }
.Ltmp1:
0x41: {  	[sflag:s10] =	ssyncadd.s32 $0xFFFFF000;
	(pc) =	sbr.rel @p0 .LBB2_1-.Ltmp1, $4  }
0x42: {  	[hbm4b:s6+s2] =	stream.linear.scatter [tilespmem:s11], [sflag:$0x3], $0x1000, $0x38;
	[tilespmem:$0x2A00] =	vst v63  }
0x43: {  	_ =	swait.ge [sflag:s8], $0x1000  }
0x44: {  	[sflag:s8] =	ssyncset.done $0x0  }
0x45: {  	[sflag:s8] =	ssyncadd.s32 $0xFFFFF000  }
0x46: {  	_ =	sfence.sel $0x180000  }
0x47: {  	[bflag:$0x0] =	sbarrier.arrive $0xFFFF  }
0x48: {  	p0 =	sne.s32 s1, $0x0;
	_ =	strace $0x90000047  }
0x49: {  	s0 =	sadd.s32 @!p0 $0x100000, s0;
	[bflag:$0x2] =	sbarrier.arrive $0xFFFF  }
0x4a: {  	[sflag:s0] =	ssyncadd.tile.s32 @!p0 $0x1;
	_ =	shalt  }
.Lfunc_end2:
_tile_overlayer_lowered:
.L_overlay_start_2:
0x4b: {  	(tag) =	ssettag $0x2  }
0x4c: {  	s0 =	rddreg [dreg:$0x0];
	s2 =	stileid.u32  }
0x4d: {  	s1 =	rddreg [dreg:$0x1];
	p0 =	sne.s32 s2, $0x0  }
0x4e: {  	s3 =	rddreg [dreg:$0x2];
	[bflag:$0x3] =	sbarrier.arrive $0xFFFF;
	s2 =	simm.s32 @!p0 $0x1C03  }
0x4f: {  	[timem:s3], [sflag:s2] =	dma.local @!p0 [hbm:s0], s1  }
0x50: {  	s0 =	simm.s32 @!p0 $0x3  }
0x51: {  	_ =	swait.ge @!p0 [sflag:s0], s1  }
0x52: {  	s1 =	ssub.s32 @!p0 $0x0, s1;
	[sflag:s0] =	ssyncset.done @!p0 $0x0  }
0x53: {  	[sflag:s0] =	ssyncadd.s32 @!p0 s1  }
0x54: {  	[bflag:$0x3] =	sbarrier.arrive $0xFFFF  }
0x55: {  	_ =	shalt  }

// kernel: kernel.25.cloned.1.call-start
scs
__scs_entry_jumppad:
0x0: {  	(pc) =	sbr.rel $0x88, $3  }
0x1: {  	(tag) =	ssettag $0x0;
	lr =	simm.s32 $0x1  }
0x2: {  	[smem:$0x3F8B] =	sst lr;
	_ =	strace $0xD0000000  }
0x3: {  	_ = 	snop  }
0x4: {  	_ = 	snop  }
0x5: {  	_ = 	snop  }
0x6: {  	_ = 	snop  }
0x7: {  	_ = 	snop  }
__scs_overlays_trampoline_lowered:
0x8: {  	[smem:$0x3F9A] =	sst s0  }
0x9: {  	[smem:$0x3F9B] =	sst s1  }
0xa: {  	[smem:$0x3F9C] =	sst s2  }
0xb: {  	[smem:$0x3F9D] =	sst s3  }
0xc: {  	[smem:$0x3F9E] =	sst s4  }
0xd: {  	[smem:$0x3F9F] =	sst s5  }
0xe: {  	[smem:$0x3FA0] =	sst s6  }
0xf: {  	[smem:$0x3FA1] =	sst s7  }
0x10: {  	[smem:$0x3FA2] =	sst s8  }
0x11: {  	[smem:$0x3FA3] =	sst s9;
	s0 =	simm.s32 @!p0 $0x0  }
0x12: {  	s1 =	sld [smem:$0x3F89];
	s0 =	simm.s32 @p0 $0x1  }
0x13: {  	[smem:$0x3FA4] =	sst s0;
	s0 =	simm.s32 @!p1 $0x0  }
0x14: {  	s2 =	sld [smem:$0x3F88];
	s0 =	simm.s32 @p1 $0x1  }
0x15: {  	[smem:$0x3FA5] =	sst s0;
	s0 =	simm.s32 @!p2 $0x0  }
0x16: {  	s3 =	sld [smem:$0x3FDB];
	s0 =	simm.s32 @p2 $0x1  }
0x17: {  	s4 =	simm.s32 $0x1BF5;
	[smem:$0x3FA7] =	sst s0  }
0x18: {  	s0 =	sld [smem:$0x3F8A];
	_ =	swait.ge [sflag:s4], $0x0  }
0x19: {  	s7 =	sld [smem:$0x3F8B]  }
0x1a: {  	s8 =	sadd.s32 $0xFFFFE003, lr  }
0x1b: {  	s9 =	sadd.s32 $0xFFFFFEF7, lr;
	s5 =	simm.s32 $0xFFFFFFFF;
	p2 =	slt.u32 s8, $0xFFFFF086  }
0x1c: {  	p1 =	slt.u32 s9, $0xF7A;
	s5 =	simm.s32 @!p2 $0x0  }
0x1d: {  	s5 =	simm.s32 @p1 $0x1;
	p0 =	seq.s32 s7, s2  }
0x1e: {  	s7 =	smul.u32 @!p0 $0xF7A, s2;
	p2 =	seq.s32 @!p0 s5, $0x0  }
0x1f: {  	s9 =	smul.u32 $0xF7A, s1;
	s8 =	simm.s32 @!p0 $0x1BF5;
	p2 =	por !p2, p0  }
0x20: {  	[sflag:s8] =	ssyncset.s32 @!p0 $0xFFFFF086;
	s6 =	sadd.s32 @!p0 s3, s7;
	s7 =	simm.s32 @!p0 $0x108  }
0x21: {  	s3 =	sadd.s32 s3, s9;
	s6 =	sadd.s32 @!p0 $0x88, s6;
	s7 =	simm.s32 @p2 $0x1082  }
0x22: {  	[simem:s7], [sflag:s8] =	dma.local @!p0 [hbm:s6], $0xF7A  }
0x23: {  	s9 =	sor.u32 $0xD0000000, s2;
	s6 =	simm.s32 $0x108;
	_ =	swait.ge @!p0 [sflag:s8], $0x0  }
0x24: {  	s3 =	sadd.s32 $0x88, s3;
	s6 =	simm.s32 @!p1 $0x1082;
	[sflag:s4] =	ssyncset.s32 $0xFFFFF086  }
0x25: {  	[simem:s6], [sflag:s4] =	dma.local [hbm:s3], $0xF7A  }
0x26: {  	[smem:$0x3F8B] =	sst s1;
	(tag) =	ssettag s2;
	_ =	strace s9  }
0x27: {  	s1 =	sld [smem:$0x3F9B]  }
0x28: {  	s2 =	sld [smem:$0x3F9C]  }
0x29: {  	s4 =	sld [smem:$0x3F9E]  }
0x2a: {  	p0 =	seq.s32 s5, $0x0;
	s5 =	sld [smem:$0x3F9F]  }
0x2b: {  	s6 =	sld [smem:$0x3FA0]  }
0x2c: {  	s7 =	sld [smem:$0x3FA1]  }
0x2d: {  	s3 =	simm.s32 $0x108;
	s8 =	sld [smem:$0x3FA2]  }
0x2e: {  	s3 =	simm.s32 @!p0 $0x1082;
	s9 =	sld [smem:$0x3FA3]  }
0x2f: {  	lr =	sadd.s32 s0, s3;
	s0 =	sld [smem:$0x3F9A]  }
0x30: {  	s3 =	sld [smem:$0x3F9D]  }
0x31: {  	[smem:$0x3FA6] =	sst s10  }
0x32: {  	s10 =	sld [smem:$0x3FA4];
	_ =	sdelay $0x3  }
0x33: {  	p0 =	seq.s32 s10, $0x1;
	s10 =	sld [smem:$0x3FA6];
	_ =	sdelay $0x3  }
0x34: {  	[smem:$0x3FA6] =	sst s10  }
0x35: {  	s10 =	sld [smem:$0x3FA5];
	_ =	sdelay $0x3  }
0x36: {  	p1 =	seq.s32 s10, $0x1;
	s10 =	sld [smem:$0x3FA6];
	_ =	sdelay $0x3  }
0x37: {  	[smem:$0x3FA6] =	sst s10  }
0x38: {  	s10 =	sld [smem:$0x3FA7]  }
0x39: {  	_ = 	snop;
	(pc) =	sbr.ind lr, $3  }
0x3a: {  	_ = 	snop  }
0x3b: {  	_ = 	snop  }
0x3c: {  	p2 =	seq.s32 s10, $0x1;
	s10 =	sld [smem:$0x3FA6]  }
0x3d: {  	_ =	shalt  }
0x3e: {  	_ =	shalt  }
0x3f: {  	_ =	shalt  }
0x40: {  	_ =	shalt  }
0x41: {  	_ =	shalt  }
0x42: {  	_ =	shalt  }
0x43: {  	_ =	shalt  }
0x44: {  	_ =	shalt  }
0x45: {  	_ =	shalt  }
0x46: {  	_ =	shalt  }
0x47: {  	_ =	shalt  }
0x48: {  	_ =	shalt  }
0x49: {  	_ =	shalt  }
0x4a: {  	_ =	shalt  }
0x4b: {  	_ =	shalt  }
0x4c: {  	_ =	shalt  }
0x4d: {  	_ =	shalt  }
0x4e: {  	_ =	shalt  }
0x4f: {  	_ =	shalt  }
0x50: {  	_ =	shalt  }
0x51: {  	_ =	shalt  }
0x52: {  	_ =	shalt  }
0x53: {  	_ =	shalt  }
0x54: {  	_ =	shalt  }
0x55: {  	_ =	shalt  }
0x56: {  	_ =	shalt  }
0x57: {  	_ =	shalt  }
0x58: {  	_ =	shalt  }
0x59: {  	_ =	shalt  }
0x5a: {  	_ =	shalt  }
0x5b: {  	_ =	shalt  }
0x5c: {  	_ =	shalt  }
0x5d: {  	_ =	shalt  }
0x5e: {  	_ =	shalt  }
0x5f: {  	_ =	shalt  }
0x60: {  	_ =	shalt  }
0x61: {  	_ =	shalt  }
0x62: {  	_ =	shalt  }
0x63: {  	_ =	shalt  }
0x64: {  	_ =	shalt  }
0x65: {  	_ =	shalt  }
0x66: {  	_ =	shalt  }
0x67: {  	_ =	shalt  }
0x68: {  	_ =	shalt  }
0x69: {  	_ =	shalt  }
0x6a: {  	_ =	shalt  }
0x6b: {  	_ =	shalt  }
0x6c: {  	_ =	shalt  }
0x6d: {  	_ =	shalt  }
0x6e: {  	_ =	shalt  }
0x6f: {  	_ =	shalt  }
0x70: {  	_ =	shalt  }
0x71: {  	_ =	shalt  }
0x72: {  	_ =	shalt  }
0x73: {  	_ =	shalt  }
0x74: {  	_ =	shalt  }
0x75: {  	_ =	shalt  }
0x76: {  	_ =	shalt  }
0x77: {  	_ =	shalt  }
0x78: {  	_ =	shalt  }
0x79: {  	_ =	shalt  }
0x7a: {  	_ =	shalt  }
0x7b: {  	_ =	shalt  }
0x7c: {  	_ =	shalt  }
0x7d: {  	_ =	shalt  }
0x7e: {  	_ =	shalt  }
0x7f: {  	_ =	shalt  }
0x80: {  	_ =	shalt  }
0x81: {  	_ =	shalt  }
0x82: {  	_ =	shalt  }
0x83: {  	_ =	shalt  }
0x84: {  	_ =	shalt  }
0x85: {  	_ =	shalt  }
0x86: {  	_ =	shalt  }
0x87: {  	_ =	shalt  }
.Lfunc_end0:
.L_simem_size_0:
called_computation.3_lowered:
.L_overlay_start_0:
0x88: {  	s2 =	sld [smem:$0x3FD9]  }
0x89: {  	s3 =	sld [smem:$0x3FFE];
	_ =	sdelay $0x1  }
0x8a: {  	s1 =	srdreg.scid  }
0x8b: {  	s0 =	sand.u32 $0x1, s1  }
0x8c: {  	s15 =	sshll.u32 s0, $0xA;
	s2 =	sadd.s32 s3, s2  }
0x8d: {  	s2 =	sadd.s32 s2, s15  }
0x8e: {  	[smem:$0x3FB2] =	sst s2  }
0x8f: {  	_ = 	snop  }
0x90: {  	s2 =	sld [smem:$0x3FD0];
	_ =	sdelay $0x2  }
0x91: {  	s16 =	simm.s32 $0xB;
	s4 =	simm.s32 $0x10  }
0x92: {  	[smem:s4], [sflag:s16] =	dma.local [hbm:s2], $0x1  }
0x93: {  	_ =	swait.eq [sflag:s16], $0x1  }
0x94: {  	[sflag:s16] =	ssyncset.done $0x0  }
0x95: {  	[sflag:s16] =	ssyncadd.s32 $0xFFFFFFFF  }
0x96: {  	s17 =	sld [smem:$0x10];
	(tm) =	ssettm $0x1  }
0x97: {  	s18 =	sld [smem:$0x3FFB];
	_ =	sdelay $0x3  }
0x98: {  	_ =	strace s18  }
0x99: {  	s2 =	sld [smem:$0x3FFC];
	_ =	sdelay $0x3  }
0x9a: {  	_ =	strace s2  }
0x9b: {  	s2 =	sld [smem:$0x3FFD];
	_ =	sdelay $0x3  }
0x9c: {  	_ =	strace s2  }
0x9d: {  	_ =	strace $0x8FFFFFFF  }
0x9e: {  	s19 =	sld [smem:$0x3FDB];
	_ =	sdelay $0x1  }
0x9f: {  	s20 =	simm.s32 $_scs_section_size  }
0xa0: {  	s5 =	simm.s32 $_size__tile_overlayer_lowered;
	s6 =	simm.s32 $_tile_overlayer_lowered  }
0xa1: {  	s7 =	simm.s32 $0x1BFF;
	s21 =	sshll.u32 s6, $0x1;
	s4 =	sadd.s32 s20, s19  }
0xa2: {  	s22 =	simm.s32 $0x0;
	s5 =	sshll.u32 s5, $0x1;
	s6 =	sadd.s32 s21, s4  }
0xa3: {  	[timem:s22], [sflag:s7] =	dma.local [hbm:s6], s5  }
0xa4: {  	_ =	swait.ge [sflag:s7], s5  }
0xa5: {  	s5 =	ssub.s32 $0x0, s5;
	[sflag:s7] =	ssyncset.done $0x0  }
0xa6: {  	[sflag:s7] =	ssyncadd.s32 s5;
	_ =	sdelay $0x1  }
0xa7: {  	s23 =	simm.s32 $0x1B8B  }
0xa8: {  	_ =	swait.ge [sflag:s23], $0x1  }
0xa9: {  	[sflag:s23] =	ssyncset.done $0x0  }
0xaa: {  	[sflag:s23] =	ssyncadd.s32 $0xFFFFFFFF  }
0xab: {  	s5 =	sld [smem:$0x0]  }
0xac: {  	s6 =	sand.u32 $0xFFFFFFFE, s1  }
0xad: {  	p0 =	sne.s32 s1, s6  }
0xae: {  	s6 =	sshll.u32 @p0 s6, $0xE  }
0xaf: {  	s6 =	sadd.s32 @p0 $0x11B8D, s6;
	s7 =	sshll.u32 @p0 s5, $0x11  }
0xb0: {  	s6 =	sor.u32 @p0 s7, s6  }
0xb1: {  	[sflag:s6] =	ssyncadd.remote.s32 @p0 $0x1;
	_ =	sdelay $0x1  }
0xb2: {  	s6 =	simm.s32 @p0 $0x1B8D  }
0xb3: {  	_ =	swait.eq @p0 [sflag:s6], $0x1  }
0xb4: {  	[sflag:s6] =	ssyncadd.s32 @p0 $0xFFFFFFFF  }
0xb5: {  	s7 =	sshll.u32 @!p0 s1, $0xE  }
0xb6: {  	s7 =	sor.u32 @!p0 $0x4000, s7;
	s6 =	simm.s32 @!p0 $0x1B8D  }
0xb7: {  	s5 =	sshll.u32 @!p0 s5, $0x11;
	s7 =	sadd.s32 @!p0 $0x11B8D, s7;
	_ =	swait.eq @!p0 [sflag:s6], $0x1  }
0xb8: {  	s5 =	sor.u32 @!p0 s5, s7;
	[sflag:s6] =	ssyncadd.s32 @!p0 $0xFFFFFFFF  }
0xb9: {  	s25 =	simm.s32 $0x1B8E;
	s24 =	sld [smem:$0x3FFE];
	[sflag:s5] =	ssyncadd.remote.s32 @!p0 $0x1  }
0xba: {  	s26 =	simm.s32 $execute0_lowered;
	[smem:$0x3FD2] =	sst s25  }
0xbb: {  	s6 =	sshll.u32 s26, $0x1;
	_ =	strace $0x8000004C;
	[dreg:$0x1] =	wrdreg $0xFFFFFFFF  }
0xbc: {  	s28 =	simm.s32 $_size_execute0_lowered;
	s4 =	sadd.s32 s4, s6;
	[dreg:$0x0] =	wrdreg $0x0  }
0xbd: {  	s6 =	sshll.u32 s28, $0x1;
	[dreg:$0x2] =	wrdreg s4  }
0xbe: {  	[dreg:$0x3] =	wrdreg s6  }
0xbf: {  	[dreg:$0x4] =	wrdreg $0xC0  }
0xc0: {  	_ =	task [dreg:s22], $0x5FFFF  }
0xc1: {  	[dreg:$0x1] =	wrdreg $0xFFFFFFFF  }
0xc2: {  	[dreg:$0x0] =	wrdreg $0x60  }
0xc3: {  	[dreg:$0x2] =	wrdreg s24  }
0xc4: {  	[dreg:$0x3] =	wrdreg s17  }
0xc5: {  	[dreg:$0x4] =	wrdreg $0x1A000  }
0xc6: {  	[dreg:$0x5] =	wrdreg $0x6A800  }
0xc7: {  	[dreg:$0x6] =	wrdreg $0xA  }
0xc8: {  	_ =	task.clear_ibuf [dreg:s22], $0x7FFFF;
	_ =	strace $0x9000004C  }
0xc9: {  	s29 =	simm.s32 $0xA;
	_ =	strace $0x8000004E  }
0xca: {  	_ =	swait.ge [sflag:s29], $0x1  }
0xcb: {  	[sflag:s29] =	ssyncadd.s32 $0xFFFFFFFF  }
0xcc: {  	_ =	strace $0x9000004E  }
0xcd: {  	_ =	sfence  }
0xce: {  	s30 =	sld [smem:$0x0];
	_ =	sdelay $0x2  }
0xcf: {  	s31 =	sshll.u32 s1, $0xD;
	s1 =	sshrl.u32 s1, $0x2  }
0xd0: {  	s4 =	sand.u32 $0x4000, s31;
	s1 =	sadd.s32 s1, s30  }
0xd1: {  	s0 =	sor.u32 s4, s0;
	s1 =	sshll.u32 s1, $0x11  }
0xd2: {  	s0 =	sor.u32 s1, s0  }
0xd3: {  	s0 =	sadd.s32 $0x8F2B, s0  }
0xd4: {  	[sflag:s0] =	ssyncadd.remote.s32 $0x1  }
0xd5: {  	_ =	sfence.sel $0xFFFF  }
0xd6: {  	[dreg:$0x0] =	wrdreg $0xFFFFFFFF;
	(pc) =	sbr.abs _section_cstart, $3  }
0xd7: {  	[dreg:$0x1] =	wrdreg $0xFFFFFFFF  }
0xd8: {  	_ =	task.clear_ibuf [dreg:s22], $0x2FFFF;
	_ =	strace $0x9FFFFFFF  }
0xd9: {  	(tm) =	ssettm $0x7FFFFFFF  }
tec
execute0_lowered:
.L_overlay_start_1:
0x0: {  	(tag) =	ssettag $0x1  }
0x1: {  	s6 =	rddreg [dreg:$0x0]  }
0x2: {  	s0 =	srdreg.scid;
	s2 =	rddreg [dreg:$0x2]  }
0x3: {  	s13 =	stileid.u32;
	s3 =	rddreg [dreg:$0x3];
	s4 =	simm.s32 $0x0  }
0x4: {  	s18 =	simm.s32 $0x80;
	s19 =	simm.s32 $0x0;
	s9 =	smul.u32 $0x5000, s13  }
0x5: {  	s7 =	sand.u32 $0x1, s0;
	s0 =	rddreg [dreg:$0x1];
	s10 =	smul.u32 $0x280, s13  }
0x6: {  	[smem:$0x7FF] =	sst s4;
	s31 =	sshll.u32 s13, $0x6;
	s17 =	smul.u32 $0x2800, s13  }
0x7: {  	p0 =	sne.s32 s13, $0x0;
	s1 =	sshll.u32 s7, $0x4;
	s5 =	smul.u32 $0x28000, s7  }
0x8: {  	s11 =	smul.u32 $0x2800, s7;
	s7 =	ssub.s32 $0x2, s7;
	s1 =	sor.u32 s13, s1  }
0x9: {  	s30 =	sshrl.u32 s9, $0x3;
	s15 =	sshrl.u32 s7, $0x1;
	s16 =	sadd.s32 s9, s2  }
0xa: {  	s8 =	smul.u32 $0xA00, s1;
	s1 =	rddreg [dreg:$0x4];
	_ =	strace $0x8000004D  }
0xb: {  	s12 =	sadd.s32 s5, s6;
	s10 =	sadd.s32 s10, s11;
	s5 =	sadd.s32 $0x18E000, s6  }
0xc: {  	s11 =	sshrl.u32 s11, $0x3;
	s15 =	ssub.s32 s7, s15;
	s7 =	sor.u32 $0x1C01, s31  }
0xd: {  	s13 =	sshrl.u32 s16, $0x3;
	s16 =	simm.s32 $0x6A00;
	s10 =	sshll.u32 s10, $0x2  }
0xe: {  	s11 =	sadd.s32 s11, s6;
	s12 =	sadd.s32 s17, s12;
	s17 =	simm.s32 $0xA00  }
0xf: {  	s29 =	sshrl.u32 s8, $0x3;
	s8 =	sadd.s32 s30, s6;
	s10 =	sadd.s32 s10, s6  }
0x10: {  	s12 =	sadd.s32 $0x3F000, s12;
	s14 =	sadd.s32 s29, s6;
	s6 =	sadd.s32 $0x184000, s8  }
0x11: {  	s9 =	sadd.s32 $0x18F000, s10;
	s10 =	sadd.s32 $0x18E600, s11;
	s11 =	smax.u32 s15, $0x1  }
0x12: {  	s15 =	sshrl.u32 @!p0 s3, $0x3;
	s8 =	sadd.s32 $0x21C800, s14;
	s14 =	simm.s32 $0x1  }
.LBB2_1:
0x13: {  	[spmem:s13], [sflag:s7] =	dma.local [hbm:s6], $0xA00  }
0x14: {  	_ =	swait.ge [sflag:s14], $0xA00  }
0x15: {  	[sflag:s14] =	ssyncset.done $0x0  }
0x16: {  	s20 =	simm.s32 @!p0 $0x1;
	[sflag:s14] =	ssyncadd.s32 $0xFFFFF600  }
0x17: {  	[spmem:s15], [sflag:s7] =	dma.local @!p0 [hbm:s5], $0x500  }
0x18: {  	_ =	swait.ge @!p0 [sflag:s20], $0x500  }
0x19: {  	[sflag:s20] =	ssyncset.done @!p0 $0x0  }
0x1a: {  	[sflag:s20] =	ssyncadd.s32 @!p0 $0xFFFFFB00  }
0x1b: {  	[tilespmem:s16], [sflag:$0x1] =	stream.linear.gather [hbm4b:s0+s4], $0x80, $0x38;
	[tilespmem:$0x6D00] =	vst v63  }
0x1c: {  	_ =	swait.ge [sflag:s14], $0x80  }
0x1d: {  	[sflag:s14] =	ssyncset.done $0x0  }
0x1e: {  	[sflag:s14] =	ssyncadd.s32 $0xFFFFFF80  }
0x1f: {  	[tilespmem:s4], [sflag:$0x1] =	stream.linear.gather [hbm4b:s8+s4], $0xA00, $0x38;
	[tilespmem:$0x6D00] =	vst v63  }
0x20: {  	_ =	swait.ge [sflag:s14], $0xA00  }
0x21: {  	[sflag:s14] =	ssyncset.done $0x0  }
0x22: {  	[sflag:s14] =	ssyncadd.s32 $0xFFFFF600  }
0x23: {  	s30 =	sadd.s32 $0x0, s12;
	[bflag:$0x0] =	sbarrier.arrive $0xFFFF  }
0x24: {  	[tilespmem:s17], [sflag:$0x1] =	stream.linear.gather [hbm4b:s30+s4], $0x1000, $0x38;
	[tilespmem:$0x6D00] =	vst v63  }
0x25: {  	_ =	swait.ge [sflag:s14], $0x1000  }
0x26: {  	[sflag:s14] =	ssyncset.done $0x0  }
0x27: {  	s31 =	simm.s32 $0x0;
	[sflag:s14] =	ssyncadd.s32 $0xFFFFF000  }
0x28: {  	[spmem:s2] =	stream.indirect.scatter.add.f32 [tilespmem:s17], [sflag:$0x1], $0x20, s31, s18, $0xb8;
	[tilespmem:$0x6D00] =	vst v63  }
0x29: {  	_ =	swait.ge [sflag:s14], $0x1000  }
0x2a: {  	[sflag:s14] =	ssyncset.done $0x0  }
0x2b: {  	[sflag:s14] =	ssyncadd.s32 $0xFFFFF000  }
0x2c: {  	[spmem:s3] =	stream.indirect.scatter.add.f32 [tilespmem:s16], [sflag:$0x1], $0x1, s31, s18, $0xb8;
	[tilespmem:$0x6D00] =	vst v63  }
0x2d: {  	_ =	swait.ge [sflag:s14], $0x80  }
0x2e: {  	s21 =	simm.s32 $0x400;
	s20 =	simm.s32 $0x200;
	[sflag:s14] =	ssyncset.done $0x0  }
.LBB2_2:
0x2f: {  	s22 =	sadd.s32 s20, s12  }
0x30: {  	[sflag:s14] =	ssyncadd.s32 $0xFFFFFF80;
	s23 =	smov.u32 s21;
	s24 =	sadd.s32 $0x200, s21  }
0x31: {  	[tilespmem:s17], [sflag:$0x1] =	stream.linear.gather [hbm4b:s22+s4], $0x1000, $0x38;
	[tilespmem:$0x6D00] =	vst v63  }
0x32: {  	p1 =	sne.s32 s21, $0x2600;
	_ =	swait.ge [sflag:s14], $0x1000  }
0x33: {  	[sflag:s14] =	ssyncset.done $0x0  }
0x34: {  	s21 =	sshra.s32 s20, $0x2;
	s20 =	smov.u32 s23;
	[sflag:s14] =	ssyncadd.s32 $0xFFFFF000  }
0x35: {  	[spmem:s2] =	stream.indirect.scatter.add.f32 [tilespmem:s17], [sflag:$0x1], $0x20, s21, s18, $0xb8;
	[tilespmem:$0x6D00] =	vst v63  }
0x36: {  	_ =	swait.ge [sflag:s14], $0x1000  }
.Ltmp0:
0x37: {  	[sflag:s14] =	ssyncset.done $0x0;
	(pc) =	sbr.rel @p1 .LBB2_2-.Ltmp0, $4  }
0x38: {  	[sflag:s14] =	ssyncadd.s32 $0xFFFFF000  }
0x39: {  	[spmem:s3] =	stream.indirect.scatter.add.f32 [tilespmem:s16], [sflag:$0x1], $0x1, s21, s18, $0xb8;
	[tilespmem:$0x6D00] =	vst v63  }
0x3a: {  	_ =	swait.ge [sflag:s14], $0x80  }
0x3b: {  	s21 =	smov.u32 s24;
	[sflag:s14] =	ssyncset.done $0x0  }
0x3c: {  	s21 =	sadd.s32 s20, s12;
	[sflag:s14] =	ssyncadd.s32 $0xFFFFFF80  }
0x3d: {  	[tilespmem:s17], [sflag:$0x1] =	stream.linear.gather [hbm4b:s21+s4], $0x1000, $0x38;
	[tilespmem:$0x6D00] =	vst v63  }
0x3e: {  	_ =	swait.ge [sflag:s14], $0x1000  }
0x3f: {  	[sflag:s14] =	ssyncset.done $0x0  }
0x40: {  	s31 =	sshra.s32 s20, $0x2;
	[sflag:s14] =	ssyncadd.s32 $0xFFFFF000  }
0x41: {  	[spmem:s2] =	stream.indirect.scatter.add.f32 [tilespmem:s17], [sflag:$0x1], $0x20, s31, s18, $0xb8;
	[tilespmem:$0x6D00] =	vst v63  }
0x42: {  	_ =	swait.ge [sflag:s14], $0x1000  }
0x43: {  	[sflag:s14] =	ssyncset.done $0x0  }
0x44: {  	[sflag:s14] =	ssyncadd.s32 $0xFFFFF000  }
0x45: {  	[spmem:s3] =	stream.indirect.scatter.add.f32 [tilespmem:s16], [sflag:$0x1], $0x1, s31, s18, $0xb8;
	[tilespmem:$0x6D00] =	vst v63  }
0x46: {  	_ =	swait.ge [sflag:s14], $0x80  }
0x47: {  	[sflag:s14] =	ssyncset.done $0x0  }
0x48: {  	[sflag:s14] =	ssyncadd.s32 $0xFFFFFF80  }
0x49: {  	[bflag:$0x0] =	sbarrier.arrive $0xFFFF  }
0x4a: {  	[hbm:s9], [sflag:s7] =	dma.local [spmem:s13], $0xA00  }
0x4b: {  	s19 =	sadd.s32 $0x1, s19;
	_ =	swait.ge [sflag:s14], $0xA00  }
0x4c: {  	p1 =	sne.s32 s19, s11;
	[sflag:s14] =	ssyncset.done $0x0  }
.Ltmp1:
0x4d: {  	s20 =	simm.s32 @!p0 $0x1;
	[sflag:s14] =	ssyncadd.s32 $0xFFFFF600;
	(pc) =	sbr.rel @p1 .LBB2_1-.Ltmp1, $4  }
0x4e: {  	[hbm:s10], [sflag:s7] =	dma.local @!p0 [spmem:s15], $0x500  }
0x4f: {  	_ =	swait.ge @!p0 [sflag:s20], $0x500  }
0x50: {  	[sflag:s20] =	ssyncset.done @!p0 $0x0  }
0x51: {  	[sflag:s20] =	ssyncadd.s32 @!p0 $0xFFFFFB00  }
0x52: {  	_ =	sfence.sel $0x180000  }
0x53: {  	[bflag:$0x0] =	sbarrier.arrive $0xFFFF  }
0x54: {  	_ =	strace $0x9000004D  }
0x55: {  	s0 =	sadd.s32 @!p0 $0x100000, s1;
	[bflag:$0x2] =	sbarrier.arrive $0xFFFF  }
0x56: {  	[sflag:s0] =	ssyncadd.tile.s32 @!p0 $0x1;
	_ =	shalt  }
.Lfunc_end2:
_tile_overlayer_lowered:
.L_overlay_start_2:
0x57: {  	(tag) =	ssettag $0x2  }
0x58: {  	s0 =	rddreg [dreg:$0x0];
	s2 =	stileid.u32  }
0x59: {  	s1 =	rddreg [dreg:$0x1];
	p0 =	sne.s32 s2, $0x0  }
0x5a: {  	s3 =	rddreg [dreg:$0x2];
	[bflag:$0x3] =	sbarrier.arrive $0xFFFF;
	s2 =	simm.s32 @!p0 $0x1C01  }
0x5b: {  	[timem:s3], [sflag:s2] =	dma.local @!p0 [hbm:s0], s1  }
0x5c: {  	s0 =	simm.s32 @!p0 $0x1  }
0x5d: {  	_ =	swait.ge @!p0 [sflag:s0], s1  }
0x5e: {  	s1 =	ssub.s32 @!p0 $0x0, s1;
	[sflag:s0] =	ssyncset.done @!p0 $0x0  }
0x5f: {  	[sflag:s0] =	ssyncadd.s32 @!p0 s1  }
0x60: {  	[bflag:$0x3] =	sbarrier.arrive $0xFFFF  }
0x61: {  	_ =	shalt  }

// kernel: kernel.28.cloned.1.call-start
scs
__scs_entry_jumppad:
0x0: {  	(pc) =	sbr.rel $0x88, $3  }
0x1: {  	(tag) =	ssettag $0x0;
	lr =	simm.s32 $0x1  }
0x2: {  	[smem:$0x3F8B] =	sst lr;
	_ =	strace $0xD0000000  }
0x3: {  	_ = 	snop  }
0x4: {  	_ = 	snop  }
0x5: {  	_ = 	snop  }
0x6: {  	_ = 	snop  }
0x7: {  	_ = 	snop  }
__scs_overlays_trampoline_lowered:
0x8: {  	[smem:$0x3F9A] =	sst s0  }
0x9: {  	[smem:$0x3F9B] =	sst s1  }
0xa: {  	[smem:$0x3F9C] =	sst s2  }
0xb: {  	[smem:$0x3F9D] =	sst s3  }
0xc: {  	[smem:$0x3F9E] =	sst s4  }
0xd: {  	[smem:$0x3F9F] =	sst s5  }
0xe: {  	[smem:$0x3FA0] =	sst s6  }
0xf: {  	[smem:$0x3FA1] =	sst s7  }
0x10: {  	[smem:$0x3FA2] =	sst s8  }
0x11: {  	[smem:$0x3FA3] =	sst s9;
	s0 =	simm.s32 @!p0 $0x0  }
0x12: {  	s1 =	sld [smem:$0x3F89];
	s0 =	simm.s32 @p0 $0x1  }
0x13: {  	[smem:$0x3FA4] =	sst s0;
	s0 =	simm.s32 @!p1 $0x0  }
0x14: {  	s2 =	sld [smem:$0x3F88];
	s0 =	simm.s32 @p1 $0x1  }
0x15: {  	[smem:$0x3FA5] =	sst s0;
	s0 =	simm.s32 @!p2 $0x0  }
0x16: {  	s3 =	sld [smem:$0x3FDB];
	s0 =	simm.s32 @p2 $0x1  }
0x17: {  	s4 =	simm.s32 $0x1BF5;
	[smem:$0x3FA7] =	sst s0  }
0x18: {  	s0 =	sld [smem:$0x3F8A];
	_ =	swait.ge [sflag:s4], $0x0  }
0x19: {  	s7 =	sld [smem:$0x3F8B]  }
0x1a: {  	s8 =	sadd.s32 $0xFFFFE003, lr  }
0x1b: {  	s9 =	sadd.s32 $0xFFFFFEF7, lr;
	s5 =	simm.s32 $0xFFFFFFFF;
	p2 =	slt.u32 s8, $0xFFFFF086  }
0x1c: {  	p1 =	slt.u32 s9, $0xF7A;
	s5 =	simm.s32 @!p2 $0x0  }
0x1d: {  	s5 =	simm.s32 @p1 $0x1;
	p0 =	seq.s32 s7, s2  }
0x1e: {  	s7 =	smul.u32 @!p0 $0xF7A, s2;
	p2 =	seq.s32 @!p0 s5, $0x0  }
0x1f: {  	s9 =	smul.u32 $0xF7A, s1;
	s8 =	simm.s32 @!p0 $0x1BF5;
	p2 =	por !p2, p0  }
0x20: {  	[sflag:s8] =	ssyncset.s32 @!p0 $0xFFFFF086;
	s6 =	sadd.s32 @!p0 s3, s7;
	s7 =	simm.s32 @!p0 $0x108  }
0x21: {  	s3 =	sadd.s32 s3, s9;
	s6 =	sadd.s32 @!p0 $0x88, s6;
	s7 =	simm.s32 @p2 $0x1082  }
0x22: {  	[simem:s7], [sflag:s8] =	dma.local @!p0 [hbm:s6], $0xF7A  }
0x23: {  	s9 =	sor.u32 $0xD0000000, s2;
	s6 =	simm.s32 $0x108;
	_ =	swait.ge @!p0 [sflag:s8], $0x0  }
0x24: {  	s3 =	sadd.s32 $0x88, s3;
	s6 =	simm.s32 @!p1 $0x1082;
	[sflag:s4] =	ssyncset.s32 $0xFFFFF086  }
0x25: {  	[simem:s6], [sflag:s4] =	dma.local [hbm:s3], $0xF7A  }
0x26: {  	[smem:$0x3F8B] =	sst s1;
	(tag) =	ssettag s2;
	_ =	strace s9  }
0x27: {  	s1 =	sld [smem:$0x3F9B]  }
0x28: {  	s2 =	sld [smem:$0x3F9C]  }
0x29: {  	s4 =	sld [smem:$0x3F9E]  }
0x2a: {  	p0 =	seq.s32 s5, $0x0;
	s5 =	sld [smem:$0x3F9F]  }
0x2b: {  	s6 =	sld [smem:$0x3FA0]  }
0x2c: {  	s7 =	sld [smem:$0x3FA1]  }
0x2d: {  	s3 =	simm.s32 $0x108;
	s8 =	sld [smem:$0x3FA2]  }
0x2e: {  	s3 =	simm.s32 @!p0 $0x1082;
	s9 =	sld [smem:$0x3FA3]  }
0x2f: {  	lr =	sadd.s32 s0, s3;
	s0 =	sld [smem:$0x3F9A]  }
0x30: {  	s3 =	sld [smem:$0x3F9D]  }
0x31: {  	[smem:$0x3FA6] =	sst s10  }
0x32: {  	s10 =	sld [smem:$0x3FA4];
	_ =	sdelay $0x3  }
0x33: {  	p0 =	seq.s32 s10, $0x1;
	s10 =	sld [smem:$0x3FA6];
	_ =	sdelay $0x3  }
0x34: {  	[smem:$0x3FA6] =	sst s10  }
0x35: {  	s10 =	sld [smem:$0x3FA5];
	_ =	sdelay $0x3  }
0x36: {  	p1 =	seq.s32 s10, $0x1;
	s10 =	sld [smem:$0x3FA6];
	_ =	sdelay $0x3  }
0x37: {  	[smem:$0x3FA6] =	sst s10  }
0x38: {  	s10 =	sld [smem:$0x3FA7]  }
0x39: {  	_ = 	snop;
	(pc) =	sbr.ind lr, $3  }
0x3a: {  	_ = 	snop  }
0x3b: {  	_ = 	snop  }
0x3c: {  	p2 =	seq.s32 s10, $0x1;
	s10 =	sld [smem:$0x3FA6]  }
0x3d: {  	_ =	shalt  }
0x3e: {  	_ =	shalt  }
0x3f: {  	_ =	shalt  }
0x40: {  	_ =	shalt  }
0x41: {  	_ =	shalt  }
0x42: {  	_ =	shalt  }
0x43: {  	_ =	shalt  }
0x44: {  	_ =	shalt  }
0x45: {  	_ =	shalt  }
0x46: {  	_ =	shalt  }
0x47: {  	_ =	shalt  }
0x48: {  	_ =	shalt  }
0x49: {  	_ =	shalt  }
0x4a: {  	_ =	shalt  }
0x4b: {  	_ =	shalt  }
0x4c: {  	_ =	shalt  }
0x4d: {  	_ =	shalt  }
0x4e: {  	_ =	shalt  }
0x4f: {  	_ =	shalt  }
0x50: {  	_ =	shalt  }
0x51: {  	_ =	shalt  }
0x52: {  	_ =	shalt  }
0x53: {  	_ =	shalt  }
0x54: {  	_ =	shalt  }
0x55: {  	_ =	shalt  }
0x56: {  	_ =	shalt  }
0x57: {  	_ =	shalt  }
0x58: {  	_ =	shalt  }
0x59: {  	_ =	shalt  }
0x5a: {  	_ =	shalt  }
0x5b: {  	_ =	shalt  }
0x5c: {  	_ =	shalt  }
0x5d: {  	_ =	shalt  }
0x5e: {  	_ =	shalt  }
0x5f: {  	_ =	shalt  }
0x60: {  	_ =	shalt  }
0x61: {  	_ =	shalt  }
0x62: {  	_ =	shalt  }
0x63: {  	_ =	shalt  }
0x64: {  	_ =	shalt  }
0x65: {  	_ =	shalt  }
0x66: {  	_ =	shalt  }
0x67: {  	_ =	shalt  }
0x68: {  	_ =	shalt  }
0x69: {  	_ =	shalt  }
0x6a: {  	_ =	shalt  }
0x6b: {  	_ =	shalt  }
0x6c: {  	_ =	shalt  }
0x6d: {  	_ =	shalt  }
0x6e: {  	_ =	shalt  }
0x6f: {  	_ =	shalt  }
0x70: {  	_ =	shalt  }
0x71: {  	_ =	shalt  }
0x72: {  	_ =	shalt  }
0x73: {  	_ =	shalt  }
0x74: {  	_ =	shalt  }
0x75: {  	_ =	shalt  }
0x76: {  	_ =	shalt  }
0x77: {  	_ =	shalt  }
0x78: {  	_ =	shalt  }
0x79: {  	_ =	shalt  }
0x7a: {  	_ =	shalt  }
0x7b: {  	_ =	shalt  }
0x7c: {  	_ =	shalt  }
0x7d: {  	_ =	shalt  }
0x7e: {  	_ =	shalt  }
0x7f: {  	_ =	shalt  }
0x80: {  	_ =	shalt  }
0x81: {  	_ =	shalt  }
0x82: {  	_ =	shalt  }
0x83: {  	_ =	shalt  }
0x84: {  	_ =	shalt  }
0x85: {  	_ =	shalt  }
0x86: {  	_ =	shalt  }
0x87: {  	_ =	shalt  }
.Lfunc_end0:
.L_simem_size_0:
called_computation.4_lowered:
.L_overlay_start_0:
0x88: {  	s2 =	sld [smem:$0x3FD9]  }
0x89: {  	s3 =	sld [smem:$0x3FFE];
	_ =	sdelay $0x1  }
0x8a: {  	s1 =	srdreg.scid  }
0x8b: {  	s0 =	sand.u32 $0x1, s1  }
0x8c: {  	s17 =	sshll.u32 s0, $0xA;
	s2 =	sadd.s32 s3, s2  }
0x8d: {  	s2 =	sadd.s32 s2, s17  }
0x8e: {  	[smem:$0x3FB2] =	sst s2  }
0x8f: {  	_ = 	snop  }
0x90: {  	(tm) =	ssettm $0x1  }
0x91: {  	s18 =	sld [smem:$0x3FFB];
	_ =	sdelay $0x3  }
0x92: {  	_ =	strace s18  }
0x93: {  	s2 =	sld [smem:$0x3FFC];
	_ =	sdelay $0x3  }
0x94: {  	_ =	strace s2  }
0x95: {  	s2 =	sld [smem:$0x3FFD];
	_ =	sdelay $0x3  }
0x96: {  	_ =	strace s2  }
0x97: {  	_ =	strace $0x8FFFFFFF  }
0x98: {  	s19 =	sld [smem:$0x3FDB];
	_ =	sdelay $0x1  }
0x99: {  	s20 =	simm.s32 $_scs_section_size  }
0x9a: {  	s4 =	simm.s32 $_size__tile_overlayer_lowered;
	s5 =	simm.s32 $_tile_overlayer_lowered  }
0x9b: {  	s6 =	simm.s32 $0x1BFF;
	s21 =	sshll.u32 s5, $0x1;
	s3 =	sadd.s32 s20, s19  }
0x9c: {  	s22 =	simm.s32 $0x0;
	s4 =	sshll.u32 s4, $0x1;
	s5 =	sadd.s32 s21, s3  }
0x9d: {  	[timem:s22], [sflag:s6] =	dma.local [hbm:s5], s4  }
0x9e: {  	_ =	swait.ge [sflag:s6], s4  }
0x9f: {  	s4 =	ssub.s32 $0x0, s4;
	[sflag:s6] =	ssyncset.done $0x0  }
0xa0: {  	[sflag:s6] =	ssyncadd.s32 s4;
	_ =	sdelay $0x1  }
0xa1: {  	s23 =	simm.s32 $0x1B8B  }
0xa2: {  	_ =	swait.ge [sflag:s23], $0x1  }
0xa3: {  	[sflag:s23] =	ssyncset.done $0x0  }
0xa4: {  	[sflag:s23] =	ssyncadd.s32 $0xFFFFFFFF  }
0xa5: {  	s4 =	sld [smem:$0x0]  }
0xa6: {  	s5 =	sand.u32 $0xFFFFFFFE, s1  }
0xa7: {  	p0 =	sne.s32 s1, s5  }
0xa8: {  	s5 =	sshll.u32 @p0 s5, $0xE  }
0xa9: {  	s5 =	sadd.s32 @p0 $0x11B8D, s5;
	s6 =	sshll.u32 @p0 s4, $0x11  }
0xaa: {  	s5 =	sor.u32 @p0 s6, s5  }
0xab: {  	[sflag:s5] =	ssyncadd.remote.s32 @p0 $0x1;
	_ =	sdelay $0x1  }
0xac: {  	s5 =	simm.s32 @p0 $0x1B8D  }
0xad: {  	_ =	swait.eq @p0 [sflag:s5], $0x1  }
0xae: {  	[sflag:s5] =	ssyncadd.s32 @p0 $0xFFFFFFFF  }
0xaf: {  	s6 =	sshll.u32 @!p0 s1, $0xE  }
0xb0: {  	s6 =	sor.u32 @!p0 $0x4000, s6;
	s5 =	simm.s32 @!p0 $0x1B8D  }
0xb1: {  	s4 =	sshll.u32 @!p0 s4, $0x11;
	s6 =	sadd.s32 @!p0 $0x11B8D, s6;
	_ =	swait.eq @!p0 [sflag:s5], $0x1  }
0xb2: {  	s4 =	sor.u32 @!p0 s4, s6;
	[sflag:s5] =	ssyncadd.s32 @!p0 $0xFFFFFFFF  }
0xb3: {  	s25 =	simm.s32 $0x1B8E;
	s24 =	sld [smem:$0x3FFE];
	[sflag:s4] =	ssyncadd.remote.s32 @!p0 $0x1  }
0xb4: {  	s26 =	simm.s32 $execute0_lowered;
	[smem:$0x3FD2] =	sst s25  }
0xb5: {  	s5 =	sshll.u32 s26, $0x1;
	_ =	strace $0x80000055;
	[dreg:$0x1] =	wrdreg $0xFFFFFFFF  }
0xb6: {  	s28 =	simm.s32 $_size_execute0_lowered;
	s3 =	sadd.s32 s3, s5;
	[dreg:$0x0] =	wrdreg $0x0  }
0xb7: {  	s5 =	sshll.u32 s28, $0x1;
	[dreg:$0x2] =	wrdreg s3  }
0xb8: {  	[dreg:$0x3] =	wrdreg s5  }
0xb9: {  	[dreg:$0x4] =	wrdreg $0xC0  }
0xba: {  	_ =	task [dreg:s22], $0x5FFFF  }
0xbb: {  	[dreg:$0x1] =	wrdreg $0xFFFFFFFF  }
0xbc: {  	[dreg:$0x0] =	wrdreg $0x60  }
0xbd: {  	[dreg:$0x2] =	wrdreg s24  }
0xbe: {  	[dreg:$0x3] =	wrdreg $0x9  }
0xbf: {  	_ =	task.clear_ibuf [dreg:s22], $0x4FFFF;
	_ =	strace $0x90000055  }
0xc0: {  	s29 =	simm.s32 $0x9;
	_ =	strace $0x80000057  }
0xc1: {  	_ =	swait.ge [sflag:s29], $0x1  }
0xc2: {  	[sflag:s29] =	ssyncadd.s32 $0xFFFFFFFF  }
0xc3: {  	_ =	strace $0x90000057  }
0xc4: {  	_ =	sfence  }
0xc5: {  	s30 =	sld [smem:$0x0];
	_ =	sdelay $0x2  }
0xc6: {  	s31 =	sshll.u32 s1, $0xD;
	s1 =	sshrl.u32 s1, $0x2  }
0xc7: {  	s4 =	sand.u32 $0x4000, s31;
	s1 =	sadd.s32 s1, s30  }
0xc8: {  	s0 =	sor.u32 s4, s0;
	s1 =	sshll.u32 s1, $0x11  }
0xc9: {  	s0 =	sor.u32 s1, s0  }
0xca: {  	s0 =	sadd.s32 $0x8F2B, s0  }
0xcb: {  	[sflag:s0] =	ssyncadd.remote.s32 $0x1  }
0xcc: {  	_ =	sfence.sel $0xFFFF  }
0xcd: {  	[dreg:$0x0] =	wrdreg $0xFFFFFFFF;
	(pc) =	sbr.abs _section_cstart, $3  }
0xce: {  	[dreg:$0x1] =	wrdreg $0xFFFFFFFF  }
0xcf: {  	_ =	task.clear_ibuf [dreg:s22], $0x2FFFF;
	_ =	strace $0x9FFFFFFF  }
0xd0: {  	(tm) =	ssettm $0x7FFFFFFF  }
0xd1: {  	_ =	shalt  }
tec
execute0_lowered:
.L_overlay_start_1:
0x0: {  	(tag) =	ssettag $0x1  }
0x1: {  	s0 =	srdreg.scid  }
0x2: {  	s5 =	rddreg [dreg:$0x0];
	s1 =	stileid.u32  }
0x3: {  	s2 =	simm.s32 $0x0;
	s12 =	simm.s32 $0x0;
	s4 =	sand.u32 $0x1, s0  }
0x4: {  	s0 =	rddreg [dreg:$0x1];
	s10 =	smul.u32 $0x14000, s1;
	s3 =	sshll.u32 s4, $0x4  }
0x5: {  	[smem:$0x7FF] =	sst s2;
	s9 =	smul.u32 $0x140000, s4;
	s3 =	sor.u32 s1, s3  }
0x6: {  	s11 =	sadd.s32 $0x2BF000, s5;
	s8 =	ssub.s32 $0x2, s4;
	s6 =	smul.u32 $0x140, s3  }
0x7: {  	_ =	strace $0x80000056;
	s28 =	sshrl.u32 s8, $0x1;
	s7 =	smul.u32 $0x14000, s3  }
0x8: {  	s3 =	sadd.s32 $0x32800, s5;
	s29 =	ssub.s32 s8, s28;
	s31 =	sadd.s32 s10, s9  }
0x9: {  	s8 =	simm.s32 $0x3;
	s9 =	simm.s32 $0xA00;
	s10 =	simm.s32 $0x2  }
0xa: {  	s26 =	sadd.s32 s6, s5;
	s30 =	sshrl.u32 s7, $0x3;
	s5 =	smax.u32 s29, $0x1  }
0xb: {  	s7 =	sshrl.u32 s31, $0x3;
	s4 =	sadd.s32 $0x8F000, s26;
	s6 =	sadd.s32 s11, s30  }
0xc: {  	s7 =	sadd.s32 s7, s11;
	s11 =	simm.s32 $0x1A00;
	s6 =	sadd.s32 $0x2600, s6  }
.LBB2_1:
0xd: {  	[tilespmem:s2], [sflag:$0x3] =	stream.linear.gather [hbm4b:s4+s2], $0xA00, $0x38;
	[tilespmem:$0x2A00] =	vst v63  }
0xe: {  	_ =	swait.ge [sflag:s8], $0xA00  }
0xf: {  	s14 =	sand.u32 $0x1, s2;
	[sflag:s8] =	ssyncset.done $0x0  }
0x10: {  	s13 =	simm.s32 $0x80;
	p0 =	seq.s32 s14, $0x1;
	[sflag:s8] =	ssyncadd.s32 $0xFFFFF600  }
0x11: {  	[tilespmem:s9], [sflag:$0x1] =	stream.indirect.gather [hbm4b:s3+s13], $0x20, s2, s13, $0xb8;
	[tilespmem:$0x2A00] =	vst v63  }
0x12: {  	s14 =	simm.s32 @p0 $0x80;
	s15 =	simm.s32 @p0 $0xA00;
	s16 =	simm.s32 @p0 $0x2  }
0x13: {  	[tilespmem:s15], [sflag:$0x1] =	stream.indirect.gather @p0 [hbm4b:s3+s14], $0x20, s13, s14, $0xb8;
	[tilespmem:$0x2A00] =	vst v63  }
0x14: {  	_ =	swait.ge @p0 [sflag:s16], $0x1000  }
0x15: {  	[sflag:s16] =	ssyncset.done @p0 $0x0  }
0x16: {  	s14 =	simm.s32 @p0 $0x0;
	s15 =	simm.s32 @p0 $0x1A00;
	[sflag:s16] =	ssyncadd.s32 @p0 $0xFFFFF000  }
0x17: {  	[hbm4b:s7+s14] =	stream.linear.scatter @p0 [tilespmem:s15], [sflag:$0x3], $0x1000, $0x38;
	[tilespmem:$0x2A00] =	vst v63  }
0x18: {  	s17 =	simm.s32 @!p0 $0x1;
	s14 =	simm.s32 @!p0 $0x80;
	s15 =	simm.s32 @!p0 $0x1A00  }
0x19: {  	[tilespmem:s15], [sflag:$0x2] =	stream.indirect.gather @!p0 [hbm4b:s3+s14], $0x20, s13, s14, $0xb8;
	[tilespmem:$0x2A00] =	vst v63  }
0x1a: {  	s16 =	simm.s32 @!p0 $0x4;
	_ =	swait.ge @!p0 [sflag:s17], $0x1000  }
0x1b: {  	s31 =	simm.s32 $0x1;
	s16 =	simm.s32 @p0 $0x3;
	[sflag:s17] =	ssyncset.done @!p0 $0x0  }
0x1c: {  	s14 =	simm.s32 @!p0 $0xA00;
	[sflag:s17] =	ssyncadd.s32 @!p0 $0xFFFFF000;
	s17 =	simm.s32 @!p0 $0x0  }
0x1d: {  	[hbm4b:s7+s17] =	stream.linear.scatter @!p0 [tilespmem:s14], [sflag:$0x4], $0x1000, $0x38;
	[tilespmem:$0x2A00] =	vst v63  }
0x1e: {  	s15 =	simm.s32 $0x2;
	s13 =	sand.u32 $0x1, s31;
	s14 =	simm.s32 $0x100  }
0x1f: {  	p0 =	seq.s32 s13, $0x1;
	s13 =	sadd.s32 $0x200, s7;
	_ =	swait.ge [sflag:s16], $0x1000  }
.LBB2_2:
0x20: {  	s17 =	simm.s32 @p0 $0x80;
	s18 =	simm.s32 @p0 $0xA00  }
0x21: {  	[sflag:s16] =	ssyncset.done $0x0;
	s19 =	smov.u32 s15;
	s20 =	smov.u32 s14  }
0x22: {  	s15 =	sadd.s32 $0x1, s15;
	s21 =	simm.s32 @p0 $0x2;
	[sflag:s16] =	ssyncadd.s32 $0xFFFFF000  }
0x23: {  	[tilespmem:s18], [sflag:$0x1] =	stream.indirect.gather @p0 [hbm4b:s3+s17], $0x20, s14, s17, $0xb8;
	[tilespmem:$0x2A00] =	vst v63  }
0x24: {  	p1 =	sne.s32 s15, $0x13;
	_ =	swait.ge @p0 [sflag:s21], $0x1000  }
0x25: {  	s14 =	sadd.s32 $0x80, s14;
	[sflag:s21] =	ssyncset.done @p0 $0x0  }
0x26: {  	s16 =	simm.s32 @p0 $0x0;
	s17 =	simm.s32 @p0 $0x1A00;
	[sflag:s21] =	ssyncadd.s32 @p0 $0xFFFFF000  }
0x27: {  	[hbm4b:s13+s16] =	stream.linear.scatter @p0 [tilespmem:s17], [sflag:$0x3], $0x1000, $0x38;
	[tilespmem:$0x2A00] =	vst v63  }
0x28: {  	s18 =	simm.s32 @!p0 $0x1;
	s16 =	simm.s32 @!p0 $0x80;
	s17 =	simm.s32 @!p0 $0x1A00  }
0x29: {  	[tilespmem:s17], [sflag:$0x2] =	stream.indirect.gather @!p0 [hbm4b:s3+s16], $0x20, s20, s16, $0xb8;
	[tilespmem:$0x2A00] =	vst v63  }
.Ltmp0:
0x2a: {  	s17 =	sand.u32 $0x1, s19;
	_ =	swait.ge @!p0 [sflag:s18], $0x1000;
	(pc) =	sbr.rel @p1 .LBB2_2-.Ltmp0, $4  }
0x2b: {  	s19 =	simm.s32 @!p0 $0xA00;
	s16 =	simm.s32 @!p0 $0x4;
	[sflag:s18] =	ssyncset.done @!p0 $0x0  }
0x2c: {  	s16 =	simm.s32 @p0 $0x3;
	[sflag:s18] =	ssyncadd.s32 @!p0 $0xFFFFF000;
	s18 =	simm.s32 @!p0 $0x0  }
0x2d: {  	[hbm4b:s13+s18] =	stream.linear.scatter @!p0 [tilespmem:s19], [sflag:$0x4], $0x1000, $0x38;
	[tilespmem:$0x2A00] =	vst v63  }
0x2e: {  	p0 =	seq.s32 s17, $0x1;
	s13 =	sadd.s32 $0x200, s13;
	_ =	swait.ge [sflag:s16], $0x1000  }
0x2f: {  	s15 =	simm.s32 @p0 $0x80;
	[sflag:s16] =	ssyncset.done $0x0  }
0x30: {  	s17 =	simm.s32 @p0 $0xA00;
	s18 =	simm.s32 @p0 $0x2;
	[sflag:s16] =	ssyncadd.s32 $0xFFFFF000  }
0x31: {  	[tilespmem:s17], [sflag:$0x1] =	stream.indirect.gather @p0 [hbm4b:s3+s15], $0x20, s14, s15, $0xb8;
	[tilespmem:$0x2A00] =	vst v63  }
0x32: {  	_ =	swait.ge @p0 [sflag:s18], $0x1000  }
0x33: {  	[sflag:s18] =	ssyncset.done @p0 $0x0  }
0x34: {  	s16 =	simm.s32 @p0 $0x1A00;
	s15 =	simm.s32 @p0 $0x0;
	[sflag:s18] =	ssyncadd.s32 @p0 $0xFFFFF000  }
0x35: {  	[hbm4b:s13+s15] =	stream.linear.scatter @p0 [tilespmem:s16], [sflag:$0x3], $0x1000, $0x38;
	[tilespmem:$0x2A00] =	vst v63  }
0x36: {  	s17 =	simm.s32 @!p0 $0x1;
	s15 =	simm.s32 @!p0 $0x80;
	s16 =	simm.s32 @!p0 $0x1A00  }
0x37: {  	[tilespmem:s16], [sflag:$0x2] =	stream.indirect.gather @!p0 [hbm4b:s3+s15], $0x20, s14, s15, $0xb8;
	[tilespmem:$0x2A00] =	vst v63  }
0x38: {  	_ =	swait.ge @!p0 [sflag:s17], $0x1000  }
0x39: {  	s14 =	simm.s32 @!p0 $0xA00;
	s15 =	simm.s32 @!p0 $0x4;
	[sflag:s17] =	ssyncset.done @!p0 $0x0  }
0x3a: {  	s16 =	simm.s32 @!p0 $0x0;
	s15 =	simm.s32 @p0 $0x3;
	[sflag:s17] =	ssyncadd.s32 @!p0 $0xFFFFF000  }
0x3b: {  	[hbm4b:s13+s16] =	stream.linear.scatter @!p0 [tilespmem:s14], [sflag:$0x4], $0x1000, $0x38;
	[tilespmem:$0x2A00] =	vst v63  }
0x3c: {  	_ =	swait.ge [sflag:s15], $0x1000  }
0x3d: {  	[sflag:s15] =	ssyncset.done $0x0  }
0x3e: {  	[sflag:s15] =	ssyncadd.s32 $0xFFFFF000  }
0x3f: {  	s12 =	sadd.s32 $0x1, s12;
	_ =	swait.ge [sflag:s10], $0x1000  }
0x40: {  	p0 =	sne.s32 s12, s5;
	[sflag:s10] =	ssyncset.done $0x0  }
.Ltmp1:
0x41: {  	[sflag:s10] =	ssyncadd.s32 $0xFFFFF000;
	(pc) =	sbr.rel @p0 .LBB2_1-.Ltmp1, $4  }
0x42: {  	[hbm4b:s6+s2] =	stream.linear.scatter [tilespmem:s11], [sflag:$0x3], $0x1000, $0x38;
	[tilespmem:$0x2A00] =	vst v63  }
0x43: {  	_ =	swait.ge [sflag:s8], $0x1000  }
0x44: {  	[sflag:s8] =	ssyncset.done $0x0  }
0x45: {  	[sflag:s8] =	ssyncadd.s32 $0xFFFFF000  }
0x46: {  	_ =	sfence.sel $0x180000  }
0x47: {  	[bflag:$0x0] =	sbarrier.arrive $0xFFFF  }
0x48: {  	p0 =	sne.s32 s1, $0x0;
	_ =	strace $0x90000056  }
0x49: {  	s0 =	sadd.s32 @!p0 $0x100000, s0;
	[bflag:$0x2] =	sbarrier.arrive $0xFFFF  }
0x4a: {  	[sflag:s0] =	ssyncadd.tile.s32 @!p0 $0x1;
	_ =	shalt  }
.Lfunc_end2:
_tile_overlayer_lowered:
.L_overlay_start_2:
0x4b: {  	(tag) =	ssettag $0x2  }
0x4c: {  	s0 =	rddreg [dreg:$0x0];
	s2 =	stileid.u32  }
0x4d: {  	s1 =	rddreg [dreg:$0x1];
	p0 =	sne.s32 s2, $0x0  }
0x4e: {  	s3 =	rddreg [dreg:$0x2];
	[bflag:$0x3] =	sbarrier.arrive $0xFFFF;
	s2 =	simm.s32 @!p0 $0x1C03  }
0x4f: {  	[timem:s3], [sflag:s2] =	dma.local @!p0 [hbm:s0], s1  }
0x50: {  	s0 =	simm.s32 @!p0 $0x3  }
0x51: {  	_ =	swait.ge @!p0 [sflag:s0], s1  }
0x52: {  	s1 =	ssub.s32 @!p0 $0x0, s1;
	[sflag:s0] =	ssyncset.done @!p0 $0x0  }
0x53: {  	[sflag:s0] =	ssyncadd.s32 @!p0 s1  }
0x54: {  	[bflag:$0x3] =	sbarrier.arrive $0xFFFF  }
0x55: {  	_ =	shalt  }

// kernel: kernel.31.cloned.1.call-start
scs
__scs_entry_jumppad:
0x0: {  	(pc) =	sbr.rel $0x88, $3  }
0x1: {  	(tag) =	ssettag $0x0;
	lr =	simm.s32 $0x1  }
0x2: {  	[smem:$0x3F8B] =	sst lr;
	_ =	strace $0xD0000000  }
0x3: {  	_ = 	snop  }
0x4: {  	_ = 	snop  }
0x5: {  	_ = 	snop  }
0x6: {  	_ = 	snop  }
0x7: {  	_ = 	snop  }
__scs_overlays_trampoline_lowered:
0x8: {  	[smem:$0x3F9A] =	sst s0  }
0x9: {  	[smem:$0x3F9B] =	sst s1  }
0xa: {  	[smem:$0x3F9C] =	sst s2  }
0xb: {  	[smem:$0x3F9D] =	sst s3  }
0xc: {  	[smem:$0x3F9E] =	sst s4  }
0xd: {  	[smem:$0x3F9F] =	sst s5  }
0xe: {  	[smem:$0x3FA0] =	sst s6  }
0xf: {  	[smem:$0x3FA1] =	sst s7  }
0x10: {  	[smem:$0x3FA2] =	sst s8  }
0x11: {  	[smem:$0x3FA3] =	sst s9;
	s0 =	simm.s32 @!p0 $0x0  }
0x12: {  	s1 =	sld [smem:$0x3F89];
	s0 =	simm.s32 @p0 $0x1  }
0x13: {  	[smem:$0x3FA4] =	sst s0;
	s0 =	simm.s32 @!p1 $0x0  }
0x14: {  	s2 =	sld [smem:$0x3F88];
	s0 =	simm.s32 @p1 $0x1  }
0x15: {  	[smem:$0x3FA5] =	sst s0;
	s0 =	simm.s32 @!p2 $0x0  }
0x16: {  	s3 =	sld [smem:$0x3FDB];
	s0 =	simm.s32 @p2 $0x1  }
0x17: {  	s4 =	simm.s32 $0x1BF5;
	[smem:$0x3FA7] =	sst s0  }
0x18: {  	s0 =	sld [smem:$0x3F8A];
	_ =	swait.ge [sflag:s4], $0x0  }
0x19: {  	s7 =	sld [smem:$0x3F8B]  }
0x1a: {  	s8 =	sadd.s32 $0xFFFFE003, lr  }
0x1b: {  	s9 =	sadd.s32 $0xFFFFFEF7, lr;
	s5 =	simm.s32 $0xFFFFFFFF;
	p2 =	slt.u32 s8, $0xFFFFF086  }
0x1c: {  	p1 =	slt.u32 s9, $0xF7A;
	s5 =	simm.s32 @!p2 $0x0  }
0x1d: {  	s5 =	simm.s32 @p1 $0x1;
	p0 =	seq.s32 s7, s2  }
0x1e: {  	s7 =	smul.u32 @!p0 $0xF7A, s2;
	p2 =	seq.s32 @!p0 s5, $0x0  }
0x1f: {  	s9 =	smul.u32 $0xF7A, s1;
	s8 =	simm.s32 @!p0 $0x1BF5;
	p2 =	por !p2, p0  }
0x20: {  	[sflag:s8] =	ssyncset.s32 @!p0 $0xFFFFF086;
	s6 =	sadd.s32 @!p0 s3, s7;
	s7 =	simm.s32 @!p0 $0x108  }
0x21: {  	s3 =	sadd.s32 s3, s9;
	s6 =	sadd.s32 @!p0 $0x88, s6;
	s7 =	simm.s32 @p2 $0x1082  }
0x22: {  	[simem:s7], [sflag:s8] =	dma.local @!p0 [hbm:s6], $0xF7A  }
0x23: {  	s9 =	sor.u32 $0xD0000000, s2;
	s6 =	simm.s32 $0x108;
	_ =	swait.ge @!p0 [sflag:s8], $0x0  }
0x24: {  	s3 =	sadd.s32 $0x88, s3;
	s6 =	simm.s32 @!p1 $0x1082;
	[sflag:s4] =	ssyncset.s32 $0xFFFFF086  }
0x25: {  	[simem:s6], [sflag:s4] =	dma.local [hbm:s3], $0xF7A  }
0x26: {  	[smem:$0x3F8B] =	sst s1;
	(tag) =	ssettag s2;
	_ =	strace s9  }
0x27: {  	s1 =	sld [smem:$0x3F9B]  }
0x28: {  	s2 =	sld [smem:$0x3F9C]  }
0x29: {  	s4 =	sld [smem:$0x3F9E]  }
0x2a: {  	p0 =	seq.s32 s5, $0x0;
	s5 =	sld [smem:$0x3F9F]  }
0x2b: {  	s6 =	sld [smem:$0x3FA0]  }
0x2c: {  	s7 =	sld [smem:$0x3FA1]  }
0x2d: {  	s3 =	simm.s32 $0x108;
	s8 =	sld [smem:$0x3FA2]  }
0x2e: {  	s3 =	simm.s32 @!p0 $0x1082;
	s9 =	sld [smem:$0x3FA3]  }
0x2f: {  	lr =	sadd.s32 s0, s3;
	s0 =	sld [smem:$0x3F9A]  }
0x30: {  	s3 =	sld [smem:$0x3F9D]  }
0x31: {  	[smem:$0x3FA6] =	sst s10  }
0x32: {  	s10 =	sld [smem:$0x3FA4];
	_ =	sdelay $0x3  }
0x33: {  	p0 =	seq.s32 s10, $0x1;
	s10 =	sld [smem:$0x3FA6];
	_ =	sdelay $0x3  }
0x34: {  	[smem:$0x3FA6] =	sst s10  }
0x35: {  	s10 =	sld [smem:$0x3FA5];
	_ =	sdelay $0x3  }
0x36: {  	p1 =	seq.s32 s10, $0x1;
	s10 =	sld [smem:$0x3FA6];
	_ =	sdelay $0x3  }
0x37: {  	[smem:$0x3FA6] =	sst s10  }
0x38: {  	s10 =	sld [smem:$0x3FA7]  }
0x39: {  	_ = 	snop;
	(pc) =	sbr.ind lr, $3  }
0x3a: {  	_ = 	snop  }
0x3b: {  	_ = 	snop  }
0x3c: {  	p2 =	seq.s32 s10, $0x1;
	s10 =	sld [smem:$0x3FA6]  }
0x3d: {  	_ =	shalt  }
0x3e: {  	_ =	shalt  }
0x3f: {  	_ =	shalt  }
0x40: {  	_ =	shalt  }
0x41: {  	_ =	shalt  }
0x42: {  	_ =	shalt  }
0x43: {  	_ =	shalt  }
0x44: {  	_ =	shalt  }
0x45: {  	_ =	shalt  }
0x46: {  	_ =	shalt  }
0x47: {  	_ =	shalt  }
0x48: {  	_ =	shalt  }
0x49: {  	_ =	shalt  }
0x4a: {  	_ =	shalt  }
0x4b: {  	_ =	shalt  }
0x4c: {  	_ =	shalt  }
0x4d: {  	_ =	shalt  }
0x4e: {  	_ =	shalt  }
0x4f: {  	_ =	shalt  }
0x50: {  	_ =	shalt  }
0x51: {  	_ =	shalt  }
0x52: {  	_ =	shalt  }
0x53: {  	_ =	shalt  }
0x54: {  	_ =	shalt  }
0x55: {  	_ =	shalt  }
0x56: {  	_ =	shalt  }
0x57: {  	_ =	shalt  }
0x58: {  	_ =	shalt  }
0x59: {  	_ =	shalt  }
0x5a: {  	_ =	shalt  }
0x5b: {  	_ =	shalt  }
0x5c: {  	_ =	shalt  }
0x5d: {  	_ =	shalt  }
0x5e: {  	_ =	shalt  }
0x5f: {  	_ =	shalt  }
0x60: {  	_ =	shalt  }
0x61: {  	_ =	shalt  }
0x62: {  	_ =	shalt  }
0x63: {  	_ =	shalt  }
0x64: {  	_ =	shalt  }
0x65: {  	_ =	shalt  }
0x66: {  	_ =	shalt  }
0x67: {  	_ =	shalt  }
0x68: {  	_ =	shalt  }
0x69: {  	_ =	shalt  }
0x6a: {  	_ =	shalt  }
0x6b: {  	_ =	shalt  }
0x6c: {  	_ =	shalt  }
0x6d: {  	_ =	shalt  }
0x6e: {  	_ =	shalt  }
0x6f: {  	_ =	shalt  }
0x70: {  	_ =	shalt  }
0x71: {  	_ =	shalt  }
0x72: {  	_ =	shalt  }
0x73: {  	_ =	shalt  }
0x74: {  	_ =	shalt  }
0x75: {  	_ =	shalt  }
0x76: {  	_ =	shalt  }
0x77: {  	_ =	shalt  }
0x78: {  	_ =	shalt  }
0x79: {  	_ =	shalt  }
0x7a: {  	_ =	shalt  }
0x7b: {  	_ =	shalt  }
0x7c: {  	_ =	shalt  }
0x7d: {  	_ =	shalt  }
0x7e: {  	_ =	shalt  }
0x7f: {  	_ =	shalt  }
0x80: {  	_ =	shalt  }
0x81: {  	_ =	shalt  }
0x82: {  	_ =	shalt  }
0x83: {  	_ =	shalt  }
0x84: {  	_ =	shalt  }
0x85: {  	_ =	shalt  }
0x86: {  	_ =	shalt  }
0x87: {  	_ =	shalt  }
.Lfunc_end0:
.L_simem_size_0:
called_computation.5_lowered:
.L_overlay_start_0:
0x88: {  	s2 =	sld [smem:$0x3FD9]  }
0x89: {  	s3 =	sld [smem:$0x3FFE];
	_ =	sdelay $0x1  }
0x8a: {  	s1 =	srdreg.scid  }
0x8b: {  	s0 =	sand.u32 $0x1, s1  }
0x8c: {  	s17 =	sshll.u32 s0, $0xA;
	s2 =	sadd.s32 s3, s2  }
0x8d: {  	s2 =	sadd.s32 s2, s17  }
0x8e: {  	[smem:$0x3FB2] =	sst s2  }
0x8f: {  	_ = 	snop  }
0x90: {  	(tm) =	ssettm $0x1  }
0x91: {  	s18 =	sld [smem:$0x3FFB];
	_ =	sdelay $0x3  }
0x92: {  	_ =	strace s18  }
0x93: {  	s2 =	sld [smem:$0x3FFC];
	_ =	sdelay $0x3  }
0x94: {  	_ =	strace s2  }
0x95: {  	s2 =	sld [smem:$0x3FFD];
	_ =	sdelay $0x3  }
0x96: {  	_ =	strace s2  }
0x97: {  	_ =	strace $0x8FFFFFFF  }
0x98: {  	s19 =	sld [smem:$0x3FDB];
	_ =	sdelay $0x1  }
0x99: {  	s20 =	simm.s32 $_scs_section_size  }
0x9a: {  	s4 =	simm.s32 $_size__tile_overlayer_lowered;
	s5 =	simm.s32 $_tile_overlayer_lowered  }
0x9b: {  	s6 =	simm.s32 $0x1BFF;
	s21 =	sshll.u32 s5, $0x1;
	s3 =	sadd.s32 s20, s19  }
0x9c: {  	s22 =	simm.s32 $0x0;
	s4 =	sshll.u32 s4, $0x1;
	s5 =	sadd.s32 s21, s3  }
0x9d: {  	[timem:s22], [sflag:s6] =	dma.local [hbm:s5], s4  }
0x9e: {  	_ =	swait.ge [sflag:s6], s4  }
0x9f: {  	s4 =	ssub.s32 $0x0, s4;
	[sflag:s6] =	ssyncset.done $0x0  }
0xa0: {  	[sflag:s6] =	ssyncadd.s32 s4;
	_ =	sdelay $0x1  }
0xa1: {  	s23 =	simm.s32 $0x1B8B  }
0xa2: {  	_ =	swait.ge [sflag:s23], $0x1  }
0xa3: {  	[sflag:s23] =	ssyncset.done $0x0  }
0xa4: {  	[sflag:s23] =	ssyncadd.s32 $0xFFFFFFFF  }
0xa5: {  	s4 =	sld [smem:$0x0]  }
0xa6: {  	s5 =	sand.u32 $0xFFFFFFFE, s1  }
0xa7: {  	p0 =	sne.s32 s1, s5  }
0xa8: {  	s5 =	sshll.u32 @p0 s5, $0xE  }
0xa9: {  	s5 =	sadd.s32 @p0 $0x11B8D, s5;
	s6 =	sshll.u32 @p0 s4, $0x11  }
0xaa: {  	s5 =	sor.u32 @p0 s6, s5  }
0xab: {  	[sflag:s5] =	ssyncadd.remote.s32 @p0 $0x1;
	_ =	sdelay $0x1  }
0xac: {  	s5 =	simm.s32 @p0 $0x1B8D  }
0xad: {  	_ =	swait.eq @p0 [sflag:s5], $0x1  }
0xae: {  	[sflag:s5] =	ssyncadd.s32 @p0 $0xFFFFFFFF  }
0xaf: {  	s6 =	sshll.u32 @!p0 s1, $0xE  }
0xb0: {  	s6 =	sor.u32 @!p0 $0x4000, s6;
	s5 =	simm.s32 @!p0 $0x1B8D  }
0xb1: {  	s4 =	sshll.u32 @!p0 s4, $0x11;
	s6 =	sadd.s32 @!p0 $0x11B8D, s6;
	_ =	swait.eq @!p0 [sflag:s5], $0x1  }
0xb2: {  	s4 =	sor.u32 @!p0 s4, s6;
	[sflag:s5] =	ssyncadd.s32 @!p0 $0xFFFFFFFF  }
0xb3: {  	s25 =	simm.s32 $0x1B8E;
	s24 =	sld [smem:$0x3FFE];
	[sflag:s4] =	ssyncadd.remote.s32 @!p0 $0x1  }
0xb4: {  	s26 =	simm.s32 $execute0_lowered;
	[smem:$0x3FD2] =	sst s25  }
0xb5: {  	s5 =	sshll.u32 s26, $0x1;
	_ =	strace $0x8000005B;
	[dreg:$0x1] =	wrdreg $0xFFFFFFFF  }
0xb6: {  	s28 =	simm.s32 $_size_execute0_lowered;
	s3 =	sadd.s32 s3, s5;
	[dreg:$0x0] =	wrdreg $0x0  }
0xb7: {  	s5 =	sshll.u32 s28, $0x1;
	[dreg:$0x2] =	wrdreg s3  }
0xb8: {  	[dreg:$0x3] =	wrdreg s5  }
0xb9: {  	[dreg:$0x4] =	wrdreg $0xC0  }
0xba: {  	_ =	task [dreg:s22], $0x5FFFF  }
0xbb: {  	[dreg:$0x1] =	wrdreg $0xFFFFFFFF  }
0xbc: {  	[dreg:$0x0] =	wrdreg $0x60  }
0xbd: {  	[dreg:$0x2] =	wrdreg s24  }
0xbe: {  	[dreg:$0x3] =	wrdreg $0x1A000  }
0xbf: {  	[dreg:$0x4] =	wrdreg $0x9  }
0xc0: {  	_ =	task.clear_ibuf [dreg:s22], $0x5FFFF;
	_ =	strace $0x9000005B  }
0xc1: {  	s29 =	simm.s32 $0x9;
	_ =	strace $0x8000005D  }
0xc2: {  	_ =	swait.ge [sflag:s29], $0x1  }
0xc3: {  	[sflag:s29] =	ssyncadd.s32 $0xFFFFFFFF  }
0xc4: {  	_ =	strace $0x9000005D  }
0xc5: {  	_ =	sfence  }
0xc6: {  	s30 =	sld [smem:$0x0];
	_ =	sdelay $0x2  }
0xc7: {  	s31 =	sshll.u32 s1, $0xD;
	s1 =	sshrl.u32 s1, $0x2  }
0xc8: {  	s4 =	sand.u32 $0x4000, s31;
	s1 =	sadd.s32 s1, s30  }
0xc9: {  	s0 =	sor.u32 s4, s0;
	s1 =	sshll.u32 s1, $0x11  }
0xca: {  	s0 =	sor.u32 s1, s0  }
0xcb: {  	s0 =	sadd.s32 $0x8F2B, s0  }
0xcc: {  	[sflag:s0] =	ssyncadd.remote.s32 $0x1  }
0xcd: {  	_ =	sfence.sel $0xFFFF  }
0xce: {  	[dreg:$0x0] =	wrdreg $0xFFFFFFFF;
	(pc) =	sbr.abs _section_cstart, $3  }
0xcf: {  	[dreg:$0x1] =	wrdreg $0xFFFFFFFF  }
0xd0: {  	_ =	task.clear_ibuf [dreg:s22], $0x2FFFF;
	_ =	strace $0x9FFFFFFF  }
0xd1: {  	(tm) =	ssettm $0x7FFFFFFF  }
tec
execute0_lowered:
.L_overlay_start_1:
0x0: {  	(tag) =	ssettag $0x1  }
0x1: {  	s0 =	srdreg.scid  }
0x2: {  	s5 =	rddreg [dreg:$0x0];
	s4 =	sand.u32 $0x1, s0  }
0x3: {  	s0 =	stileid.u32;
	s6 =	smul.u32 $0x28000, s4  }
0x4: {  	s2 =	rddreg [dreg:$0x1];
	s3 =	simm.s32 $0x0;
	s8 =	smul.u32 $0x5000, s0  }
0x5: {  	s14 =	simm.s32 $0x0;
	[smem:$0x7FF] =	sst s3;
	s9 =	smul.u32 $0xA00, s0  }
0x6: {  	s1 =	sshll.u32 s4, $0x4;
	s10 =	smul.u32 $0xA000, s4;
	s4 =	ssub.s32 $0x2, s4  }
0x7: {  	s30 =	sshll.u32 s0, $0x6;
	s13 =	smul.u32 $0x2800, s0;
	s1 =	sor.u32 s0, s1  }
0x8: {  	s29 =	sshrl.u32 s4, $0x1;
	s7 =	smul.u32 $0xA00, s1;
	s1 =	rddreg [dreg:$0x2]  }
0x9: {  	_ =	strace $0x8000005C;
	s11 =	sadd.s32 s6, s5;
	s28 =	sshrl.u32 s8, $0x3  }
0xa: {  	s9 =	sadd.s32 s9, s10;
	s10 =	ssub.s32 s4, s29;
	s12 =	sadd.s32 s8, s2  }
0xb: {  	s9 =	sadd.s32 s9, s5;
	s8 =	smax.u32 s10, $0x1;
	s31 =	sadd.s32 s13, s11  }
0xc: {  	s10 =	sshrl.u32 s12, $0x3;
	s11 =	simm.s32 $0x1;
	s7 =	sshrl.u32 s7, $0x3  }
0xd: {  	s12 =	simm.s32 $0xA00;
	s26 =	sadd.s32 s7, s5;
	s7 =	sadd.s32 s28, s5  }
0xe: {  	s13 =	simm.s32 $0x80;
	s5 =	sor.u32 $0x1C01, s30;
	s4 =	sadd.s32 $0x184000, s7  }
0xf: {  	s6 =	sadd.s32 $0x91800, s26;
	s7 =	sadd.s32 $0x1F2600, s9;
	s9 =	sadd.s32 $0xE4000, s31  }
.LBB2_1:
0x10: {  	[spmem:s10], [sflag:s5] =	dma.local [hbm:s4], $0xA00  }
0x11: {  	_ =	swait.ge [sflag:s11], $0xA00  }
0x12: {  	[sflag:s11] =	ssyncset.done $0x0  }
0x13: {  	[sflag:s11] =	ssyncadd.s32 $0xFFFFF600  }
0x14: {  	[tilespmem:s3], [sflag:$0x1] =	stream.linear.gather [hbm4b:s6+s3], $0xA00, $0x38;
	[tilespmem:$0x6A00] =	vst v63  }
0x15: {  	_ =	swait.ge [sflag:s11], $0xA00  }
0x16: {  	[sflag:s11] =	ssyncset.done $0x0  }
0x17: {  	[sflag:s11] =	ssyncadd.s32 $0xFFFFF600  }
0x18: {  	s15 =	sadd.s32 $0x0, s9;
	[bflag:$0x0] =	sbarrier.arrive $0xFFFF  }
0x19: {  	[tilespmem:s12], [sflag:$0x1] =	stream.linear.gather [hbm4b:s15+s3], $0x1000, $0x38;
	[tilespmem:$0x6A00] =	vst v63  }
0x1a: {  	_ =	swait.ge [sflag:s11], $0x1000  }
0x1b: {  	[sflag:s11] =	ssyncset.done $0x0  }
0x1c: {  	s31 =	simm.s32 $0x0;
	[sflag:s11] =	ssyncadd.s32 $0xFFFFF000  }
0x1d: {  	[spmem:s2] =	stream.indirect.scatter.add.f32 [tilespmem:s12], [sflag:$0x1], $0x20, s31, s13, $0xb8;
	[tilespmem:$0x6A00] =	vst v63  }
0x1e: {  	_ =	swait.ge [sflag:s11], $0x1000  }
0x1f: {  	s16 =	simm.s32 $0x400;
	s15 =	simm.s32 $0x200;
	[sflag:s11] =	ssyncset.done $0x0  }
.LBB2_2:
0x20: {  	s17 =	sadd.s32 s15, s9  }
0x21: {  	[sflag:s11] =	ssyncadd.s32 $0xFFFFF000;
	s18 =	smov.u32 s16;
	s19 =	sadd.s32 $0x200, s16  }
0x22: {  	[tilespmem:s12], [sflag:$0x1] =	stream.linear.gather [hbm4b:s17+s3], $0x1000, $0x38;
	[tilespmem:$0x6A00] =	vst v63  }
0x23: {  	p0 =	sne.s32 s16, $0x2600;
	_ =	swait.ge [sflag:s11], $0x1000  }
.Ltmp0:
0x24: {  	[sflag:s11] =	ssyncset.done $0x0;
	(pc) =	sbr.rel @p0 .LBB2_2-.Ltmp0, $4  }
0x25: {  	s16 =	sshra.s32 s15, $0x2;
	s15 =	smov.u32 s18;
	[sflag:s11] =	ssyncadd.s32 $0xFFFFF000  }
0x26: {  	[spmem:s2] =	stream.indirect.scatter.add.f32 [tilespmem:s12], [sflag:$0x1], $0x20, s16, s13, $0xb8;
	[tilespmem:$0x6A00] =	vst v63  }
0x27: {  	_ =	swait.ge [sflag:s11], $0x1000  }
0x28: {  	s16 =	smov.u32 s19;
	[sflag:s11] =	ssyncset.done $0x0  }
0x29: {  	s16 =	sadd.s32 s15, s9;
	[sflag:s11] =	ssyncadd.s32 $0xFFFFF000  }
0x2a: {  	[tilespmem:s12], [sflag:$0x1] =	stream.linear.gather [hbm4b:s16+s3], $0x1000, $0x38;
	[tilespmem:$0x6A00] =	vst v63  }
0x2b: {  	_ =	swait.ge [sflag:s11], $0x1000  }
0x2c: {  	[sflag:s11] =	ssyncset.done $0x0  }
0x2d: {  	s31 =	sshra.s32 s15, $0x2;
	[sflag:s11] =	ssyncadd.s32 $0xFFFFF000  }
0x2e: {  	[spmem:s2] =	stream.indirect.scatter.add.f32 [tilespmem:s12], [sflag:$0x1], $0x20, s31, s13, $0xb8;
	[tilespmem:$0x6A00] =	vst v63  }
0x2f: {  	_ =	swait.ge [sflag:s11], $0x1000  }
0x30: {  	s14 =	sadd.s32 $0x1, s14;
	[sflag:s11] =	ssyncset.done $0x0  }
0x31: {  	p0 =	sne.s32 s14, s8;
	[sflag:s11] =	ssyncadd.s32 $0xFFFFF000  }
.Ltmp1:
0x32: {  	[bflag:$0x0] =	sbarrier.arrive $0xFFFF;
	(pc) =	sbr.rel @p0 .LBB2_1-.Ltmp1, $4  }
0x33: {  	[hbm:s7], [sflag:s5] =	dma.local [spmem:s10], $0xA00  }
0x34: {  	_ =	swait.ge [sflag:s11], $0xA00  }
0x35: {  	[sflag:s11] =	ssyncset.done $0x0  }
0x36: {  	[sflag:s11] =	ssyncadd.s32 $0xFFFFF600  }
0x37: {  	_ =	sfence.sel $0x180000  }
0x38: {  	[bflag:$0x0] =	sbarrier.arrive $0xFFFF  }
0x39: {  	p0 =	sne.s32 s0, $0x0;
	_ =	strace $0x9000005C  }
0x3a: {  	s0 =	sadd.s32 @!p0 $0x100000, s1;
	[bflag:$0x2] =	sbarrier.arrive $0xFFFF  }
0x3b: {  	[sflag:s0] =	ssyncadd.tile.s32 @!p0 $0x1;
	_ =	shalt  }
.Lfunc_end2:
_tile_overlayer_lowered:
.L_overlay_start_2:
0x3c: {  	(tag) =	ssettag $0x2  }
0x3d: {  	s0 =	rddreg [dreg:$0x0];
	s2 =	stileid.u32  }
0x3e: {  	s1 =	rddreg [dreg:$0x1];
	p0 =	sne.s32 s2, $0x0  }
0x3f: {  	s3 =	rddreg [dreg:$0x2];
	[bflag:$0x3] =	sbarrier.arrive $0xFFFF;
	s2 =	simm.s32 @!p0 $0x1C01  }
0x40: {  	[timem:s3], [sflag:s2] =	dma.local @!p0 [hbm:s0], s1  }
0x41: {  	s0 =	simm.s32 @!p0 $0x1  }
0x42: {  	_ =	swait.ge @!p0 [sflag:s0], s1  }
0x43: {  	s1 =	ssub.s32 @!p0 $0x0, s1;
	[sflag:s0] =	ssyncset.done @!p0 $0x0  }
0x44: {  	[sflag:s0] =	ssyncadd.s32 @!p0 s1  }
0x45: {  	[bflag:$0x3] =	sbarrier.arrive $0xFFFF  }
0x46: {  	_ =	shalt  }

// kernel: kernel.34.cloned.1.call-start
scs
__scs_entry_jumppad:
0x0: {  	(pc) =	sbr.rel $0x88, $3  }
0x1: {  	(tag) =	ssettag $0x0;
	lr =	simm.s32 $0x1  }
0x2: {  	[smem:$0x3F8B] =	sst lr;
	_ =	strace $0xD0000000  }
0x3: {  	_ = 	snop  }
0x4: {  	_ = 	snop  }
0x5: {  	_ = 	snop  }
0x6: {  	_ = 	snop  }
0x7: {  	_ = 	snop  }
__scs_overlays_trampoline_lowered:
0x8: {  	[smem:$0x3F9A] =	sst s0  }
0x9: {  	[smem:$0x3F9B] =	sst s1  }
0xa: {  	[smem:$0x3F9C] =	sst s2  }
0xb: {  	[smem:$0x3F9D] =	sst s3  }
0xc: {  	[smem:$0x3F9E] =	sst s4  }
0xd: {  	[smem:$0x3F9F] =	sst s5  }
0xe: {  	[smem:$0x3FA0] =	sst s6  }
0xf: {  	[smem:$0x3FA1] =	sst s7  }
0x10: {  	[smem:$0x3FA2] =	sst s8  }
0x11: {  	[smem:$0x3FA3] =	sst s9;
	s0 =	simm.s32 @!p0 $0x0  }
0x12: {  	s1 =	sld [smem:$0x3F89];
	s0 =	simm.s32 @p0 $0x1  }
0x13: {  	[smem:$0x3FA4] =	sst s0;
	s0 =	simm.s32 @!p1 $0x0  }
0x14: {  	s2 =	sld [smem:$0x3F88];
	s0 =	simm.s32 @p1 $0x1  }
0x15: {  	[smem:$0x3FA5] =	sst s0;
	s0 =	simm.s32 @!p2 $0x0  }
0x16: {  	s3 =	sld [smem:$0x3FDB];
	s0 =	simm.s32 @p2 $0x1  }
0x17: {  	s4 =	simm.s32 $0x1BF5;
	[smem:$0x3FA7] =	sst s0  }
0x18: {  	s0 =	sld [smem:$0x3F8A];
	_ =	swait.ge [sflag:s4], $0x0  }
0x19: {  	s7 =	sld [smem:$0x3F8B]  }
0x1a: {  	s8 =	sadd.s32 $0xFFFFE003, lr  }
0x1b: {  	s9 =	sadd.s32 $0xFFFFFEF7, lr;
	s5 =	simm.s32 $0xFFFFFFFF;
	p2 =	slt.u32 s8, $0xFFFFF086  }
0x1c: {  	p1 =	slt.u32 s9, $0xF7A;
	s5 =	simm.s32 @!p2 $0x0  }
0x1d: {  	s5 =	simm.s32 @p1 $0x1;
	p0 =	seq.s32 s7, s2  }
0x1e: {  	s7 =	smul.u32 @!p0 $0xF7A, s2;
	p2 =	seq.s32 @!p0 s5, $0x0  }
0x1f: {  	s9 =	smul.u32 $0xF7A, s1;
	s8 =	simm.s32 @!p0 $0x1BF5;
	p2 =	por !p2, p0  }
0x20: {  	[sflag:s8] =	ssyncset.s32 @!p0 $0xFFFFF086;
	s6 =	sadd.s32 @!p0 s3, s7;
	s7 =	simm.s32 @!p0 $0x108  }
0x21: {  	s3 =	sadd.s32 s3, s9;
	s6 =	sadd.s32 @!p0 $0x88, s6;
	s7 =	simm.s32 @p2 $0x1082  }
0x22: {  	[simem:s7], [sflag:s8] =	dma.local @!p0 [hbm:s6], $0xF7A  }
0x23: {  	s9 =	sor.u32 $0xD0000000, s2;
	s6 =	simm.s32 $0x108;
	_ =	swait.ge @!p0 [sflag:s8], $0x0  }
0x24: {  	s3 =	sadd.s32 $0x88, s3;
	s6 =	simm.s32 @!p1 $0x1082;
	[sflag:s4] =	ssyncset.s32 $0xFFFFF086  }
0x25: {  	[simem:s6], [sflag:s4] =	dma.local [hbm:s3], $0xF7A  }
0x26: {  	[smem:$0x3F8B] =	sst s1;
	(tag) =	ssettag s2;
	_ =	strace s9  }
0x27: {  	s1 =	sld [smem:$0x3F9B]  }
0x28: {  	s2 =	sld [smem:$0x3F9C]  }
0x29: {  	s4 =	sld [smem:$0x3F9E]  }
0x2a: {  	p0 =	seq.s32 s5, $0x0;
	s5 =	sld [smem:$0x3F9F]  }
0x2b: {  	s6 =	sld [smem:$0x3FA0]  }
0x2c: {  	s7 =	sld [smem:$0x3FA1]  }
0x2d: {  	s3 =	simm.s32 $0x108;
	s8 =	sld [smem:$0x3FA2]  }
0x2e: {  	s3 =	simm.s32 @!p0 $0x1082;
	s9 =	sld [smem:$0x3FA3]  }
0x2f: {  	lr =	sadd.s32 s0, s3;
	s0 =	sld [smem:$0x3F9A]  }
0x30: {  	s3 =	sld [smem:$0x3F9D]  }
0x31: {  	[smem:$0x3FA6] =	sst s10  }
0x32: {  	s10 =	sld [smem:$0x3FA4];
	_ =	sdelay $0x3  }
0x33: {  	p0 =	seq.s32 s10, $0x1;
	s10 =	sld [smem:$0x3FA6];
	_ =	sdelay $0x3  }
0x34: {  	[smem:$0x3FA6] =	sst s10  }
0x35: {  	s10 =	sld [smem:$0x3FA5];
	_ =	sdelay $0x3  }
0x36: {  	p1 =	seq.s32 s10, $0x1;
	s10 =	sld [smem:$0x3FA6];
	_ =	sdelay $0x3  }
0x37: {  	[smem:$0x3FA6] =	sst s10  }
0x38: {  	s10 =	sld [smem:$0x3FA7]  }
0x39: {  	_ = 	snop;
	(pc) =	sbr.ind lr, $3  }
0x3a: {  	_ = 	snop  }
0x3b: {  	_ = 	snop  }
0x3c: {  	p2 =	seq.s32 s10, $0x1;
	s10 =	sld [smem:$0x3FA6]  }
0x3d: {  	_ =	shalt  }
0x3e: {  	_ =	shalt  }
0x3f: {  	_ =	shalt  }
0x40: {  	_ =	shalt  }
0x41: {  	_ =	shalt  }
0x42: {  	_ =	shalt  }
0x43: {  	_ =	shalt  }
0x44: {  	_ =	shalt  }
0x45: {  	_ =	shalt  }
0x46: {  	_ =	shalt  }
0x47: {  	_ =	shalt  }
0x48: {  	_ =	shalt  }
0x49: {  	_ =	shalt  }
0x4a: {  	_ =	shalt  }
0x4b: {  	_ =	shalt  }
0x4c: {  	_ =	shalt  }
0x4d: {  	_ =	shalt  }
0x4e: {  	_ =	shalt  }
0x4f: {  	_ =	shalt  }
0x50: {  	_ =	shalt  }
0x51: {  	_ =	shalt  }
0x52: {  	_ =	shalt  }
0x53: {  	_ =	shalt  }
0x54: {  	_ =	shalt  }
0x55: {  	_ =	shalt  }
0x56: {  	_ =	shalt  }
0x57: {  	_ =	shalt  }
0x58: {  	_ =	shalt  }
0x59: {  	_ =	shalt  }
0x5a: {  	_ =	shalt  }
0x5b: {  	_ =	shalt  }
0x5c: {  	_ =	shalt  }
0x5d: {  	_ =	shalt  }
0x5e: {  	_ =	shalt  }
0x5f: {  	_ =	shalt  }
0x60: {  	_ =	shalt  }
0x61: {  	_ =	shalt  }
0x62: {  	_ =	shalt  }
0x63: {  	_ =	shalt  }
0x64: {  	_ =	shalt  }
0x65: {  	_ =	shalt  }
0x66: {  	_ =	shalt  }
0x67: {  	_ =	shalt  }
0x68: {  	_ =	shalt  }
0x69: {  	_ =	shalt  }
0x6a: {  	_ =	shalt  }
0x6b: {  	_ =	shalt  }
0x6c: {  	_ =	shalt  }
0x6d: {  	_ =	shalt  }
0x6e: {  	_ =	shalt  }
0x6f: {  	_ =	shalt  }
0x70: {  	_ =	shalt  }
0x71: {  	_ =	shalt  }
0x72: {  	_ =	shalt  }
0x73: {  	_ =	shalt  }
0x74: {  	_ =	shalt  }
0x75: {  	_ =	shalt  }
0x76: {  	_ =	shalt  }
0x77: {  	_ =	shalt  }
0x78: {  	_ =	shalt  }
0x79: {  	_ =	shalt  }
0x7a: {  	_ =	shalt  }
0x7b: {  	_ =	shalt  }
0x7c: {  	_ =	shalt  }
0x7d: {  	_ =	shalt  }
0x7e: {  	_ =	shalt  }
0x7f: {  	_ =	shalt  }
0x80: {  	_ =	shalt  }
0x81: {  	_ =	shalt  }
0x82: {  	_ =	shalt  }
0x83: {  	_ =	shalt  }
0x84: {  	_ =	shalt  }
0x85: {  	_ =	shalt  }
0x86: {  	_ =	shalt  }
0x87: {  	_ =	shalt  }
.Lfunc_end0:
.L_simem_size_0:
called_computation.6_lowered:
.L_overlay_start_0:
0x88: {  	s2 =	sld [smem:$0x3FD9]  }
0x89: {  	s3 =	sld [smem:$0x3FFE];
	_ =	sdelay $0x1  }
0x8a: {  	s1 =	srdreg.scid  }
0x8b: {  	s0 =	sand.u32 $0x1, s1  }
0x8c: {  	s16 =	sshll.u32 s0, $0xA;
	s2 =	sadd.s32 s3, s2  }
0x8d: {  	s2 =	sadd.s32 s2, s16  }
0x8e: {  	[smem:$0x3FB2] =	sst s2  }
0x8f: {  	_ = 	snop  }
0x90: {  	(tm) =	ssettm $0x1  }
0x91: {  	s17 =	sld [smem:$0x3FFB];
	_ =	sdelay $0x3  }
0x92: {  	_ =	strace s17  }
0x93: {  	s2 =	sld [smem:$0x3FFC];
	_ =	sdelay $0x3  }
0x94: {  	_ =	strace s2  }
0x95: {  	s2 =	sld [smem:$0x3FFD];
	_ =	sdelay $0x3  }
0x96: {  	_ =	strace s2  }
0x97: {  	_ =	strace $0x8FFFFFFF  }
0x98: {  	s18 =	sld [smem:$0x3FDB];
	_ =	sdelay $0x1  }
0x99: {  	s19 =	simm.s32 $_scs_section_size  }
0x9a: {  	s4 =	simm.s32 $_size__tile_overlayer_lowered;
	s5 =	simm.s32 $_tile_overlayer_lowered  }
0x9b: {  	s22 =	simm.s32 $0x1BFF;
	s21 =	sshll.u32 s5, $0x1;
	s2 =	sadd.s32 s19, s18  }
0x9c: {  	s6 =	simm.s32 $0x0;
	s20 =	sshll.u32 s4, $0x1;
	s4 =	sadd.s32 s21, s2  }
0x9d: {  	[timem:s6], [sflag:s22] =	dma.local [hbm:s4], s20  }
0x9e: {  	_ =	swait.ge [sflag:s22], s20  }
0x9f: {  	s3 =	ssub.s32 $0x0, s20;
	[sflag:s22] =	ssyncset.done $0x0  }
0xa0: {  	[sflag:s22] =	ssyncadd.s32 s3;
	_ =	sdelay $0x1  }
0xa1: {  	s23 =	simm.s32 $0x1B8B  }
0xa2: {  	_ =	swait.ge [sflag:s23], $0x1  }
0xa3: {  	[sflag:s23] =	ssyncset.done $0x0  }
0xa4: {  	s25 =	simm.s32 $0x1B8E;
	s24 =	sld [smem:$0x3FFE];
	[sflag:s23] =	ssyncadd.s32 $0xFFFFFFFF  }
0xa5: {  	s26 =	simm.s32 $execute0_lowered;
	[smem:$0x3FD2] =	sst s25  }
0xa6: {  	s4 =	sshll.u32 s26, $0x1;
	_ =	strace $0x80000052;
	[dreg:$0x1] =	wrdreg $0xFFFFFFFF  }
0xa7: {  	s28 =	simm.s32 $_size_execute0_lowered;
	s2 =	sadd.s32 s2, s4;
	[dreg:$0x0] =	wrdreg $0x0  }
0xa8: {  	s4 =	sshll.u32 s28, $0x1;
	[dreg:$0x2] =	wrdreg s2  }
0xa9: {  	[dreg:$0x3] =	wrdreg s4  }
0xaa: {  	[dreg:$0x4] =	wrdreg $0xC0  }
0xab: {  	_ =	task [dreg:s6], $0x5FFFF  }
0xac: {  	[dreg:$0x1] =	wrdreg $0xFFFFFFFF  }
0xad: {  	[dreg:$0x0] =	wrdreg $0x60  }
0xae: {  	[dreg:$0x2] =	wrdreg s24  }
0xaf: {  	[dreg:$0x3] =	wrdreg $0xA  }
0xb0: {  	_ =	task.clear_ibuf [dreg:s6], $0x4FFFF;
	_ =	strace $0x90000052  }
0xb1: {  	s29 =	simm.s32 $0xA;
	_ =	strace $0x80000054  }
0xb2: {  	_ =	swait.ge [sflag:s29], $0x1  }
0xb3: {  	[sflag:s29] =	ssyncadd.s32 $0xFFFFFFFF  }
0xb4: {  	_ =	strace $0x90000054  }
0xb5: {  	_ =	sfence  }
0xb6: {  	s30 =	sld [smem:$0x0];
	_ =	sdelay $0x2  }
0xb7: {  	s31 =	sshll.u32 s1, $0xD;
	s1 =	sshrl.u32 s1, $0x2  }
0xb8: {  	s3 =	sand.u32 $0x4000, s31;
	s1 =	sadd.s32 s1, s30  }
0xb9: {  	s0 =	sor.u32 s3, s0;
	s1 =	sshll.u32 s1, $0x11  }
0xba: {  	s0 =	sor.u32 s1, s0  }
0xbb: {  	s0 =	sadd.s32 $0x8F2B, s0  }
0xbc: {  	[sflag:s0] =	ssyncadd.remote.s32 $0x1  }
0xbd: {  	_ =	sfence.sel $0xFFFF  }
0xbe: {  	[dreg:$0x0] =	wrdreg $0xFFFFFFFF;
	(pc) =	sbr.abs _section_cstart, $3  }
0xbf: {  	[dreg:$0x1] =	wrdreg $0xFFFFFFFF  }
0xc0: {  	_ =	task.clear_ibuf [dreg:s6], $0x2FFFF;
	_ =	strace $0x9FFFFFFF  }
0xc1: {  	(tm) =	ssettm $0x7FFFFFFF  }
tec
execute0_lowered:
.L_overlay_start_1:
0x0: {  	(tag) =	ssettag $0x1  }
0x1: {  	s0 =	srdreg.scid  }
0x2: {  	s5 =	rddreg [dreg:$0x0];
	s1 =	stileid.u32  }
0x3: {  	s2 =	simm.s32 $0x0;
	s12 =	simm.s32 $0x0;
	s4 =	sand.u32 $0x1, s0  }
0x4: {  	s0 =	rddreg [dreg:$0x1];
	s10 =	smul.u32 $0x14000, s1;
	s3 =	sshll.u32 s4, $0x4  }
0x5: {  	[smem:$0x7FF] =	sst s2;
	s9 =	smul.u32 $0x140000, s4;
	s3 =	sor.u32 s1, s3  }
0x6: {  	s11 =	sadd.s32 $0x18E600, s5;
	s8 =	ssub.s32 $0x2, s4;
	s6 =	smul.u32 $0x140, s3  }
0x7: {  	_ =	strace $0x80000053;
	s28 =	sshrl.u32 s8, $0x1;
	s7 =	smul.u32 $0x14000, s3  }
0x8: {  	s3 =	sadd.s32 $0x32800, s5;
	s29 =	ssub.s32 s8, s28;
	s31 =	sadd.s32 s10, s9  }
0x9: {  	s8 =	simm.s32 $0x3;
	s9 =	simm.s32 $0xA00;
	s10 =	simm.s32 $0x2  }
0xa: {  	s26 =	sadd.s32 s6, s5;
	s30 =	sshrl.u32 s7, $0x3;
	s5 =	smax.u32 s29, $0x1  }
0xb: {  	s7 =	sshrl.u32 s31, $0x3;
	s4 =	sadd.s32 $0x3C800, s26;
	s6 =	sadd.s32 s11, s30  }
0xc: {  	s7 =	sadd.s32 s7, s11;
	s11 =	simm.s32 $0x1A00;
	s6 =	sadd.s32 $0x2600, s6  }
.LBB2_1:
0xd: {  	[tilespmem:s2], [sflag:$0x3] =	stream.linear.gather [hbm4b:s4+s2], $0xA00, $0x38;
	[tilespmem:$0x2A00] =	vst v63  }
0xe: {  	_ =	swait.ge [sflag:s8], $0xA00  }
0xf: {  	s14 =	sand.u32 $0x1, s2;
	[sflag:s8] =	ssyncset.done $0x0  }
0x10: {  	s13 =	simm.s32 $0x80;
	p0 =	seq.s32 s14, $0x1;
	[sflag:s8] =	ssyncadd.s32 $0xFFFFF600  }
0x11: {  	[tilespmem:s9], [sflag:$0x1] =	stream.indirect.gather [hbm4b:s3+s13], $0x20, s2, s13, $0xb8;
	[tilespmem:$0x2A00] =	vst v63  }
0x12: {  	s14 =	simm.s32 @p0 $0x80;
	s15 =	simm.s32 @p0 $0xA00;
	s16 =	simm.s32 @p0 $0x2  }
0x13: {  	[tilespmem:s15], [sflag:$0x1] =	stream.indirect.gather @p0 [hbm4b:s3+s14], $0x20, s13, s14, $0xb8;
	[tilespmem:$0x2A00] =	vst v63  }
0x14: {  	_ =	swait.ge @p0 [sflag:s16], $0x1000  }
0x15: {  	[sflag:s16] =	ssyncset.done @p0 $0x0  }
0x16: {  	s14 =	simm.s32 @p0 $0x0;
	s15 =	simm.s32 @p0 $0x1A00;
	[sflag:s16] =	ssyncadd.s32 @p0 $0xFFFFF000  }
0x17: {  	[hbm4b:s7+s14] =	stream.linear.scatter @p0 [tilespmem:s15], [sflag:$0x3], $0x1000, $0x38;
	[tilespmem:$0x2A00] =	vst v63  }
0x18: {  	s17 =	simm.s32 @!p0 $0x1;
	s14 =	simm.s32 @!p0 $0x80;
	s15 =	simm.s32 @!p0 $0x1A00  }
0x19: {  	[tilespmem:s15], [sflag:$0x2] =	stream.indirect.gather @!p0 [hbm4b:s3+s14], $0x20, s13, s14, $0xb8;
	[tilespmem:$0x2A00] =	vst v63  }
0x1a: {  	s16 =	simm.s32 @!p0 $0x4;
	_ =	swait.ge @!p0 [sflag:s17], $0x1000  }
0x1b: {  	s31 =	simm.s32 $0x1;
	s16 =	simm.s32 @p0 $0x3;
	[sflag:s17] =	ssyncset.done @!p0 $0x0  }
0x1c: {  	s14 =	simm.s32 @!p0 $0xA00;
	[sflag:s17] =	ssyncadd.s32 @!p0 $0xFFFFF000;
	s17 =	simm.s32 @!p0 $0x0  }
0x1d: {  	[hbm4b:s7+s17] =	stream.linear.scatter @!p0 [tilespmem:s14], [sflag:$0x4], $0x1000, $0x38;
	[tilespmem:$0x2A00] =	vst v63  }
0x1e: {  	s15 =	simm.s32 $0x2;
	s13 =	sand.u32 $0x1, s31;
	s14 =	simm.s32 $0x100  }
0x1f: {  	p0 =	seq.s32 s13, $0x1;
	s13 =	sadd.s32 $0x200, s7;
	_ =	swait.ge [sflag:s16], $0x1000  }
.LBB2_2:
0x20: {  	s17 =	simm.s32 @p0 $0x80;
	s18 =	simm.s32 @p0 $0xA00  }
0x21: {  	[sflag:s16] =	ssyncset.done $0x0;
	s19 =	smov.u32 s15;
	s20 =	smov.u32 s14  }
0x22: {  	s15 =	sadd.s32 $0x1, s15;
	s21 =	simm.s32 @p0 $0x2;
	[sflag:s16] =	ssyncadd.s32 $0xFFFFF000  }
0x23: {  	[tilespmem:s18], [sflag:$0x1] =	stream.indirect.gather @p0 [hbm4b:s3+s17], $0x20, s14, s17, $0xb8;
	[tilespmem:$0x2A00] =	vst v63  }
0x24: {  	p1 =	sne.s32 s15, $0x13;
	_ =	swait.ge @p0 [sflag:s21], $0x1000  }
0x25: {  	s14 =	sadd.s32 $0x80, s14;
	[sflag:s21] =	ssyncset.done @p0 $0x0  }
0x26: {  	s16 =	simm.s32 @p0 $0x0;
	s17 =	simm.s32 @p0 $0x1A00;
	[sflag:s21] =	ssyncadd.s32 @p0 $0xFFFFF000  }
0x27: {  	[hbm4b:s13+s16] =	stream.linear.scatter @p0 [tilespmem:s17], [sflag:$0x3], $0x1000, $0x38;
	[tilespmem:$0x2A00] =	vst v63  }
0x28: {  	s18 =	simm.s32 @!p0 $0x1;
	s16 =	simm.s32 @!p0 $0x80;
	s17 =	simm.s32 @!p0 $0x1A00  }
0x29: {  	[tilespmem:s17], [sflag:$0x2] =	stream.indirect.gather @!p0 [hbm4b:s3+s16], $0x20, s20, s16, $0xb8;
	[tilespmem:$0x2A00] =	vst v63  }
.Ltmp0:
0x2a: {  	s17 =	sand.u32 $0x1, s19;
	_ =	swait.ge @!p0 [sflag:s18], $0x1000;
	(pc) =	sbr.rel @p1 .LBB2_2-.Ltmp0, $4  }
0x2b: {  	s19 =	simm.s32 @!p0 $0xA00;
	s16 =	simm.s32 @!p0 $0x4;
	[sflag:s18] =	ssyncset.done @!p0 $0x0  }
0x2c: {  	s16 =	simm.s32 @p0 $0x3;
	[sflag:s18] =	ssyncadd.s32 @!p0 $0xFFFFF000;
	s18 =	simm.s32 @!p0 $0x0  }
0x2d: {  	[hbm4b:s13+s18] =	stream.linear.scatter @!p0 [tilespmem:s19], [sflag:$0x4], $0x1000, $0x38;
	[tilespmem:$0x2A00] =	vst v63  }
0x2e: {  	p0 =	seq.s32 s17, $0x1;
	s13 =	sadd.s32 $0x200, s13;
	_ =	swait.ge [sflag:s16], $0x1000  }
0x2f: {  	s15 =	simm.s32 @p0 $0x80;
	[sflag:s16] =	ssyncset.done $0x0  }
0x30: {  	s17 =	simm.s32 @p0 $0xA00;
	s18 =	simm.s32 @p0 $0x2;
	[sflag:s16] =	ssyncadd.s32 $0xFFFFF000  }
0x31: {  	[tilespmem:s17], [sflag:$0x1] =	stream.indirect.gather @p0 [hbm4b:s3+s15], $0x20, s14, s15, $0xb8;
	[tilespmem:$0x2A00] =	vst v63  }
0x32: {  	_ =	swait.ge @p0 [sflag:s18], $0x1000  }
0x33: {  	[sflag:s18] =	ssyncset.done @p0 $0x0  }
0x34: {  	s16 =	simm.s32 @p0 $0x1A00;
	s15 =	simm.s32 @p0 $0x0;
	[sflag:s18] =	ssyncadd.s32 @p0 $0xFFFFF000  }
0x35: {  	[hbm4b:s13+s15] =	stream.linear.scatter @p0 [tilespmem:s16], [sflag:$0x3], $0x1000, $0x38;
	[tilespmem:$0x2A00] =	vst v63  }
0x36: {  	s17 =	simm.s32 @!p0 $0x1;
	s15 =	simm.s32 @!p0 $0x80;
	s16 =	simm.s32 @!p0 $0x1A00  }
0x37: {  	[tilespmem:s16], [sflag:$0x2] =	stream.indirect.gather @!p0 [hbm4b:s3+s15], $0x20, s14, s15, $0xb8;
	[tilespmem:$0x2A00] =	vst v63  }
0x38: {  	_ =	swait.ge @!p0 [sflag:s17], $0x1000  }
0x39: {  	s14 =	simm.s32 @!p0 $0xA00;
	s15 =	simm.s32 @!p0 $0x4;
	[sflag:s17] =	ssyncset.done @!p0 $0x0  }
0x3a: {  	s16 =	simm.s32 @!p0 $0x0;
	s15 =	simm.s32 @p0 $0x3;
	[sflag:s17] =	ssyncadd.s32 @!p0 $0xFFFFF000  }
0x3b: {  	[hbm4b:s13+s16] =	stream.linear.scatter @!p0 [tilespmem:s14], [sflag:$0x4], $0x1000, $0x38;
	[tilespmem:$0x2A00] =	vst v63  }
0x3c: {  	_ =	swait.ge [sflag:s15], $0x1000  }
0x3d: {  	[sflag:s15] =	ssyncset.done $0x0  }
0x3e: {  	[sflag:s15] =	ssyncadd.s32 $0xFFFFF000  }
0x3f: {  	s12 =	sadd.s32 $0x1, s12;
	_ =	swait.ge [sflag:s10], $0x1000  }
0x40: {  	p0 =	sne.s32 s12, s5;
	[sflag:s10] =	ssyncset.done $0x0  }
.Ltmp1:
0x41: {  	[sflag:s10] =	ssyncadd.s32 $0xFFFFF000;
	(pc) =	sbr.rel @p0 .LBB2_1-.Ltmp1, $4  }
0x42: {  	[hbm4b:s6+s2] =	stream.linear.scatter [tilespmem:s11], [sflag:$0x3], $0x1000, $0x38;
	[tilespmem:$0x2A00] =	vst v63  }
0x43: {  	_ =	swait.ge [sflag:s8], $0x1000  }
0x44: {  	[sflag:s8] =	ssyncset.done $0x0  }
0x45: {  	[sflag:s8] =	ssyncadd.s32 $0xFFFFF000  }
0x46: {  	_ =	sfence.sel $0x180000  }
0x47: {  	[bflag:$0x0] =	sbarrier.arrive $0xFFFF  }
0x48: {  	p0 =	sne.s32 s1, $0x0;
	_ =	strace $0x90000053  }
0x49: {  	s0 =	sadd.s32 @!p0 $0x100000, s0;
	[bflag:$0x2] =	sbarrier.arrive $0xFFFF  }
0x4a: {  	[sflag:s0] =	ssyncadd.tile.s32 @!p0 $0x1;
	_ =	shalt  }
.Lfunc_end2:
_tile_overlayer_lowered:
.L_overlay_start_2:
0x4b: {  	(tag) =	ssettag $0x2  }
0x4c: {  	s0 =	rddreg [dreg:$0x0];
	s2 =	stileid.u32  }
0x4d: {  	s1 =	rddreg [dreg:$0x1];
	p0 =	sne.s32 s2, $0x0  }
0x4e: {  	s3 =	rddreg [dreg:$0x2];
	[bflag:$0x3] =	sbarrier.arrive $0xFFFF;
	s2 =	simm.s32 @!p0 $0x1C03  }
0x4f: {  	[timem:s3], [sflag:s2] =	dma.local @!p0 [hbm:s0], s1  }
0x50: {  	s0 =	simm.s32 @!p0 $0x3  }
0x51: {  	_ =	swait.ge @!p0 [sflag:s0], s1  }
0x52: {  	s1 =	ssub.s32 @!p0 $0x0, s1;
	[sflag:s0] =	ssyncset.done @!p0 $0x0  }
0x53: {  	[sflag:s0] =	ssyncadd.s32 @!p0 s1  }
0x54: {  	[bflag:$0x3] =	sbarrier.arrive $0xFFFF  }
0x55: {  	_ =	shalt  }

// kernel: kernel.37.cloned.1.call-start
scs
__scs_entry_jumppad:
0x0: {  	(pc) =	sbr.rel $0x88, $3  }
0x1: {  	(tag) =	ssettag $0x0;
	lr =	simm.s32 $0x1  }
0x2: {  	[smem:$0x3F8B] =	sst lr;
	_ =	strace $0xD0000000  }
0x3: {  	_ = 	snop  }
0x4: {  	_ = 	snop  }
0x5: {  	_ = 	snop  }
0x6: {  	_ = 	snop  }
0x7: {  	_ = 	snop  }
__scs_overlays_trampoline_lowered:
0x8: {  	[smem:$0x3F9A] =	sst s0  }
0x9: {  	[smem:$0x3F9B] =	sst s1  }
0xa: {  	[smem:$0x3F9C] =	sst s2  }
0xb: {  	[smem:$0x3F9D] =	sst s3  }
0xc: {  	[smem:$0x3F9E] =	sst s4  }
0xd: {  	[smem:$0x3F9F] =	sst s5  }
0xe: {  	[smem:$0x3FA0] =	sst s6  }
0xf: {  	[smem:$0x3FA1] =	sst s7  }
0x10: {  	[smem:$0x3FA2] =	sst s8  }
0x11: {  	[smem:$0x3FA3] =	sst s9;
	s0 =	simm.s32 @!p0 $0x0  }
0x12: {  	s1 =	sld [smem:$0x3F89];
	s0 =	simm.s32 @p0 $0x1  }
0x13: {  	[smem:$0x3FA4] =	sst s0;
	s0 =	simm.s32 @!p1 $0x0  }
0x14: {  	s2 =	sld [smem:$0x3F88];
	s0 =	simm.s32 @p1 $0x1  }
0x15: {  	[smem:$0x3FA5] =	sst s0;
	s0 =	simm.s32 @!p2 $0x0  }
0x16: {  	s3 =	sld [smem:$0x3FDB];
	s0 =	simm.s32 @p2 $0x1  }
0x17: {  	s4 =	simm.s32 $0x1BF5;
	[smem:$0x3FA7] =	sst s0  }
0x18: {  	s0 =	sld [smem:$0x3F8A];
	_ =	swait.ge [sflag:s4], $0x0  }
0x19: {  	s7 =	sld [smem:$0x3F8B]  }
0x1a: {  	s8 =	sadd.s32 $0xFFFFE003, lr  }
0x1b: {  	s9 =	sadd.s32 $0xFFFFFEF7, lr;
	s5 =	simm.s32 $0xFFFFFFFF;
	p2 =	slt.u32 s8, $0xFFFFF086  }
0x1c: {  	p1 =	slt.u32 s9, $0xF7A;
	s5 =	simm.s32 @!p2 $0x0  }
0x1d: {  	s5 =	simm.s32 @p1 $0x1;
	p0 =	seq.s32 s7, s2  }
0x1e: {  	s7 =	smul.u32 @!p0 $0xF7A, s2;
	p2 =	seq.s32 @!p0 s5, $0x0  }
0x1f: {  	s9 =	smul.u32 $0xF7A, s1;
	s8 =	simm.s32 @!p0 $0x1BF5;
	p2 =	por !p2, p0  }
0x20: {  	[sflag:s8] =	ssyncset.s32 @!p0 $0xFFFFF086;
	s6 =	sadd.s32 @!p0 s3, s7;
	s7 =	simm.s32 @!p0 $0x108  }
0x21: {  	s3 =	sadd.s32 s3, s9;
	s6 =	sadd.s32 @!p0 $0x88, s6;
	s7 =	simm.s32 @p2 $0x1082  }
0x22: {  	[simem:s7], [sflag:s8] =	dma.local @!p0 [hbm:s6], $0xF7A  }
0x23: {  	s9 =	sor.u32 $0xD0000000, s2;
	s6 =	simm.s32 $0x108;
	_ =	swait.ge @!p0 [sflag:s8], $0x0  }
0x24: {  	s3 =	sadd.s32 $0x88, s3;
	s6 =	simm.s32 @!p1 $0x1082;
	[sflag:s4] =	ssyncset.s32 $0xFFFFF086  }
0x25: {  	[simem:s6], [sflag:s4] =	dma.local [hbm:s3], $0xF7A  }
0x26: {  	[smem:$0x3F8B] =	sst s1;
	(tag) =	ssettag s2;
	_ =	strace s9  }
0x27: {  	s1 =	sld [smem:$0x3F9B]  }
0x28: {  	s2 =	sld [smem:$0x3F9C]  }
0x29: {  	s4 =	sld [smem:$0x3F9E]  }
0x2a: {  	p0 =	seq.s32 s5, $0x0;
	s5 =	sld [smem:$0x3F9F]  }
0x2b: {  	s6 =	sld [smem:$0x3FA0]  }
0x2c: {  	s7 =	sld [smem:$0x3FA1]  }
0x2d: {  	s3 =	simm.s32 $0x108;
	s8 =	sld [smem:$0x3FA2]  }
0x2e: {  	s3 =	simm.s32 @!p0 $0x1082;
	s9 =	sld [smem:$0x3FA3]  }
0x2f: {  	lr =	sadd.s32 s0, s3;
	s0 =	sld [smem:$0x3F9A]  }
0x30: {  	s3 =	sld [smem:$0x3F9D]  }
0x31: {  	[smem:$0x3FA6] =	sst s10  }
0x32: {  	s10 =	sld [smem:$0x3FA4];
	_ =	sdelay $0x3  }
0x33: {  	p0 =	seq.s32 s10, $0x1;
	s10 =	sld [smem:$0x3FA6];
	_ =	sdelay $0x3  }
0x34: {  	[smem:$0x3FA6] =	sst s10  }
0x35: {  	s10 =	sld [smem:$0x3FA5];
	_ =	sdelay $0x3  }
0x36: {  	p1 =	seq.s32 s10, $0x1;
	s10 =	sld [smem:$0x3FA6];
	_ =	sdelay $0x3  }
0x37: {  	[smem:$0x3FA6] =	sst s10  }
0x38: {  	s10 =	sld [smem:$0x3FA7]  }
0x39: {  	_ = 	snop;
	(pc) =	sbr.ind lr, $3  }
0x3a: {  	_ = 	snop  }
0x3b: {  	_ = 	snop  }
0x3c: {  	p2 =	seq.s32 s10, $0x1;
	s10 =	sld [smem:$0x3FA6]  }
0x3d: {  	_ =	shalt  }
0x3e: {  	_ =	shalt  }
0x3f: {  	_ =	shalt  }
0x40: {  	_ =	shalt  }
0x41: {  	_ =	shalt  }
0x42: {  	_ =	shalt  }
0x43: {  	_ =	shalt  }
0x44: {  	_ =	shalt  }
0x45: {  	_ =	shalt  }
0x46: {  	_ =	shalt  }
0x47: {  	_ =	shalt  }
0x48: {  	_ =	shalt  }
0x49: {  	_ =	shalt  }
0x4a: {  	_ =	shalt  }
0x4b: {  	_ =	shalt  }
0x4c: {  	_ =	shalt  }
0x4d: {  	_ =	shalt  }
0x4e: {  	_ =	shalt  }
0x4f: {  	_ =	shalt  }
0x50: {  	_ =	shalt  }
0x51: {  	_ =	shalt  }
0x52: {  	_ =	shalt  }
0x53: {  	_ =	shalt  }
0x54: {  	_ =	shalt  }
0x55: {  	_ =	shalt  }
0x56: {  	_ =	shalt  }
0x57: {  	_ =	shalt  }
0x58: {  	_ =	shalt  }
0x59: {  	_ =	shalt  }
0x5a: {  	_ =	shalt  }
0x5b: {  	_ =	shalt  }
0x5c: {  	_ =	shalt  }
0x5d: {  	_ =	shalt  }
0x5e: {  	_ =	shalt  }
0x5f: {  	_ =	shalt  }
0x60: {  	_ =	shalt  }
0x61: {  	_ =	shalt  }
0x62: {  	_ =	shalt  }
0x63: {  	_ =	shalt  }
0x64: {  	_ =	shalt  }
0x65: {  	_ =	shalt  }
0x66: {  	_ =	shalt  }
0x67: {  	_ =	shalt  }
0x68: {  	_ =	shalt  }
0x69: {  	_ =	shalt  }
0x6a: {  	_ =	shalt  }
0x6b: {  	_ =	shalt  }
0x6c: {  	_ =	shalt  }
0x6d: {  	_ =	shalt  }
0x6e: {  	_ =	shalt  }
0x6f: {  	_ =	shalt  }
0x70: {  	_ =	shalt  }
0x71: {  	_ =	shalt  }
0x72: {  	_ =	shalt  }
0x73: {  	_ =	shalt  }
0x74: {  	_ =	shalt  }
0x75: {  	_ =	shalt  }
0x76: {  	_ =	shalt  }
0x77: {  	_ =	shalt  }
0x78: {  	_ =	shalt  }
0x79: {  	_ =	shalt  }
0x7a: {  	_ =	shalt  }
0x7b: {  	_ =	shalt  }
0x7c: {  	_ =	shalt  }
0x7d: {  	_ =	shalt  }
0x7e: {  	_ =	shalt  }
0x7f: {  	_ =	shalt  }
0x80: {  	_ =	shalt  }
0x81: {  	_ =	shalt  }
0x82: {  	_ =	shalt  }
0x83: {  	_ =	shalt  }
0x84: {  	_ =	shalt  }
0x85: {  	_ =	shalt  }
0x86: {  	_ =	shalt  }
0x87: {  	_ =	shalt  }
.Lfunc_end0:
.L_simem_size_0:
called_computation.7_lowered:
.L_overlay_start_0:
0x88: {  	s2 =	sld [smem:$0x3FD9]  }
0x89: {  	s3 =	sld [smem:$0x3FFE];
	_ =	sdelay $0x1  }
0x8a: {  	s1 =	srdreg.scid  }
0x8b: {  	s0 =	sand.u32 $0x1, s1  }
0x8c: {  	s17 =	sshll.u32 s0, $0xA;
	s2 =	sadd.s32 s3, s2  }
0x8d: {  	s2 =	sadd.s32 s2, s17  }
0x8e: {  	[smem:$0x3FB2] =	sst s2  }
0x8f: {  	_ = 	snop  }
0x90: {  	(tm) =	ssettm $0x1  }
0x91: {  	s18 =	sld [smem:$0x3FFB];
	_ =	sdelay $0x3  }
0x92: {  	_ =	strace s18  }
0x93: {  	s2 =	sld [smem:$0x3FFC];
	_ =	sdelay $0x3  }
0x94: {  	_ =	strace s2  }
0x95: {  	s2 =	sld [smem:$0x3FFD];
	_ =	sdelay $0x3  }
0x96: {  	_ =	strace s2  }
0x97: {  	_ =	strace $0x8FFFFFFF  }
0x98: {  	s19 =	sld [smem:$0x3FDB];
	_ =	sdelay $0x1  }
0x99: {  	s20 =	simm.s32 $_scs_section_size  }
0x9a: {  	s4 =	simm.s32 $_size__tile_overlayer_lowered;
	s5 =	simm.s32 $_tile_overlayer_lowered  }
0x9b: {  	s6 =	simm.s32 $0x1BFF;
	s21 =	sshll.u32 s5, $0x1;
	s3 =	sadd.s32 s20, s19  }
0x9c: {  	s22 =	simm.s32 $0x0;
	s4 =	sshll.u32 s4, $0x1;
	s5 =	sadd.s32 s21, s3  }
0x9d: {  	[timem:s22], [sflag:s6] =	dma.local [hbm:s5], s4  }
0x9e: {  	_ =	swait.ge [sflag:s6], s4  }
0x9f: {  	s4 =	ssub.s32 $0x0, s4;
	[sflag:s6] =	ssyncset.done $0x0  }
0xa0: {  	[sflag:s6] =	ssyncadd.s32 s4;
	_ =	sdelay $0x1  }
0xa1: {  	s23 =	simm.s32 $0x1B8B  }
0xa2: {  	_ =	swait.ge [sflag:s23], $0x1  }
0xa3: {  	[sflag:s23] =	ssyncset.done $0x0  }
0xa4: {  	[sflag:s23] =	ssyncadd.s32 $0xFFFFFFFF  }
0xa5: {  	s4 =	sld [smem:$0x0]  }
0xa6: {  	s5 =	sand.u32 $0xFFFFFFFE, s1  }
0xa7: {  	p0 =	sne.s32 s1, s5  }
0xa8: {  	s5 =	sshll.u32 @p0 s5, $0xE  }
0xa9: {  	s5 =	sadd.s32 @p0 $0x11B8D, s5;
	s6 =	sshll.u32 @p0 s4, $0x11  }
0xaa: {  	s5 =	sor.u32 @p0 s6, s5  }
0xab: {  	[sflag:s5] =	ssyncadd.remote.s32 @p0 $0x1;
	_ =	sdelay $0x1  }
0xac: {  	s5 =	simm.s32 @p0 $0x1B8D  }
0xad: {  	_ =	swait.eq @p0 [sflag:s5], $0x1  }
0xae: {  	[sflag:s5] =	ssyncadd.s32 @p0 $0xFFFFFFFF  }
0xaf: {  	s6 =	sshll.u32 @!p0 s1, $0xE  }
0xb0: {  	s6 =	sor.u32 @!p0 $0x4000, s6;
	s5 =	simm.s32 @!p0 $0x1B8D  }
0xb1: {  	s4 =	sshll.u32 @!p0 s4, $0x11;
	s6 =	sadd.s32 @!p0 $0x11B8D, s6;
	_ =	swait.eq @!p0 [sflag:s5], $0x1  }
0xb2: {  	s4 =	sor.u32 @!p0 s4, s6;
	[sflag:s5] =	ssyncadd.s32 @!p0 $0xFFFFFFFF  }
0xb3: {  	s25 =	simm.s32 $0x1B8E;
	s24 =	sld [smem:$0x3FFE];
	[sflag:s4] =	ssyncadd.remote.s32 @!p0 $0x1  }
0xb4: {  	s26 =	simm.s32 $execute0_lowered;
	[smem:$0x3FD2] =	sst s25  }
0xb5: {  	s5 =	sshll.u32 s26, $0x1;
	_ =	strace $0x80000058;
	[dreg:$0x1] =	wrdreg $0xFFFFFFFF  }
0xb6: {  	s28 =	simm.s32 $_size_execute0_lowered;
	s3 =	sadd.s32 s3, s5;
	[dreg:$0x0] =	wrdreg $0x0  }
0xb7: {  	s5 =	sshll.u32 s28, $0x1;
	[dreg:$0x2] =	wrdreg s3  }
0xb8: {  	[dreg:$0x3] =	wrdreg s5  }
0xb9: {  	[dreg:$0x4] =	wrdreg $0xC0  }
0xba: {  	_ =	task [dreg:s22], $0x5FFFF  }
0xbb: {  	[dreg:$0x1] =	wrdreg $0xFFFFFFFF  }
0xbc: {  	[dreg:$0x0] =	wrdreg $0x60  }
0xbd: {  	[dreg:$0x2] =	wrdreg s24  }
0xbe: {  	[dreg:$0x3] =	wrdreg $0x1A000  }
0xbf: {  	[dreg:$0x4] =	wrdreg $0xA  }
0xc0: {  	_ =	task.clear_ibuf [dreg:s22], $0x5FFFF;
	_ =	strace $0x90000058  }
0xc1: {  	s29 =	simm.s32 $0xA;
	_ =	strace $0x8000005A  }
0xc2: {  	_ =	swait.ge [sflag:s29], $0x1  }
0xc3: {  	[sflag:s29] =	ssyncadd.s32 $0xFFFFFFFF  }
0xc4: {  	_ =	strace $0x9000005A  }
0xc5: {  	_ =	sfence  }
0xc6: {  	s30 =	sld [smem:$0x0];
	_ =	sdelay $0x2  }
0xc7: {  	s31 =	sshll.u32 s1, $0xD;
	s1 =	sshrl.u32 s1, $0x2  }
0xc8: {  	s4 =	sand.u32 $0x4000, s31;
	s1 =	sadd.s32 s1, s30  }
0xc9: {  	s0 =	sor.u32 s4, s0;
	s1 =	sshll.u32 s1, $0x11  }
0xca: {  	s0 =	sor.u32 s1, s0  }
0xcb: {  	s0 =	sadd.s32 $0x8F2B, s0  }
0xcc: {  	[sflag:s0] =	ssyncadd.remote.s32 $0x1  }
0xcd: {  	_ =	sfence.sel $0xFFFF  }
0xce: {  	[dreg:$0x0] =	wrdreg $0xFFFFFFFF;
	(pc) =	sbr.abs _section_cstart, $3  }
0xcf: {  	[dreg:$0x1] =	wrdreg $0xFFFFFFFF  }
0xd0: {  	_ =	task.clear_ibuf [dreg:s22], $0x2FFFF;
	_ =	strace $0x9FFFFFFF  }
0xd1: {  	(tm) =	ssettm $0x7FFFFFFF  }
tec
execute0_lowered:
.L_overlay_start_1:
0x0: {  	(tag) =	ssettag $0x1  }
0x1: {  	s0 =	srdreg.scid  }
0x2: {  	s5 =	rddreg [dreg:$0x0];
	s4 =	sand.u32 $0x1, s0  }
0x3: {  	s0 =	stileid.u32;
	s6 =	smul.u32 $0x28000, s4  }
0x4: {  	s2 =	rddreg [dreg:$0x1];
	s3 =	simm.s32 $0x0;
	s8 =	smul.u32 $0x5000, s0  }
0x5: {  	s14 =	simm.s32 $0x0;
	[smem:$0x7FF] =	sst s3;
	s9 =	smul.u32 $0xA00, s0  }
0x6: {  	s1 =	sshll.u32 s4, $0x4;
	s10 =	smul.u32 $0xA000, s4;
	s4 =	ssub.s32 $0x2, s4  }
0x7: {  	s30 =	sshll.u32 s0, $0x6;
	s13 =	smul.u32 $0x2800, s0;
	s1 =	sor.u32 s0, s1  }
0x8: {  	s29 =	sshrl.u32 s4, $0x1;
	s7 =	smul.u32 $0xA00, s1;
	s1 =	rddreg [dreg:$0x2]  }
0x9: {  	_ =	strace $0x80000059;
	s11 =	sadd.s32 s6, s5;
	s28 =	sshrl.u32 s8, $0x3  }
0xa: {  	s9 =	sadd.s32 s9, s10;
	s10 =	ssub.s32 s4, s29;
	s12 =	sadd.s32 s8, s2  }
0xb: {  	s9 =	sadd.s32 s9, s5;
	s8 =	smax.u32 s10, $0x1;
	s31 =	sadd.s32 s13, s11  }
0xc: {  	s10 =	sshrl.u32 s12, $0x3;
	s11 =	simm.s32 $0x1;
	s7 =	sshrl.u32 s7, $0x3  }
0xd: {  	s12 =	simm.s32 $0xA00;
	s26 =	sadd.s32 s7, s5;
	s7 =	sadd.s32 s28, s5  }
0xe: {  	s5 =	sor.u32 $0x1C01, s30;
	s4 =	sadd.s32 $0x184000, s7;
	s6 =	sadd.s32 $0x21C800, s26  }
0xf: {  	s13 =	simm.s32 $0x80;
	s7 =	sadd.s32 $0x1DE600, s9;
	s9 =	sadd.s32 $0x18E600, s31  }
.LBB2_1:
0x10: {  	[spmem:s10], [sflag:s5] =	dma.local [hbm:s4], $0xA00  }
0x11: {  	_ =	swait.ge [sflag:s11], $0xA00  }
0x12: {  	[sflag:s11] =	ssyncset.done $0x0  }
0x13: {  	[sflag:s11] =	ssyncadd.s32 $0xFFFFF600  }
0x14: {  	[tilespmem:s3], [sflag:$0x1] =	stream.linear.gather [hbm4b:s6+s3], $0xA00, $0x38;
	[tilespmem:$0x6A00] =	vst v63  }
0x15: {  	_ =	swait.ge [sflag:s11], $0xA00  }
0x16: {  	[sflag:s11] =	ssyncset.done $0x0  }
0x17: {  	[sflag:s11] =	ssyncadd.s32 $0xFFFFF600  }
0x18: {  	s15 =	sadd.s32 $0x0, s9;
	[bflag:$0x0] =	sbarrier.arrive $0xFFFF  }
0x19: {  	[tilespmem:s12], [sflag:$0x1] =	stream.linear.gather [hbm4b:s15+s3], $0x1000, $0x38;
	[tilespmem:$0x6A00] =	vst v63  }
0x1a: {  	_ =	swait.ge [sflag:s11], $0x1000  }
0x1b: {  	[sflag:s11] =	ssyncset.done $0x0  }
0x1c: {  	s31 =	simm.s32 $0x0;
	[sflag:s11] =	ssyncadd.s32 $0xFFFFF000  }
0x1d: {  	[spmem:s2] =	stream.indirect.scatter.add.f32 [tilespmem:s12], [sflag:$0x1], $0x20, s31, s13, $0xb8;
	[tilespmem:$0x6A00] =	vst v63  }
0x1e: {  	_ =	swait.ge [sflag:s11], $0x1000  }
0x1f: {  	s16 =	simm.s32 $0x400;
	s15 =	simm.s32 $0x200;
	[sflag:s11] =	ssyncset.done $0x0  }
.LBB2_2:
0x20: {  	s17 =	sadd.s32 s15, s9  }
0x21: {  	[sflag:s11] =	ssyncadd.s32 $0xFFFFF000;
	s18 =	smov.u32 s16;
	s19 =	sadd.s32 $0x200, s16  }
0x22: {  	[tilespmem:s12], [sflag:$0x1] =	stream.linear.gather [hbm4b:s17+s3], $0x1000, $0x38;
	[tilespmem:$0x6A00] =	vst v63  }
0x23: {  	p0 =	sne.s32 s16, $0x2600;
	_ =	swait.ge [sflag:s11], $0x1000  }
.Ltmp0:
0x24: {  	[sflag:s11] =	ssyncset.done $0x0;
	(pc) =	sbr.rel @p0 .LBB2_2-.Ltmp0, $4  }
0x25: {  	s16 =	sshra.s32 s15, $0x2;
	s15 =	smov.u32 s18;
	[sflag:s11] =	ssyncadd.s32 $0xFFFFF000  }
0x26: {  	[spmem:s2] =	stream.indirect.scatter.add.f32 [tilespmem:s12], [sflag:$0x1], $0x20, s16, s13, $0xb8;
	[tilespmem:$0x6A00] =	vst v63  }
0x27: {  	_ =	swait.ge [sflag:s11], $0x1000  }
0x28: {  	s16 =	smov.u32 s19;
	[sflag:s11] =	ssyncset.done $0x0  }
0x29: {  	s16 =	sadd.s32 s15, s9;
	[sflag:s11] =	ssyncadd.s32 $0xFFFFF000  }
0x2a: {  	[tilespmem:s12], [sflag:$0x1] =	stream.linear.gather [hbm4b:s16+s3], $0x1000, $0x38;
	[tilespmem:$0x6A00] =	vst v63  }
0x2b: {  	_ =	swait.ge [sflag:s11], $0x1000  }
0x2c: {  	[sflag:s11] =	ssyncset.done $0x0  }
0x2d: {  	s31 =	sshra.s32 s15, $0x2;
	[sflag:s11] =	ssyncadd.s32 $0xFFFFF000  }
0x2e: {  	[spmem:s2] =	stream.indirect.scatter.add.f32 [tilespmem:s12], [sflag:$0x1], $0x20, s31, s13, $0xb8;
	[tilespmem:$0x6A00] =	vst v63  }
0x2f: {  	_ =	swait.ge [sflag:s11], $0x1000  }
0x30: {  	s14 =	sadd.s32 $0x1, s14;
	[sflag:s11] =	ssyncset.done $0x0  }
0x31: {  	p0 =	sne.s32 s14, s8;
	[sflag:s11] =	ssyncadd.s32 $0xFFFFF000  }
.Ltmp1:
0x32: {  	[bflag:$0x0] =	sbarrier.arrive $0xFFFF;
	(pc) =	sbr.rel @p0 .LBB2_1-.Ltmp1, $4  }
0x33: {  	[hbm:s7], [sflag:s5] =	dma.local [spmem:s10], $0xA00  }
0x34: {  	_ =	swait.ge [sflag:s11], $0xA00  }
0x35: {  	[sflag:s11] =	ssyncset.done $0x0  }
0x36: {  	[sflag:s11] =	ssyncadd.s32 $0xFFFFF600  }
0x37: {  	_ =	sfence.sel $0x180000  }
0x38: {  	[bflag:$0x0] =	sbarrier.arrive $0xFFFF  }
0x39: {  	p0 =	sne.s32 s0, $0x0;
	_ =	strace $0x90000059  }
0x3a: {  	s0 =	sadd.s32 @!p0 $0x100000, s1;
	[bflag:$0x2] =	sbarrier.arrive $0xFFFF  }
0x3b: {  	[sflag:s0] =	ssyncadd.tile.s32 @!p0 $0x1;
	_ =	shalt  }
.Lfunc_end2:
_tile_overlayer_lowered:
.L_overlay_start_2:
0x3c: {  	(tag) =	ssettag $0x2  }
0x3d: {  	s0 =	rddreg [dreg:$0x0];
	s2 =	stileid.u32  }
0x3e: {  	s1 =	rddreg [dreg:$0x1];
	p0 =	sne.s32 s2, $0x0  }
0x3f: {  	s3 =	rddreg [dreg:$0x2];
	[bflag:$0x3] =	sbarrier.arrive $0xFFFF;
	s2 =	simm.s32 @!p0 $0x1C01  }
0x40: {  	[timem:s3], [sflag:s2] =	dma.local @!p0 [hbm:s0], s1  }
0x41: {  	s0 =	simm.s32 @!p0 $0x1  }
0x42: {  	_ =	swait.ge @!p0 [sflag:s0], s1  }
0x43: {  	s1 =	ssub.s32 @!p0 $0x0, s1;
	[sflag:s0] =	ssyncset.done @!p0 $0x0  }
0x44: {  	[sflag:s0] =	ssyncadd.s32 @!p0 s1  }
0x45: {  	[bflag:$0x3] =	sbarrier.arrive $0xFFFF  }
0x46: {  	_ =	shalt  }

</sc_bundles>
